<compile_context>
chip_gen: v7x
topology: tpu7x:2x2x1
jax: 0.10.2.dev20260603
libtpu: 0.0.44.dev20260713+nightly
codegen_flags: <defaults>
</compile_context>

<pallas_src>
import functools

import jax
import jax.numpy as jnp
from jax import lax
from jax.experimental import pallas as pl
from jax.experimental.pallas import tpu as pltpu
from jax.experimental.pallas import tpu_sc as plsc

E_DIM = 32
N_HEADS = 4
HEAD_DIM = E_DIM // N_HEADS
NUM_EXPERTS = 64
NOISE_EPS = 0.01

NC = 2
NS = 16
LANES = 16
NW = NC * NS
NEG = -3.0e38


def _prologue_body(tid_ref, emb_ref, ipw_ref, ipb_ref, ek_ref, fgw_ref,
                   fgb_ref, fnw_ref, fnb_ref, cs_ref):
    tid = tid_ref[...].reshape(1, 1)
    row_ids = jax.lax.broadcasted_iota(jnp.int32, (6, 1), 0)
    e_rows = jnp.where(row_ids == tid, emb_ref[...], 0.0)
    e = jnp.sum(e_rows, axis=0, keepdims=True)

    wq = ipw_ref[0:E_DIM, :]
    wk = ipw_ref[E_DIM:2 * E_DIM, :]
    bq = ipb_ref[0, 0:E_DIM]
    bk = ipb_ref[0, E_DIM:2 * E_DIM]

    dn = (((1,), (1,)), ((), ()))
    q = jax.lax.dot_general(e, wq, dn,
                            preferred_element_type=jnp.float32) + bq[None, :]
    k = jax.lax.dot_general(ek_ref[...], wk, dn,
                            preferred_element_type=jnp.float32) + bk[None, :]

    s_full = k * q
    d_ids = jax.lax.broadcasted_iota(jnp.int32, (E_DIM, N_HEADS), 0)
    h_ids = jax.lax.broadcasted_iota(jnp.int32, (E_DIM, N_HEADS), 1)
    head_mask = ((d_ids // HEAD_DIM) == h_ids).astype(jnp.float32)
    dn0 = (((1,), (0,)), ((), ()))
    scores = jax.lax.dot_general(s_full, head_mask, dn0,
                                 preferred_element_type=jnp.float32)
    scores = scores / jnp.sqrt(jnp.float32(HEAD_DIM))

    attn = jax.nn.softmax(scores, axis=0)
    avg = jnp.mean(attn, axis=1, keepdims=True)
    w = jax.nn.softmax(avg, axis=0).reshape(1, E_DIM)

    clean = jax.lax.dot_general(w, fgw_ref[...], dn,
                                preferred_element_type=jnp.float32)
    clean = clean + fgb_ref[...]
    raw = jax.lax.dot_general(w, fnw_ref[...], dn,
                              preferred_element_type=jnp.float32)
    raw = raw + fnb_ref[...]
    std = jnp.maximum(raw, 0.0) + jnp.log1p(jnp.exp(-jnp.abs(raw)))
    cs_ref[0:2, :] = jnp.zeros((2, NUM_EXPERTS), jnp.float32)
    cs_ref[2:3, :] = clean
    cs_ref[3:4, :] = std + NOISE_EPS


def _prologue(tid, taskID_embed, in_proj_weight, ipb, expert_keys,
              fc_gate_w, fgb, fc_noise_w, fnb):
    full = lambda shape: pl.BlockSpec(shape, lambda: (0,) * len(shape))
    return pl.pallas_call(
        _prologue_body,
        in_specs=[
            full((1, 1)), full((6, E_DIM)), full((3 * E_DIM, E_DIM)),
            full((1, 3 * E_DIM)), full((E_DIM, E_DIM)),
            full((NUM_EXPERTS, E_DIM)), full((1, NUM_EXPERTS)),
            full((NUM_EXPERTS, E_DIM)), full((1, NUM_EXPERTS)),
        ],
        out_specs=full((4, NUM_EXPERTS)),
        out_shape=jax.ShapeDtypeStruct((4, NUM_EXPERTS), jnp.float32),
    )(tid, taskID_embed, in_proj_weight, ipb, expert_keys,
      fc_gate_w, fgb, fc_noise_w, fnb)


def _sc_routing_body(rows_w, cs_hbm, noise_hbm, pk_hbm, g0_hbm, g1_hbm,
                     chunk, cs_v, csb, pko, g0o, g1o,
                     sem_in0, sem_in1):
    wid = lax.axis_index("s") * NC + lax.axis_index("c")
    fbase = wid * rows_w * NUM_EXPERTS
    fq = (rows_w // 4) * NUM_EXPERTS
    n_groups = rows_w // LANES
    qg = n_groups // 4
    lane = lax.iota(jnp.int32, LANES)

    pltpu.sync_copy(cs_hbm, cs_v)
    sems = (sem_in0, sem_in1)
    ins = [pltpu.async_copy(noise_hbm.at[pl.ds(fbase + q * 2 * fq, 2 * fq)],
                            chunk.at[pl.ds(q * 2 * fq, 2 * fq)], sems[q])
           for q in range(2)]

    two_i = jnp.full((LANES,), 2, jnp.int32)
    three_i = jnp.full((LANES,), 3, jnp.int32)
    for e in range(NUM_EXPERTS):
        col = jnp.full((LANES,), e, jnp.int32)
        csb[e] = plsc.load_gather(cs_v, [two_i, col])
        csb[NUM_EXPERTS + e] = plsc.load_gather(cs_v, [three_i, col])

    def _group(g, _):
        rows_f = (g * LANES + lane) * NUM_EXPERTS
        m0 = jnp.full((LANES,), NEG, jnp.float32)
        m1 = jnp.full((LANES,), NEG, jnp.float32)
        i0 = jnp.zeros((LANES,), jnp.int32)
        i1 = jnp.zeros((LANES,), jnp.int32)
        for e in range(NUM_EXPERTS):
            col = jnp.full((LANES,), e, jnp.int32)
            x = plsc.load_gather(chunk, [rows_f + col])
            v = x * csb[NUM_EXPERTS + e] + csb[e]
            gt0 = v > m0
            gt1 = v > m1
            m1 = jnp.where(gt0, m0, jnp.where(gt1, v, m1))
            i1 = jnp.where(gt0, i0, jnp.where(gt1, col, i1))
            m0 = jnp.where(gt0, v, m0)
            i0 = jnp.where(gt0, col, i0)
        e1 = jnp.exp(m1 - m0)
        g0 = 1.0 / (1.0 + e1)
        g1 = e1 / (1.0 + e1)
        pko[pl.ds(g * LANES, LANES)] = i0 | (i1 << 8)
        g0o[pl.ds(g * LANES, LANES)] = g0
        g1o[pl.ds(g * LANES, LANES)] = g1
        return _

    for q in range(2):
        ins[q].wait()
        lax.fori_loop(q * 2 * qg, (q + 1) * 2 * qg, _group, None)

    base = wid * rows_w
    pltpu.sync_copy(pko, pk_hbm.at[pl.ds(base, rows_w)])
    pltpu.sync_copy(g0o, g0_hbm.at[pl.ds(base, rows_w)])
    pltpu.sync_copy(g1o, g1_hbm.at[pl.ds(base, rows_w)])


def _sc_routing(cs, noise_flat, B):
    rows_w = B // NW
    mesh = plsc.VectorSubcoreMesh(core_axis_name="c", subcore_axis_name="s",
                                  num_cores=NC, num_subcores=NS)
    return pl.kernel(
        functools.partial(_sc_routing_body, rows_w),
        out_type=[
            jax.ShapeDtypeStruct((B,), jnp.int32),
            jax.ShapeDtypeStruct((B,), jnp.float32),
            jax.ShapeDtypeStruct((B,), jnp.float32),
        ],
        mesh=mesh,
        scratch_types=[
            pltpu.VMEM((rows_w * NUM_EXPERTS,), jnp.float32),
            pltpu.VMEM((4, NUM_EXPERTS), jnp.float32),
            pltpu.VMEM((2 * NUM_EXPERTS, LANES), jnp.float32),
            pltpu.VMEM((rows_w,), jnp.int32),
            pltpu.VMEM((rows_w,), jnp.float32),
            pltpu.VMEM((rows_w,), jnp.float32),
            pltpu.SemaphoreType.DMA,
            pltpu.SemaphoreType.DMA,
        ],
        compiler_params=pltpu.CompilerParams(needs_layout_passes=False),
    )(cs, noise_flat)


_EBLK = 1024


def _expand_body(pk_ref, g0_ref, g1_ref, gt_ref, load_ref):
    step = pl.program_id(0)
    pk = pk_ref[...].reshape(1, _EBLK)
    i0 = pk & 0xFF
    i1 = pk >> 8
    g0 = g0_ref[...].reshape(1, _EBLK)
    g1 = g1_ref[...].reshape(1, _EBLK)
    erow = jax.lax.broadcasted_iota(jnp.int32, (NUM_EXPERTS, _EBLK), 0)
    gates_t = jnp.where(erow == i0, g0, 0.0) + jnp.where(erow == i1, g1, 0.0)
    gt_ref[...] = gates_t

    @pl.when(step == 0)
    def _init():
        load_ref[...] = jnp.zeros_like(load_ref)

    load_ref[...] += jnp.sum(gates_t, axis=1, keepdims=True)


def _expand(pk, g0, g1, B):
    n_blk = B // _EBLK
    return pl.pallas_call(
        _expand_body,
        grid=(n_blk,),
        in_specs=[
            pl.BlockSpec((_EBLK,), lambda i: (i,)),
            pl.BlockSpec((_EBLK,), lambda i: (i,)),
            pl.BlockSpec((_EBLK,), lambda i: (i,)),
        ],
        out_specs=[
            pl.BlockSpec((NUM_EXPERTS, _EBLK), lambda i: (0, i)),
            pl.BlockSpec((NUM_EXPERTS, 1), lambda i: (0, 0)),
        ],
        out_shape=[
            jax.ShapeDtypeStruct((NUM_EXPERTS, B), jnp.float32),
            jax.ShapeDtypeStruct((NUM_EXPERTS, 1), jnp.float32),
        ],
        compiler_params=pltpu.CompilerParams(
            dimension_semantics=("arbitrary",)),
    )(pk, g0, g1)


def kernel(task_id, bsz, taskID_embed, in_proj_weight, in_proj_bias,
           out_proj_weight, out_proj_bias, expert_keys,
           fc_gate_w, fc_gate_b, fc_noise_w, fc_noise_b, noise):
    del bsz, out_proj_weight, out_proj_bias
    tid = jnp.asarray(task_id, jnp.int32).reshape(1, 1)
    ipb = in_proj_bias.reshape(1, -1)
    fgb = fc_gate_b.reshape(1, -1)
    fnb = fc_noise_b.reshape(1, -1)

    B = noise.shape[0]
    cs = _prologue(tid, taskID_embed, in_proj_weight, ipb, expert_keys,
                   fc_gate_w, fgb, fc_noise_w, fnb)
    pk, g0, g1 = _sc_routing(cs, noise.reshape(-1), B)
    gates_t, load = _expand(pk, g0, g1, B)
    return gates_t.T, load.reshape(NUM_EXPERTS)

# --- scband reference (transcript-rebuilt; emitter-appended) ---
"""Pipeline reference for scband-router-85718957294271 (READ-ONLY COPY).

The authoritative reference and input builder live on the scoring server;
editing this copy changes nothing except your own understanding.
"""

import jax, jax.numpy as jnp
import numpy as np

E_DIM = 32
N_HEADS = 4
HEAD_DIM = E_DIM // N_HEADS
NUM_EXPERTS = 64
TOP_K = 2
NOISE_EPS = 0.01
BSZ = 8192
TASK_ID = 2
TASK_VOCAB = 6


def setup_inputs(seed: int = 0):
    key = jax.random.key(seed)
    ks = jax.random.split(key, 12)
    return {
        'task_id': TASK_ID,
        'bsz': BSZ,
        'taskID_embed': jax.random.normal(ks[0], (TASK_VOCAB, E_DIM), dtype=jnp.float32),
        'in_proj_weight': jax.random.normal(ks[1], (3 * E_DIM, E_DIM), dtype=jnp.float32) * 0.1,
        'in_proj_bias': jnp.zeros((3 * E_DIM,), dtype=jnp.float32),
        'out_proj_weight': jax.random.normal(ks[2], (E_DIM, E_DIM), dtype=jnp.float32) * 0.1,
        'out_proj_bias': jnp.zeros((E_DIM,), dtype=jnp.float32),
        'expert_keys': jax.random.normal(ks[3], (E_DIM, E_DIM), dtype=jnp.float32),
        'fc_gate_w': jax.random.normal(ks[4], (NUM_EXPERTS, E_DIM), dtype=jnp.float32) * 0.1,
        'fc_gate_b': jnp.zeros((NUM_EXPERTS,), dtype=jnp.float32),
        'fc_noise_w': jax.random.normal(ks[5], (NUM_EXPERTS, E_DIM), dtype=jnp.float32) * 0.1,
        'fc_noise_b': jnp.zeros((NUM_EXPERTS,), dtype=jnp.float32),
        'noise': jax.random.normal(ks[6], (BSZ, NUM_EXPERTS), dtype=jnp.float32),
    }


def reference(task_id, bsz, taskID_embed, in_proj_weight, in_proj_bias,
              out_proj_weight, out_proj_bias, expert_keys,
              fc_gate_w, fc_gate_b, fc_noise_w, fc_noise_b, noise):
    B = noise.shape[0]
    # Router.forward: task = full((bsz,), task_id)
    task = jnp.where(jnp.arange(B) < bsz, task_id, task_id).astype(jnp.int32)
    # embedding lookup
    task_embed = jnp.take(taskID_embed, task, axis=0)          # (B, E)
    query = task_embed[None, :, :]                              # (1, B, E) seq-first
    keys = jnp.broadcast_to(expert_keys[:, None, :], (E_DIM, B, E_DIM))  # (Lk=E, B, E)

    # nn.MultiheadAttention (batch_first=False, average_attn_weights=True)
    Wq, Wk, Wv = jnp.split(in_proj_weight, 3, axis=0)
    bq, bk, bv = jnp.split(in_proj_bias, 3, axis=0)
    q = query @ Wq.T + bq                                       # (1, B, E)
    k = keys @ Wk.T + bk                                        # (Lk, B, E)
    v = keys @ Wv.T + bv
    Lq, Lk = 1, E_DIM
    qh = q.reshape(Lq, B, N_HEADS, HEAD_DIM).transpose(1, 2, 0, 3)  # (B, H, Lq, hd)
    kh = k.reshape(Lk, B, N_HEADS, HEAD_DIM).transpose(1, 2, 0, 3)  # (B, H, Lk, hd)
    vh = v.reshape(Lk, B, N_HEADS, HEAD_DIM).transpose(1, 2, 0, 3)
    scores = (qh @ jnp.swapaxes(kh, -1, -2)) / jnp.sqrt(jnp.float32(HEAD_DIM))  # (B,H,Lq,Lk)
    attn_w_heads = jax.nn.softmax(scores, axis=-1)
    attn_ctx = attn_w_heads @ vh                                # (B, H, Lq, hd)
    attn_ctx = attn_ctx.transpose(2, 0, 1, 3).reshape(Lq, B, E_DIM)
    attn_output = attn_ctx @ out_proj_weight.T + out_proj_bias  # (1, B, E) (unused downstream, kept faithful)
    attn_weights = attn_w_heads.mean(axis=1)                    # (B, Lq, Lk) averaged over heads

    expert_weight = jax.nn.softmax(attn_weights, axis=-1)[:, 0, :]  # (B, E)
    clean_logits = expert_weight @ fc_gate_w.T + fc_gate_b          # (B, NUM_EXPERTS)
    # train=True branch: noisy logits
    raw_noise_stddev = expert_weight @ fc_noise_w.T + fc_noise_b
    noise_stddev = jax.nn.softplus(raw_noise_stddev) + NOISE_EPS
    logits = clean_logits + noise * noise_stddev

    kk = min(TOP_K + 1, NUM_EXPERTS)
    top_logits, top_indices = jax.lax.top_k(logits, kk)
    top_k_logits = top_logits[:, :TOP_K]
    top_k_indices = top_indices[:, :TOP_K]
    top_k_gates = jax.nn.softmax(top_k_logits, axis=1)
    rows = jnp.arange(B)[:, None]
    gates = jnp.zeros_like(logits).at[rows, top_k_indices].set(top_k_gates)
    load = gates.sum(axis=0)
    return (gates, load)

if __name__ == "__main__":
    import jax
    _d = setup_inputs()
    print(jax.jit(kernel)(*tuple(_d.values())))

</pallas_src>

<mosaic_0001>
#map = affine_map<(d0, d1) -> (0, 0)>
#map1 = affine_map<(d0, d1) -> (0)>
module attributes {stable_mosaic.version = 14 : i64} {
  func.func @_sc_routing_body(%arg0: i32, %arg1: i32, %arg2: memref<4x64xf32, #tpu.memory_space<hbm>>, %arg3: memref<524288xf32, #tpu.memory_space<hbm>>, %arg4: memref<8192xi32, #tpu.memory_space<hbm>>, %arg5: memref<8192xf32, #tpu.memory_space<hbm>>, %arg6: memref<8192xf32, #tpu.memory_space<hbm>>, %arg7: memref<16384xf32, #tpu.memory_space<vmem>>, %arg8: memref<4x64xf32, #tpu.memory_space<vmem>>, %arg9: memref<128x16xf32, #tpu.memory_space<vmem>>, %arg10: memref<256xi32, #tpu.memory_space<vmem>>, %arg11: memref<256xf32, #tpu.memory_space<vmem>>, %arg12: memref<256xf32, #tpu.memory_space<vmem>>, %arg13: memref<!tpu.dma_semaphore, #tpu.memory_space<semaphore_mem>>, %arg14: memref<!tpu.dma_semaphore, #tpu.memory_space<semaphore_mem>>) attributes {dimension_semantics = [#tpu.dimension_semantics<core_parallel>, #tpu.dimension_semantics<subcore_parallel>], iteration_bounds = array<i64: 2, 16>, scalar_prefetch = 0 : i64, scratch_operands = 8 : i64, tpu.core_type = #tpu.core_type<sc_vector_subcore>, window_params = [{transform_indices = #map}, {transform_indices = #map1}, {transform_indices = #map1}, {transform_indices = #map1}, {transform_indices = #map1}]} {
    %mul3A = arith.constant 2 : i32
    %mul3A_0 = arith.muli %arg1, %mul3A : i32
    %add3A = arith.addi %mul3A_0, %arg0 : i32
    %mul3A_1 = arith.constant 256 : i32
    %mul3A_2 = arith.muli %add3A, %mul3A_1 : i32
    %mul3A_3 = arith.constant 64 : i32
    %mul3A_4 = arith.muli %mul3A_2, %mul3A_3 : i32
    %iota3A = tpu.iota {dimensions = array<i32: 0>} : vector<16xi32>
    "tpu.region"() ({
      %run_scoped3A = tpu.sem_alloc : memref<!tpu.dma_semaphore, #tpu.memory_space<semaphore_mem>>
      tpu.enqueue_dma source(%arg2 : memref<4x64xf32, #tpu.memory_space<hbm>>) target(%arg8 : memref<4x64xf32, #tpu.memory_space<vmem>>) target_semaphore(%run_scoped3A : memref<!tpu.dma_semaphore, #tpu.memory_space<semaphore_mem>>)
      tpu.wait_dma2 semaphore(%run_scoped3A : memref<!tpu.dma_semaphore, #tpu.memory_space<semaphore_mem>>) src(%arg2 : memref<4x64xf32, #tpu.memory_space<hbm>>) dst(%arg8 : memref<4x64xf32, #tpu.memory_space<vmem>>)
      tpu.yield
    }) : () -> ()
    %add3A_5 = arith.constant 0 : i32
    %add3A_6 = arith.addi %mul3A_4, %add3A_5 : i32
    %dma_start3A = arith.constant 0 : i32
    %dma_start3A_7 = tpu.memref_slice %arg7[%dma_start3A] : memref<16384xf32, #tpu.memory_space<vmem>> -> memref<8192xf32, #tpu.memory_space<vmem>>
    %dma_start3A_8 = tpu.memref_slice %arg3[%add3A_6] : memref<524288xf32, #tpu.memory_space<hbm>> -> memref<8192xf32, #tpu.memory_space<hbm>>
    %dma_start3A_9 = arith.constant 0 : i32
    %dma_start3A_10 = tpu.memref_slice %arg7[%dma_start3A_9] : memref<16384xf32, #tpu.memory_space<vmem>> -> memref<8192xf32, #tpu.memory_space<vmem>>
    %dma_start3A_11 = tpu.memref_slice %arg3[%add3A_6] : memref<524288xf32, #tpu.memory_space<hbm>> -> memref<8192xf32, #tpu.memory_space<hbm>>
    tpu.enqueue_dma source(%dma_start3A_11 : memref<8192xf32, #tpu.memory_space<hbm>>) target(%dma_start3A_10 : memref<8192xf32, #tpu.memory_space<vmem>>) target_semaphore(%arg13 : memref<!tpu.dma_semaphore, #tpu.memory_space<semaphore_mem>>)
    %add3A_12 = arith.constant 8192 : i32
    %add3A_13 = arith.addi %mul3A_4, %add3A_12 : i32
    %dma_start3A_14 = arith.constant 8192 : i32
    %dma_start3A_15 = tpu.memref_slice %arg7[%dma_start3A_14] : memref<16384xf32, #tpu.memory_space<vmem>> -> memref<8192xf32, #tpu.memory_space<vmem>>
    %dma_start3A_16 = tpu.memref_slice %arg3[%add3A_13] : memref<524288xf32, #tpu.memory_space<hbm>> -> memref<8192xf32, #tpu.memory_space<hbm>>
    %dma_start3A_17 = arith.constant 8192 : i32
    %dma_start3A_18 = tpu.memref_slice %arg7[%dma_start3A_17] : memref<16384xf32, #tpu.memory_space<vmem>> -> memref<8192xf32, #tpu.memory_space<vmem>>
    %dma_start3A_19 = tpu.memref_slice %arg3[%add3A_13] : memref<524288xf32, #tpu.memory_space<hbm>> -> memref<8192xf32, #tpu.memory_space<hbm>>
    tpu.enqueue_dma source(%dma_start3A_19 : memref<8192xf32, #tpu.memory_space<hbm>>) target(%dma_start3A_18 : memref<8192xf32, #tpu.memory_space<vmem>>) target_semaphore(%arg14 : memref<!tpu.dma_semaphore, #tpu.memory_space<semaphore_mem>>)
    %broadcast_in_dim3A = arith.constant 2 : i32
    %broadcast_in_dim3A_20 = vector.broadcast %broadcast_in_dim3A : i32 to vector<16xi32>
    %broadcast_in_dim3A_21 = arith.constant 3 : i32
    %broadcast_in_dim3A_22 = vector.broadcast %broadcast_in_dim3A_21 : i32 to vector<16xi32>
    %broadcast_in_dim3A_23 = arith.constant 0 : i32
    %broadcast_in_dim3A_24 = vector.broadcast %broadcast_in_dim3A_23 : i32 to vector<16xi32>
    %gather3A = tpu.vector_load_idx %arg8[%broadcast_in_dim3A_20, %broadcast_in_dim3A_24] : memref<4x64xf32, #tpu.memory_space<vmem>>[vector<16xi32>, vector<16xi32>], vector<16xf32>,
    %swap3A = arith.constant 0 : i32
    %swap3A_25 = arith.index_cast %swap3A : i32 to index
    %swap3A_26 = arith.constant 0 : index
    %swap3A_27 = tpu.vector_load %arg9[%swap3A_25, %swap3A_26] {strides = array<i32>} : memref<128x16xf32, #tpu.memory_space<vmem>>, vector<16xf32>,
    tpu.vector_store %arg9[%swap3A_25, %swap3A_26], %gather3A {strides = array<i32>} : memref<128x16xf32, #tpu.memory_space<vmem>>, vector<16xf32>,
    %gather3A_28 = tpu.vector_load_idx %arg8[%broadcast_in_dim3A_22, %broadcast_in_dim3A_24] : memref<4x64xf32, #tpu.memory_space<vmem>>[vector<16xi32>, vector<16xi32>], vector<16xf32>,
    %swap3A_29 = arith.constant 64 : i32
    %swap3A_30 = arith.index_cast %swap3A_29 : i32 to index
    %swap3A_31 = arith.constant 0 : index
    %swap3A_32 = tpu.vector_load %arg9[%swap3A_30, %swap3A_31] {strides = array<i32>} : memref<128x16xf32, #tpu.memory_space<vmem>>, vector<16xf32>,
    tpu.vector_store %arg9[%swap3A_30, %swap3A_31], %gather3A_28 {strides = array<i32>} : memref<128x16xf32, #tpu.memory_space<vmem>>, vector<16xf32>,
    %broadcast_in_dim3A_33 = arith.constant 1 : i32
    %broadcast_in_dim3A_34 = vector.broadcast %broadcast_in_dim3A_33 : i32 to vector<16xi32>
    %gather3A_35 = tpu.vector_load_idx %arg8[%broadcast_in_dim3A_20, %broadcast_in_dim3A_34] : memref<4x64xf32, #tpu.memory_space<vmem>>[vector<16xi32>, vector<16xi32>], vector<16xf32>,
    %swap3A_36 = arith.constant 1 : i32
    %swap3A_37 = arith.index_cast %swap3A_36 : i32 to index
    %swap3A_38 = arith.constant 0 : index
    %swap3A_39 = tpu.vector_load %arg9[%swap3A_37, %swap3A_38] {strides = array<i32>} : memref<128x16xf32, #tpu.memory_space<vmem>>, vector<16xf32>,
    tpu.vector_store %arg9[%swap3A_37, %swap3A_38], %gather3A_35 {strides = array<i32>} : memref<128x16xf32, #tpu.memory_space<vmem>>, vector<16xf32>,
    %gather3A_40 = tpu.vector_load_idx %arg8[%broadcast_in_dim3A_22, %broadcast_in_dim3A_34] : memref<4x64xf32, #tpu.memory_space<vmem>>[vector<16xi32>, vector<16xi32>], vector<16xf32>,
    %swap3A_41 = arith.constant 65 : i32
    %swap3A_42 = arith.index_cast %swap3A_41 : i32 to index
    %swap3A_43 = arith.constant 0 : index
    %swap3A_44 = tpu.vector_load %arg9[%swap3A_42, %swap3A_43] {strides = array<i32>} : memref<128x16xf32, #tpu.memory_space<vmem>>, vector<16xf32>,
    tpu.vector_store %arg9[%swap3A_42, %swap3A_43], %gather3A_40 {strides = array<i32>} : memref<128x16xf32, #tpu.memory_space<vmem>>, vector<16xf32>,
    %broadcast_in_dim3A_45 = arith.constant 2 : i32
    %broadcast_in_dim3A_46 = vector.broadcast %broadcast_in_dim3A_45 : i32 to vector<16xi32>
    %gather3A_47 = tpu.vector_load_idx %arg8[%broadcast_in_dim3A_20, %broadcast_in_dim3A_46] : memref<4x64xf32, #tpu.memory_space<vmem>>[vector<16xi32>, vector<16xi32>], vector<16xf32>,
    %swap3A_48 = arith.constant 2 : i32
    %swap3A_49 = arith.index_cast %swap3A_48 : i32 to index
    %swap3A_50 = arith.constant 0 : index
    %swap3A_51 = tpu.vector_load %arg9[%swap3A_49, %swap3A_50] {strides = array<i32>} : memref<128x16xf32, #tpu.memory_space<vmem>>, vector<16xf32>,
    tpu.vector_store %arg9[%swap3A_49, %swap3A_50], %gather3A_47 {strides = array<i32>} : memref<128x16xf32, #tpu.memory_space<vmem>>, vector<16xf32>,
    %gather3A_52 = tpu.vector_load_idx %arg8[%broadcast_in_dim3A_22, %broadcast_in_dim3A_46] : memref<4x64xf32, #tpu.memory_space<vmem>>[vector<16xi32>, vector<16xi32>], vector<16xf32>,
    %swap3A_53 = arith.constant 66 : i32
    %swap3A_54 = arith.index_cast %swap3A_53 : i32 to index
    %swap3A_55 = arith.constant 0 : index
    %swap3A_56 = tpu.vector_load %arg9[%swap3A_54, %swap3A_55] {strides = array<i32>} : memref<128x16xf32, #tpu.memory_space<vmem>>, vector<16xf32>,
    tpu.vector_store %arg9[%swap3A_54, %swap3A_55], %gather3A_52 {strides = array<i32>} : memref<128x16xf32, #tpu.memory_space<vmem>>, vector<16xf32>,
    %broadcast_in_dim3A_57 = arith.constant 3 : i32
    %broadcast_in_dim3A_58 = vector.broadcast %broadcast_in_dim3A_57 : i32 to vector<16xi32>
    %gather3A_59 = tpu.vector_load_idx %arg8[%broadcast_in_dim3A_20, %broadcast_in_dim3A_58] : memref<4x64xf32, #tpu.memory_space<vmem>>[vector<16xi32>, vector<16xi32>], vector<16xf32>,
    %swap3A_60 = arith.constant 3 : i32
    %swap3A_61 = arith.index_cast %swap3A_60 : i32 to index
    %swap3A_62 = arith.constant 0 : index
    %swap3A_63 = tpu.vector_load %arg9[%swap3A_61, %swap3A_62] {strides = array<i32>} : memref<128x16xf32, #tpu.memory_space<vmem>>, vector<16xf32>,
    tpu.vector_store %arg9[%swap3A_61, %swap3A_62], %gather3A_59 {strides = array<i32>} : memref<128x16xf32, #tpu.memory_space<vmem>>, vector<16xf32>,
    %gather3A_64 = tpu.vector_load_idx %arg8[%broadcast_in_dim3A_22, %broadcast_in_dim3A_58] : memref<4x64xf32, #tpu.memory_space<vmem>>[vector<16xi32>, vector<16xi32>], vector<16xf32>,
    %swap3A_65 = arith.constant 67 : i32
    %swap3A_66 = arith.index_cast %swap3A_65 : i32 to index
    %swap3A_67 = arith.constant 0 : index
    %swap3A_68 = tpu.vector_load %arg9[%swap3A_66, %swap3A_67] {strides = array<i32>} : memref<128x16xf32, #tpu.memory_space<vmem>>, vector<16xf32>,
    tpu.vector_store %arg9[%swap3A_66, %swap3A_67], %gather3A_64 {strides = array<i32>} : memref<128x16xf32, #tpu.memory_space<vmem>>, vector<16xf32>,
    %broadcast_in_dim3A_69 = arith.constant 4 : i32
    %broadcast_in_dim3A_70 = vector.broadcast %broadcast_in_dim3A_69 : i32 to vector<16xi32>
    %gather3A_71 = tpu.vector_load_idx %arg8[%broadcast_in_dim3A_20, %broadcast_in_dim3A_70] : memref<4x64xf32, #tpu.memory_space<vmem>>[vector<16xi32>, vector<16xi32>], vector<16xf32>,
    %swap3A_72 = arith.constant 4 : i32
    %swap3A_73 = arith.index_cast %swap3A_72 : i32 to index
    %swap3A_74 = arith.constant 0 : index
    %swap3A_75 = tpu.vector_load %arg9[%swap3A_73, %swap3A_74] {strides = array<i32>} : memref<128x16xf32, #tpu.memory_space<vmem>>, vector<16xf32>,
    tpu.vector_store %arg9[%swap3A_73, %swap3A_74], %gather3A_71 {strides = array<i32>} : memref<128x16xf32, #tpu.memory_space<vmem>>, vector<16xf32>,
    %gather3A_76 = tpu.vector_load_idx %arg8[%broadcast_in_dim3A_22, %broadcast_in_dim3A_70] : memref<4x64xf32, #tpu.memory_space<vmem>>[vector<16xi32>, vector<16xi32>], vector<16xf32>,
    %swap3A_77 = arith.constant 68 : i32
    %swap3A_78 = arith.index_cast %swap3A_77 : i32 to index
    %swap3A_79 = arith.constant 0 : index
    %swap3A_80 = tpu.vector_load %arg9[%swap3A_78, %swap3A_79] {strides = array<i32>} : memref<128x16xf32, #tpu.memory_space<vmem>>, vector<16xf32>,
    tpu.vector_store %arg9[%swap3A_78, %swap3A_79], %gather3A_76 {strides = array<i32>} : memref<128x16xf32, #tpu.memory_space<vmem>>, vector<16xf32>,
    %broadcast_in_dim3A_81 = arith.constant 5 : i32
    %broadcast_in_dim3A_82 = vector.broadcast %broadcast_in_dim3A_81 : i32 to vector<16xi32>
    %gather3A_83 = tpu.vector_load_idx %arg8[%broadcast_in_dim3A_20, %broadcast_in_dim3A_82] : memref<4x64xf32, #tpu.memory_space<vmem>>[vector<16xi32>, vector<16xi32>], vector<16xf32>,
    %swap3A_84 = arith.constant 5 : i32
    %swap3A_85 = arith.index_cast %swap3A_84 : i32 to index
    %swap3A_86 = arith.constant 0 : index
    %swap3A_87 = tpu.vector_load %arg9[%swap3A_85, %swap3A_86] {strides = array<i32>} : memref<128x16xf32, #tpu.memory_space<vmem>>, vector<16xf32>,
    tpu.vector_store %arg9[%swap3A_85, %swap3A_86], %gather3A_83 {strides = array<i32>} : memref<128x16xf32, #tpu.memory_space<vmem>>, vector<16xf32>,
    %gather3A_88 = tpu.vector_load_idx %arg8[%broadcast_in_dim3A_22, %broadcast_in_dim3A_82] : memref<4x64xf32, #tpu.memory_space<vmem>>[vector<16xi32>, vector<16xi32>], vector<16xf32>,
    %swap3A_89 = arith.constant 69 : i32
    %swap3A_90 = arith.index_cast %swap3A_89 : i32 to index
    %swap3A_91 = arith.constant 0 : index
    %swap3A_92 = tpu.vector_load %arg9[%swap3A_90, %swap3A_91] {strides = array<i32>} : memref<128x16xf32, #tpu.memory_space<vmem>>, vector<16xf32>,
    tpu.vector_store %arg9[%swap3A_90, %swap3A_91], %gather3A_88 {strides = array<i32>} : memref<128x16xf32, #tpu.memory_space<vmem>>, vector<16xf32>,
    %broadcast_in_dim3A_93 = arith.constant 6 : i32
    %broadcast_in_dim3A_94 = vector.broadcast %broadcast_in_dim3A_93 : i32 to vector<16xi32>
    %gather3A_95 = tpu.vector_load_idx %arg8[%broadcast_in_dim3A_20, %broadcast_in_dim3A_94] : memref<4x64xf32, #tpu.memory_space<vmem>>[vector<16xi32>, vector<16xi32>], vector<16xf32>,
    %swap3A_96 = arith.constant 6 : i32
    %swap3A_97 = arith.index_cast %swap3A_96 : i32 to index
    %swap3A_98 = arith.constant 0 : index
    %swap3A_99 = tpu.vector_load %arg9[%swap3A_97, %swap3A_98] {strides = array<i32>} : memref<128x16xf32, #tpu.memory_space<vmem>>, vector<16xf32>,
    tpu.vector_store %arg9[%swap3A_97, %swap3A_98], %gather3A_95 {strides = array<i32>} : memref<128x16xf32, #tpu.memory_space<vmem>>, vector<16xf32>,
    %gather3A_100 = tpu.vector_load_idx %arg8[%broadcast_in_dim3A_22, %broadcast_in_dim3A_94] : memref<4x64xf32, #tpu.memory_space<vmem>>[vector<16xi32>, vector<16xi32>], vector<16xf32>,
    %swap3A_101 = arith.constant 70 : i32
    %swap3A_102 = arith.index_cast %swap3A_101 : i32 to index
    %swap3A_103 = arith.constant 0 : index
    %swap3A_104 = tpu.vector_load %arg9[%swap3A_102, %swap3A_103] {strides = array<i32>} : memref<128x16xf32, #tpu.memory_space<vmem>>, vector<16xf32>,
    tpu.vector_store %arg9[%swap3A_102, %swap3A_103], %gather3A_100 {strides = array<i32>} : memref<128x16xf32, #tpu.memory_space<vmem>>, vector<16xf32>,
    %broadcast_in_dim3A_105 = arith.constant 7 : i32
    %broadcast_in_dim3A_106 = vector.broadcast %broadcast_in_dim3A_105 : i32 to vector<16xi32>
    %gather3A_107 = tpu.vector_load_idx %arg8[%broadcast_in_dim3A_20, %broadcast_in_dim3A_106] : memref<4x64xf32, #tpu.memory_space<vmem>>[vector<16xi32>, vector<16xi32>], vector<16xf32>,
    %swap3A_108 = arith.constant 7 : i32
    %swap3A_109 = arith.index_cast %swap3A_108 : i32 to index
    %swap3A_110 = arith.constant 0 : index
    %swap3A_111 = tpu.vector_load %arg9[%swap3A_109, %swap3A_110] {strides = array<i32>} : memref<128x16xf32, #tpu.memory_space<vmem>>, vector<16xf32>,
    tpu.vector_store %arg9[%swap3A_109, %swap3A_110], %gather3A_107 {strides = array<i32>} : memref<128x16xf32, #tpu.memory_space<vmem>>, vector<16xf32>,
    %gather3A_112 = tpu.vector_load_idx %arg8[%broadcast_in_dim3A_22, %broadcast_in_dim3A_106] : memref<4x64xf32, #tpu.memory_space<vmem>>[vector<16xi32>, vector<16xi32>], vector<16xf32>,
    %swap3A_113 = arith.constant 71 : i32
    %swap3A_114 = arith.index_cast %swap3A_113 : i32 to index
    %swap3A_115 = arith.constant 0 : index
    %swap3A_116 = tpu.vector_load %arg9[%swap3A_114, %swap3A_115] {strides = array<i32>} : memref<128x16xf32, #tpu.memory_space<vmem>>, vector<16xf32>,
    tpu.vector_store %arg9[%swap3A_114, %swap3A_115], %gather3A_112 {strides = array<i32>} : memref<128x16xf32, #tpu.memory_space<vmem>>, vector<16xf32>,
    %broadcast_in_dim3A_117 = arith.constant 8 : i32
    %broadcast_in_dim3A_118 = vector.broadcast %broadcast_in_dim3A_117 : i32 to vector<16xi32>
    %gather3A_119 = tpu.vector_load_idx %arg8[%broadcast_in_dim3A_20, %broadcast_in_dim3A_118] : memref<4x64xf32, #tpu.memory_space<vmem>>[vector<16xi32>, vector<16xi32>], vector<16xf32>,
    %swap3A_120 = arith.constant 8 : i32
    %swap3A_121 = arith.index_cast %swap3A_120 : i32 to index
    %swap3A_122 = arith.constant 0 : index
    %swap3A_123 = tpu.vector_load %arg9[%swap3A_121, %swap3A_122] {strides = array<i32>} : memref<128x16xf32, #tpu.memory_space<vmem>>, vector<16xf32>,
    tpu.vector_store %arg9[%swap3A_121, %swap3A_122], %gather3A_119 {strides = array<i32>} : memref<128x16xf32, #tpu.memory_space<vmem>>, vector<16xf32>,
    %gather3A_124 = tpu.vector_load_idx %arg8[%broadcast_in_dim3A_22, %broadcast_in_dim3A_118] : memref<4x64xf32, #tpu.memory_space<vmem>>[vector<16xi32>, vector<16xi32>], vector<16xf32>,
    %swap3A_125 = arith.constant 72 : i32
    %swap3A_126 = arith.index_cast %swap3A_125 : i32 to index
    %swap3A_127 = arith.constant 0 : index
    %swap3A_128 = tpu.vector_load %arg9[%swap3A_126, %swap3A_127] {strides = array<i32>} : memref<128x16xf32, #tpu.memory_space<vmem>>, vector<16xf32>,
    tpu.vector_store %arg9[%swap3A_126, %swap3A_127], %gather3A_124 {strides = array<i32>} : memref<128x16xf32, #tpu.memory_space<vmem>>, vector<16xf32>,
    %broadcast_in_dim3A_129 = arith.constant 9 : i32
    %broadcast_in_dim3A_130 = vector.broadcast %broadcast_in_dim3A_129 : i32 to vector<16xi32>
    %gather3A_131 = tpu.vector_load_idx %arg8[%broadcast_in_dim3A_20, %broadcast_in_dim3A_130] : memref<4x64xf32, #tpu.memory_space<vmem>>[vector<16xi32>, vector<16xi32>], vector<16xf32>,
    %swap3A_132 = arith.constant 9 : i32
    %swap3A_133 = arith.index_cast %swap3A_132 : i32 to index
    %swap3A_134 = arith.constant 0 : index
    %swap3A_135 = tpu.vector_load %arg9[%swap3A_133, %swap3A_134] {strides = array<i32>} : memref<128x16xf32, #tpu.memory_space<vmem>>, vector<16xf32>,
    tpu.vector_store %arg9[%swap3A_133, %swap3A_134], %gather3A_131 {strides = array<i32>} : memref<128x16xf32, #tpu.memory_space<vmem>>, vector<16xf32>,
    %gather3A_136 = tpu.vector_load_idx %arg8[%broadcast_in_dim3A_22, %broadcast_in_dim3A_130] : memref<4x64xf32, #tpu.memory_space<vmem>>[vector<16xi32>, vector<16xi32>], vector<16xf32>,
    %swap3A_137 = arith.constant 73 : i32
    %swap3A_138 = arith.index_cast %swap3A_137 : i32 to index
    %swap3A_139 = arith.constant 0 : index
    %swap3A_140 = tpu.vector_load %arg9[%swap3A_138, %swap3A_139] {strides = array<i32>} : memref<128x16xf32, #tpu.memory_space<vmem>>, vector<16xf32>,
    tpu.vector_store %arg9[%swap3A_138, %swap3A_139], %gather3A_136 {strides = array<i32>} : memref<128x16xf32, #tpu.memory_space<vmem>>, vector<16xf32>,
    %broadcast_in_dim3A_141 = arith.constant 10 : i32
    %broadcast_in_dim3A_142 = vector.broadcast %broadcast_in_dim3A_141 : i32 to vector<16xi32>
    %gather3A_143 = tpu.vector_load_idx %arg8[%broadcast_in_dim3A_20, %broadcast_in_dim3A_142] : memref<4x64xf32, #tpu.memory_space<vmem>>[vector<16xi32>, vector<16xi32>], vector<16xf32>,
    %swap3A_144 = arith.constant 10 : i32
    %swap3A_145 = arith.index_cast %swap3A_144 : i32 to index
    %swap3A_146 = arith.constant 0 : index
    %swap3A_147 = tpu.vector_load %arg9[%swap3A_145, %swap3A_146] {strides = array<i32>} : memref<128x16xf32, #tpu.memory_space<vmem>>, vector<16xf32>,
    tpu.vector_store %arg9[%swap3A_145, %swap3A_146], %gather3A_143 {strides = array<i32>} : memref<128x16xf32, #tpu.memory_space<vmem>>, vector<16xf32>,
    %gather3A_148 = tpu.vector_load_idx %arg8[%broadcast_in_dim3A_22, %broadcast_in_dim3A_142] : memref<4x64xf32, #tpu.memory_space<vmem>>[vector<16xi32>, vector<16xi32>], vector<16xf32>,
    %swap3A_149 = arith.constant 74 : i32
    %swap3A_150 = arith.index_cast %swap3A_149 : i32 to index
    %swap3A_151 = arith.constant 0 : index
    %swap3A_152 = tpu.vector_load %arg9[%swap3A_150, %swap3A_151] {strides = array<i32>} : memref<128x16xf32, #tpu.memory_space<vmem>>, vector<16xf32>,
    tpu.vector_store %arg9[%swap3A_150, %swap3A_151], %gather3A_148 {strides = array<i32>} : memref<128x16xf32, #tpu.memory_space<vmem>>, vector<16xf32>,
    %broadcast_in_dim3A_153 = arith.constant 11 : i32
    %broadcast_in_dim3A_154 = vector.broadcast %broadcast_in_dim3A_153 : i32 to vector<16xi32>
    %gather3A_155 = tpu.vector_load_idx %arg8[%broadcast_in_dim3A_20, %broadcast_in_dim3A_154] : memref<4x64xf32, #tpu.memory_space<vmem>>[vector<16xi32>, vector<16xi32>], vector<16xf32>,
    %swap3A_156 = arith.constant 11 : i32
    %swap3A_157 = arith.index_cast %swap3A_156 : i32 to index
    %swap3A_158 = arith.constant 0 : index
    %swap3A_159 = tpu.vector_load %arg9[%swap3A_157, %swap3A_158] {strides = array<i32>} : memref<128x16xf32, #tpu.memory_space<vmem>>, vector<16xf32>,
    tpu.vector_store %arg9[%swap3A_157, %swap3A_158], %gather3A_155 {strides = array<i32>} : memref<128x16xf32, #tpu.memory_space<vmem>>, vector<16xf32>,
    %gather3A_160 = tpu.vector_load_idx %arg8[%broadcast_in_dim3A_22, %broadcast_in_dim3A_154] : memref<4x64xf32, #tpu.memory_space<vmem>>[vector<16xi32>, vector<16xi32>], vector<16xf32>,
    %swap3A_161 = arith.constant 75 : i32
    %swap3A_162 = arith.index_cast %swap3A_161 : i32 to index
    %swap3A_163 = arith.constant 0 : index
    %swap3A_164 = tpu.vector_load %arg9[%swap3A_162, %swap3A_163] {strides = array<i32>} : memref<128x16xf32, #tpu.memory_space<vmem>>, vector<16xf32>,
    tpu.vector_store %arg9[%swap3A_162, %swap3A_163], %gather3A_160 {strides = array<i32>} : memref<128x16xf32, #tpu.memory_space<vmem>>, vector<16xf32>,
    %broadcast_in_dim3A_165 = arith.constant 12 : i32
    %broadcast_in_dim3A_166 = vector.broadcast %broadcast_in_dim3A_165 : i32 to vector<16xi32>
    %gather3A_167 = tpu.vector_load_idx %arg8[%broadcast_in_dim3A_20, %broadcast_in_dim3A_166] : memref<4x64xf32, #tpu.memory_space<vmem>>[vector<16xi32>, vector<16xi32>], vector<16xf32>,
    %swap3A_168 = arith.constant 12 : i32
    %swap3A_169 = arith.index_cast %swap3A_168 : i32 to index
    %swap3A_170 = arith.constant 0 : index
    %swap3A_171 = tpu.vector_load %arg9[%swap3A_169, %swap3A_170] {strides = array<i32>} : memref<128x16xf32, #tpu.memory_space<vmem>>, vector<16xf32>,
    tpu.vector_store %arg9[%swap3A_169, %swap3A_170], %gather3A_167 {strides = array<i32>} : memref<128x16xf32, #tpu.memory_space<vmem>>, vector<16xf32>,
    %gather3A_172 = tpu.vector_load_idx %arg8[%broadcast_in_dim3A_22, %broadcast_in_dim3A_166] : memref<4x64xf32, #tpu.memory_space<vmem>>[vector<16xi32>, vector<16xi32>], vector<16xf32>,
    %swap3A_173 = arith.constant 76 : i32
    %swap3A_174 = arith.index_cast %swap3A_173 : i32 to index
    %swap3A_175 = arith.constant 0 : index
    %swap3A_176 = tpu.vector_load %arg9[%swap3A_174, %swap3A_175] {strides = array<i32>} : memref<128x16xf32, #tpu.memory_space<vmem>>, vector<16xf32>,
    tpu.vector_store %arg9[%swap3A_174, %swap3A_175], %gather3A_172 {strides = array<i32>} : memref<128x16xf32, #tpu.memory_space<vmem>>, vector<16xf32>,
    %broadcast_in_dim3A_177 = arith.constant 13 : i32
    %broadcast_in_dim3A_178 = vector.broadcast %broadcast_in_dim3A_177 : i32 to vector<16xi32>
    %gather3A_179 = tpu.vector_load_idx %arg8[%broadcast_in_dim3A_20, %broadcast_in_dim3A_178] : memref<4x64xf32, #tpu.memory_space<vmem>>[vector<16xi32>, vector<16xi32>], vector<16xf32>,
    %swap3A_180 = arith.constant 13 : i32
    %swap3A_181 = arith.index_cast %swap3A_180 : i32 to index
    %swap3A_182 = arith.constant 0 : index
    %swap3A_183 = tpu.vector_load %arg9[%swap3A_181, %swap3A_182] {strides = array<i32>} : memref<128x16xf32, #tpu.memory_space<vmem>>, vector<16xf32>,
    tpu.vector_store %arg9[%swap3A_181, %swap3A_182], %gather3A_179 {strides = array<i32>} : memref<128x16xf32, #tpu.memory_space<vmem>>, vector<16xf32>,
    %gather3A_184 = tpu.vector_load_idx %arg8[%broadcast_in_dim3A_22, %broadcast_in_dim3A_178] : memref<4x64xf32, #tpu.memory_space<vmem>>[vector<16xi32>, vector<16xi32>], vector<16xf32>,
    %swap3A_185 = arith.constant 77 : i32
    %swap3A_186 = arith.index_cast %swap3A_185 : i32 to index
    %swap3A_187 = arith.constant 0 : index
    %swap3A_188 = tpu.vector_load %arg9[%swap3A_186, %swap3A_187] {strides = array<i32>} : memref<128x16xf32, #tpu.memory_space<vmem>>, vector<16xf32>,
    tpu.vector_store %arg9[%swap3A_186, %swap3A_187], %gather3A_184 {strides = array<i32>} : memref<128x16xf32, #tpu.memory_space<vmem>>, vector<16xf32>,
    %broadcast_in_dim3A_189 = arith.constant 14 : i32
    %broadcast_in_dim3A_190 = vector.broadcast %broadcast_in_dim3A_189 : i32 to vector<16xi32>
    %gather3A_191 = tpu.vector_load_idx %arg8[%broadcast_in_dim3A_20, %broadcast_in_dim3A_190] : memref<4x64xf32, #tpu.memory_space<vmem>>[vector<16xi32>, vector<16xi32>], vector<16xf32>,
    %swap3A_192 = arith.constant 14 : i32
    %swap3A_193 = arith.index_cast %swap3A_192 : i32 to index
    %swap3A_194 = arith.constant 0 : index
    %swap3A_195 = tpu.vector_load %arg9[%swap3A_193, %swap3A_194] {strides = array<i32>} : memref<128x16xf32, #tpu.memory_space<vmem>>, vector<16xf32>,
    tpu.vector_store %arg9[%swap3A_193, %swap3A_194], %gather3A_191 {strides = array<i32>} : memref<128x16xf32, #tpu.memory_space<vmem>>, vector<16xf32>,
    %gather3A_196 = tpu.vector_load_idx %arg8[%broadcast_in_dim3A_22, %broadcast_in_dim3A_190] : memref<4x64xf32, #tpu.memory_space<vmem>>[vector<16xi32>, vector<16xi32>], vector<16xf32>,
    %swap3A_197 = arith.constant 78 : i32
    %swap3A_198 = arith.index_cast %swap3A_197 : i32 to index
    %swap3A_199 = arith.constant 0 : index
    %swap3A_200 = tpu.vector_load %arg9[%swap3A_198, %swap3A_199] {strides = array<i32>} : memref<128x16xf32, #tpu.memory_space<vmem>>, vector<16xf32>,
    tpu.vector_store %arg9[%swap3A_198, %swap3A_199], %gather3A_196 {strides = array<i32>} : memref<128x16xf32, #tpu.memory_space<vmem>>, vector<16xf32>,
    %broadcast_in_dim3A_201 = arith.constant 15 : i32
    %broadcast_in_dim3A_202 = vector.broadcast %broadcast_in_dim3A_201 : i32 to vector<16xi32>
    %gather3A_203 = tpu.vector_load_idx %arg8[%broadcast_in_dim3A_20, %broadcast_in_dim3A_202] : memref<4x64xf32, #tpu.memory_space<vmem>>[vector<16xi32>, vector<16xi32>], vector<16xf32>,
    %swap3A_204 = arith.constant 15 : i32
    %swap3A_205 = arith.index_cast %swap3A_204 : i32 to index
    %swap3A_206 = arith.constant 0 : index
    %swap3A_207 = tpu.vector_load %arg9[%swap3A_205, %swap3A_206] {strides = array<i32>} : memref<128x16xf32, #tpu.memory_space<vmem>>, vector<16xf32>,
    tpu.vector_store %arg9[%swap3A_205, %swap3A_206], %gather3A_203 {strides = array<i32>} : memref<128x16xf32, #tpu.memory_space<vmem>>, vector<16xf32>,
    %gather3A_208 = tpu.vector_load_idx %arg8[%broadcast_in_dim3A_22, %broadcast_in_dim3A_202] : memref<4x64xf32, #tpu.memory_space<vmem>>[vector<16xi32>, vector<16xi32>], vector<16xf32>,
    %swap3A_209 = arith.constant 79 : i32
    %swap3A_210 = arith.index_cast %swap3A_209 : i32 to index
    %swap3A_211 = arith.constant 0 : index
    %swap3A_212 = tpu.vector_load %arg9[%swap3A_210, %swap3A_211] {strides = array<i32>} : memref<128x16xf32, #tpu.memory_space<vmem>>, vector<16xf32>,
    tpu.vector_store %arg9[%swap3A_210, %swap3A_211], %gather3A_208 {strides = array<i32>} : memref<128x16xf32, #tpu.memory_space<vmem>>, vector<16xf32>,
    %broadcast_in_dim3A_213 = arith.constant 16 : i32
    %broadcast_in_dim3A_214 = vector.broadcast %broadcast_in_dim3A_213 : i32 to vector<16xi32>
    %gather3A_215 = tpu.vector_load_idx %arg8[%broadcast_in_dim3A_20, %broadcast_in_dim3A_214] : memref<4x64xf32, #tpu.memory_space<vmem>>[vector<16xi32>, vector<16xi32>], vector<16xf32>,
    %swap3A_216 = arith.constant 16 : i32
    %swap3A_217 = arith.index_cast %swap3A_216 : i32 to index
    %swap3A_218 = arith.constant 0 : index
    %swap3A_219 = tpu.vector_load %arg9[%swap3A_217, %swap3A_218] {strides = array<i32>} : memref<128x16xf32, #tpu.memory_space<vmem>>, vector<16xf32>,
    tpu.vector_store %arg9[%swap3A_217, %swap3A_218], %gather3A_215 {strides = array<i32>} : memref<128x16xf32, #tpu.memory_space<vmem>>, vector<16xf32>,
    %gather3A_220 = tpu.vector_load_idx %arg8[%broadcast_in_dim3A_22, %broadcast_in_dim3A_214] : memref<4x64xf32, #tpu.memory_space<vmem>>[vector<16xi32>, vector<16xi32>], vector<16xf32>,
    %swap3A_221 = arith.constant 80 : i32
    %swap3A_222 = arith.index_cast %swap3A_221 : i32 to index
    %swap3A_223 = arith.constant 0 : index
    %swap3A_224 = tpu.vector_load %arg9[%swap3A_222, %swap3A_223] {strides = array<i32>} : memref<128x16xf32, #tpu.memory_space<vmem>>, vector<16xf32>,
    tpu.vector_store %arg9[%swap3A_222, %swap3A_223], %gather3A_220 {strides = array<i32>} : memref<128x16xf32, #tpu.memory_space<vmem>>, vector<16xf32>,
    %broadcast_in_dim3A_225 = arith.constant 17 : i32
    %broadcast_in_dim3A_226 = vector.broadcast %broadcast_in_dim3A_225 : i32 to vector<16xi32>
    %gather3A_227 = tpu.vector_load_idx %arg8[%broadcast_in_dim3A_20, %broadcast_in_dim3A_226] : memref<4x64xf32, #tpu.memory_space<vmem>>[vector<16xi32>, vector<16xi32>], vector<16xf32>,
    %swap3A_228 = arith.constant 17 : i32
    %swap3A_229 = arith.index_cast %swap3A_228 : i32 to index
    %swap3A_230 = arith.constant 0 : index
    %swap3A_231 = tpu.vector_load %arg9[%swap3A_229, %swap3A_230] {strides = array<i32>} : memref<128x16xf32, #tpu.memory_space<vmem>>, vector<16xf32>,
    tpu.vector_store %arg9[%swap3A_229, %swap3A_230], %gather3A_227 {strides = array<i32>} : memref<128x16xf32, #tpu.memory_space<vmem>>, vector<16xf32>,
    %gather3A_232 = tpu.vector_load_idx %arg8[%broadcast_in_dim3A_22, %broadcast_in_dim3A_226] : memref<4x64xf32, #tpu.memory_space<vmem>>[vector<16xi32>, vector<16xi32>], vector<16xf32>,
    %swap3A_233 = arith.constant 81 : i32
    %swap3A_234 = arith.index_cast %swap3A_233 : i32 to index
    %swap3A_235 = arith.constant 0 : index
    %swap3A_236 = tpu.vector_load %arg9[%swap3A_234, %swap3A_235] {strides = array<i32>} : memref<128x16xf32, #tpu.memory_space<vmem>>, vector<16xf32>,
    tpu.vector_store %arg9[%swap3A_234, %swap3A_235], %gather3A_232 {strides = array<i32>} : memref<128x16xf32, #tpu.memory_space<vmem>>, vector<16xf32>,
    %broadcast_in_dim3A_237 = arith.constant 18 : i32
    %broadcast_in_dim3A_238 = vector.broadcast %broadcast_in_dim3A_237 : i32 to vector<16xi32>
    %gather3A_239 = tpu.vector_load_idx %arg8[%broadcast_in_dim3A_20, %broadcast_in_dim3A_238] : memref<4x64xf32, #tpu.memory_space<vmem>>[vector<16xi32>, vector<16xi32>], vector<16xf32>,
    %swap3A_240 = arith.constant 18 : i32
    %swap3A_241 = arith.index_cast %swap3A_240 : i32 to index
    %swap3A_242 = arith.constant 0 : index
    %swap3A_243 = tpu.vector_load %arg9[%swap3A_241, %swap3A_242] {strides = array<i32>} : memref<128x16xf32, #tpu.memory_space<vmem>>, vector<16xf32>,
    tpu.vector_store %arg9[%swap3A_241, %swap3A_242], %gather3A_239 {strides = array<i32>} : memref<128x16xf32, #tpu.memory_space<vmem>>, vector<16xf32>,
    %gather3A_244 = tpu.vector_load_idx %arg8[%broadcast_in_dim3A_22, %broadcast_in_dim3A_238] : memref<4x64xf32, #tpu.memory_space<vmem>>[vector<16xi32>, vector<16xi32>], vector<16xf32>,
    %swap3A_245 = arith.constant 82 : i32
    %swap3A_246 = arith.index_cast %swap3A_245 : i32 to index
    %swap3A_247 = arith.constant 0 : index
    %swap3A_248 = tpu.vector_load %arg9[%swap3A_246, %swap3A_247] {strides = array<i32>} : memref<128x16xf32, #tpu.memory_space<vmem>>, vector<16xf32>,
    tpu.vector_store %arg9[%swap3A_246, %swap3A_247], %gather3A_244 {strides = array<i32>} : memref<128x16xf32, #tpu.memory_space<vmem>>, vector<16xf32>,
    %broadcast_in_dim3A_249 = arith.constant 19 : i32
    %broadcast_in_dim3A_250 = vector.broadcast %broadcast_in_dim3A_249 : i32 to vector<16xi32>
    %gather3A_251 = tpu.vector_load_idx %arg8[%broadcast_in_dim3A_20, %broadcast_in_dim3A_250] : memref<4x64xf32, #tpu.memory_space<vmem>>[vector<16xi32>, vector<16xi32>], vector<16xf32>,
    %swap3A_252 = arith.constant 19 : i32
    %swap3A_253 = arith.index_cast %swap3A_252 : i32 to index
    %swap3A_254 = arith.constant 0 : index
    %swap3A_255 = tpu.vector_load %arg9[%swap3A_253, %swap3A_254] {strides = array<i32>} : memref<128x16xf32, #tpu.memory_space<vmem>>, vector<16xf32>,
    tpu.vector_store %arg9[%swap3A_253, %swap3A_254], %gather3A_251 {strides = array<i32>} : memref<128x16xf32, #tpu.memory_space<vmem>>, vector<16xf32>,
    %gather3A_256 = tpu.vector_load_idx %arg8[%broadcast_in_dim3A_22, %broadcast_in_dim3A_250] : memref<4x64xf32, #tpu.memory_space<vmem>>[vector<16xi32>, vector<16xi32>], vector<16xf32>,
    %swap3A_257 = arith.constant 83 : i32
    %swap3A_258 = arith.index_cast %swap3A_257 : i32 to index
    %swap3A_259 = arith.constant 0 : index
    %swap3A_260 = tpu.vector_load %arg9[%swap3A_258, %swap3A_259] {strides = array<i32>} : memref<128x16xf32, #tpu.memory_space<vmem>>, vector<16xf32>,
    tpu.vector_store %arg9[%swap3A_258, %swap3A_259], %gather3A_256 {strides = array<i32>} : memref<128x16xf32, #tpu.memory_space<vmem>>, vector<16xf32>,
    %broadcast_in_dim3A_261 = arith.constant 20 : i32
    %broadcast_in_dim3A_262 = vector.broadcast %broadcast_in_dim3A_261 : i32 to vector<16xi32>
    %gather3A_263 = tpu.vector_load_idx %arg8[%broadcast_in_dim3A_20, %broadcast_in_dim3A_262] : memref<4x64xf32, #tpu.memory_space<vmem>>[vector<16xi32>, vector<16xi32>], vector<16xf32>,
    %swap3A_264 = arith.constant 20 : i32
    %swap3A_265 = arith.index_cast %swap3A_264 : i32 to index
    %swap3A_266 = arith.constant 0 : index
    %swap3A_267 = tpu.vector_load %arg9[%swap3A_265, %swap3A_266] {strides = array<i32>} : memref<128x16xf32, #tpu.memory_space<vmem>>, vector<16xf32>,
    tpu.vector_store %arg9[%swap3A_265, %swap3A_266], %gather3A_263 {strides = array<i32>} : memref<128x16xf32, #tpu.memory_space<vmem>>, vector<16xf32>,
    %gather3A_268 = tpu.vector_load_idx %arg8[%broadcast_in_dim3A_22, %broadcast_in_dim3A_262] : memref<4x64xf32, #tpu.memory_space<vmem>>[vector<16xi32>, vector<16xi32>], vector<16xf32>,
    %swap3A_269 = arith.constant 84 : i32
    %swap3A_270 = arith.index_cast %swap3A_269 : i32 to index
    %swap3A_271 = arith.constant 0 : index
    %swap3A_272 = tpu.vector_load %arg9[%swap3A_270, %swap3A_271] {strides = array<i32>} : memref<128x16xf32, #tpu.memory_space<vmem>>, vector<16xf32>,
    tpu.vector_store %arg9[%swap3A_270, %swap3A_271], %gather3A_268 {strides = array<i32>} : memref<128x16xf32, #tpu.memory_space<vmem>>, vector<16xf32>,
    %broadcast_in_dim3A_273 = arith.constant 21 : i32
    %broadcast_in_dim3A_274 = vector.broadcast %broadcast_in_dim3A_273 : i32 to vector<16xi32>
    %gather3A_275 = tpu.vector_load_idx %arg8[%broadcast_in_dim3A_20, %broadcast_in_dim3A_274] : memref<4x64xf32, #tpu.memory_space<vmem>>[vector<16xi32>, vector<16xi32>], vector<16xf32>,
    %swap3A_276 = arith.constant 21 : i32
    %swap3A_277 = arith.index_cast %swap3A_276 : i32 to index
    %swap3A_278 = arith.constant 0 : index
    %swap3A_279 = tpu.vector_load %arg9[%swap3A_277, %swap3A_278] {strides = array<i32>} : memref<128x16xf32, #tpu.memory_space<vmem>>, vector<16xf32>,
    tpu.vector_store %arg9[%swap3A_277, %swap3A_278], %gather3A_275 {strides = array<i32>} : memref<128x16xf32, #tpu.memory_space<vmem>>, vector<16xf32>,
    %gather3A_280 = tpu.vector_load_idx %arg8[%broadcast_in_dim3A_22, %broadcast_in_dim3A_274] : memref<4x64xf32, #tpu.memory_space<vmem>>[vector<16xi32>, vector<16xi32>], vector<16xf32>,
    %swap3A_281 = arith.constant 85 : i32
    %swap3A_282 = arith.index_cast %swap3A_281 : i32 to index
    %swap3A_283 = arith.constant 0 : index
    %swap3A_284 = tpu.vector_load %arg9[%swap3A_282, %swap3A_283] {strides = array<i32>} : memref<128x16xf32, #tpu.memory_space<vmem>>, vector<16xf32>,
    tpu.vector_store %arg9[%swap3A_282, %swap3A_283], %gather3A_280 {strides = array<i32>} : memref<128x16xf32, #tpu.memory_space<vmem>>, vector<16xf32>,
    %broadcast_in_dim3A_285 = arith.constant 22 : i32
    %broadcast_in_dim3A_286 = vector.broadcast %broadcast_in_dim3A_285 : i32 to vector<16xi32>
    %gather3A_287 = tpu.vector_load_idx %arg8[%broadcast_in_dim3A_20, %broadcast_in_dim3A_286] : memref<4x64xf32, #tpu.memory_space<vmem>>[vector<16xi32>, vector<16xi32>], vector<16xf32>,
    %swap3A_288 = arith.constant 22 : i32
    %swap3A_289 = arith.index_cast %swap3A_288 : i32 to index
    %swap3A_290 = arith.constant 0 : index
    %swap3A_291 = tpu.vector_load %arg9[%swap3A_289, %swap3A_290] {strides = array<i32>} : memref<128x16xf32, #tpu.memory_space<vmem>>, vector<16xf32>,
    tpu.vector_store %arg9[%swap3A_289, %swap3A_290], %gather3A_287 {strides = array<i32>} : memref<128x16xf32, #tpu.memory_space<vmem>>, vector<16xf32>,
    %gather3A_292 = tpu.vector_load_idx %arg8[%broadcast_in_dim3A_22, %broadcast_in_dim3A_286] : memref<4x64xf32, #tpu.memory_space<vmem>>[vector<16xi32>, vector<16xi32>], vector<16xf32>,
    %swap3A_293 = arith.constant 86 : i32
    %swap3A_294 = arith.index_cast %swap3A_293 : i32 to index
    %swap3A_295 = arith.constant 0 : index
    %swap3A_296 = tpu.vector_load %arg9[%swap3A_294, %swap3A_295] {strides = array<i32>} : memref<128x16xf32, #tpu.memory_space<vmem>>, vector<16xf32>,
    tpu.vector_store %arg9[%swap3A_294, %swap3A_295], %gather3A_292 {strides = array<i32>} : memref<128x16xf32, #tpu.memory_space<vmem>>, vector<16xf32>,
    %broadcast_in_dim3A_297 = arith.constant 23 : i32
    %broadcast_in_dim3A_298 = vector.broadcast %broadcast_in_dim3A_297 : i32 to vector<16xi32>
    %gather3A_299 = tpu.vector_load_idx %arg8[%broadcast_in_dim3A_20, %broadcast_in_dim3A_298] : memref<4x64xf32, #tpu.memory_space<vmem>>[vector<16xi32>, vector<16xi32>], vector<16xf32>,
    %swap3A_300 = arith.constant 23 : i32
    %swap3A_301 = arith.index_cast %swap3A_300 : i32 to index
    %swap3A_302 = arith.constant 0 : index
    %swap3A_303 = tpu.vector_load %arg9[%swap3A_301, %swap3A_302] {strides = array<i32>} : memref<128x16xf32, #tpu.memory_space<vmem>>, vector<16xf32>,
    tpu.vector_store %arg9[%swap3A_301, %swap3A_302], %gather3A_299 {strides = array<i32>} : memref<128x16xf32, #tpu.memory_space<vmem>>, vector<16xf32>,
    %gather3A_304 = tpu.vector_load_idx %arg8[%broadcast_in_dim3A_22, %broadcast_in_dim3A_298] : memref<4x64xf32, #tpu.memory_space<vmem>>[vector<16xi32>, vector<16xi32>], vector<16xf32>,
    %swap3A_305 = arith.constant 87 : i32
    %swap3A_306 = arith.index_cast %swap3A_305 : i32 to index
    %swap3A_307 = arith.constant 0 : index
    %swap3A_308 = tpu.vector_load %arg9[%swap3A_306, %swap3A_307] {strides = array<i32>} : memref<128x16xf32, #tpu.memory_space<vmem>>, vector<16xf32>,
    tpu.vector_store %arg9[%swap3A_306, %swap3A_307], %gather3A_304 {strides = array<i32>} : memref<128x16xf32, #tpu.memory_space<vmem>>, vector<16xf32>,
    %broadcast_in_dim3A_309 = arith.constant 24 : i32
    %broadcast_in_dim3A_310 = vector.broadcast %broadcast_in_dim3A_309 : i32 to vector<16xi32>
    %gather3A_311 = tpu.vector_load_idx %arg8[%broadcast_in_dim3A_20, %broadcast_in_dim3A_310] : memref<4x64xf32, #tpu.memory_space<vmem>>[vector<16xi32>, vector<16xi32>], vector<16xf32>,
    %swap3A_312 = arith.constant 24 : i32
    %swap3A_313 = arith.index_cast %swap3A_312 : i32 to index
    %swap3A_314 = arith.constant 0 : index
    %swap3A_315 = tpu.vector_load %arg9[%swap3A_313, %swap3A_314] {strides = array<i32>} : memref<128x16xf32, #tpu.memory_space<vmem>>, vector<16xf32>,
    tpu.vector_store %arg9[%swap3A_313, %swap3A_314], %gather3A_311 {strides = array<i32>} : memref<128x16xf32, #tpu.memory_space<vmem>>, vector<16xf32>,
    %gather3A_316 = tpu.vector_load_idx %arg8[%broadcast_in_dim3A_22, %broadcast_in_dim3A_310] : memref<4x64xf32, #tpu.memory_space<vmem>>[vector<16xi32>, vector<16xi32>], vector<16xf32>,
    %swap3A_317 = arith.constant 88 : i32
    %swap3A_318 = arith.index_cast %swap3A_317 : i32 to index
    %swap3A_319 = arith.constant 0 : index
    %swap3A_320 = tpu.vector_load %arg9[%swap3A_318, %swap3A_319] {strides = array<i32>} : memref<128x16xf32, #tpu.memory_space<vmem>>, vector<16xf32>,
    tpu.vector_store %arg9[%swap3A_318, %swap3A_319], %gather3A_316 {strides = array<i32>} : memref<128x16xf32, #tpu.memory_space<vmem>>, vector<16xf32>,
    %broadcast_in_dim3A_321 = arith.constant 25 : i32
    %broadcast_in_dim3A_322 = vector.broadcast %broadcast_in_dim3A_321 : i32 to vector<16xi32>
    %gather3A_323 = tpu.vector_load_idx %arg8[%broadcast_in_dim3A_20, %broadcast_in_dim3A_322] : memref<4x64xf32, #tpu.memory_space<vmem>>[vector<16xi32>, vector<16xi32>], vector<16xf32>,
    %swap3A_324 = arith.constant 25 : i32
    %swap3A_325 = arith.index_cast %swap3A_324 : i32 to index
    %swap3A_326 = arith.constant 0 : index
    %swap3A_327 = tpu.vector_load %arg9[%swap3A_325, %swap3A_326] {strides = array<i32>} : memref<128x16xf32, #tpu.memory_space<vmem>>, vector<16xf32>,
    tpu.vector_store %arg9[%swap3A_325, %swap3A_326], %gather3A_323 {strides = array<i32>} : memref<128x16xf32, #tpu.memory_space<vmem>>, vector<16xf32>,
    %gather3A_328 = tpu.vector_load_idx %arg8[%broadcast_in_dim3A_22, %broadcast_in_dim3A_322] : memref<4x64xf32, #tpu.memory_space<vmem>>[vector<16xi32>, vector<16xi32>], vector<16xf32>,
    %swap3A_329 = arith.constant 89 : i32
    %swap3A_330 = arith.index_cast %swap3A_329 : i32 to index
    %swap3A_331 = arith.constant 0 : index
    %swap3A_332 = tpu.vector_load %arg9[%swap3A_330, %swap3A_331] {strides = array<i32>} : memref<128x16xf32, #tpu.memory_space<vmem>>, vector<16xf32>,
    tpu.vector_store %arg9[%swap3A_330, %swap3A_331], %gather3A_328 {strides = array<i32>} : memref<128x16xf32, #tpu.memory_space<vmem>>, vector<16xf32>,
    %broadcast_in_dim3A_333 = arith.constant 26 : i32
    %broadcast_in_dim3A_334 = vector.broadcast %broadcast_in_dim3A_333 : i32 to vector<16xi32>
    %gather3A_335 = tpu.vector_load_idx %arg8[%broadcast_in_dim3A_20, %broadcast_in_dim3A_334] : memref<4x64xf32, #tpu.memory_space<vmem>>[vector<16xi32>, vector<16xi32>], vector<16xf32>,
    %swap3A_336 = arith.constant 26 : i32
    %swap3A_337 = arith.index_cast %swap3A_336 : i32 to index
    %swap3A_338 = arith.constant 0 : index
    %swap3A_339 = tpu.vector_load %arg9[%swap3A_337, %swap3A_338] {strides = array<i32>} : memref<128x16xf32, #tpu.memory_space<vmem>>, vector<16xf32>,
    tpu.vector_store %arg9[%swap3A_337, %swap3A_338], %gather3A_335 {strides = array<i32>} : memref<128x16xf32, #tpu.memory_space<vmem>>, vector<16xf32>,
    %gather3A_340 = tpu.vector_load_idx %arg8[%broadcast_in_dim3A_22, %broadcast_in_dim3A_334] : memref<4x64xf32, #tpu.memory_space<vmem>>[vector<16xi32>, vector<16xi32>], vector<16xf32>,
    %swap3A_341 = arith.constant 90 : i32
    %swap3A_342 = arith.index_cast %swap3A_341 : i32 to index
    %swap3A_343 = arith.constant 0 : index
    %swap3A_344 = tpu.vector_load %arg9[%swap3A_342, %swap3A_343] {strides = array<i32>} : memref<128x16xf32, #tpu.memory_space<vmem>>, vector<16xf32>,
    tpu.vector_store %arg9[%swap3A_342, %swap3A_343], %gather3A_340 {strides = array<i32>} : memref<128x16xf32, #tpu.memory_space<vmem>>, vector<16xf32>,
    %broadcast_in_dim3A_345 = arith.constant 27 : i32
    %broadcast_in_dim3A_346 = vector.broadcast %broadcast_in_dim3A_345 : i32 to vector<16xi32>
    %gather3A_347 = tpu.vector_load_idx %arg8[%broadcast_in_dim3A_20, %broadcast_in_dim3A_346] : memref<4x64xf32, #tpu.memory_space<vmem>>[vector<16xi32>, vector<16xi32>], vector<16xf32>,
    %swap3A_348 = arith.constant 27 : i32
    %swap3A_349 = arith.index_cast %swap3A_348 : i32 to index
    %swap3A_350 = arith.constant 0 : index
    %swap3A_351 = tpu.vector_load %arg9[%swap3A_349, %swap3A_350] {strides = array<i32>} : memref<128x16xf32, #tpu.memory_space<vmem>>, vector<16xf32>,
    tpu.vector_store %arg9[%swap3A_349, %swap3A_350], %gather3A_347 {strides = array<i32>} : memref<128x16xf32, #tpu.memory_space<vmem>>, vector<16xf32>,
    %gather3A_352 = tpu.vector_load_idx %arg8[%broadcast_in_dim3A_22, %broadcast_in_dim3A_346] : memref<4x64xf32, #tpu.memory_space<vmem>>[vector<16xi32>, vector<16xi32>], vector<16xf32>,
    %swap3A_353 = arith.constant 91 : i32
    %swap3A_354 = arith.index_cast %swap3A_353 : i32 to index
    %swap3A_355 = arith.constant 0 : index
    %swap3A_356 = tpu.vector_load %arg9[%swap3A_354, %swap3A_355] {strides = array<i32>} : memref<128x16xf32, #tpu.memory_space<vmem>>, vector<16xf32>,
    tpu.vector_store %arg9[%swap3A_354, %swap3A_355], %gather3A_352 {strides = array<i32>} : memref<128x16xf32, #tpu.memory_space<vmem>>, vector<16xf32>,
    %broadcast_in_dim3A_357 = arith.constant 28 : i32
    %broadcast_in_dim3A_358 = vector.broadcast %broadcast_in_dim3A_357 : i32 to vector<16xi32>
    %gather3A_359 = tpu.vector_load_idx %arg8[%broadcast_in_dim3A_20, %broadcast_in_dim3A_358] : memref<4x64xf32, #tpu.memory_space<vmem>>[vector<16xi32>, vector<16xi32>], vector<16xf32>,
    %swap3A_360 = arith.constant 28 : i32
    %swap3A_361 = arith.index_cast %swap3A_360 : i32 to index
    %swap3A_362 = arith.constant 0 : index
    %swap3A_363 = tpu.vector_load %arg9[%swap3A_361, %swap3A_362] {strides = array<i32>} : memref<128x16xf32, #tpu.memory_space<vmem>>, vector<16xf32>,
    tpu.vector_store %arg9[%swap3A_361, %swap3A_362], %gather3A_359 {strides = array<i32>} : memref<128x16xf32, #tpu.memory_space<vmem>>, vector<16xf32>,
    %gather3A_364 = tpu.vector_load_idx %arg8[%broadcast_in_dim3A_22, %broadcast_in_dim3A_358] : memref<4x64xf32, #tpu.memory_space<vmem>>[vector<16xi32>, vector<16xi32>], vector<16xf32>,
    %swap3A_365 = arith.constant 92 : i32
    %swap3A_366 = arith.index_cast %swap3A_365 : i32 to index
    %swap3A_367 = arith.constant 0 : index
    %swap3A_368 = tpu.vector_load %arg9[%swap3A_366, %swap3A_367] {strides = array<i32>} : memref<128x16xf32, #tpu.memory_space<vmem>>, vector<16xf32>,
    tpu.vector_store %arg9[%swap3A_366, %swap3A_367], %gather3A_364 {strides = array<i32>} : memref<128x16xf32, #tpu.memory_space<vmem>>, vector<16xf32>,
    %broadcast_in_dim3A_369 = arith.constant 29 : i32
    %broadcast_in_dim3A_370 = vector.broadcast %broadcast_in_dim3A_369 : i32 to vector<16xi32>
    %gather3A_371 = tpu.vector_load_idx %arg8[%broadcast_in_dim3A_20, %broadcast_in_dim3A_370] : memref<4x64xf32, #tpu.memory_space<vmem>>[vector<16xi32>, vector<16xi32>], vector<16xf32>,
    %swap3A_372 = arith.constant 29 : i32
    %swap3A_373 = arith.index_cast %swap3A_372 : i32 to index
    %swap3A_374 = arith.constant 0 : index
    %swap3A_375 = tpu.vector_load %arg9[%swap3A_373, %swap3A_374] {strides = array<i32>} : memref<128x16xf32, #tpu.memory_space<vmem>>, vector<16xf32>,
    tpu.vector_store %arg9[%swap3A_373, %swap3A_374], %gather3A_371 {strides = array<i32>} : memref<128x16xf32, #tpu.memory_space<vmem>>, vector<16xf32>,
    %gather3A_376 = tpu.vector_load_idx %arg8[%broadcast_in_dim3A_22, %broadcast_in_dim3A_370] : memref<4x64xf32, #tpu.memory_space<vmem>>[vector<16xi32>, vector<16xi32>], vector<16xf32>,
    %swap3A_377 = arith.constant 93 : i32
    %swap3A_378 = arith.index_cast %swap3A_377 : i32 to index
    %swap3A_379 = arith.constant 0 : index
    %swap3A_380 = tpu.vector_load %arg9[%swap3A_378, %swap3A_379] {strides = array<i32>} : memref<128x16xf32, #tpu.memory_space<vmem>>, vector<16xf32>,
    tpu.vector_store %arg9[%swap3A_378, %swap3A_379], %gather3A_376 {strides = array<i32>} : memref<128x16xf32, #tpu.memory_space<vmem>>, vector<16xf32>,
    %broadcast_in_dim3A_381 = arith.constant 30 : i32
    %broadcast_in_dim3A_382 = vector.broadcast %broadcast_in_dim3A_381 : i32 to vector<16xi32>
    %gather3A_383 = tpu.vector_load_idx %arg8[%broadcast_in_dim3A_20, %broadcast_in_dim3A_382] : memref<4x64xf32, #tpu.memory_space<vmem>>[vector<16xi32>, vector<16xi32>], vector<16xf32>,
    %swap3A_384 = arith.constant 30 : i32
    %swap3A_385 = arith.index_cast %swap3A_384 : i32 to index
    %swap3A_386 = arith.constant 0 : index
    %swap3A_387 = tpu.vector_load %arg9[%swap3A_385, %swap3A_386] {strides = array<i32>} : memref<128x16xf32, #tpu.memory_space<vmem>>, vector<16xf32>,
    tpu.vector_store %arg9[%swap3A_385, %swap3A_386], %gather3A_383 {strides = array<i32>} : memref<128x16xf32, #tpu.memory_space<vmem>>, vector<16xf32>,
    %gather3A_388 = tpu.vector_load_idx %arg8[%broadcast_in_dim3A_22, %broadcast_in_dim3A_382] : memref<4x64xf32, #tpu.memory_space<vmem>>[vector<16xi32>, vector<16xi32>], vector<16xf32>,
    %swap3A_389 = arith.constant 94 : i32
    %swap3A_390 = arith.index_cast %swap3A_389 : i32 to index
    %swap3A_391 = arith.constant 0 : index
    %swap3A_392 = tpu.vector_load %arg9[%swap3A_390, %swap3A_391] {strides = array<i32>} : memref<128x16xf32, #tpu.memory_space<vmem>>, vector<16xf32>,
    tpu.vector_store %arg9[%swap3A_390, %swap3A_391], %gather3A_388 {strides = array<i32>} : memref<128x16xf32, #tpu.memory_space<vmem>>, vector<16xf32>,
    %broadcast_in_dim3A_393 = arith.constant 31 : i32
    %broadcast_in_dim3A_394 = vector.broadcast %broadcast_in_dim3A_393 : i32 to vector<16xi32>
    %gather3A_395 = tpu.vector_load_idx %arg8[%broadcast_in_dim3A_20, %broadcast_in_dim3A_394] : memref<4x64xf32, #tpu.memory_space<vmem>>[vector<16xi32>, vector<16xi32>], vector<16xf32>,
    %swap3A_396 = arith.constant 31 : i32
    %swap3A_397 = arith.index_cast %swap3A_396 : i32 to index
    %swap3A_398 = arith.constant 0 : index
    %swap3A_399 = tpu.vector_load %arg9[%swap3A_397, %swap3A_398] {strides = array<i32>} : memref<128x16xf32, #tpu.memory_space<vmem>>, vector<16xf32>,
    tpu.vector_store %arg9[%swap3A_397, %swap3A_398], %gather3A_395 {strides = array<i32>} : memref<128x16xf32, #tpu.memory_space<vmem>>, vector<16xf32>,
    %gather3A_400 = tpu.vector_load_idx %arg8[%broadcast_in_dim3A_22, %broadcast_in_dim3A_394] : memref<4x64xf32, #tpu.memory_space<vmem>>[vector<16xi32>, vector<16xi32>], vector<16xf32>,
    %swap3A_401 = arith.constant 95 : i32
    %swap3A_402 = arith.index_cast %swap3A_401 : i32 to index
    %swap3A_403 = arith.constant 0 : index
    %swap3A_404 = tpu.vector_load %arg9[%swap3A_402, %swap3A_403] {strides = array<i32>} : memref<128x16xf32, #tpu.memory_space<vmem>>, vector<16xf32>,
    tpu.vector_store %arg9[%swap3A_402, %swap3A_403], %gather3A_400 {strides = array<i32>} : memref<128x16xf32, #tpu.memory_space<vmem>>, vector<16xf32>,
    %broadcast_in_dim3A_405 = arith.constant 32 : i32
    %broadcast_in_dim3A_406 = vector.broadcast %broadcast_in_dim3A_405 : i32 to vector<16xi32>
    %gather3A_407 = tpu.vector_load_idx %arg8[%broadcast_in_dim3A_20, %broadcast_in_dim3A_406] : memref<4x64xf32, #tpu.memory_space<vmem>>[vector<16xi32>, vector<16xi32>], vector<16xf32>,
    %swap3A_408 = arith.constant 32 : i32
    %swap3A_409 = arith.index_cast %swap3A_408 : i32 to index
    %swap3A_410 = arith.constant 0 : index
    %swap3A_411 = tpu.vector_load %arg9[%swap3A_409, %swap3A_410] {strides = array<i32>} : memref<128x16xf32, #tpu.memory_space<vmem>>, vector<16xf32>,
    tpu.vector_store %arg9[%swap3A_409, %swap3A_410], %gather3A_407 {strides = array<i32>} : memref<128x16xf32, #tpu.memory_space<vmem>>, vector<16xf32>,
    %gather3A_412 = tpu.vector_load_idx %arg8[%broadcast_in_dim3A_22, %broadcast_in_dim3A_406] : memref<4x64xf32, #tpu.memory_space<vmem>>[vector<16xi32>, vector<16xi32>], vector<16xf32>,
    %swap3A_413 = arith.constant 96 : i32
    %swap3A_414 = arith.index_cast %swap3A_413 : i32 to index
    %swap3A_415 = arith.constant 0 : index
    %swap3A_416 = tpu.vector_load %arg9[%swap3A_414, %swap3A_415] {strides = array<i32>} : memref<128x16xf32, #tpu.memory_space<vmem>>, vector<16xf32>,
    tpu.vector_store %arg9[%swap3A_414, %swap3A_415], %gather3A_412 {strides = array<i32>} : memref<128x16xf32, #tpu.memory_space<vmem>>, vector<16xf32>,
    %broadcast_in_dim3A_417 = arith.constant 33 : i32
    %broadcast_in_dim3A_418 = vector.broadcast %broadcast_in_dim3A_417 : i32 to vector<16xi32>
    %gather3A_419 = tpu.vector_load_idx %arg8[%broadcast_in_dim3A_20, %broadcast_in_dim3A_418] : memref<4x64xf32, #tpu.memory_space<vmem>>[vector<16xi32>, vector<16xi32>], vector<16xf32>,
    %swap3A_420 = arith.constant 33 : i32
    %swap3A_421 = arith.index_cast %swap3A_420 : i32 to index
    %swap3A_422 = arith.constant 0 : index
    %swap3A_423 = tpu.vector_load %arg9[%swap3A_421, %swap3A_422] {strides = array<i32>} : memref<128x16xf32, #tpu.memory_space<vmem>>, vector<16xf32>,
    tpu.vector_store %arg9[%swap3A_421, %swap3A_422], %gather3A_419 {strides = array<i32>} : memref<128x16xf32, #tpu.memory_space<vmem>>, vector<16xf32>,
    %gather3A_424 = tpu.vector_load_idx %arg8[%broadcast_in_dim3A_22, %broadcast_in_dim3A_418] : memref<4x64xf32, #tpu.memory_space<vmem>>[vector<16xi32>, vector<16xi32>], vector<16xf32>,
    %swap3A_425 = arith.constant 97 : i32
    %swap3A_426 = arith.index_cast %swap3A_425 : i32 to index
    %swap3A_427 = arith.constant 0 : index
    %swap3A_428 = tpu.vector_load %arg9[%swap3A_426, %swap3A_427] {strides = array<i32>} : memref<128x16xf32, #tpu.memory_space<vmem>>, vector<16xf32>,
    tpu.vector_store %arg9[%swap3A_426, %swap3A_427], %gather3A_424 {strides = array<i32>} : memref<128x16xf32, #tpu.memory_space<vmem>>, vector<16xf32>,
    %broadcast_in_dim3A_429 = arith.constant 34 : i32
    %broadcast_in_dim3A_430 = vector.broadcast %broadcast_in_dim3A_429 : i32 to vector<16xi32>
    %gather3A_431 = tpu.vector_load_idx %arg8[%broadcast_in_dim3A_20, %broadcast_in_dim3A_430] : memref<4x64xf32, #tpu.memory_space<vmem>>[vector<16xi32>, vector<16xi32>], vector<16xf32>,
    %swap3A_432 = arith.constant 34 : i32
    %swap3A_433 = arith.index_cast %swap3A_432 : i32 to index
    %swap3A_434 = arith.constant 0 : index
    %swap3A_435 = tpu.vector_load %arg9[%swap3A_433, %swap3A_434] {strides = array<i32>} : memref<128x16xf32, #tpu.memory_space<vmem>>, vector<16xf32>,
    tpu.vector_store %arg9[%swap3A_433, %swap3A_434], %gather3A_431 {strides = array<i32>} : memref<128x16xf32, #tpu.memory_space<vmem>>, vector<16xf32>,
    %gather3A_436 = tpu.vector_load_idx %arg8[%broadcast_in_dim3A_22, %broadcast_in_dim3A_430] : memref<4x64xf32, #tpu.memory_space<vmem>>[vector<16xi32>, vector<16xi32>], vector<16xf32>,
    %swap3A_437 = arith.constant 98 : i32
    %swap3A_438 = arith.index_cast %swap3A_437 : i32 to index
    %swap3A_439 = arith.constant 0 : index
    %swap3A_440 = tpu.vector_load %arg9[%swap3A_438, %swap3A_439] {strides = array<i32>} : memref<128x16xf32, #tpu.memory_space<vmem>>, vector<16xf32>,
    tpu.vector_store %arg9[%swap3A_438, %swap3A_439], %gather3A_436 {strides = array<i32>} : memref<128x16xf32, #tpu.memory_space<vmem>>, vector<16xf32>,
    %broadcast_in_dim3A_441 = arith.constant 35 : i32
    %broadcast_in_dim3A_442 = vector.broadcast %broadcast_in_dim3A_441 : i32 to vector<16xi32>
    %gather3A_443 = tpu.vector_load_idx %arg8[%broadcast_in_dim3A_20, %broadcast_in_dim3A_442] : memref<4x64xf32, #tpu.memory_space<vmem>>[vector<16xi32>, vector<16xi32>], vector<16xf32>,
    %swap3A_444 = arith.constant 35 : i32
    %swap3A_445 = arith.index_cast %swap3A_444 : i32 to index
    %swap3A_446 = arith.constant 0 : index
    %swap3A_447 = tpu.vector_load %arg9[%swap3A_445, %swap3A_446] {strides = array<i32>} : memref<128x16xf32, #tpu.memory_space<vmem>>, vector<16xf32>,
    tpu.vector_store %arg9[%swap3A_445, %swap3A_446], %gather3A_443 {strides = array<i32>} : memref<128x16xf32, #tpu.memory_space<vmem>>, vector<16xf32>,
    %gather3A_448 = tpu.vector_load_idx %arg8[%broadcast_in_dim3A_22, %broadcast_in_dim3A_442] : memref<4x64xf32, #tpu.memory_space<vmem>>[vector<16xi32>, vector<16xi32>], vector<16xf32>,
    %swap3A_449 = arith.constant 99 : i32
    %swap3A_450 = arith.index_cast %swap3A_449 : i32 to index
    %swap3A_451 = arith.constant 0 : index
    %swap3A_452 = tpu.vector_load %arg9[%swap3A_450, %swap3A_451] {strides = array<i32>} : memref<128x16xf32, #tpu.memory_space<vmem>>, vector<16xf32>,
    tpu.vector_store %arg9[%swap3A_450, %swap3A_451], %gather3A_448 {strides = array<i32>} : memref<128x16xf32, #tpu.memory_space<vmem>>, vector<16xf32>,
    %broadcast_in_dim3A_453 = arith.constant 36 : i32
    %broadcast_in_dim3A_454 = vector.broadcast %broadcast_in_dim3A_453 : i32 to vector<16xi32>
    %gather3A_455 = tpu.vector_load_idx %arg8[%broadcast_in_dim3A_20, %broadcast_in_dim3A_454] : memref<4x64xf32, #tpu.memory_space<vmem>>[vector<16xi32>, vector<16xi32>], vector<16xf32>,
    %swap3A_456 = arith.constant 36 : i32
    %swap3A_457 = arith.index_cast %swap3A_456 : i32 to index
    %swap3A_458 = arith.constant 0 : index
    %swap3A_459 = tpu.vector_load %arg9[%swap3A_457, %swap3A_458] {strides = array<i32>} : memref<128x16xf32, #tpu.memory_space<vmem>>, vector<16xf32>,
    tpu.vector_store %arg9[%swap3A_457, %swap3A_458], %gather3A_455 {strides = array<i32>} : memref<128x16xf32, #tpu.memory_space<vmem>>, vector<16xf32>,
    %gather3A_460 = tpu.vector_load_idx %arg8[%broadcast_in_dim3A_22, %broadcast_in_dim3A_454] : memref<4x64xf32, #tpu.memory_space<vmem>>[vector<16xi32>, vector<16xi32>], vector<16xf32>,
    %swap3A_461 = arith.constant 100 : i32
    %swap3A_462 = arith.index_cast %swap3A_461 : i32 to index
    %swap3A_463 = arith.constant 0 : index
    %swap3A_464 = tpu.vector_load %arg9[%swap3A_462, %swap3A_463] {strides = array<i32>} : memref<128x16xf32, #tpu.memory_space<vmem>>, vector<16xf32>,
    tpu.vector_store %arg9[%swap3A_462, %swap3A_463], %gather3A_460 {strides = array<i32>} : memref<128x16xf32, #tpu.memory_space<vmem>>, vector<16xf32>,
    %broadcast_in_dim3A_465 = arith.constant 37 : i32
    %broadcast_in_dim3A_466 = vector.broadcast %broadcast_in_dim3A_465 : i32 to vector<16xi32>
    %gather3A_467 = tpu.vector_load_idx %arg8[%broadcast_in_dim3A_20, %broadcast_in_dim3A_466] : memref<4x64xf32, #tpu.memory_space<vmem>>[vector<16xi32>, vector<16xi32>], vector<16xf32>,
    %swap3A_468 = arith.constant 37 : i32
    %swap3A_469 = arith.index_cast %swap3A_468 : i32 to index
    %swap3A_470 = arith.constant 0 : index
    %swap3A_471 = tpu.vector_load %arg9[%swap3A_469, %swap3A_470] {strides = array<i32>} : memref<128x16xf32, #tpu.memory_space<vmem>>, vector<16xf32>,
    tpu.vector_store %arg9[%swap3A_469, %swap3A_470], %gather3A_467 {strides = array<i32>} : memref<128x16xf32, #tpu.memory_space<vmem>>, vector<16xf32>,
    %gather3A_472 = tpu.vector_load_idx %arg8[%broadcast_in_dim3A_22, %broadcast_in_dim3A_466] : memref<4x64xf32, #tpu.memory_space<vmem>>[vector<16xi32>, vector<16xi32>], vector<16xf32>,
    %swap3A_473 = arith.constant 101 : i32
    %swap3A_474 = arith.index_cast %swap3A_473 : i32 to index
    %swap3A_475 = arith.constant 0 : index
    %swap3A_476 = tpu.vector_load %arg9[%swap3A_474, %swap3A_475] {strides = array<i32>} : memref<128x16xf32, #tpu.memory_space<vmem>>, vector<16xf32>,
    tpu.vector_store %arg9[%swap3A_474, %swap3A_475], %gather3A_472 {strides = array<i32>} : memref<128x16xf32, #tpu.memory_space<vmem>>, vector<16xf32>,
    %broadcast_in_dim3A_477 = arith.constant 38 : i32
    %broadcast_in_dim3A_478 = vector.broadcast %broadcast_in_dim3A_477 : i32 to vector<16xi32>
    %gather3A_479 = tpu.vector_load_idx %arg8[%broadcast_in_dim3A_20, %broadcast_in_dim3A_478] : memref<4x64xf32, #tpu.memory_space<vmem>>[vector<16xi32>, vector<16xi32>], vector<16xf32>,
    %swap3A_480 = arith.constant 38 : i32
    %swap3A_481 = arith.index_cast %swap3A_480 : i32 to index
    %swap3A_482 = arith.constant 0 : index
    %swap3A_483 = tpu.vector_load %arg9[%swap3A_481, %swap3A_482] {strides = array<i32>} : memref<128x16xf32, #tpu.memory_space<vmem>>, vector<16xf32>,
    tpu.vector_store %arg9[%swap3A_481, %swap3A_482], %gather3A_479 {strides = array<i32>} : memref<128x16xf32, #tpu.memory_space<vmem>>, vector<16xf32>,
    %gather3A_484 = tpu.vector_load_idx %arg8[%broadcast_in_dim3A_22, %broadcast_in_dim3A_478] : memref<4x64xf32, #tpu.memory_space<vmem>>[vector<16xi32>, vector<16xi32>], vector<16xf32>,
    %swap3A_485 = arith.constant 102 : i32
    %swap3A_486 = arith.index_cast %swap3A_485 : i32 to index
    %swap3A_487 = arith.constant 0 : index
    %swap3A_488 = tpu.vector_load %arg9[%swap3A_486, %swap3A_487] {strides = array<i32>} : memref<128x16xf32, #tpu.memory_space<vmem>>, vector<16xf32>,
    tpu.vector_store %arg9[%swap3A_486, %swap3A_487], %gather3A_484 {strides = array<i32>} : memref<128x16xf32, #tpu.memory_space<vmem>>, vector<16xf32>,
    %broadcast_in_dim3A_489 = arith.constant 39 : i32
    %broadcast_in_dim3A_490 = vector.broadcast %broadcast_in_dim3A_489 : i32 to vector<16xi32>
    %gather3A_491 = tpu.vector_load_idx %arg8[%broadcast_in_dim3A_20, %broadcast_in_dim3A_490] : memref<4x64xf32, #tpu.memory_space<vmem>>[vector<16xi32>, vector<16xi32>], vector<16xf32>,
    %swap3A_492 = arith.constant 39 : i32
    %swap3A_493 = arith.index_cast %swap3A_492 : i32 to index
    %swap3A_494 = arith.constant 0 : index
    %swap3A_495 = tpu.vector_load %arg9[%swap3A_493, %swap3A_494] {strides = array<i32>} : memref<128x16xf32, #tpu.memory_space<vmem>>, vector<16xf32>,
    tpu.vector_store %arg9[%swap3A_493, %swap3A_494], %gather3A_491 {strides = array<i32>} : memref<128x16xf32, #tpu.memory_space<vmem>>, vector<16xf32>,
    %gather3A_496 = tpu.vector_load_idx %arg8[%broadcast_in_dim3A_22, %broadcast_in_dim3A_490] : memref<4x64xf32, #tpu.memory_space<vmem>>[vector<16xi32>, vector<16xi32>], vector<16xf32>,
    %swap3A_497 = arith.constant 103 : i32
    %swap3A_498 = arith.index_cast %swap3A_497 : i32 to index
    %swap3A_499 = arith.constant 0 : index
    %swap3A_500 = tpu.vector_load %arg9[%swap3A_498, %swap3A_499] {strides = array<i32>} : memref<128x16xf32, #tpu.memory_space<vmem>>, vector<16xf32>,
    tpu.vector_store %arg9[%swap3A_498, %swap3A_499], %gather3A_496 {strides = array<i32>} : memref<128x16xf32, #tpu.memory_space<vmem>>, vector<16xf32>,
    %broadcast_in_dim3A_501 = arith.constant 40 : i32
    %broadcast_in_dim3A_502 = vector.broadcast %broadcast_in_dim3A_501 : i32 to vector<16xi32>
    %gather3A_503 = tpu.vector_load_idx %arg8[%broadcast_in_dim3A_20, %broadcast_in_dim3A_502] : memref<4x64xf32, #tpu.memory_space<vmem>>[vector<16xi32>, vector<16xi32>], vector<16xf32>,
    %swap3A_504 = arith.constant 40 : i32
    %swap3A_505 = arith.index_cast %swap3A_504 : i32 to index
    %swap3A_506 = arith.constant 0 : index
    %swap3A_507 = tpu.vector_load %arg9[%swap3A_505, %swap3A_506] {strides = array<i32>} : memref<128x16xf32, #tpu.memory_space<vmem>>, vector<16xf32>,
    tpu.vector_store %arg9[%swap3A_505, %swap3A_506], %gather3A_503 {strides = array<i32>} : memref<128x16xf32, #tpu.memory_space<vmem>>, vector<16xf32>,
    %gather3A_508 = tpu.vector_load_idx %arg8[%broadcast_in_dim3A_22, %broadcast_in_dim3A_502] : memref<4x64xf32, #tpu.memory_space<vmem>>[vector<16xi32>, vector<16xi32>], vector<16xf32>,
    %swap3A_509 = arith.constant 104 : i32
    %swap3A_510 = arith.index_cast %swap3A_509 : i32 to index
    %swap3A_511 = arith.constant 0 : index
    %swap3A_512 = tpu.vector_load %arg9[%swap3A_510, %swap3A_511] {strides = array<i32>} : memref<128x16xf32, #tpu.memory_space<vmem>>, vector<16xf32>,
    tpu.vector_store %arg9[%swap3A_510, %swap3A_511], %gather3A_508 {strides = array<i32>} : memref<128x16xf32, #tpu.memory_space<vmem>>, vector<16xf32>,
    %broadcast_in_dim3A_513 = arith.constant 41 : i32
    %broadcast_in_dim3A_514 = vector.broadcast %broadcast_in_dim3A_513 : i32 to vector<16xi32>
    %gather3A_515 = tpu.vector_load_idx %arg8[%broadcast_in_dim3A_20, %broadcast_in_dim3A_514] : memref<4x64xf32, #tpu.memory_space<vmem>>[vector<16xi32>, vector<16xi32>], vector<16xf32>,
    %swap3A_516 = arith.constant 41 : i32
    %swap3A_517 = arith.index_cast %swap3A_516 : i32 to index
    %swap3A_518 = arith.constant 0 : index
    %swap3A_519 = tpu.vector_load %arg9[%swap3A_517, %swap3A_518] {strides = array<i32>} : memref<128x16xf32, #tpu.memory_space<vmem>>, vector<16xf32>,
    tpu.vector_store %arg9[%swap3A_517, %swap3A_518], %gather3A_515 {strides = array<i32>} : memref<128x16xf32, #tpu.memory_space<vmem>>, vector<16xf32>,
    %gather3A_520 = tpu.vector_load_idx %arg8[%broadcast_in_dim3A_22, %broadcast_in_dim3A_514] : memref<4x64xf32, #tpu.memory_space<vmem>>[vector<16xi32>, vector<16xi32>], vector<16xf32>,
    %swap3A_521 = arith.constant 105 : i32
    %swap3A_522 = arith.index_cast %swap3A_521 : i32 to index
    %swap3A_523 = arith.constant 0 : index
    %swap3A_524 = tpu.vector_load %arg9[%swap3A_522, %swap3A_523] {strides = array<i32>} : memref<128x16xf32, #tpu.memory_space<vmem>>, vector<16xf32>,
    tpu.vector_store %arg9[%swap3A_522, %swap3A_523], %gather3A_520 {strides = array<i32>} : memref<128x16xf32, #tpu.memory_space<vmem>>, vector<16xf32>,
    %broadcast_in_dim3A_525 = arith.constant 42 : i32
    %broadcast_in_dim3A_526 = vector.broadcast %broadcast_in_dim3A_525 : i32 to vector<16xi32>
    %gather3A_527 = tpu.vector_load_idx %arg8[%broadcast_in_dim3A_20, %broadcast_in_dim3A_526] : memref<4x64xf32, #tpu.memory_space<vmem>>[vector<16xi32>, vector<16xi32>], vector<16xf32>,
    %swap3A_528 = arith.constant 42 : i32
    %swap3A_529 = arith.index_cast %swap3A_528 : i32 to index
    %swap3A_530 = arith.constant 0 : index
    %swap3A_531 = tpu.vector_load %arg9[%swap3A_529, %swap3A_530] {strides = array<i32>} : memref<128x16xf32, #tpu.memory_space<vmem>>, vector<16xf32>,
    tpu.vector_store %arg9[%swap3A_529, %swap3A_530], %gather3A_527 {strides = array<i32>} : memref<128x16xf32, #tpu.memory_space<vmem>>, vector<16xf32>,
    %gather3A_532 = tpu.vector_load_idx %arg8[%broadcast_in_dim3A_22, %broadcast_in_dim3A_526] : memref<4x64xf32, #tpu.memory_space<vmem>>[vector<16xi32>, vector<16xi32>], vector<16xf32>,
    %swap3A_533 = arith.constant 106 : i32
    %swap3A_534 = arith.index_cast %swap3A_533 : i32 to index
    %swap3A_535 = arith.constant 0 : index
    %swap3A_536 = tpu.vector_load %arg9[%swap3A_534, %swap3A_535] {strides = array<i32>} : memref<128x16xf32, #tpu.memory_space<vmem>>, vector<16xf32>,
    tpu.vector_store %arg9[%swap3A_534, %swap3A_535], %gather3A_532 {strides = array<i32>} : memref<128x16xf32, #tpu.memory_space<vmem>>, vector<16xf32>,
    %broadcast_in_dim3A_537 = arith.constant 43 : i32
    %broadcast_in_dim3A_538 = vector.broadcast %broadcast_in_dim3A_537 : i32 to vector<16xi32>
    %gather3A_539 = tpu.vector_load_idx %arg8[%broadcast_in_dim3A_20, %broadcast_in_dim3A_538] : memref<4x64xf32, #tpu.memory_space<vmem>>[vector<16xi32>, vector<16xi32>], vector<16xf32>,
    %swap3A_540 = arith.constant 43 : i32
    %swap3A_541 = arith.index_cast %swap3A_540 : i32 to index
    %swap3A_542 = arith.constant 0 : index
    %swap3A_543 = tpu.vector_load %arg9[%swap3A_541, %swap3A_542] {strides = array<i32>} : memref<128x16xf32, #tpu.memory_space<vmem>>, vector<16xf32>,
    tpu.vector_store %arg9[%swap3A_541, %swap3A_542], %gather3A_539 {strides = array<i32>} : memref<128x16xf32, #tpu.memory_space<vmem>>, vector<16xf32>,
    %gather3A_544 = tpu.vector_load_idx %arg8[%broadcast_in_dim3A_22, %broadcast_in_dim3A_538] : memref<4x64xf32, #tpu.memory_space<vmem>>[vector<16xi32>, vector<16xi32>], vector<16xf32>,
    %swap3A_545 = arith.constant 107 : i32
    %swap3A_546 = arith.index_cast %swap3A_545 : i32 to index
    %swap3A_547 = arith.constant 0 : index
    %swap3A_548 = tpu.vector_load %arg9[%swap3A_546, %swap3A_547] {strides = array<i32>} : memref<128x16xf32, #tpu.memory_space<vmem>>, vector<16xf32>,
    tpu.vector_store %arg9[%swap3A_546, %swap3A_547], %gather3A_544 {strides = array<i32>} : memref<128x16xf32, #tpu.memory_space<vmem>>, vector<16xf32>,
    %broadcast_in_dim3A_549 = arith.constant 44 : i32
    %broadcast_in_dim3A_550 = vector.broadcast %broadcast_in_dim3A_549 : i32 to vector<16xi32>
    %gather3A_551 = tpu.vector_load_idx %arg8[%broadcast_in_dim3A_20, %broadcast_in_dim3A_550] : memref<4x64xf32, #tpu.memory_space<vmem>>[vector<16xi32>, vector<16xi32>], vector<16xf32>,
    %swap3A_552 = arith.constant 44 : i32
    %swap3A_553 = arith.index_cast %swap3A_552 : i32 to index
    %swap3A_554 = arith.constant 0 : index
    %swap3A_555 = tpu.vector_load %arg9[%swap3A_553, %swap3A_554] {strides = array<i32>} : memref<128x16xf32, #tpu.memory_space<vmem>>, vector<16xf32>,
    tpu.vector_store %arg9[%swap3A_553, %swap3A_554], %gather3A_551 {strides = array<i32>} : memref<128x16xf32, #tpu.memory_space<vmem>>, vector<16xf32>,
    %gather3A_556 = tpu.vector_load_idx %arg8[%broadcast_in_dim3A_22, %broadcast_in_dim3A_550] : memref<4x64xf32, #tpu.memory_space<vmem>>[vector<16xi32>, vector<16xi32>], vector<16xf32>,
    %swap3A_557 = arith.constant 108 : i32
    %swap3A_558 = arith.index_cast %swap3A_557 : i32 to index
    %swap3A_559 = arith.constant 0 : index
    %swap3A_560 = tpu.vector_load %arg9[%swap3A_558, %swap3A_559] {strides = array<i32>} : memref<128x16xf32, #tpu.memory_space<vmem>>, vector<16xf32>,
    tpu.vector_store %arg9[%swap3A_558, %swap3A_559], %gather3A_556 {strides = array<i32>} : memref<128x16xf32, #tpu.memory_space<vmem>>, vector<16xf32>,
    %broadcast_in_dim3A_561 = arith.constant 45 : i32
    %broadcast_in_dim3A_562 = vector.broadcast %broadcast_in_dim3A_561 : i32 to vector<16xi32>
    %gather3A_563 = tpu.vector_load_idx %arg8[%broadcast_in_dim3A_20, %broadcast_in_dim3A_562] : memref<4x64xf32, #tpu.memory_space<vmem>>[vector<16xi32>, vector<16xi32>], vector<16xf32>,
    %swap3A_564 = arith.constant 45 : i32
    %swap3A_565 = arith.index_cast %swap3A_564 : i32 to index
    %swap3A_566 = arith.constant 0 : index
    %swap3A_567 = tpu.vector_load %arg9[%swap3A_565, %swap3A_566] {strides = array<i32>} : memref<128x16xf32, #tpu.memory_space<vmem>>, vector<16xf32>,
    tpu.vector_store %arg9[%swap3A_565, %swap3A_566], %gather3A_563 {strides = array<i32>} : memref<128x16xf32, #tpu.memory_space<vmem>>, vector<16xf32>,
    %gather3A_568 = tpu.vector_load_idx %arg8[%broadcast_in_dim3A_22, %broadcast_in_dim3A_562] : memref<4x64xf32, #tpu.memory_space<vmem>>[vector<16xi32>, vector<16xi32>], vector<16xf32>,
    %swap3A_569 = arith.constant 109 : i32
    %swap3A_570 = arith.index_cast %swap3A_569 : i32 to index
    %swap3A_571 = arith.constant 0 : index
    %swap3A_572 = tpu.vector_load %arg9[%swap3A_570, %swap3A_571] {strides = array<i32>} : memref<128x16xf32, #tpu.memory_space<vmem>>, vector<16xf32>,
    tpu.vector_store %arg9[%swap3A_570, %swap3A_571], %gather3A_568 {strides = array<i32>} : memref<128x16xf32, #tpu.memory_space<vmem>>, vector<16xf32>,
    %broadcast_in_dim3A_573 = arith.constant 46 : i32
    %broadcast_in_dim3A_574 = vector.broadcast %broadcast_in_dim3A_573 : i32 to vector<16xi32>
    %gather3A_575 = tpu.vector_load_idx %arg8[%broadcast_in_dim3A_20, %broadcast_in_dim3A_574] : memref<4x64xf32, #tpu.memory_space<vmem>>[vector<16xi32>, vector<16xi32>], vector<16xf32>,
    %swap3A_576 = arith.constant 46 : i32
    %swap3A_577 = arith.index_cast %swap3A_576 : i32 to index
    %swap3A_578 = arith.constant 0 : index
    %swap3A_579 = tpu.vector_load %arg9[%swap3A_577, %swap3A_578] {strides = array<i32>} : memref<128x16xf32, #tpu.memory_space<vmem>>, vector<16xf32>,
    tpu.vector_store %arg9[%swap3A_577, %swap3A_578], %gather3A_575 {strides = array<i32>} : memref<128x16xf32, #tpu.memory_space<vmem>>, vector<16xf32>,
    %gather3A_580 = tpu.vector_load_idx %arg8[%broadcast_in_dim3A_22, %broadcast_in_dim3A_574] : memref<4x64xf32, #tpu.memory_space<vmem>>[vector<16xi32>, vector<16xi32>], vector<16xf32>,
    %swap3A_581 = arith.constant 110 : i32
    %swap3A_582 = arith.index_cast %swap3A_581 : i32 to index
    %swap3A_583 = arith.constant 0 : index
    %swap3A_584 = tpu.vector_load %arg9[%swap3A_582, %swap3A_583] {strides = array<i32>} : memref<128x16xf32, #tpu.memory_space<vmem>>, vector<16xf32>,
    tpu.vector_store %arg9[%swap3A_582, %swap3A_583], %gather3A_580 {strides = array<i32>} : memref<128x16xf32, #tpu.memory_space<vmem>>, vector<16xf32>,
    %broadcast_in_dim3A_585 = arith.constant 47 : i32
    %broadcast_in_dim3A_586 = vector.broadcast %broadcast_in_dim3A_585 : i32 to vector<16xi32>
    %gather3A_587 = tpu.vector_load_idx %arg8[%broadcast_in_dim3A_20, %broadcast_in_dim3A_586] : memref<4x64xf32, #tpu.memory_space<vmem>>[vector<16xi32>, vector<16xi32>], vector<16xf32>,
    %swap3A_588 = arith.constant 47 : i32
    %swap3A_589 = arith.index_cast %swap3A_588 : i32 to index
    %swap3A_590 = arith.constant 0 : index
    %swap3A_591 = tpu.vector_load %arg9[%swap3A_589, %swap3A_590] {strides = array<i32>} : memref<128x16xf32, #tpu.memory_space<vmem>>, vector<16xf32>,
    tpu.vector_store %arg9[%swap3A_589, %swap3A_590], %gather3A_587 {strides = array<i32>} : memref<128x16xf32, #tpu.memory_space<vmem>>, vector<16xf32>,
    %gather3A_592 = tpu.vector_load_idx %arg8[%broadcast_in_dim3A_22, %broadcast_in_dim3A_586] : memref<4x64xf32, #tpu.memory_space<vmem>>[vector<16xi32>, vector<16xi32>], vector<16xf32>,
    %swap3A_593 = arith.constant 111 : i32
    %swap3A_594 = arith.index_cast %swap3A_593 : i32 to index
    %swap3A_595 = arith.constant 0 : index
    %swap3A_596 = tpu.vector_load %arg9[%swap3A_594, %swap3A_595] {strides = array<i32>} : memref<128x16xf32, #tpu.memory_space<vmem>>, vector<16xf32>,
    tpu.vector_store %arg9[%swap3A_594, %swap3A_595], %gather3A_592 {strides = array<i32>} : memref<128x16xf32, #tpu.memory_space<vmem>>, vector<16xf32>,
    %broadcast_in_dim3A_597 = arith.constant 48 : i32
    %broadcast_in_dim3A_598 = vector.broadcast %broadcast_in_dim3A_597 : i32 to vector<16xi32>
    %gather3A_599 = tpu.vector_load_idx %arg8[%broadcast_in_dim3A_20, %broadcast_in_dim3A_598] : memref<4x64xf32, #tpu.memory_space<vmem>>[vector<16xi32>, vector<16xi32>], vector<16xf32>,
    %swap3A_600 = arith.constant 48 : i32
    %swap3A_601 = arith.index_cast %swap3A_600 : i32 to index
    %swap3A_602 = arith.constant 0 : index
    %swap3A_603 = tpu.vector_load %arg9[%swap3A_601, %swap3A_602] {strides = array<i32>} : memref<128x16xf32, #tpu.memory_space<vmem>>, vector<16xf32>,
    tpu.vector_store %arg9[%swap3A_601, %swap3A_602], %gather3A_599 {strides = array<i32>} : memref<128x16xf32, #tpu.memory_space<vmem>>, vector<16xf32>,
    %gather3A_604 = tpu.vector_load_idx %arg8[%broadcast_in_dim3A_22, %broadcast_in_dim3A_598] : memref<4x64xf32, #tpu.memory_space<vmem>>[vector<16xi32>, vector<16xi32>], vector<16xf32>,
    %swap3A_605 = arith.constant 112 : i32
    %swap3A_606 = arith.index_cast %swap3A_605 : i32 to index
    %swap3A_607 = arith.constant 0 : index
    %swap3A_608 = tpu.vector_load %arg9[%swap3A_606, %swap3A_607] {strides = array<i32>} : memref<128x16xf32, #tpu.memory_space<vmem>>, vector<16xf32>,
    tpu.vector_store %arg9[%swap3A_606, %swap3A_607], %gather3A_604 {strides = array<i32>} : memref<128x16xf32, #tpu.memory_space<vmem>>, vector<16xf32>,
    %broadcast_in_dim3A_609 = arith.constant 49 : i32
    %broadcast_in_dim3A_610 = vector.broadcast %broadcast_in_dim3A_609 : i32 to vector<16xi32>
    %gather3A_611 = tpu.vector_load_idx %arg8[%broadcast_in_dim3A_20, %broadcast_in_dim3A_610] : memref<4x64xf32, #tpu.memory_space<vmem>>[vector<16xi32>, vector<16xi32>], vector<16xf32>,
    %swap3A_612 = arith.constant 49 : i32
    %swap3A_613 = arith.index_cast %swap3A_612 : i32 to index
    %swap3A_614 = arith.constant 0 : index
    %swap3A_615 = tpu.vector_load %arg9[%swap3A_613, %swap3A_614] {strides = array<i32>} : memref<128x16xf32, #tpu.memory_space<vmem>>, vector<16xf32>,
    tpu.vector_store %arg9[%swap3A_613, %swap3A_614], %gather3A_611 {strides = array<i32>} : memref<128x16xf32, #tpu.memory_space<vmem>>, vector<16xf32>,
    %gather3A_616 = tpu.vector_load_idx %arg8[%broadcast_in_dim3A_22, %broadcast_in_dim3A_610] : memref<4x64xf32, #tpu.memory_space<vmem>>[vector<16xi32>, vector<16xi32>], vector<16xf32>,
    %swap3A_617 = arith.constant 113 : i32
    %swap3A_618 = arith.index_cast %swap3A_617 : i32 to index
    %swap3A_619 = arith.constant 0 : index
    %swap3A_620 = tpu.vector_load %arg9[%swap3A_618, %swap3A_619] {strides = array<i32>} : memref<128x16xf32, #tpu.memory_space<vmem>>, vector<16xf32>,
    tpu.vector_store %arg9[%swap3A_618, %swap3A_619], %gather3A_616 {strides = array<i32>} : memref<128x16xf32, #tpu.memory_space<vmem>>, vector<16xf32>,
    %broadcast_in_dim3A_621 = arith.constant 50 : i32
    %broadcast_in_dim3A_622 = vector.broadcast %broadcast_in_dim3A_621 : i32 to vector<16xi32>
    %gather3A_623 = tpu.vector_load_idx %arg8[%broadcast_in_dim3A_20, %broadcast_in_dim3A_622] : memref<4x64xf32, #tpu.memory_space<vmem>>[vector<16xi32>, vector<16xi32>], vector<16xf32>,
    %swap3A_624 = arith.constant 50 : i32
    %swap3A_625 = arith.index_cast %swap3A_624 : i32 to index
    %swap3A_626 = arith.constant 0 : index
    %swap3A_627 = tpu.vector_load %arg9[%swap3A_625, %swap3A_626] {strides = array<i32>} : memref<128x16xf32, #tpu.memory_space<vmem>>, vector<16xf32>,
    tpu.vector_store %arg9[%swap3A_625, %swap3A_626], %gather3A_623 {strides = array<i32>} : memref<128x16xf32, #tpu.memory_space<vmem>>, vector<16xf32>,
    %gather3A_628 = tpu.vector_load_idx %arg8[%broadcast_in_dim3A_22, %broadcast_in_dim3A_622] : memref<4x64xf32, #tpu.memory_space<vmem>>[vector<16xi32>, vector<16xi32>], vector<16xf32>,
    %swap3A_629 = arith.constant 114 : i32
    %swap3A_630 = arith.index_cast %swap3A_629 : i32 to index
    %swap3A_631 = arith.constant 0 : index
    %swap3A_632 = tpu.vector_load %arg9[%swap3A_630, %swap3A_631] {strides = array<i32>} : memref<128x16xf32, #tpu.memory_space<vmem>>, vector<16xf32>,
    tpu.vector_store %arg9[%swap3A_630, %swap3A_631], %gather3A_628 {strides = array<i32>} : memref<128x16xf32, #tpu.memory_space<vmem>>, vector<16xf32>,
    %broadcast_in_dim3A_633 = arith.constant 51 : i32
    %broadcast_in_dim3A_634 = vector.broadcast %broadcast_in_dim3A_633 : i32 to vector<16xi32>
    %gather3A_635 = tpu.vector_load_idx %arg8[%broadcast_in_dim3A_20, %broadcast_in_dim3A_634] : memref<4x64xf32, #tpu.memory_space<vmem>>[vector<16xi32>, vector<16xi32>], vector<16xf32>,
    %swap3A_636 = arith.constant 51 : i32
    %swap3A_637 = arith.index_cast %swap3A_636 : i32 to index
    %swap3A_638 = arith.constant 0 : index
    %swap3A_639 = tpu.vector_load %arg9[%swap3A_637, %swap3A_638] {strides = array<i32>} : memref<128x16xf32, #tpu.memory_space<vmem>>, vector<16xf32>,
    tpu.vector_store %arg9[%swap3A_637, %swap3A_638], %gather3A_635 {strides = array<i32>} : memref<128x16xf32, #tpu.memory_space<vmem>>, vector<16xf32>,
    %gather3A_640 = tpu.vector_load_idx %arg8[%broadcast_in_dim3A_22, %broadcast_in_dim3A_634] : memref<4x64xf32, #tpu.memory_space<vmem>>[vector<16xi32>, vector<16xi32>], vector<16xf32>,
    %swap3A_641 = arith.constant 115 : i32
    %swap3A_642 = arith.index_cast %swap3A_641 : i32 to index
    %swap3A_643 = arith.constant 0 : index
    %swap3A_644 = tpu.vector_load %arg9[%swap3A_642, %swap3A_643] {strides = array<i32>} : memref<128x16xf32, #tpu.memory_space<vmem>>, vector<16xf32>,
    tpu.vector_store %arg9[%swap3A_642, %swap3A_643], %gather3A_640 {strides = array<i32>} : memref<128x16xf32, #tpu.memory_space<vmem>>, vector<16xf32>,
    %broadcast_in_dim3A_645 = arith.constant 52 : i32
    %broadcast_in_dim3A_646 = vector.broadcast %broadcast_in_dim3A_645 : i32 to vector<16xi32>
    %gather3A_647 = tpu.vector_load_idx %arg8[%broadcast_in_dim3A_20, %broadcast_in_dim3A_646] : memref<4x64xf32, #tpu.memory_space<vmem>>[vector<16xi32>, vector<16xi32>], vector<16xf32>,
    %swap3A_648 = arith.constant 52 : i32
    %swap3A_649 = arith.index_cast %swap3A_648 : i32 to index
    %swap3A_650 = arith.constant 0 : index
    %swap3A_651 = tpu.vector_load %arg9[%swap3A_649, %swap3A_650] {strides = array<i32>} : memref<128x16xf32, #tpu.memory_space<vmem>>, vector<16xf32>,
    tpu.vector_store %arg9[%swap3A_649, %swap3A_650], %gather3A_647 {strides = array<i32>} : memref<128x16xf32, #tpu.memory_space<vmem>>, vector<16xf32>,
    %gather3A_652 = tpu.vector_load_idx %arg8[%broadcast_in_dim3A_22, %broadcast_in_dim3A_646] : memref<4x64xf32, #tpu.memory_space<vmem>>[vector<16xi32>, vector<16xi32>], vector<16xf32>,
    %swap3A_653 = arith.constant 116 : i32
    %swap3A_654 = arith.index_cast %swap3A_653 : i32 to index
    %swap3A_655 = arith.constant 0 : index
    %swap3A_656 = tpu.vector_load %arg9[%swap3A_654, %swap3A_655] {strides = array<i32>} : memref<128x16xf32, #tpu.memory_space<vmem>>, vector<16xf32>,
    tpu.vector_store %arg9[%swap3A_654, %swap3A_655], %gather3A_652 {strides = array<i32>} : memref<128x16xf32, #tpu.memory_space<vmem>>, vector<16xf32>,
    %broadcast_in_dim3A_657 = arith.constant 53 : i32
    %broadcast_in_dim3A_658 = vector.broadcast %broadcast_in_dim3A_657 : i32 to vector<16xi32>
    %gather3A_659 = tpu.vector_load_idx %arg8[%broadcast_in_dim3A_20, %broadcast_in_dim3A_658] : memref<4x64xf32, #tpu.memory_space<vmem>>[vector<16xi32>, vector<16xi32>], vector<16xf32>,
    %swap3A_660 = arith.constant 53 : i32
    %swap3A_661 = arith.index_cast %swap3A_660 : i32 to index
    %swap3A_662 = arith.constant 0 : index
    %swap3A_663 = tpu.vector_load %arg9[%swap3A_661, %swap3A_662] {strides = array<i32>} : memref<128x16xf32, #tpu.memory_space<vmem>>, vector<16xf32>,
    tpu.vector_store %arg9[%swap3A_661, %swap3A_662], %gather3A_659 {strides = array<i32>} : memref<128x16xf32, #tpu.memory_space<vmem>>, vector<16xf32>,
    %gather3A_664 = tpu.vector_load_idx %arg8[%broadcast_in_dim3A_22, %broadcast_in_dim3A_658] : memref<4x64xf32, #tpu.memory_space<vmem>>[vector<16xi32>, vector<16xi32>], vector<16xf32>,
    %swap3A_665 = arith.constant 117 : i32
    %swap3A_666 = arith.index_cast %swap3A_665 : i32 to index
    %swap3A_667 = arith.constant 0 : index
    %swap3A_668 = tpu.vector_load %arg9[%swap3A_666, %swap3A_667] {strides = array<i32>} : memref<128x16xf32, #tpu.memory_space<vmem>>, vector<16xf32>,
    tpu.vector_store %arg9[%swap3A_666, %swap3A_667], %gather3A_664 {strides = array<i32>} : memref<128x16xf32, #tpu.memory_space<vmem>>, vector<16xf32>,
    %broadcast_in_dim3A_669 = arith.constant 54 : i32
    %broadcast_in_dim3A_670 = vector.broadcast %broadcast_in_dim3A_669 : i32 to vector<16xi32>
    %gather3A_671 = tpu.vector_load_idx %arg8[%broadcast_in_dim3A_20, %broadcast_in_dim3A_670] : memref<4x64xf32, #tpu.memory_space<vmem>>[vector<16xi32>, vector<16xi32>], vector<16xf32>,
    %swap3A_672 = arith.constant 54 : i32
    %swap3A_673 = arith.index_cast %swap3A_672 : i32 to index
    %swap3A_674 = arith.constant 0 : index
    %swap3A_675 = tpu.vector_load %arg9[%swap3A_673, %swap3A_674] {strides = array<i32>} : memref<128x16xf32, #tpu.memory_space<vmem>>, vector<16xf32>,
    tpu.vector_store %arg9[%swap3A_673, %swap3A_674], %gather3A_671 {strides = array<i32>} : memref<128x16xf32, #tpu.memory_space<vmem>>, vector<16xf32>,
    %gather3A_676 = tpu.vector_load_idx %arg8[%broadcast_in_dim3A_22, %broadcast_in_dim3A_670] : memref<4x64xf32, #tpu.memory_space<vmem>>[vector<16xi32>, vector<16xi32>], vector<16xf32>,
    %swap3A_677 = arith.constant 118 : i32
    %swap3A_678 = arith.index_cast %swap3A_677 : i32 to index
    %swap3A_679 = arith.constant 0 : index
    %swap3A_680 = tpu.vector_load %arg9[%swap3A_678, %swap3A_679] {strides = array<i32>} : memref<128x16xf32, #tpu.memory_space<vmem>>, vector<16xf32>,
    tpu.vector_store %arg9[%swap3A_678, %swap3A_679], %gather3A_676 {strides = array<i32>} : memref<128x16xf32, #tpu.memory_space<vmem>>, vector<16xf32>,
    %broadcast_in_dim3A_681 = arith.constant 55 : i32
    %broadcast_in_dim3A_682 = vector.broadcast %broadcast_in_dim3A_681 : i32 to vector<16xi32>
    %gather3A_683 = tpu.vector_load_idx %arg8[%broadcast_in_dim3A_20, %broadcast_in_dim3A_682] : memref<4x64xf32, #tpu.memory_space<vmem>>[vector<16xi32>, vector<16xi32>], vector<16xf32>,
    %swap3A_684 = arith.constant 55 : i32
    %swap3A_685 = arith.index_cast %swap3A_684 : i32 to index
    %swap3A_686 = arith.constant 0 : index
    %swap3A_687 = tpu.vector_load %arg9[%swap3A_685, %swap3A_686] {strides = array<i32>} : memref<128x16xf32, #tpu.memory_space<vmem>>, vector<16xf32>,
    tpu.vector_store %arg9[%swap3A_685, %swap3A_686], %gather3A_683 {strides = array<i32>} : memref<128x16xf32, #tpu.memory_space<vmem>>, vector<16xf32>,
    %gather3A_688 = tpu.vector_load_idx %arg8[%broadcast_in_dim3A_22, %broadcast_in_dim3A_682] : memref<4x64xf32, #tpu.memory_space<vmem>>[vector<16xi32>, vector<16xi32>], vector<16xf32>,
    %swap3A_689 = arith.constant 119 : i32
    %swap3A_690 = arith.index_cast %swap3A_689 : i32 to index
    %swap3A_691 = arith.constant 0 : index
    %swap3A_692 = tpu.vector_load %arg9[%swap3A_690, %swap3A_691] {strides = array<i32>} : memref<128x16xf32, #tpu.memory_space<vmem>>, vector<16xf32>,
    tpu.vector_store %arg9[%swap3A_690, %swap3A_691], %gather3A_688 {strides = array<i32>} : memref<128x16xf32, #tpu.memory_space<vmem>>, vector<16xf32>,
    %broadcast_in_dim3A_693 = arith.constant 56 : i32
    %broadcast_in_dim3A_694 = vector.broadcast %broadcast_in_dim3A_693 : i32 to vector<16xi32>
    %gather3A_695 = tpu.vector_load_idx %arg8[%broadcast_in_dim3A_20, %broadcast_in_dim3A_694] : memref<4x64xf32, #tpu.memory_space<vmem>>[vector<16xi32>, vector<16xi32>], vector<16xf32>,
    %swap3A_696 = arith.constant 56 : i32
    %swap3A_697 = arith.index_cast %swap3A_696 : i32 to index
    %swap3A_698 = arith.constant 0 : index
    %swap3A_699 = tpu.vector_load %arg9[%swap3A_697, %swap3A_698] {strides = array<i32>} : memref<128x16xf32, #tpu.memory_space<vmem>>, vector<16xf32>,
    tpu.vector_store %arg9[%swap3A_697, %swap3A_698], %gather3A_695 {strides = array<i32>} : memref<128x16xf32, #tpu.memory_space<vmem>>, vector<16xf32>,
    %gather3A_700 = tpu.vector_load_idx %arg8[%broadcast_in_dim3A_22, %broadcast_in_dim3A_694] : memref<4x64xf32, #tpu.memory_space<vmem>>[vector<16xi32>, vector<16xi32>], vector<16xf32>,
    %swap3A_701 = arith.constant 120 : i32
    %swap3A_702 = arith.index_cast %swap3A_701 : i32 to index
    %swap3A_703 = arith.constant 0 : index
    %swap3A_704 = tpu.vector_load %arg9[%swap3A_702, %swap3A_703] {strides = array<i32>} : memref<128x16xf32, #tpu.memory_space<vmem>>, vector<16xf32>,
    tpu.vector_store %arg9[%swap3A_702, %swap3A_703], %gather3A_700 {strides = array<i32>} : memref<128x16xf32, #tpu.memory_space<vmem>>, vector<16xf32>,
    %broadcast_in_dim3A_705 = arith.constant 57 : i32
    %broadcast_in_dim3A_706 = vector.broadcast %broadcast_in_dim3A_705 : i32 to vector<16xi32>
    %gather3A_707 = tpu.vector_load_idx %arg8[%broadcast_in_dim3A_20, %broadcast_in_dim3A_706] : memref<4x64xf32, #tpu.memory_space<vmem>>[vector<16xi32>, vector<16xi32>], vector<16xf32>,
    %swap3A_708 = arith.constant 57 : i32
    %swap3A_709 = arith.index_cast %swap3A_708 : i32 to index
    %swap3A_710 = arith.constant 0 : index
    %swap3A_711 = tpu.vector_load %arg9[%swap3A_709, %swap3A_710] {strides = array<i32>} : memref<128x16xf32, #tpu.memory_space<vmem>>, vector<16xf32>,
    tpu.vector_store %arg9[%swap3A_709, %swap3A_710], %gather3A_707 {strides = array<i32>} : memref<128x16xf32, #tpu.memory_space<vmem>>, vector<16xf32>,
    %gather3A_712 = tpu.vector_load_idx %arg8[%broadcast_in_dim3A_22, %broadcast_in_dim3A_706] : memref<4x64xf32, #tpu.memory_space<vmem>>[vector<16xi32>, vector<16xi32>], vector<16xf32>,
    %swap3A_713 = arith.constant 121 : i32
    %swap3A_714 = arith.index_cast %swap3A_713 : i32 to index
    %swap3A_715 = arith.constant 0 : index
    %swap3A_716 = tpu.vector_load %arg9[%swap3A_714, %swap3A_715] {strides = array<i32>} : memref<128x16xf32, #tpu.memory_space<vmem>>, vector<16xf32>,
    tpu.vector_store %arg9[%swap3A_714, %swap3A_715], %gather3A_712 {strides = array<i32>} : memref<128x16xf32, #tpu.memory_space<vmem>>, vector<16xf32>,
    %broadcast_in_dim3A_717 = arith.constant 58 : i32
    %broadcast_in_dim3A_718 = vector.broadcast %broadcast_in_dim3A_717 : i32 to vector<16xi32>
    %gather3A_719 = tpu.vector_load_idx %arg8[%broadcast_in_dim3A_20, %broadcast_in_dim3A_718] : memref<4x64xf32, #tpu.memory_space<vmem>>[vector<16xi32>, vector<16xi32>], vector<16xf32>,
    %swap3A_720 = arith.constant 58 : i32
    %swap3A_721 = arith.index_cast %swap3A_720 : i32 to index
    %swap3A_722 = arith.constant 0 : index
    %swap3A_723 = tpu.vector_load %arg9[%swap3A_721, %swap3A_722] {strides = array<i32>} : memref<128x16xf32, #tpu.memory_space<vmem>>, vector<16xf32>,
    tpu.vector_store %arg9[%swap3A_721, %swap3A_722], %gather3A_719 {strides = array<i32>} : memref<128x16xf32, #tpu.memory_space<vmem>>, vector<16xf32>,
    %gather3A_724 = tpu.vector_load_idx %arg8[%broadcast_in_dim3A_22, %broadcast_in_dim3A_718] : memref<4x64xf32, #tpu.memory_space<vmem>>[vector<16xi32>, vector<16xi32>], vector<16xf32>,
    %swap3A_725 = arith.constant 122 : i32
    %swap3A_726 = arith.index_cast %swap3A_725 : i32 to index
    %swap3A_727 = arith.constant 0 : index
    %swap3A_728 = tpu.vector_load %arg9[%swap3A_726, %swap3A_727] {strides = array<i32>} : memref<128x16xf32, #tpu.memory_space<vmem>>, vector<16xf32>,
    tpu.vector_store %arg9[%swap3A_726, %swap3A_727], %gather3A_724 {strides = array<i32>} : memref<128x16xf32, #tpu.memory_space<vmem>>, vector<16xf32>,
    %broadcast_in_dim3A_729 = arith.constant 59 : i32
    %broadcast_in_dim3A_730 = vector.broadcast %broadcast_in_dim3A_729 : i32 to vector<16xi32>
    %gather3A_731 = tpu.vector_load_idx %arg8[%broadcast_in_dim3A_20, %broadcast_in_dim3A_730] : memref<4x64xf32, #tpu.memory_space<vmem>>[vector<16xi32>, vector<16xi32>], vector<16xf32>,
    %swap3A_732 = arith.constant 59 : i32
    %swap3A_733 = arith.index_cast %swap3A_732 : i32 to index
    %swap3A_734 = arith.constant 0 : index
    %swap3A_735 = tpu.vector_load %arg9[%swap3A_733, %swap3A_734] {strides = array<i32>} : memref<128x16xf32, #tpu.memory_space<vmem>>, vector<16xf32>,
    tpu.vector_store %arg9[%swap3A_733, %swap3A_734], %gather3A_731 {strides = array<i32>} : memref<128x16xf32, #tpu.memory_space<vmem>>, vector<16xf32>,
    %gather3A_736 = tpu.vector_load_idx %arg8[%broadcast_in_dim3A_22, %broadcast_in_dim3A_730] : memref<4x64xf32, #tpu.memory_space<vmem>>[vector<16xi32>, vector<16xi32>], vector<16xf32>,
    %swap3A_737 = arith.constant 123 : i32
    %swap3A_738 = arith.index_cast %swap3A_737 : i32 to index
    %swap3A_739 = arith.constant 0 : index
    %swap3A_740 = tpu.vector_load %arg9[%swap3A_738, %swap3A_739] {strides = array<i32>} : memref<128x16xf32, #tpu.memory_space<vmem>>, vector<16xf32>,
    tpu.vector_store %arg9[%swap3A_738, %swap3A_739], %gather3A_736 {strides = array<i32>} : memref<128x16xf32, #tpu.memory_space<vmem>>, vector<16xf32>,
    %broadcast_in_dim3A_741 = arith.constant 60 : i32
    %broadcast_in_dim3A_742 = vector.broadcast %broadcast_in_dim3A_741 : i32 to vector<16xi32>
    %gather3A_743 = tpu.vector_load_idx %arg8[%broadcast_in_dim3A_20, %broadcast_in_dim3A_742] : memref<4x64xf32, #tpu.memory_space<vmem>>[vector<16xi32>, vector<16xi32>], vector<16xf32>,
    %swap3A_744 = arith.constant 60 : i32
    %swap3A_745 = arith.index_cast %swap3A_744 : i32 to index
    %swap3A_746 = arith.constant 0 : index
    %swap3A_747 = tpu.vector_load %arg9[%swap3A_745, %swap3A_746] {strides = array<i32>} : memref<128x16xf32, #tpu.memory_space<vmem>>, vector<16xf32>,
    tpu.vector_store %arg9[%swap3A_745, %swap3A_746], %gather3A_743 {strides = array<i32>} : memref<128x16xf32, #tpu.memory_space<vmem>>, vector<16xf32>,
    %gather3A_748 = tpu.vector_load_idx %arg8[%broadcast_in_dim3A_22, %broadcast_in_dim3A_742] : memref<4x64xf32, #tpu.memory_space<vmem>>[vector<16xi32>, vector<16xi32>], vector<16xf32>,
    %swap3A_749 = arith.constant 124 : i32
    %swap3A_750 = arith.index_cast %swap3A_749 : i32 to index
    %swap3A_751 = arith.constant 0 : index
    %swap3A_752 = tpu.vector_load %arg9[%swap3A_750, %swap3A_751] {strides = array<i32>} : memref<128x16xf32, #tpu.memory_space<vmem>>, vector<16xf32>,
    tpu.vector_store %arg9[%swap3A_750, %swap3A_751], %gather3A_748 {strides = array<i32>} : memref<128x16xf32, #tpu.memory_space<vmem>>, vector<16xf32>,
    %broadcast_in_dim3A_753 = arith.constant 61 : i32
    %broadcast_in_dim3A_754 = vector.broadcast %broadcast_in_dim3A_753 : i32 to vector<16xi32>
    %gather3A_755 = tpu.vector_load_idx %arg8[%broadcast_in_dim3A_20, %broadcast_in_dim3A_754] : memref<4x64xf32, #tpu.memory_space<vmem>>[vector<16xi32>, vector<16xi32>], vector<16xf32>,
    %swap3A_756 = arith.constant 61 : i32
    %swap3A_757 = arith.index_cast %swap3A_756 : i32 to index
    %swap3A_758 = arith.constant 0 : index
    %swap3A_759 = tpu.vector_load %arg9[%swap3A_757, %swap3A_758] {strides = array<i32>} : memref<128x16xf32, #tpu.memory_space<vmem>>, vector<16xf32>,
    tpu.vector_store %arg9[%swap3A_757, %swap3A_758], %gather3A_755 {strides = array<i32>} : memref<128x16xf32, #tpu.memory_space<vmem>>, vector<16xf32>,
    %gather3A_760 = tpu.vector_load_idx %arg8[%broadcast_in_dim3A_22, %broadcast_in_dim3A_754] : memref<4x64xf32, #tpu.memory_space<vmem>>[vector<16xi32>, vector<16xi32>], vector<16xf32>,
    %swap3A_761 = arith.constant 125 : i32
    %swap3A_762 = arith.index_cast %swap3A_761 : i32 to index
    %swap3A_763 = arith.constant 0 : index
    %swap3A_764 = tpu.vector_load %arg9[%swap3A_762, %swap3A_763] {strides = array<i32>} : memref<128x16xf32, #tpu.memory_space<vmem>>, vector<16xf32>,
    tpu.vector_store %arg9[%swap3A_762, %swap3A_763], %gather3A_760 {strides = array<i32>} : memref<128x16xf32, #tpu.memory_space<vmem>>, vector<16xf32>,
    %broadcast_in_dim3A_765 = arith.constant 62 : i32
    %broadcast_in_dim3A_766 = vector.broadcast %broadcast_in_dim3A_765 : i32 to vector<16xi32>
    %gather3A_767 = tpu.vector_load_idx %arg8[%broadcast_in_dim3A_20, %broadcast_in_dim3A_766] : memref<4x64xf32, #tpu.memory_space<vmem>>[vector<16xi32>, vector<16xi32>], vector<16xf32>,
    %swap3A_768 = arith.constant 62 : i32
    %swap3A_769 = arith.index_cast %swap3A_768 : i32 to index
    %swap3A_770 = arith.constant 0 : index
    %swap3A_771 = tpu.vector_load %arg9[%swap3A_769, %swap3A_770] {strides = array<i32>} : memref<128x16xf32, #tpu.memory_space<vmem>>, vector<16xf32>,
    tpu.vector_store %arg9[%swap3A_769, %swap3A_770], %gather3A_767 {strides = array<i32>} : memref<128x16xf32, #tpu.memory_space<vmem>>, vector<16xf32>,
    %gather3A_772 = tpu.vector_load_idx %arg8[%broadcast_in_dim3A_22, %broadcast_in_dim3A_766] : memref<4x64xf32, #tpu.memory_space<vmem>>[vector<16xi32>, vector<16xi32>], vector<16xf32>,
    %swap3A_773 = arith.constant 126 : i32
    %swap3A_774 = arith.index_cast %swap3A_773 : i32 to index
    %swap3A_775 = arith.constant 0 : index
    %swap3A_776 = tpu.vector_load %arg9[%swap3A_774, %swap3A_775] {strides = array<i32>} : memref<128x16xf32, #tpu.memory_space<vmem>>, vector<16xf32>,
    tpu.vector_store %arg9[%swap3A_774, %swap3A_775], %gather3A_772 {strides = array<i32>} : memref<128x16xf32, #tpu.memory_space<vmem>>, vector<16xf32>,
    %broadcast_in_dim3A_777 = arith.constant 63 : i32
    %broadcast_in_dim3A_778 = vector.broadcast %broadcast_in_dim3A_777 : i32 to vector<16xi32>
    %gather3A_779 = tpu.vector_load_idx %arg8[%broadcast_in_dim3A_20, %broadcast_in_dim3A_778] : memref<4x64xf32, #tpu.memory_space<vmem>>[vector<16xi32>, vector<16xi32>], vector<16xf32>,
    %swap3A_780 = arith.constant 63 : i32
    %swap3A_781 = arith.index_cast %swap3A_780 : i32 to index
    %swap3A_782 = arith.constant 0 : index
    %swap3A_783 = tpu.vector_load %arg9[%swap3A_781, %swap3A_782] {strides = array<i32>} : memref<128x16xf32, #tpu.memory_space<vmem>>, vector<16xf32>,
    tpu.vector_store %arg9[%swap3A_781, %swap3A_782], %gather3A_779 {strides = array<i32>} : memref<128x16xf32, #tpu.memory_space<vmem>>, vector<16xf32>,
    %gather3A_784 = tpu.vector_load_idx %arg8[%broadcast_in_dim3A_22, %broadcast_in_dim3A_778] : memref<4x64xf32, #tpu.memory_space<vmem>>[vector<16xi32>, vector<16xi32>], vector<16xf32>,
    %swap3A_785 = arith.constant 127 : i32
    %swap3A_786 = arith.index_cast %swap3A_785 : i32 to index
    %swap3A_787 = arith.constant 0 : index
    %swap3A_788 = tpu.vector_load %arg9[%swap3A_786, %swap3A_787] {strides = array<i32>} : memref<128x16xf32, #tpu.memory_space<vmem>>, vector<16xf32>,
    tpu.vector_store %arg9[%swap3A_786, %swap3A_787], %gather3A_784 {strides = array<i32>} : memref<128x16xf32, #tpu.memory_space<vmem>>, vector<16xf32>,
    %dma_wait3A = arith.constant 0 : i32
    %dma_wait3A_789 = tpu.memref_slice %arg7[%dma_wait3A] : memref<16384xf32, #tpu.memory_space<vmem>> -> memref<8192xf32, #tpu.memory_space<vmem>>
    %dma_wait3A_790 = tpu.memref_slice %arg3[%add3A_6] : memref<524288xf32, #tpu.memory_space<hbm>> -> memref<8192xf32, #tpu.memory_space<hbm>>
    %dma_wait3A_791 = arith.constant 0 : i32
    %dma_wait3A_792 = tpu.memref_slice %arg7[%dma_wait3A_791] : memref<16384xf32, #tpu.memory_space<vmem>> -> memref<8192xf32, #tpu.memory_space<vmem>>
    %dma_wait3A_793 = tpu.memref_slice %arg3[%add3A_6] : memref<524288xf32, #tpu.memory_space<hbm>> -> memref<8192xf32, #tpu.memory_space<hbm>>
    tpu.wait_dma2 semaphore(%arg13 : memref<!tpu.dma_semaphore, #tpu.memory_space<semaphore_mem>>) src(%dma_wait3A_793 : memref<8192xf32, #tpu.memory_space<hbm>>) dst(%dma_wait3A_792 : memref<8192xf32, #tpu.memory_space<vmem>>)
    %scan3A = arith.constant 0 : i32
    %scan3A_794 = arith.constant 8 : i32
    %scan3A_795 = arith.addi %scan3A, %scan3A_794 : i32
    %scan3A_796 = arith.constant 1 : i32
    scf.for %scan3A_811 = %scan3A to %scan3A_795 step %scan3A_796  : i32 {
      %mul3A_812 = arith.constant 16 : i32
      %mul3A_813 = arith.muli %scan3A_811, %mul3A_812 : i32
      %add3A_814 = vector.broadcast %mul3A_813 : i32 to vector<16xi32>
      %add3A_815 = arith.addi %add3A_814, %iota3A : vector<16xi32>
      %mul3A_816 = arith.constant 64 : i32
      %mul3A_817 = vector.broadcast %mul3A_816 : i32 to vector<16xi32>
      %mul3A_818 = arith.muli %add3A_815, %mul3A_817 : vector<16xi32>
      %broadcast_in_dim3A_819 = arith.constant -3.000000e+38 : f32
      %broadcast_in_dim3A_820 = vector.broadcast %broadcast_in_dim3A_819 : f32 to vector<16xf32>
      %broadcast_in_dim3A_821 = arith.constant -3.000000e+38 : f32
      %broadcast_in_dim3A_822 = vector.broadcast %broadcast_in_dim3A_821 : f32 to vector<16xf32>
      %broadcast_in_dim3A_823 = arith.constant 0 : i32
      %broadcast_in_dim3A_824 = vector.broadcast %broadcast_in_dim3A_823 : i32 to vector<16xi32>
      %broadcast_in_dim3A_825 = arith.constant 0 : i32
      %broadcast_in_dim3A_826 = vector.broadcast %broadcast_in_dim3A_825 : i32 to vector<16xi32>
      %broadcast_in_dim3A_827 = arith.constant 0 : i32
      %broadcast_in_dim3A_828 = vector.broadcast %broadcast_in_dim3A_827 : i32 to vector<16xi32>
      %add3A_829 = arith.addi %mul3A_818, %broadcast_in_dim3A_828 : vector<16xi32>
      %gather3A_830 = tpu.vector_load_idx %arg7[%add3A_829] : memref<16384xf32, #tpu.memory_space<vmem>>[vector<16xi32>], vector<16xf32>,
      %get3A = arith.constant 64 : i32
      %get3A_831 = arith.index_cast %get3A : i32 to index
      %get3A_832 = arith.constant 0 : index
      %get3A_833 = tpu.vector_load %arg9[%get3A_831, %get3A_832] {strides = array<i32>} : memref<128x16xf32, #tpu.memory_space<vmem>>, vector<16xf32>,
      %mul3A_834 = arith.mulf %gather3A_830, %get3A_833 : vector<16xf32>
      %get3A_835 = arith.constant 0 : i32
      %get3A_836 = arith.index_cast %get3A_835 : i32 to index
      %get3A_837 = arith.constant 0 : index
      %get3A_838 = tpu.vector_load %arg9[%get3A_836, %get3A_837] {strides = array<i32>} : memref<128x16xf32, #tpu.memory_space<vmem>>, vector<16xf32>,
      %add3A_839 = arith.addf %mul3A_834, %get3A_838 : vector<16xf32>
      %gt3A = arith.cmpf ogt, %add3A_839, %broadcast_in_dim3A_820 : vector<16xf32>
      %gt3A_840 = arith.cmpf ogt, %add3A_839, %broadcast_in_dim3A_822 : vector<16xf32>
      %select_n3A = arith.select %gt3A_840, %add3A_839, %broadcast_in_dim3A_822 : vector<16xi1>, vector<16xf32>
      %select_n3A_841 = arith.select %gt3A, %broadcast_in_dim3A_820, %select_n3A : vector<16xi1>, vector<16xf32>
      %select_n3A_842 = arith.select %gt3A_840, %broadcast_in_dim3A_828, %broadcast_in_dim3A_826 : vector<16xi1>, vector<16xi32>
      %select_n3A_843 = arith.select %gt3A, %broadcast_in_dim3A_824, %select_n3A_842 : vector<16xi1>, vector<16xi32>
      %select_n3A_844 = arith.select %gt3A, %add3A_839, %broadcast_in_dim3A_820 : vector<16xi1>, vector<16xf32>
      %select_n3A_845 = arith.select %gt3A, %broadcast_in_dim3A_828, %broadcast_in_dim3A_824 : vector<16xi1>, vector<16xi32>
      %broadcast_in_dim3A_846 = arith.constant 1 : i32
      %broadcast_in_dim3A_847 = vector.broadcast %broadcast_in_dim3A_846 : i32 to vector<16xi32>
      %add3A_848 = arith.addi %mul3A_818, %broadcast_in_dim3A_847 : vector<16xi32>
      %gather3A_849 = tpu.vector_load_idx %arg7[%add3A_848] : memref<16384xf32, #tpu.memory_space<vmem>>[vector<16xi32>], vector<16xf32>,
      %get3A_850 = arith.constant 65 : i32
      %get3A_851 = arith.index_cast %get3A_850 : i32 to index
      %get3A_852 = arith.constant 0 : index
      %get3A_853 = tpu.vector_load %arg9[%get3A_851, %get3A_852] {strides = array<i32>} : memref<128x16xf32, #tpu.memory_space<vmem>>, vector<16xf32>,
      %mul3A_854 = arith.mulf %gather3A_849, %get3A_853 : vector<16xf32>
      %get3A_855 = arith.constant 1 : i32
      %get3A_856 = arith.index_cast %get3A_855 : i32 to index
      %get3A_857 = arith.constant 0 : index
      %get3A_858 = tpu.vector_load %arg9[%get3A_856, %get3A_857] {strides = array<i32>} : memref<128x16xf32, #tpu.memory_space<vmem>>, vector<16xf32>,
      %add3A_859 = arith.addf %mul3A_854, %get3A_858 : vector<16xf32>
      %gt3A_860 = arith.cmpf ogt, %add3A_859, %select_n3A_844 : vector<16xf32>
      %gt3A_861 = arith.cmpf ogt, %add3A_859, %select_n3A_841 : vector<16xf32>
      %select_n3A_862 = arith.select %gt3A_861, %add3A_859, %select_n3A_841 : vector<16xi1>, vector<16xf32>
      %select_n3A_863 = arith.select %gt3A_860, %select_n3A_844, %select_n3A_862 : vector<16xi1>, vector<16xf32>
      %select_n3A_864 = arith.select %gt3A_861, %broadcast_in_dim3A_847, %select_n3A_843 : vector<16xi1>, vector<16xi32>
      %select_n3A_865 = arith.select %gt3A_860, %select_n3A_845, %select_n3A_864 : vector<16xi1>, vector<16xi32>
      %select_n3A_866 = arith.select %gt3A_860, %add3A_859, %select_n3A_844 : vector<16xi1>, vector<16xf32>
      %select_n3A_867 = arith.select %gt3A_860, %broadcast_in_dim3A_847, %select_n3A_845 : vector<16xi1>, vector<16xi32>
      %broadcast_in_dim3A_868 = arith.constant 2 : i32
      %broadcast_in_dim3A_869 = vector.broadcast %broadcast_in_dim3A_868 : i32 to vector<16xi32>
      %add3A_870 = arith.addi %mul3A_818, %broadcast_in_dim3A_869 : vector<16xi32>
      %gather3A_871 = tpu.vector_load_idx %arg7[%add3A_870] : memref<16384xf32, #tpu.memory_space<vmem>>[vector<16xi32>], vector<16xf32>,
      %get3A_872 = arith.constant 66 : i32
      %get3A_873 = arith.index_cast %get3A_872 : i32 to index
      %get3A_874 = arith.constant 0 : index
      %get3A_875 = tpu.vector_load %arg9[%get3A_873, %get3A_874] {strides = array<i32>} : memref<128x16xf32, #tpu.memory_space<vmem>>, vector<16xf32>,
      %mul3A_876 = arith.mulf %gather3A_871, %get3A_875 : vector<16xf32>
      %get3A_877 = arith.constant 2 : i32
      %get3A_878 = arith.index_cast %get3A_877 : i32 to index
      %get3A_879 = arith.constant 0 : index
      %get3A_880 = tpu.vector_load %arg9[%get3A_878, %get3A_879] {strides = array<i32>} : memref<128x16xf32, #tpu.memory_space<vmem>>, vector<16xf32>,
      %add3A_881 = arith.addf %mul3A_876, %get3A_880 : vector<16xf32>
      %gt3A_882 = arith.cmpf ogt, %add3A_881, %select_n3A_866 : vector<16xf32>
      %gt3A_883 = arith.cmpf ogt, %add3A_881, %select_n3A_863 : vector<16xf32>
      %select_n3A_884 = arith.select %gt3A_883, %add3A_881, %select_n3A_863 : vector<16xi1>, vector<16xf32>
      %select_n3A_885 = arith.select %gt3A_882, %select_n3A_866, %select_n3A_884 : vector<16xi1>, vector<16xf32>
      %select_n3A_886 = arith.select %gt3A_883, %broadcast_in_dim3A_869, %select_n3A_865 : vector<16xi1>, vector<16xi32>
      %select_n3A_887 = arith.select %gt3A_882, %select_n3A_867, %select_n3A_886 : vector<16xi1>, vector<16xi32>
      %select_n3A_888 = arith.select %gt3A_882, %add3A_881, %select_n3A_866 : vector<16xi1>, vector<16xf32>
      %select_n3A_889 = arith.select %gt3A_882, %broadcast_in_dim3A_869, %select_n3A_867 : vector<16xi1>, vector<16xi32>
      %broadcast_in_dim3A_890 = arith.constant 3 : i32
      %broadcast_in_dim3A_891 = vector.broadcast %broadcast_in_dim3A_890 : i32 to vector<16xi32>
      %add3A_892 = arith.addi %mul3A_818, %broadcast_in_dim3A_891 : vector<16xi32>
      %gather3A_893 = tpu.vector_load_idx %arg7[%add3A_892] : memref<16384xf32, #tpu.memory_space<vmem>>[vector<16xi32>], vector<16xf32>,
      %get3A_894 = arith.constant 67 : i32
      %get3A_895 = arith.index_cast %get3A_894 : i32 to index
      %get3A_896 = arith.constant 0 : index
      %get3A_897 = tpu.vector_load %arg9[%get3A_895, %get3A_896] {strides = array<i32>} : memref<128x16xf32, #tpu.memory_space<vmem>>, vector<16xf32>,
      %mul3A_898 = arith.mulf %gather3A_893, %get3A_897 : vector<16xf32>
      %get3A_899 = arith.constant 3 : i32
      %get3A_900 = arith.index_cast %get3A_899 : i32 to index
      %get3A_901 = arith.constant 0 : index
      %get3A_902 = tpu.vector_load %arg9[%get3A_900, %get3A_901] {strides = array<i32>} : memref<128x16xf32, #tpu.memory_space<vmem>>, vector<16xf32>,
      %add3A_903 = arith.addf %mul3A_898, %get3A_902 : vector<16xf32>
      %gt3A_904 = arith.cmpf ogt, %add3A_903, %select_n3A_888 : vector<16xf32>
      %gt3A_905 = arith.cmpf ogt, %add3A_903, %select_n3A_885 : vector<16xf32>
      %select_n3A_906 = arith.select %gt3A_905, %add3A_903, %select_n3A_885 : vector<16xi1>, vector<16xf32>
      %select_n3A_907 = arith.select %gt3A_904, %select_n3A_888, %select_n3A_906 : vector<16xi1>, vector<16xf32>
      %select_n3A_908 = arith.select %gt3A_905, %broadcast_in_dim3A_891, %select_n3A_887 : vector<16xi1>, vector<16xi32>
      %select_n3A_909 = arith.select %gt3A_904, %select_n3A_889, %select_n3A_908 : vector<16xi1>, vector<16xi32>
      %select_n3A_910 = arith.select %gt3A_904, %add3A_903, %select_n3A_888 : vector<16xi1>, vector<16xf32>
      %select_n3A_911 = arith.select %gt3A_904, %broadcast_in_dim3A_891, %select_n3A_889 : vector<16xi1>, vector<16xi32>
      %broadcast_in_dim3A_912 = arith.constant 4 : i32
      %broadcast_in_dim3A_913 = vector.broadcast %broadcast_in_dim3A_912 : i32 to vector<16xi32>
      %add3A_914 = arith.addi %mul3A_818, %broadcast_in_dim3A_913 : vector<16xi32>
      %gather3A_915 = tpu.vector_load_idx %arg7[%add3A_914] : memref<16384xf32, #tpu.memory_space<vmem>>[vector<16xi32>], vector<16xf32>,
      %get3A_916 = arith.constant 68 : i32
      %get3A_917 = arith.index_cast %get3A_916 : i32 to index
      %get3A_918 = arith.constant 0 : index
      %get3A_919 = tpu.vector_load %arg9[%get3A_917, %get3A_918] {strides = array<i32>} : memref<128x16xf32, #tpu.memory_space<vmem>>, vector<16xf32>,
      %mul3A_920 = arith.mulf %gather3A_915, %get3A_919 : vector<16xf32>
      %get3A_921 = arith.constant 4 : i32
      %get3A_922 = arith.index_cast %get3A_921 : i32 to index
      %get3A_923 = arith.constant 0 : index
      %get3A_924 = tpu.vector_load %arg9[%get3A_922, %get3A_923] {strides = array<i32>} : memref<128x16xf32, #tpu.memory_space<vmem>>, vector<16xf32>,
      %add3A_925 = arith.addf %mul3A_920, %get3A_924 : vector<16xf32>
      %gt3A_926 = arith.cmpf ogt, %add3A_925, %select_n3A_910 : vector<16xf32>
      %gt3A_927 = arith.cmpf ogt, %add3A_925, %select_n3A_907 : vector<16xf32>
      %select_n3A_928 = arith.select %gt3A_927, %add3A_925, %select_n3A_907 : vector<16xi1>, vector<16xf32>
      %select_n3A_929 = arith.select %gt3A_926, %select_n3A_910, %select_n3A_928 : vector<16xi1>, vector<16xf32>
      %select_n3A_930 = arith.select %gt3A_927, %broadcast_in_dim3A_913, %select_n3A_909 : vector<16xi1>, vector<16xi32>
      %select_n3A_931 = arith.select %gt3A_926, %select_n3A_911, %select_n3A_930 : vector<16xi1>, vector<16xi32>
      %select_n3A_932 = arith.select %gt3A_926, %add3A_925, %select_n3A_910 : vector<16xi1>, vector<16xf32>
      %select_n3A_933 = arith.select %gt3A_926, %broadcast_in_dim3A_913, %select_n3A_911 : vector<16xi1>, vector<16xi32>
      %broadcast_in_dim3A_934 = arith.constant 5 : i32
      %broadcast_in_dim3A_935 = vector.broadcast %broadcast_in_dim3A_934 : i32 to vector<16xi32>
      %add3A_936 = arith.addi %mul3A_818, %broadcast_in_dim3A_935 : vector<16xi32>
      %gather3A_937 = tpu.vector_load_idx %arg7[%add3A_936] : memref<16384xf32, #tpu.memory_space<vmem>>[vector<16xi32>], vector<16xf32>,
      %get3A_938 = arith.constant 69 : i32
      %get3A_939 = arith.index_cast %get3A_938 : i32 to index
      %get3A_940 = arith.constant 0 : index
      %get3A_941 = tpu.vector_load %arg9[%get3A_939, %get3A_940] {strides = array<i32>} : memref<128x16xf32, #tpu.memory_space<vmem>>, vector<16xf32>,
      %mul3A_942 = arith.mulf %gather3A_937, %get3A_941 : vector<16xf32>
      %get3A_943 = arith.constant 5 : i32
      %get3A_944 = arith.index_cast %get3A_943 : i32 to index
      %get3A_945 = arith.constant 0 : index
      %get3A_946 = tpu.vector_load %arg9[%get3A_944, %get3A_945] {strides = array<i32>} : memref<128x16xf32, #tpu.memory_space<vmem>>, vector<16xf32>,
      %add3A_947 = arith.addf %mul3A_942, %get3A_946 : vector<16xf32>
      %gt3A_948 = arith.cmpf ogt, %add3A_947, %select_n3A_932 : vector<16xf32>
      %gt3A_949 = arith.cmpf ogt, %add3A_947, %select_n3A_929 : vector<16xf32>
      %select_n3A_950 = arith.select %gt3A_949, %add3A_947, %select_n3A_929 : vector<16xi1>, vector<16xf32>
      %select_n3A_951 = arith.select %gt3A_948, %select_n3A_932, %select_n3A_950 : vector<16xi1>, vector<16xf32>
      %select_n3A_952 = arith.select %gt3A_949, %broadcast_in_dim3A_935, %select_n3A_931 : vector<16xi1>, vector<16xi32>
      %select_n3A_953 = arith.select %gt3A_948, %select_n3A_933, %select_n3A_952 : vector<16xi1>, vector<16xi32>
      %select_n3A_954 = arith.select %gt3A_948, %add3A_947, %select_n3A_932 : vector<16xi1>, vector<16xf32>
      %select_n3A_955 = arith.select %gt3A_948, %broadcast_in_dim3A_935, %select_n3A_933 : vector<16xi1>, vector<16xi32>
      %broadcast_in_dim3A_956 = arith.constant 6 : i32
      %broadcast_in_dim3A_957 = vector.broadcast %broadcast_in_dim3A_956 : i32 to vector<16xi32>
      %add3A_958 = arith.addi %mul3A_818, %broadcast_in_dim3A_957 : vector<16xi32>
      %gather3A_959 = tpu.vector_load_idx %arg7[%add3A_958] : memref<16384xf32, #tpu.memory_space<vmem>>[vector<16xi32>], vector<16xf32>,
      %get3A_960 = arith.constant 70 : i32
      %get3A_961 = arith.index_cast %get3A_960 : i32 to index
      %get3A_962 = arith.constant 0 : index
      %get3A_963 = tpu.vector_load %arg9[%get3A_961, %get3A_962] {strides = array<i32>} : memref<128x16xf32, #tpu.memory_space<vmem>>, vector<16xf32>,
      %mul3A_964 = arith.mulf %gather3A_959, %get3A_963 : vector<16xf32>
      %get3A_965 = arith.constant 6 : i32
      %get3A_966 = arith.index_cast %get3A_965 : i32 to index
      %get3A_967 = arith.constant 0 : index
      %get3A_968 = tpu.vector_load %arg9[%get3A_966, %get3A_967] {strides = array<i32>} : memref<128x16xf32, #tpu.memory_space<vmem>>, vector<16xf32>,
      %add3A_969 = arith.addf %mul3A_964, %get3A_968 : vector<16xf32>
      %gt3A_970 = arith.cmpf ogt, %add3A_969, %select_n3A_954 : vector<16xf32>
      %gt3A_971 = arith.cmpf ogt, %add3A_969, %select_n3A_951 : vector<16xf32>
      %select_n3A_972 = arith.select %gt3A_971, %add3A_969, %select_n3A_951 : vector<16xi1>, vector<16xf32>
      %select_n3A_973 = arith.select %gt3A_970, %select_n3A_954, %select_n3A_972 : vector<16xi1>, vector<16xf32>
      %select_n3A_974 = arith.select %gt3A_971, %broadcast_in_dim3A_957, %select_n3A_953 : vector<16xi1>, vector<16xi32>
      %select_n3A_975 = arith.select %gt3A_970, %select_n3A_955, %select_n3A_974 : vector<16xi1>, vector<16xi32>
      %select_n3A_976 = arith.select %gt3A_970, %add3A_969, %select_n3A_954 : vector<16xi1>, vector<16xf32>
      %select_n3A_977 = arith.select %gt3A_970, %broadcast_in_dim3A_957, %select_n3A_955 : vector<16xi1>, vector<16xi32>
      %broadcast_in_dim3A_978 = arith.constant 7 : i32
      %broadcast_in_dim3A_979 = vector.broadcast %broadcast_in_dim3A_978 : i32 to vector<16xi32>
      %add3A_980 = arith.addi %mul3A_818, %broadcast_in_dim3A_979 : vector<16xi32>
      %gather3A_981 = tpu.vector_load_idx %arg7[%add3A_980] : memref<16384xf32, #tpu.memory_space<vmem>>[vector<16xi32>], vector<16xf32>,
      %get3A_982 = arith.constant 71 : i32
      %get3A_983 = arith.index_cast %get3A_982 : i32 to index
      %get3A_984 = arith.constant 0 : index
      %get3A_985 = tpu.vector_load %arg9[%get3A_983, %get3A_984] {strides = array<i32>} : memref<128x16xf32, #tpu.memory_space<vmem>>, vector<16xf32>,
      %mul3A_986 = arith.mulf %gather3A_981, %get3A_985 : vector<16xf32>
      %get3A_987 = arith.constant 7 : i32
      %get3A_988 = arith.index_cast %get3A_987 : i32 to index
      %get3A_989 = arith.constant 0 : index
      %get3A_990 = tpu.vector_load %arg9[%get3A_988, %get3A_989] {strides = array<i32>} : memref<128x16xf32, #tpu.memory_space<vmem>>, vector<16xf32>,
      %add3A_991 = arith.addf %mul3A_986, %get3A_990 : vector<16xf32>
      %gt3A_992 = arith.cmpf ogt, %add3A_991, %select_n3A_976 : vector<16xf32>
      %gt3A_993 = arith.cmpf ogt, %add3A_991, %select_n3A_973 : vector<16xf32>
      %select_n3A_994 = arith.select %gt3A_993, %add3A_991, %select_n3A_973 : vector<16xi1>, vector<16xf32>
      %select_n3A_995 = arith.select %gt3A_992, %select_n3A_976, %select_n3A_994 : vector<16xi1>, vector<16xf32>
      %select_n3A_996 = arith.select %gt3A_993, %broadcast_in_dim3A_979, %select_n3A_975 : vector<16xi1>, vector<16xi32>
      %select_n3A_997 = arith.select %gt3A_992, %select_n3A_977, %select_n3A_996 : vector<16xi1>, vector<16xi32>
      %select_n3A_998 = arith.select %gt3A_992, %add3A_991, %select_n3A_976 : vector<16xi1>, vector<16xf32>
      %select_n3A_999 = arith.select %gt3A_992, %broadcast_in_dim3A_979, %select_n3A_977 : vector<16xi1>, vector<16xi32>
      %broadcast_in_dim3A_1000 = arith.constant 8 : i32
      %broadcast_in_dim3A_1001 = vector.broadcast %broadcast_in_dim3A_1000 : i32 to vector<16xi32>
      %add3A_1002 = arith.addi %mul3A_818, %broadcast_in_dim3A_1001 : vector<16xi32>
      %gather3A_1003 = tpu.vector_load_idx %arg7[%add3A_1002] : memref<16384xf32, #tpu.memory_space<vmem>>[vector<16xi32>], vector<16xf32>,
      %get3A_1004 = arith.constant 72 : i32
      %get3A_1005 = arith.index_cast %get3A_1004 : i32 to index
      %get3A_1006 = arith.constant 0 : index
      %get3A_1007 = tpu.vector_load %arg9[%get3A_1005, %get3A_1006] {strides = array<i32>} : memref<128x16xf32, #tpu.memory_space<vmem>>, vector<16xf32>,
      %mul3A_1008 = arith.mulf %gather3A_1003, %get3A_1007 : vector<16xf32>
      %get3A_1009 = arith.constant 8 : i32
      %get3A_1010 = arith.index_cast %get3A_1009 : i32 to index
      %get3A_1011 = arith.constant 0 : index
      %get3A_1012 = tpu.vector_load %arg9[%get3A_1010, %get3A_1011] {strides = array<i32>} : memref<128x16xf32, #tpu.memory_space<vmem>>, vector<16xf32>,
      %add3A_1013 = arith.addf %mul3A_1008, %get3A_1012 : vector<16xf32>
      %gt3A_1014 = arith.cmpf ogt, %add3A_1013, %select_n3A_998 : vector<16xf32>
      %gt3A_1015 = arith.cmpf ogt, %add3A_1013, %select_n3A_995 : vector<16xf32>
      %select_n3A_1016 = arith.select %gt3A_1015, %add3A_1013, %select_n3A_995 : vector<16xi1>, vector<16xf32>
      %select_n3A_1017 = arith.select %gt3A_1014, %select_n3A_998, %select_n3A_1016 : vector<16xi1>, vector<16xf32>
      %select_n3A_1018 = arith.select %gt3A_1015, %broadcast_in_dim3A_1001, %select_n3A_997 : vector<16xi1>, vector<16xi32>
      %select_n3A_1019 = arith.select %gt3A_1014, %select_n3A_999, %select_n3A_1018 : vector<16xi1>, vector<16xi32>
      %select_n3A_1020 = arith.select %gt3A_1014, %add3A_1013, %select_n3A_998 : vector<16xi1>, vector<16xf32>
      %select_n3A_1021 = arith.select %gt3A_1014, %broadcast_in_dim3A_1001, %select_n3A_999 : vector<16xi1>, vector<16xi32>
      %broadcast_in_dim3A_1022 = arith.constant 9 : i32
      %broadcast_in_dim3A_1023 = vector.broadcast %broadcast_in_dim3A_1022 : i32 to vector<16xi32>
      %add3A_1024 = arith.addi %mul3A_818, %broadcast_in_dim3A_1023 : vector<16xi32>
      %gather3A_1025 = tpu.vector_load_idx %arg7[%add3A_1024] : memref<16384xf32, #tpu.memory_space<vmem>>[vector<16xi32>], vector<16xf32>,
      %get3A_1026 = arith.constant 73 : i32
      %get3A_1027 = arith.index_cast %get3A_1026 : i32 to index
      %get3A_1028 = arith.constant 0 : index
      %get3A_1029 = tpu.vector_load %arg9[%get3A_1027, %get3A_1028] {strides = array<i32>} : memref<128x16xf32, #tpu.memory_space<vmem>>, vector<16xf32>,
      %mul3A_1030 = arith.mulf %gather3A_1025, %get3A_1029 : vector<16xf32>
      %get3A_1031 = arith.constant 9 : i32
      %get3A_1032 = arith.index_cast %get3A_1031 : i32 to index
      %get3A_1033 = arith.constant 0 : index
      %get3A_1034 = tpu.vector_load %arg9[%get3A_1032, %get3A_1033] {strides = array<i32>} : memref<128x16xf32, #tpu.memory_space<vmem>>, vector<16xf32>,
      %add3A_1035 = arith.addf %mul3A_1030, %get3A_1034 : vector<16xf32>
      %gt3A_1036 = arith.cmpf ogt, %add3A_1035, %select_n3A_1020 : vector<16xf32>
      %gt3A_1037 = arith.cmpf ogt, %add3A_1035, %select_n3A_1017 : vector<16xf32>
      %select_n3A_1038 = arith.select %gt3A_1037, %add3A_1035, %select_n3A_1017 : vector<16xi1>, vector<16xf32>
      %select_n3A_1039 = arith.select %gt3A_1036, %select_n3A_1020, %select_n3A_1038 : vector<16xi1>, vector<16xf32>
      %select_n3A_1040 = arith.select %gt3A_1037, %broadcast_in_dim3A_1023, %select_n3A_1019 : vector<16xi1>, vector<16xi32>
      %select_n3A_1041 = arith.select %gt3A_1036, %select_n3A_1021, %select_n3A_1040 : vector<16xi1>, vector<16xi32>
      %select_n3A_1042 = arith.select %gt3A_1036, %add3A_1035, %select_n3A_1020 : vector<16xi1>, vector<16xf32>
      %select_n3A_1043 = arith.select %gt3A_1036, %broadcast_in_dim3A_1023, %select_n3A_1021 : vector<16xi1>, vector<16xi32>
      %broadcast_in_dim3A_1044 = arith.constant 10 : i32
      %broadcast_in_dim3A_1045 = vector.broadcast %broadcast_in_dim3A_1044 : i32 to vector<16xi32>
      %add3A_1046 = arith.addi %mul3A_818, %broadcast_in_dim3A_1045 : vector<16xi32>
      %gather3A_1047 = tpu.vector_load_idx %arg7[%add3A_1046] : memref<16384xf32, #tpu.memory_space<vmem>>[vector<16xi32>], vector<16xf32>,
      %get3A_1048 = arith.constant 74 : i32
      %get3A_1049 = arith.index_cast %get3A_1048 : i32 to index
      %get3A_1050 = arith.constant 0 : index
      %get3A_1051 = tpu.vector_load %arg9[%get3A_1049, %get3A_1050] {strides = array<i32>} : memref<128x16xf32, #tpu.memory_space<vmem>>, vector<16xf32>,
      %mul3A_1052 = arith.mulf %gather3A_1047, %get3A_1051 : vector<16xf32>
      %get3A_1053 = arith.constant 10 : i32
      %get3A_1054 = arith.index_cast %get3A_1053 : i32 to index
      %get3A_1055 = arith.constant 0 : index
      %get3A_1056 = tpu.vector_load %arg9[%get3A_1054, %get3A_1055] {strides = array<i32>} : memref<128x16xf32, #tpu.memory_space<vmem>>, vector<16xf32>,
      %add3A_1057 = arith.addf %mul3A_1052, %get3A_1056 : vector<16xf32>
      %gt3A_1058 = arith.cmpf ogt, %add3A_1057, %select_n3A_1042 : vector<16xf32>
      %gt3A_1059 = arith.cmpf ogt, %add3A_1057, %select_n3A_1039 : vector<16xf32>
      %select_n3A_1060 = arith.select %gt3A_1059, %add3A_1057, %select_n3A_1039 : vector<16xi1>, vector<16xf32>
      %select_n3A_1061 = arith.select %gt3A_1058, %select_n3A_1042, %select_n3A_1060 : vector<16xi1>, vector<16xf32>
      %select_n3A_1062 = arith.select %gt3A_1059, %broadcast_in_dim3A_1045, %select_n3A_1041 : vector<16xi1>, vector<16xi32>
      %select_n3A_1063 = arith.select %gt3A_1058, %select_n3A_1043, %select_n3A_1062 : vector<16xi1>, vector<16xi32>
      %select_n3A_1064 = arith.select %gt3A_1058, %add3A_1057, %select_n3A_1042 : vector<16xi1>, vector<16xf32>
      %select_n3A_1065 = arith.select %gt3A_1058, %broadcast_in_dim3A_1045, %select_n3A_1043 : vector<16xi1>, vector<16xi32>
      %broadcast_in_dim3A_1066 = arith.constant 11 : i32
      %broadcast_in_dim3A_1067 = vector.broadcast %broadcast_in_dim3A_1066 : i32 to vector<16xi32>
      %add3A_1068 = arith.addi %mul3A_818, %broadcast_in_dim3A_1067 : vector<16xi32>
      %gather3A_1069 = tpu.vector_load_idx %arg7[%add3A_1068] : memref<16384xf32, #tpu.memory_space<vmem>>[vector<16xi32>], vector<16xf32>,
      %get3A_1070 = arith.constant 75 : i32
      %get3A_1071 = arith.index_cast %get3A_1070 : i32 to index
      %get3A_1072 = arith.constant 0 : index
      %get3A_1073 = tpu.vector_load %arg9[%get3A_1071, %get3A_1072] {strides = array<i32>} : memref<128x16xf32, #tpu.memory_space<vmem>>, vector<16xf32>,
      %mul3A_1074 = arith.mulf %gather3A_1069, %get3A_1073 : vector<16xf32>
      %get3A_1075 = arith.constant 11 : i32
      %get3A_1076 = arith.index_cast %get3A_1075 : i32 to index
      %get3A_1077 = arith.constant 0 : index
      %get3A_1078 = tpu.vector_load %arg9[%get3A_1076, %get3A_1077] {strides = array<i32>} : memref<128x16xf32, #tpu.memory_space<vmem>>, vector<16xf32>,
      %add3A_1079 = arith.addf %mul3A_1074, %get3A_1078 : vector<16xf32>
      %gt3A_1080 = arith.cmpf ogt, %add3A_1079, %select_n3A_1064 : vector<16xf32>
      %gt3A_1081 = arith.cmpf ogt, %add3A_1079, %select_n3A_1061 : vector<16xf32>
      %select_n3A_1082 = arith.select %gt3A_1081, %add3A_1079, %select_n3A_1061 : vector<16xi1>, vector<16xf32>
      %select_n3A_1083 = arith.select %gt3A_1080, %select_n3A_1064, %select_n3A_1082 : vector<16xi1>, vector<16xf32>
      %select_n3A_1084 = arith.select %gt3A_1081, %broadcast_in_dim3A_1067, %select_n3A_1063 : vector<16xi1>, vector<16xi32>
      %select_n3A_1085 = arith.select %gt3A_1080, %select_n3A_1065, %select_n3A_1084 : vector<16xi1>, vector<16xi32>
      %select_n3A_1086 = arith.select %gt3A_1080, %add3A_1079, %select_n3A_1064 : vector<16xi1>, vector<16xf32>
      %select_n3A_1087 = arith.select %gt3A_1080, %broadcast_in_dim3A_1067, %select_n3A_1065 : vector<16xi1>, vector<16xi32>
      %broadcast_in_dim3A_1088 = arith.constant 12 : i32
      %broadcast_in_dim3A_1089 = vector.broadcast %broadcast_in_dim3A_1088 : i32 to vector<16xi32>
      %add3A_1090 = arith.addi %mul3A_818, %broadcast_in_dim3A_1089 : vector<16xi32>
      %gather3A_1091 = tpu.vector_load_idx %arg7[%add3A_1090] : memref<16384xf32, #tpu.memory_space<vmem>>[vector<16xi32>], vector<16xf32>,
      %get3A_1092 = arith.constant 76 : i32
      %get3A_1093 = arith.index_cast %get3A_1092 : i32 to index
      %get3A_1094 = arith.constant 0 : index
      %get3A_1095 = tpu.vector_load %arg9[%get3A_1093, %get3A_1094] {strides = array<i32>} : memref<128x16xf32, #tpu.memory_space<vmem>>, vector<16xf32>,
      %mul3A_1096 = arith.mulf %gather3A_1091, %get3A_1095 : vector<16xf32>
      %get3A_1097 = arith.constant 12 : i32
      %get3A_1098 = arith.index_cast %get3A_1097 : i32 to index
      %get3A_1099 = arith.constant 0 : index
      %get3A_1100 = tpu.vector_load %arg9[%get3A_1098, %get3A_1099] {strides = array<i32>} : memref<128x16xf32, #tpu.memory_space<vmem>>, vector<16xf32>,
      %add3A_1101 = arith.addf %mul3A_1096, %get3A_1100 : vector<16xf32>
      %gt3A_1102 = arith.cmpf ogt, %add3A_1101, %select_n3A_1086 : vector<16xf32>
      %gt3A_1103 = arith.cmpf ogt, %add3A_1101, %select_n3A_1083 : vector<16xf32>
      %select_n3A_1104 = arith.select %gt3A_1103, %add3A_1101, %select_n3A_1083 : vector<16xi1>, vector<16xf32>
      %select_n3A_1105 = arith.select %gt3A_1102, %select_n3A_1086, %select_n3A_1104 : vector<16xi1>, vector<16xf32>
      %select_n3A_1106 = arith.select %gt3A_1103, %broadcast_in_dim3A_1089, %select_n3A_1085 : vector<16xi1>, vector<16xi32>
      %select_n3A_1107 = arith.select %gt3A_1102, %select_n3A_1087, %select_n3A_1106 : vector<16xi1>, vector<16xi32>
      %select_n3A_1108 = arith.select %gt3A_1102, %add3A_1101, %select_n3A_1086 : vector<16xi1>, vector<16xf32>
      %select_n3A_1109 = arith.select %gt3A_1102, %broadcast_in_dim3A_1089, %select_n3A_1087 : vector<16xi1>, vector<16xi32>
      %broadcast_in_dim3A_1110 = arith.constant 13 : i32
      %broadcast_in_dim3A_1111 = vector.broadcast %broadcast_in_dim3A_1110 : i32 to vector<16xi32>
      %add3A_1112 = arith.addi %mul3A_818, %broadcast_in_dim3A_1111 : vector<16xi32>
      %gather3A_1113 = tpu.vector_load_idx %arg7[%add3A_1112] : memref<16384xf32, #tpu.memory_space<vmem>>[vector<16xi32>], vector<16xf32>,
      %get3A_1114 = arith.constant 77 : i32
      %get3A_1115 = arith.index_cast %get3A_1114 : i32 to index
      %get3A_1116 = arith.constant 0 : index
      %get3A_1117 = tpu.vector_load %arg9[%get3A_1115, %get3A_1116] {strides = array<i32>} : memref<128x16xf32, #tpu.memory_space<vmem>>, vector<16xf32>,
      %mul3A_1118 = arith.mulf %gather3A_1113, %get3A_1117 : vector<16xf32>
      %get3A_1119 = arith.constant 13 : i32
      %get3A_1120 = arith.index_cast %get3A_1119 : i32 to index
      %get3A_1121 = arith.constant 0 : index
      %get3A_1122 = tpu.vector_load %arg9[%get3A_1120, %get3A_1121] {strides = array<i32>} : memref<128x16xf32, #tpu.memory_space<vmem>>, vector<16xf32>,
      %add3A_1123 = arith.addf %mul3A_1118, %get3A_1122 : vector<16xf32>
      %gt3A_1124 = arith.cmpf ogt, %add3A_1123, %select_n3A_1108 : vector<16xf32>
      %gt3A_1125 = arith.cmpf ogt, %add3A_1123, %select_n3A_1105 : vector<16xf32>
      %select_n3A_1126 = arith.select %gt3A_1125, %add3A_1123, %select_n3A_1105 : vector<16xi1>, vector<16xf32>
      %select_n3A_1127 = arith.select %gt3A_1124, %select_n3A_1108, %select_n3A_1126 : vector<16xi1>, vector<16xf32>
      %select_n3A_1128 = arith.select %gt3A_1125, %broadcast_in_dim3A_1111, %select_n3A_1107 : vector<16xi1>, vector<16xi32>
      %select_n3A_1129 = arith.select %gt3A_1124, %select_n3A_1109, %select_n3A_1128 : vector<16xi1>, vector<16xi32>
      %select_n3A_1130 = arith.select %gt3A_1124, %add3A_1123, %select_n3A_1108 : vector<16xi1>, vector<16xf32>
      %select_n3A_1131 = arith.select %gt3A_1124, %broadcast_in_dim3A_1111, %select_n3A_1109 : vector<16xi1>, vector<16xi32>
      %broadcast_in_dim3A_1132 = arith.constant 14 : i32
      %broadcast_in_dim3A_1133 = vector.broadcast %broadcast_in_dim3A_1132 : i32 to vector<16xi32>
      %add3A_1134 = arith.addi %mul3A_818, %broadcast_in_dim3A_1133 : vector<16xi32>
      %gather3A_1135 = tpu.vector_load_idx %arg7[%add3A_1134] : memref<16384xf32, #tpu.memory_space<vmem>>[vector<16xi32>], vector<16xf32>,
      %get3A_1136 = arith.constant 78 : i32
      %get3A_1137 = arith.index_cast %get3A_1136 : i32 to index
      %get3A_1138 = arith.constant 0 : index
      %get3A_1139 = tpu.vector_load %arg9[%get3A_1137, %get3A_1138] {strides = array<i32>} : memref<128x16xf32, #tpu.memory_space<vmem>>, vector<16xf32>,
      %mul3A_1140 = arith.mulf %gather3A_1135, %get3A_1139 : vector<16xf32>
      %get3A_1141 = arith.constant 14 : i32
      %get3A_1142 = arith.index_cast %get3A_1141 : i32 to index
      %get3A_1143 = arith.constant 0 : index
      %get3A_1144 = tpu.vector_load %arg9[%get3A_1142, %get3A_1143] {strides = array<i32>} : memref<128x16xf32, #tpu.memory_space<vmem>>, vector<16xf32>,
      %add3A_1145 = arith.addf %mul3A_1140, %get3A_1144 : vector<16xf32>
      %gt3A_1146 = arith.cmpf ogt, %add3A_1145, %select_n3A_1130 : vector<16xf32>
      %gt3A_1147 = arith.cmpf ogt, %add3A_1145, %select_n3A_1127 : vector<16xf32>
      %select_n3A_1148 = arith.select %gt3A_1147, %add3A_1145, %select_n3A_1127 : vector<16xi1>, vector<16xf32>
      %select_n3A_1149 = arith.select %gt3A_1146, %select_n3A_1130, %select_n3A_1148 : vector<16xi1>, vector<16xf32>
      %select_n3A_1150 = arith.select %gt3A_1147, %broadcast_in_dim3A_1133, %select_n3A_1129 : vector<16xi1>, vector<16xi32>
      %select_n3A_1151 = arith.select %gt3A_1146, %select_n3A_1131, %select_n3A_1150 : vector<16xi1>, vector<16xi32>
      %select_n3A_1152 = arith.select %gt3A_1146, %add3A_1145, %select_n3A_1130 : vector<16xi1>, vector<16xf32>
      %select_n3A_1153 = arith.select %gt3A_1146, %broadcast_in_dim3A_1133, %select_n3A_1131 : vector<16xi1>, vector<16xi32>
      %broadcast_in_dim3A_1154 = arith.constant 15 : i32
      %broadcast_in_dim3A_1155 = vector.broadcast %broadcast_in_dim3A_1154 : i32 to vector<16xi32>
      %add3A_1156 = arith.addi %mul3A_818, %broadcast_in_dim3A_1155 : vector<16xi32>
      %gather3A_1157 = tpu.vector_load_idx %arg7[%add3A_1156] : memref<16384xf32, #tpu.memory_space<vmem>>[vector<16xi32>], vector<16xf32>,
      %get3A_1158 = arith.constant 79 : i32
      %get3A_1159 = arith.index_cast %get3A_1158 : i32 to index
      %get3A_1160 = arith.constant 0 : index
      %get3A_1161 = tpu.vector_load %arg9[%get3A_1159, %get3A_1160] {strides = array<i32>} : memref<128x16xf32, #tpu.memory_space<vmem>>, vector<16xf32>,
      %mul3A_1162 = arith.mulf %gather3A_1157, %get3A_1161 : vector<16xf32>
      %get3A_1163 = arith.constant 15 : i32
      %get3A_1164 = arith.index_cast %get3A_1163 : i32 to index
      %get3A_1165 = arith.constant 0 : index
      %get3A_1166 = tpu.vector_load %arg9[%get3A_1164, %get3A_1165] {strides = array<i32>} : memref<128x16xf32, #tpu.memory_space<vmem>>, vector<16xf32>,
      %add3A_1167 = arith.addf %mul3A_1162, %get3A_1166 : vector<16xf32>
      %gt3A_1168 = arith.cmpf ogt, %add3A_1167, %select_n3A_1152 : vector<16xf32>
      %gt3A_1169 = arith.cmpf ogt, %add3A_1167, %select_n3A_1149 : vector<16xf32>
      %select_n3A_1170 = arith.select %gt3A_1169, %add3A_1167, %select_n3A_1149 : vector<16xi1>, vector<16xf32>
      %select_n3A_1171 = arith.select %gt3A_1168, %select_n3A_1152, %select_n3A_1170 : vector<16xi1>, vector<16xf32>
      %select_n3A_1172 = arith.select %gt3A_1169, %broadcast_in_dim3A_1155, %select_n3A_1151 : vector<16xi1>, vector<16xi32>
      %select_n3A_1173 = arith.select %gt3A_1168, %select_n3A_1153, %select_n3A_1172 : vector<16xi1>, vector<16xi32>
      %select_n3A_1174 = arith.select %gt3A_1168, %add3A_1167, %select_n3A_1152 : vector<16xi1>, vector<16xf32>
      %select_n3A_1175 = arith.select %gt3A_1168, %broadcast_in_dim3A_1155, %select_n3A_1153 : vector<16xi1>, vector<16xi32>
      %broadcast_in_dim3A_1176 = arith.constant 16 : i32
      %broadcast_in_dim3A_1177 = vector.broadcast %broadcast_in_dim3A_1176 : i32 to vector<16xi32>
      %add3A_1178 = arith.addi %mul3A_818, %broadcast_in_dim3A_1177 : vector<16xi32>
      %gather3A_1179 = tpu.vector_load_idx %arg7[%add3A_1178] : memref<16384xf32, #tpu.memory_space<vmem>>[vector<16xi32>], vector<16xf32>,
      %get3A_1180 = arith.constant 80 : i32
      %get3A_1181 = arith.index_cast %get3A_1180 : i32 to index
      %get3A_1182 = arith.constant 0 : index
      %get3A_1183 = tpu.vector_load %arg9[%get3A_1181, %get3A_1182] {strides = array<i32>} : memref<128x16xf32, #tpu.memory_space<vmem>>, vector<16xf32>,
      %mul3A_1184 = arith.mulf %gather3A_1179, %get3A_1183 : vector<16xf32>
      %get3A_1185 = arith.constant 16 : i32
      %get3A_1186 = arith.index_cast %get3A_1185 : i32 to index
      %get3A_1187 = arith.constant 0 : index
      %get3A_1188 = tpu.vector_load %arg9[%get3A_1186, %get3A_1187] {strides = array<i32>} : memref<128x16xf32, #tpu.memory_space<vmem>>, vector<16xf32>,
      %add3A_1189 = arith.addf %mul3A_1184, %get3A_1188 : vector<16xf32>
      %gt3A_1190 = arith.cmpf ogt, %add3A_1189, %select_n3A_1174 : vector<16xf32>
      %gt3A_1191 = arith.cmpf ogt, %add3A_1189, %select_n3A_1171 : vector<16xf32>
      %select_n3A_1192 = arith.select %gt3A_1191, %add3A_1189, %select_n3A_1171 : vector<16xi1>, vector<16xf32>
      %select_n3A_1193 = arith.select %gt3A_1190, %select_n3A_1174, %select_n3A_1192 : vector<16xi1>, vector<16xf32>
      %select_n3A_1194 = arith.select %gt3A_1191, %broadcast_in_dim3A_1177, %select_n3A_1173 : vector<16xi1>, vector<16xi32>
      %select_n3A_1195 = arith.select %gt3A_1190, %select_n3A_1175, %select_n3A_1194 : vector<16xi1>, vector<16xi32>
      %select_n3A_1196 = arith.select %gt3A_1190, %add3A_1189, %select_n3A_1174 : vector<16xi1>, vector<16xf32>
      %select_n3A_1197 = arith.select %gt3A_1190, %broadcast_in_dim3A_1177, %select_n3A_1175 : vector<16xi1>, vector<16xi32>
      %broadcast_in_dim3A_1198 = arith.constant 17 : i32
      %broadcast_in_dim3A_1199 = vector.broadcast %broadcast_in_dim3A_1198 : i32 to vector<16xi32>
      %add3A_1200 = arith.addi %mul3A_818, %broadcast_in_dim3A_1199 : vector<16xi32>
      %gather3A_1201 = tpu.vector_load_idx %arg7[%add3A_1200] : memref<16384xf32, #tpu.memory_space<vmem>>[vector<16xi32>], vector<16xf32>,
      %get3A_1202 = arith.constant 81 : i32
      %get3A_1203 = arith.index_cast %get3A_1202 : i32 to index
      %get3A_1204 = arith.constant 0 : index
      %get3A_1205 = tpu.vector_load %arg9[%get3A_1203, %get3A_1204] {strides = array<i32>} : memref<128x16xf32, #tpu.memory_space<vmem>>, vector<16xf32>,
      %mul3A_1206 = arith.mulf %gather3A_1201, %get3A_1205 : vector<16xf32>
      %get3A_1207 = arith.constant 17 : i32
      %get3A_1208 = arith.index_cast %get3A_1207 : i32 to index
      %get3A_1209 = arith.constant 0 : index
      %get3A_1210 = tpu.vector_load %arg9[%get3A_1208, %get3A_1209] {strides = array<i32>} : memref<128x16xf32, #tpu.memory_space<vmem>>, vector<16xf32>,
      %add3A_1211 = arith.addf %mul3A_1206, %get3A_1210 : vector<16xf32>
      %gt3A_1212 = arith.cmpf ogt, %add3A_1211, %select_n3A_1196 : vector<16xf32>
      %gt3A_1213 = arith.cmpf ogt, %add3A_1211, %select_n3A_1193 : vector<16xf32>
      %select_n3A_1214 = arith.select %gt3A_1213, %add3A_1211, %select_n3A_1193 : vector<16xi1>, vector<16xf32>
      %select_n3A_1215 = arith.select %gt3A_1212, %select_n3A_1196, %select_n3A_1214 : vector<16xi1>, vector<16xf32>
      %select_n3A_1216 = arith.select %gt3A_1213, %broadcast_in_dim3A_1199, %select_n3A_1195 : vector<16xi1>, vector<16xi32>
      %select_n3A_1217 = arith.select %gt3A_1212, %select_n3A_1197, %select_n3A_1216 : vector<16xi1>, vector<16xi32>
      %select_n3A_1218 = arith.select %gt3A_1212, %add3A_1211, %select_n3A_1196 : vector<16xi1>, vector<16xf32>
      %select_n3A_1219 = arith.select %gt3A_1212, %broadcast_in_dim3A_1199, %select_n3A_1197 : vector<16xi1>, vector<16xi32>
      %broadcast_in_dim3A_1220 = arith.constant 18 : i32
      %broadcast_in_dim3A_1221 = vector.broadcast %broadcast_in_dim3A_1220 : i32 to vector<16xi32>
      %add3A_1222 = arith.addi %mul3A_818, %broadcast_in_dim3A_1221 : vector<16xi32>
      %gather3A_1223 = tpu.vector_load_idx %arg7[%add3A_1222] : memref<16384xf32, #tpu.memory_space<vmem>>[vector<16xi32>], vector<16xf32>,
      %get3A_1224 = arith.constant 82 : i32
      %get3A_1225 = arith.index_cast %get3A_1224 : i32 to index
      %get3A_1226 = arith.constant 0 : index
      %get3A_1227 = tpu.vector_load %arg9[%get3A_1225, %get3A_1226] {strides = array<i32>} : memref<128x16xf32, #tpu.memory_space<vmem>>, vector<16xf32>,
      %mul3A_1228 = arith.mulf %gather3A_1223, %get3A_1227 : vector<16xf32>
      %get3A_1229 = arith.constant 18 : i32
      %get3A_1230 = arith.index_cast %get3A_1229 : i32 to index
      %get3A_1231 = arith.constant 0 : index
      %get3A_1232 = tpu.vector_load %arg9[%get3A_1230, %get3A_1231] {strides = array<i32>} : memref<128x16xf32, #tpu.memory_space<vmem>>, vector<16xf32>,
      %add3A_1233 = arith.addf %mul3A_1228, %get3A_1232 : vector<16xf32>
      %gt3A_1234 = arith.cmpf ogt, %add3A_1233, %select_n3A_1218 : vector<16xf32>
      %gt3A_1235 = arith.cmpf ogt, %add3A_1233, %select_n3A_1215 : vector<16xf32>
      %select_n3A_1236 = arith.select %gt3A_1235, %add3A_1233, %select_n3A_1215 : vector<16xi1>, vector<16xf32>
      %select_n3A_1237 = arith.select %gt3A_1234, %select_n3A_1218, %select_n3A_1236 : vector<16xi1>, vector<16xf32>
      %select_n3A_1238 = arith.select %gt3A_1235, %broadcast_in_dim3A_1221, %select_n3A_1217 : vector<16xi1>, vector<16xi32>
      %select_n3A_1239 = arith.select %gt3A_1234, %select_n3A_1219, %select_n3A_1238 : vector<16xi1>, vector<16xi32>
      %select_n3A_1240 = arith.select %gt3A_1234, %add3A_1233, %select_n3A_1218 : vector<16xi1>, vector<16xf32>
      %select_n3A_1241 = arith.select %gt3A_1234, %broadcast_in_dim3A_1221, %select_n3A_1219 : vector<16xi1>, vector<16xi32>
      %broadcast_in_dim3A_1242 = arith.constant 19 : i32
      %broadcast_in_dim3A_1243 = vector.broadcast %broadcast_in_dim3A_1242 : i32 to vector<16xi32>
      %add3A_1244 = arith.addi %mul3A_818, %broadcast_in_dim3A_1243 : vector<16xi32>
      %gather3A_1245 = tpu.vector_load_idx %arg7[%add3A_1244] : memref<16384xf32, #tpu.memory_space<vmem>>[vector<16xi32>], vector<16xf32>,
      %get3A_1246 = arith.constant 83 : i32
      %get3A_1247 = arith.index_cast %get3A_1246 : i32 to index
      %get3A_1248 = arith.constant 0 : index
      %get3A_1249 = tpu.vector_load %arg9[%get3A_1247, %get3A_1248] {strides = array<i32>} : memref<128x16xf32, #tpu.memory_space<vmem>>, vector<16xf32>,
      %mul3A_1250 = arith.mulf %gather3A_1245, %get3A_1249 : vector<16xf32>
      %get3A_1251 = arith.constant 19 : i32
      %get3A_1252 = arith.index_cast %get3A_1251 : i32 to index
      %get3A_1253 = arith.constant 0 : index
      %get3A_1254 = tpu.vector_load %arg9[%get3A_1252, %get3A_1253] {strides = array<i32>} : memref<128x16xf32, #tpu.memory_space<vmem>>, vector<16xf32>,
      %add3A_1255 = arith.addf %mul3A_1250, %get3A_1254 : vector<16xf32>
      %gt3A_1256 = arith.cmpf ogt, %add3A_1255, %select_n3A_1240 : vector<16xf32>
      %gt3A_1257 = arith.cmpf ogt, %add3A_1255, %select_n3A_1237 : vector<16xf32>
      %select_n3A_1258 = arith.select %gt3A_1257, %add3A_1255, %select_n3A_1237 : vector<16xi1>, vector<16xf32>
      %select_n3A_1259 = arith.select %gt3A_1256, %select_n3A_1240, %select_n3A_1258 : vector<16xi1>, vector<16xf32>
      %select_n3A_1260 = arith.select %gt3A_1257, %broadcast_in_dim3A_1243, %select_n3A_1239 : vector<16xi1>, vector<16xi32>
      %select_n3A_1261 = arith.select %gt3A_1256, %select_n3A_1241, %select_n3A_1260 : vector<16xi1>, vector<16xi32>
      %select_n3A_1262 = arith.select %gt3A_1256, %add3A_1255, %select_n3A_1240 : vector<16xi1>, vector<16xf32>
      %select_n3A_1263 = arith.select %gt3A_1256, %broadcast_in_dim3A_1243, %select_n3A_1241 : vector<16xi1>, vector<16xi32>
      %broadcast_in_dim3A_1264 = arith.constant 20 : i32
      %broadcast_in_dim3A_1265 = vector.broadcast %broadcast_in_dim3A_1264 : i32 to vector<16xi32>
      %add3A_1266 = arith.addi %mul3A_818, %broadcast_in_dim3A_1265 : vector<16xi32>
      %gather3A_1267 = tpu.vector_load_idx %arg7[%add3A_1266] : memref<16384xf32, #tpu.memory_space<vmem>>[vector<16xi32>], vector<16xf32>,
      %get3A_1268 = arith.constant 84 : i32
      %get3A_1269 = arith.index_cast %get3A_1268 : i32 to index
      %get3A_1270 = arith.constant 0 : index
      %get3A_1271 = tpu.vector_load %arg9[%get3A_1269, %get3A_1270] {strides = array<i32>} : memref<128x16xf32, #tpu.memory_space<vmem>>, vector<16xf32>,
      %mul3A_1272 = arith.mulf %gather3A_1267, %get3A_1271 : vector<16xf32>
      %get3A_1273 = arith.constant 20 : i32
      %get3A_1274 = arith.index_cast %get3A_1273 : i32 to index
      %get3A_1275 = arith.constant 0 : index
      %get3A_1276 = tpu.vector_load %arg9[%get3A_1274, %get3A_1275] {strides = array<i32>} : memref<128x16xf32, #tpu.memory_space<vmem>>, vector<16xf32>,
      %add3A_1277 = arith.addf %mul3A_1272, %get3A_1276 : vector<16xf32>
      %gt3A_1278 = arith.cmpf ogt, %add3A_1277, %select_n3A_1262 : vector<16xf32>
      %gt3A_1279 = arith.cmpf ogt, %add3A_1277, %select_n3A_1259 : vector<16xf32>
      %select_n3A_1280 = arith.select %gt3A_1279, %add3A_1277, %select_n3A_1259 : vector<16xi1>, vector<16xf32>
      %select_n3A_1281 = arith.select %gt3A_1278, %select_n3A_1262, %select_n3A_1280 : vector<16xi1>, vector<16xf32>
      %select_n3A_1282 = arith.select %gt3A_1279, %broadcast_in_dim3A_1265, %select_n3A_1261 : vector<16xi1>, vector<16xi32>
      %select_n3A_1283 = arith.select %gt3A_1278, %select_n3A_1263, %select_n3A_1282 : vector<16xi1>, vector<16xi32>
      %select_n3A_1284 = arith.select %gt3A_1278, %add3A_1277, %select_n3A_1262 : vector<16xi1>, vector<16xf32>
      %select_n3A_1285 = arith.select %gt3A_1278, %broadcast_in_dim3A_1265, %select_n3A_1263 : vector<16xi1>, vector<16xi32>
      %broadcast_in_dim3A_1286 = arith.constant 21 : i32
      %broadcast_in_dim3A_1287 = vector.broadcast %broadcast_in_dim3A_1286 : i32 to vector<16xi32>
      %add3A_1288 = arith.addi %mul3A_818, %broadcast_in_dim3A_1287 : vector<16xi32>
      %gather3A_1289 = tpu.vector_load_idx %arg7[%add3A_1288] : memref<16384xf32, #tpu.memory_space<vmem>>[vector<16xi32>], vector<16xf32>,
      %get3A_1290 = arith.constant 85 : i32
      %get3A_1291 = arith.index_cast %get3A_1290 : i32 to index
      %get3A_1292 = arith.constant 0 : index
      %get3A_1293 = tpu.vector_load %arg9[%get3A_1291, %get3A_1292] {strides = array<i32>} : memref<128x16xf32, #tpu.memory_space<vmem>>, vector<16xf32>,
      %mul3A_1294 = arith.mulf %gather3A_1289, %get3A_1293 : vector<16xf32>
      %get3A_1295 = arith.constant 21 : i32
      %get3A_1296 = arith.index_cast %get3A_1295 : i32 to index
      %get3A_1297 = arith.constant 0 : index
      %get3A_1298 = tpu.vector_load %arg9[%get3A_1296, %get3A_1297] {strides = array<i32>} : memref<128x16xf32, #tpu.memory_space<vmem>>, vector<16xf32>,
      %add3A_1299 = arith.addf %mul3A_1294, %get3A_1298 : vector<16xf32>
      %gt3A_1300 = arith.cmpf ogt, %add3A_1299, %select_n3A_1284 : vector<16xf32>
      %gt3A_1301 = arith.cmpf ogt, %add3A_1299, %select_n3A_1281 : vector<16xf32>
      %select_n3A_1302 = arith.select %gt3A_1301, %add3A_1299, %select_n3A_1281 : vector<16xi1>, vector<16xf32>
      %select_n3A_1303 = arith.select %gt3A_1300, %select_n3A_1284, %select_n3A_1302 : vector<16xi1>, vector<16xf32>
      %select_n3A_1304 = arith.select %gt3A_1301, %broadcast_in_dim3A_1287, %select_n3A_1283 : vector<16xi1>, vector<16xi32>
      %select_n3A_1305 = arith.select %gt3A_1300, %select_n3A_1285, %select_n3A_1304 : vector<16xi1>, vector<16xi32>
      %select_n3A_1306 = arith.select %gt3A_1300, %add3A_1299, %select_n3A_1284 : vector<16xi1>, vector<16xf32>
      %select_n3A_1307 = arith.select %gt3A_1300, %broadcast_in_dim3A_1287, %select_n3A_1285 : vector<16xi1>, vector<16xi32>
      %broadcast_in_dim3A_1308 = arith.constant 22 : i32
      %broadcast_in_dim3A_1309 = vector.broadcast %broadcast_in_dim3A_1308 : i32 to vector<16xi32>
      %add3A_1310 = arith.addi %mul3A_818, %broadcast_in_dim3A_1309 : vector<16xi32>
      %gather3A_1311 = tpu.vector_load_idx %arg7[%add3A_1310] : memref<16384xf32, #tpu.memory_space<vmem>>[vector<16xi32>], vector<16xf32>,
      %get3A_1312 = arith.constant 86 : i32
      %get3A_1313 = arith.index_cast %get3A_1312 : i32 to index
      %get3A_1314 = arith.constant 0 : index
      %get3A_1315 = tpu.vector_load %arg9[%get3A_1313, %get3A_1314] {strides = array<i32>} : memref<128x16xf32, #tpu.memory_space<vmem>>, vector<16xf32>,
      %mul3A_1316 = arith.mulf %gather3A_1311, %get3A_1315 : vector<16xf32>
      %get3A_1317 = arith.constant 22 : i32
      %get3A_1318 = arith.index_cast %get3A_1317 : i32 to index
      %get3A_1319 = arith.constant 0 : index
      %get3A_1320 = tpu.vector_load %arg9[%get3A_1318, %get3A_1319] {strides = array<i32>} : memref<128x16xf32, #tpu.memory_space<vmem>>, vector<16xf32>,
      %add3A_1321 = arith.addf %mul3A_1316, %get3A_1320 : vector<16xf32>
      %gt3A_1322 = arith.cmpf ogt, %add3A_1321, %select_n3A_1306 : vector<16xf32>
      %gt3A_1323 = arith.cmpf ogt, %add3A_1321, %select_n3A_1303 : vector<16xf32>
      %select_n3A_1324 = arith.select %gt3A_1323, %add3A_1321, %select_n3A_1303 : vector<16xi1>, vector<16xf32>
      %select_n3A_1325 = arith.select %gt3A_1322, %select_n3A_1306, %select_n3A_1324 : vector<16xi1>, vector<16xf32>
      %select_n3A_1326 = arith.select %gt3A_1323, %broadcast_in_dim3A_1309, %select_n3A_1305 : vector<16xi1>, vector<16xi32>
      %select_n3A_1327 = arith.select %gt3A_1322, %select_n3A_1307, %select_n3A_1326 : vector<16xi1>, vector<16xi32>
      %select_n3A_1328 = arith.select %gt3A_1322, %add3A_1321, %select_n3A_1306 : vector<16xi1>, vector<16xf32>
      %select_n3A_1329 = arith.select %gt3A_1322, %broadcast_in_dim3A_1309, %select_n3A_1307 : vector<16xi1>, vector<16xi32>
      %broadcast_in_dim3A_1330 = arith.constant 23 : i32
      %broadcast_in_dim3A_1331 = vector.broadcast %broadcast_in_dim3A_1330 : i32 to vector<16xi32>
      %add3A_1332 = arith.addi %mul3A_818, %broadcast_in_dim3A_1331 : vector<16xi32>
      %gather3A_1333 = tpu.vector_load_idx %arg7[%add3A_1332] : memref<16384xf32, #tpu.memory_space<vmem>>[vector<16xi32>], vector<16xf32>,
      %get3A_1334 = arith.constant 87 : i32
      %get3A_1335 = arith.index_cast %get3A_1334 : i32 to index
      %get3A_1336 = arith.constant 0 : index
      %get3A_1337 = tpu.vector_load %arg9[%get3A_1335, %get3A_1336] {strides = array<i32>} : memref<128x16xf32, #tpu.memory_space<vmem>>, vector<16xf32>,
      %mul3A_1338 = arith.mulf %gather3A_1333, %get3A_1337 : vector<16xf32>
      %get3A_1339 = arith.constant 23 : i32
      %get3A_1340 = arith.index_cast %get3A_1339 : i32 to index
      %get3A_1341 = arith.constant 0 : index
      %get3A_1342 = tpu.vector_load %arg9[%get3A_1340, %get3A_1341] {strides = array<i32>} : memref<128x16xf32, #tpu.memory_space<vmem>>, vector<16xf32>,
      %add3A_1343 = arith.addf %mul3A_1338, %get3A_1342 : vector<16xf32>
      %gt3A_1344 = arith.cmpf ogt, %add3A_1343, %select_n3A_1328 : vector<16xf32>
      %gt3A_1345 = arith.cmpf ogt, %add3A_1343, %select_n3A_1325 : vector<16xf32>
      %select_n3A_1346 = arith.select %gt3A_1345, %add3A_1343, %select_n3A_1325 : vector<16xi1>, vector<16xf32>
      %select_n3A_1347 = arith.select %gt3A_1344, %select_n3A_1328, %select_n3A_1346 : vector<16xi1>, vector<16xf32>
      %select_n3A_1348 = arith.select %gt3A_1345, %broadcast_in_dim3A_1331, %select_n3A_1327 : vector<16xi1>, vector<16xi32>
      %select_n3A_1349 = arith.select %gt3A_1344, %select_n3A_1329, %select_n3A_1348 : vector<16xi1>, vector<16xi32>
      %select_n3A_1350 = arith.select %gt3A_1344, %add3A_1343, %select_n3A_1328 : vector<16xi1>, vector<16xf32>
      %select_n3A_1351 = arith.select %gt3A_1344, %broadcast_in_dim3A_1331, %select_n3A_1329 : vector<16xi1>, vector<16xi32>
      %broadcast_in_dim3A_1352 = arith.constant 24 : i32
      %broadcast_in_dim3A_1353 = vector.broadcast %broadcast_in_dim3A_1352 : i32 to vector<16xi32>
      %add3A_1354 = arith.addi %mul3A_818, %broadcast_in_dim3A_1353 : vector<16xi32>
      %gather3A_1355 = tpu.vector_load_idx %arg7[%add3A_1354] : memref<16384xf32, #tpu.memory_space<vmem>>[vector<16xi32>], vector<16xf32>,
      %get3A_1356 = arith.constant 88 : i32
      %get3A_1357 = arith.index_cast %get3A_1356 : i32 to index
      %get3A_1358 = arith.constant 0 : index
      %get3A_1359 = tpu.vector_load %arg9[%get3A_1357, %get3A_1358] {strides = array<i32>} : memref<128x16xf32, #tpu.memory_space<vmem>>, vector<16xf32>,
      %mul3A_1360 = arith.mulf %gather3A_1355, %get3A_1359 : vector<16xf32>
      %get3A_1361 = arith.constant 24 : i32
      %get3A_1362 = arith.index_cast %get3A_1361 : i32 to index
      %get3A_1363 = arith.constant 0 : index
      %get3A_1364 = tpu.vector_load %arg9[%get3A_1362, %get3A_1363] {strides = array<i32>} : memref<128x16xf32, #tpu.memory_space<vmem>>, vector<16xf32>,
      %add3A_1365 = arith.addf %mul3A_1360, %get3A_1364 : vector<16xf32>
      %gt3A_1366 = arith.cmpf ogt, %add3A_1365, %select_n3A_1350 : vector<16xf32>
      %gt3A_1367 = arith.cmpf ogt, %add3A_1365, %select_n3A_1347 : vector<16xf32>
      %select_n3A_1368 = arith.select %gt3A_1367, %add3A_1365, %select_n3A_1347 : vector<16xi1>, vector<16xf32>
      %select_n3A_1369 = arith.select %gt3A_1366, %select_n3A_1350, %select_n3A_1368 : vector<16xi1>, vector<16xf32>
      %select_n3A_1370 = arith.select %gt3A_1367, %broadcast_in_dim3A_1353, %select_n3A_1349 : vector<16xi1>, vector<16xi32>
      %select_n3A_1371 = arith.select %gt3A_1366, %select_n3A_1351, %select_n3A_1370 : vector<16xi1>, vector<16xi32>
      %select_n3A_1372 = arith.select %gt3A_1366, %add3A_1365, %select_n3A_1350 : vector<16xi1>, vector<16xf32>
      %select_n3A_1373 = arith.select %gt3A_1366, %broadcast_in_dim3A_1353, %select_n3A_1351 : vector<16xi1>, vector<16xi32>
      %broadcast_in_dim3A_1374 = arith.constant 25 : i32
      %broadcast_in_dim3A_1375 = vector.broadcast %broadcast_in_dim3A_1374 : i32 to vector<16xi32>
      %add3A_1376 = arith.addi %mul3A_818, %broadcast_in_dim3A_1375 : vector<16xi32>
      %gather3A_1377 = tpu.vector_load_idx %arg7[%add3A_1376] : memref<16384xf32, #tpu.memory_space<vmem>>[vector<16xi32>], vector<16xf32>,
      %get3A_1378 = arith.constant 89 : i32
      %get3A_1379 = arith.index_cast %get3A_1378 : i32 to index
      %get3A_1380 = arith.constant 0 : index
      %get3A_1381 = tpu.vector_load %arg9[%get3A_1379, %get3A_1380] {strides = array<i32>} : memref<128x16xf32, #tpu.memory_space<vmem>>, vector<16xf32>,
      %mul3A_1382 = arith.mulf %gather3A_1377, %get3A_1381 : vector<16xf32>
      %get3A_1383 = arith.constant 25 : i32
      %get3A_1384 = arith.index_cast %get3A_1383 : i32 to index
      %get3A_1385 = arith.constant 0 : index
      %get3A_1386 = tpu.vector_load %arg9[%get3A_1384, %get3A_1385] {strides = array<i32>} : memref<128x16xf32, #tpu.memory_space<vmem>>, vector<16xf32>,
      %add3A_1387 = arith.addf %mul3A_1382, %get3A_1386 : vector<16xf32>
      %gt3A_1388 = arith.cmpf ogt, %add3A_1387, %select_n3A_1372 : vector<16xf32>
      %gt3A_1389 = arith.cmpf ogt, %add3A_1387, %select_n3A_1369 : vector<16xf32>
      %select_n3A_1390 = arith.select %gt3A_1389, %add3A_1387, %select_n3A_1369 : vector<16xi1>, vector<16xf32>
      %select_n3A_1391 = arith.select %gt3A_1388, %select_n3A_1372, %select_n3A_1390 : vector<16xi1>, vector<16xf32>
      %select_n3A_1392 = arith.select %gt3A_1389, %broadcast_in_dim3A_1375, %select_n3A_1371 : vector<16xi1>, vector<16xi32>
      %select_n3A_1393 = arith.select %gt3A_1388, %select_n3A_1373, %select_n3A_1392 : vector<16xi1>, vector<16xi32>
      %select_n3A_1394 = arith.select %gt3A_1388, %add3A_1387, %select_n3A_1372 : vector<16xi1>, vector<16xf32>
      %select_n3A_1395 = arith.select %gt3A_1388, %broadcast_in_dim3A_1375, %select_n3A_1373 : vector<16xi1>, vector<16xi32>
      %broadcast_in_dim3A_1396 = arith.constant 26 : i32
      %broadcast_in_dim3A_1397 = vector.broadcast %broadcast_in_dim3A_1396 : i32 to vector<16xi32>
      %add3A_1398 = arith.addi %mul3A_818, %broadcast_in_dim3A_1397 : vector<16xi32>
      %gather3A_1399 = tpu.vector_load_idx %arg7[%add3A_1398] : memref<16384xf32, #tpu.memory_space<vmem>>[vector<16xi32>], vector<16xf32>,
      %get3A_1400 = arith.constant 90 : i32
      %get3A_1401 = arith.index_cast %get3A_1400 : i32 to index
      %get3A_1402 = arith.constant 0 : index
      %get3A_1403 = tpu.vector_load %arg9[%get3A_1401, %get3A_1402] {strides = array<i32>} : memref<128x16xf32, #tpu.memory_space<vmem>>, vector<16xf32>,
      %mul3A_1404 = arith.mulf %gather3A_1399, %get3A_1403 : vector<16xf32>
      %get3A_1405 = arith.constant 26 : i32
      %get3A_1406 = arith.index_cast %get3A_1405 : i32 to index
      %get3A_1407 = arith.constant 0 : index
      %get3A_1408 = tpu.vector_load %arg9[%get3A_1406, %get3A_1407] {strides = array<i32>} : memref<128x16xf32, #tpu.memory_space<vmem>>, vector<16xf32>,
      %add3A_1409 = arith.addf %mul3A_1404, %get3A_1408 : vector<16xf32>
      %gt3A_1410 = arith.cmpf ogt, %add3A_1409, %select_n3A_1394 : vector<16xf32>
      %gt3A_1411 = arith.cmpf ogt, %add3A_1409, %select_n3A_1391 : vector<16xf32>
      %select_n3A_1412 = arith.select %gt3A_1411, %add3A_1409, %select_n3A_1391 : vector<16xi1>, vector<16xf32>
      %select_n3A_1413 = arith.select %gt3A_1410, %select_n3A_1394, %select_n3A_1412 : vector<16xi1>, vector<16xf32>
      %select_n3A_1414 = arith.select %gt3A_1411, %broadcast_in_dim3A_1397, %select_n3A_1393 : vector<16xi1>, vector<16xi32>
      %select_n3A_1415 = arith.select %gt3A_1410, %select_n3A_1395, %select_n3A_1414 : vector<16xi1>, vector<16xi32>
      %select_n3A_1416 = arith.select %gt3A_1410, %add3A_1409, %select_n3A_1394 : vector<16xi1>, vector<16xf32>
      %select_n3A_1417 = arith.select %gt3A_1410, %broadcast_in_dim3A_1397, %select_n3A_1395 : vector<16xi1>, vector<16xi32>
      %broadcast_in_dim3A_1418 = arith.constant 27 : i32
      %broadcast_in_dim3A_1419 = vector.broadcast %broadcast_in_dim3A_1418 : i32 to vector<16xi32>
      %add3A_1420 = arith.addi %mul3A_818, %broadcast_in_dim3A_1419 : vector<16xi32>
      %gather3A_1421 = tpu.vector_load_idx %arg7[%add3A_1420] : memref<16384xf32, #tpu.memory_space<vmem>>[vector<16xi32>], vector<16xf32>,
      %get3A_1422 = arith.constant 91 : i32
      %get3A_1423 = arith.index_cast %get3A_1422 : i32 to index
      %get3A_1424 = arith.constant 0 : index
      %get3A_1425 = tpu.vector_load %arg9[%get3A_1423, %get3A_1424] {strides = array<i32>} : memref<128x16xf32, #tpu.memory_space<vmem>>, vector<16xf32>,
      %mul3A_1426 = arith.mulf %gather3A_1421, %get3A_1425 : vector<16xf32>
      %get3A_1427 = arith.constant 27 : i32
      %get3A_1428 = arith.index_cast %get3A_1427 : i32 to index
      %get3A_1429 = arith.constant 0 : index
      %get3A_1430 = tpu.vector_load %arg9[%get3A_1428, %get3A_1429] {strides = array<i32>} : memref<128x16xf32, #tpu.memory_space<vmem>>, vector<16xf32>,
      %add3A_1431 = arith.addf %mul3A_1426, %get3A_1430 : vector<16xf32>
      %gt3A_1432 = arith.cmpf ogt, %add3A_1431, %select_n3A_1416 : vector<16xf32>
      %gt3A_1433 = arith.cmpf ogt, %add3A_1431, %select_n3A_1413 : vector<16xf32>
      %select_n3A_1434 = arith.select %gt3A_1433, %add3A_1431, %select_n3A_1413 : vector<16xi1>, vector<16xf32>
      %select_n3A_1435 = arith.select %gt3A_1432, %select_n3A_1416, %select_n3A_1434 : vector<16xi1>, vector<16xf32>
      %select_n3A_1436 = arith.select %gt3A_1433, %broadcast_in_dim3A_1419, %select_n3A_1415 : vector<16xi1>, vector<16xi32>
      %select_n3A_1437 = arith.select %gt3A_1432, %select_n3A_1417, %select_n3A_1436 : vector<16xi1>, vector<16xi32>
      %select_n3A_1438 = arith.select %gt3A_1432, %add3A_1431, %select_n3A_1416 : vector<16xi1>, vector<16xf32>
      %select_n3A_1439 = arith.select %gt3A_1432, %broadcast_in_dim3A_1419, %select_n3A_1417 : vector<16xi1>, vector<16xi32>
      %broadcast_in_dim3A_1440 = arith.constant 28 : i32
      %broadcast_in_dim3A_1441 = vector.broadcast %broadcast_in_dim3A_1440 : i32 to vector<16xi32>
      %add3A_1442 = arith.addi %mul3A_818, %broadcast_in_dim3A_1441 : vector<16xi32>
      %gather3A_1443 = tpu.vector_load_idx %arg7[%add3A_1442] : memref<16384xf32, #tpu.memory_space<vmem>>[vector<16xi32>], vector<16xf32>,
      %get3A_1444 = arith.constant 92 : i32
      %get3A_1445 = arith.index_cast %get3A_1444 : i32 to index
      %get3A_1446 = arith.constant 0 : index
      %get3A_1447 = tpu.vector_load %arg9[%get3A_1445, %get3A_1446] {strides = array<i32>} : memref<128x16xf32, #tpu.memory_space<vmem>>, vector<16xf32>,
      %mul3A_1448 = arith.mulf %gather3A_1443, %get3A_1447 : vector<16xf32>
      %get3A_1449 = arith.constant 28 : i32
      %get3A_1450 = arith.index_cast %get3A_1449 : i32 to index
      %get3A_1451 = arith.constant 0 : index
      %get3A_1452 = tpu.vector_load %arg9[%get3A_1450, %get3A_1451] {strides = array<i32>} : memref<128x16xf32, #tpu.memory_space<vmem>>, vector<16xf32>,
      %add3A_1453 = arith.addf %mul3A_1448, %get3A_1452 : vector<16xf32>
      %gt3A_1454 = arith.cmpf ogt, %add3A_1453, %select_n3A_1438 : vector<16xf32>
      %gt3A_1455 = arith.cmpf ogt, %add3A_1453, %select_n3A_1435 : vector<16xf32>
      %select_n3A_1456 = arith.select %gt3A_1455, %add3A_1453, %select_n3A_1435 : vector<16xi1>, vector<16xf32>
      %select_n3A_1457 = arith.select %gt3A_1454, %select_n3A_1438, %select_n3A_1456 : vector<16xi1>, vector<16xf32>
      %select_n3A_1458 = arith.select %gt3A_1455, %broadcast_in_dim3A_1441, %select_n3A_1437 : vector<16xi1>, vector<16xi32>
      %select_n3A_1459 = arith.select %gt3A_1454, %select_n3A_1439, %select_n3A_1458 : vector<16xi1>, vector<16xi32>
      %select_n3A_1460 = arith.select %gt3A_1454, %add3A_1453, %select_n3A_1438 : vector<16xi1>, vector<16xf32>
      %select_n3A_1461 = arith.select %gt3A_1454, %broadcast_in_dim3A_1441, %select_n3A_1439 : vector<16xi1>, vector<16xi32>
      %broadcast_in_dim3A_1462 = arith.constant 29 : i32
      %broadcast_in_dim3A_1463 = vector.broadcast %broadcast_in_dim3A_1462 : i32 to vector<16xi32>
      %add3A_1464 = arith.addi %mul3A_818, %broadcast_in_dim3A_1463 : vector<16xi32>
      %gather3A_1465 = tpu.vector_load_idx %arg7[%add3A_1464] : memref<16384xf32, #tpu.memory_space<vmem>>[vector<16xi32>], vector<16xf32>,
      %get3A_1466 = arith.constant 93 : i32
      %get3A_1467 = arith.index_cast %get3A_1466 : i32 to index
      %get3A_1468 = arith.constant 0 : index
      %get3A_1469 = tpu.vector_load %arg9[%get3A_1467, %get3A_1468] {strides = array<i32>} : memref<128x16xf32, #tpu.memory_space<vmem>>, vector<16xf32>,
      %mul3A_1470 = arith.mulf %gather3A_1465, %get3A_1469 : vector<16xf32>
      %get3A_1471 = arith.constant 29 : i32
      %get3A_1472 = arith.index_cast %get3A_1471 : i32 to index
      %get3A_1473 = arith.constant 0 : index
      %get3A_1474 = tpu.vector_load %arg9[%get3A_1472, %get3A_1473] {strides = array<i32>} : memref<128x16xf32, #tpu.memory_space<vmem>>, vector<16xf32>,
      %add3A_1475 = arith.addf %mul3A_1470, %get3A_1474 : vector<16xf32>
      %gt3A_1476 = arith.cmpf ogt, %add3A_1475, %select_n3A_1460 : vector<16xf32>
      %gt3A_1477 = arith.cmpf ogt, %add3A_1475, %select_n3A_1457 : vector<16xf32>
      %select_n3A_1478 = arith.select %gt3A_1477, %add3A_1475, %select_n3A_1457 : vector<16xi1>, vector<16xf32>
      %select_n3A_1479 = arith.select %gt3A_1476, %select_n3A_1460, %select_n3A_1478 : vector<16xi1>, vector<16xf32>
      %select_n3A_1480 = arith.select %gt3A_1477, %broadcast_in_dim3A_1463, %select_n3A_1459 : vector<16xi1>, vector<16xi32>
      %select_n3A_1481 = arith.select %gt3A_1476, %select_n3A_1461, %select_n3A_1480 : vector<16xi1>, vector<16xi32>
      %select_n3A_1482 = arith.select %gt3A_1476, %add3A_1475, %select_n3A_1460 : vector<16xi1>, vector<16xf32>
      %select_n3A_1483 = arith.select %gt3A_1476, %broadcast_in_dim3A_1463, %select_n3A_1461 : vector<16xi1>, vector<16xi32>
      %broadcast_in_dim3A_1484 = arith.constant 30 : i32
      %broadcast_in_dim3A_1485 = vector.broadcast %broadcast_in_dim3A_1484 : i32 to vector<16xi32>
      %add3A_1486 = arith.addi %mul3A_818, %broadcast_in_dim3A_1485 : vector<16xi32>
      %gather3A_1487 = tpu.vector_load_idx %arg7[%add3A_1486] : memref<16384xf32, #tpu.memory_space<vmem>>[vector<16xi32>], vector<16xf32>,
      %get3A_1488 = arith.constant 94 : i32
      %get3A_1489 = arith.index_cast %get3A_1488 : i32 to index
      %get3A_1490 = arith.constant 0 : index
      %get3A_1491 = tpu.vector_load %arg9[%get3A_1489, %get3A_1490] {strides = array<i32>} : memref<128x16xf32, #tpu.memory_space<vmem>>, vector<16xf32>,
      %mul3A_1492 = arith.mulf %gather3A_1487, %get3A_1491 : vector<16xf32>
      %get3A_1493 = arith.constant 30 : i32
      %get3A_1494 = arith.index_cast %get3A_1493 : i32 to index
      %get3A_1495 = arith.constant 0 : index
      %get3A_1496 = tpu.vector_load %arg9[%get3A_1494, %get3A_1495] {strides = array<i32>} : memref<128x16xf32, #tpu.memory_space<vmem>>, vector<16xf32>,
      %add3A_1497 = arith.addf %mul3A_1492, %get3A_1496 : vector<16xf32>
      %gt3A_1498 = arith.cmpf ogt, %add3A_1497, %select_n3A_1482 : vector<16xf32>
      %gt3A_1499 = arith.cmpf ogt, %add3A_1497, %select_n3A_1479 : vector<16xf32>
      %select_n3A_1500 = arith.select %gt3A_1499, %add3A_1497, %select_n3A_1479 : vector<16xi1>, vector<16xf32>
      %select_n3A_1501 = arith.select %gt3A_1498, %select_n3A_1482, %select_n3A_1500 : vector<16xi1>, vector<16xf32>
      %select_n3A_1502 = arith.select %gt3A_1499, %broadcast_in_dim3A_1485, %select_n3A_1481 : vector<16xi1>, vector<16xi32>
      %select_n3A_1503 = arith.select %gt3A_1498, %select_n3A_1483, %select_n3A_1502 : vector<16xi1>, vector<16xi32>
      %select_n3A_1504 = arith.select %gt3A_1498, %add3A_1497, %select_n3A_1482 : vector<16xi1>, vector<16xf32>
      %select_n3A_1505 = arith.select %gt3A_1498, %broadcast_in_dim3A_1485, %select_n3A_1483 : vector<16xi1>, vector<16xi32>
      %broadcast_in_dim3A_1506 = arith.constant 31 : i32
      %broadcast_in_dim3A_1507 = vector.broadcast %broadcast_in_dim3A_1506 : i32 to vector<16xi32>
      %add3A_1508 = arith.addi %mul3A_818, %broadcast_in_dim3A_1507 : vector<16xi32>
      %gather3A_1509 = tpu.vector_load_idx %arg7[%add3A_1508] : memref<16384xf32, #tpu.memory_space<vmem>>[vector<16xi32>], vector<16xf32>,
      %get3A_1510 = arith.constant 95 : i32
      %get3A_1511 = arith.index_cast %get3A_1510 : i32 to index
      %get3A_1512 = arith.constant 0 : index
      %get3A_1513 = tpu.vector_load %arg9[%get3A_1511, %get3A_1512] {strides = array<i32>} : memref<128x16xf32, #tpu.memory_space<vmem>>, vector<16xf32>,
      %mul3A_1514 = arith.mulf %gather3A_1509, %get3A_1513 : vector<16xf32>
      %get3A_1515 = arith.constant 31 : i32
      %get3A_1516 = arith.index_cast %get3A_1515 : i32 to index
      %get3A_1517 = arith.constant 0 : index
      %get3A_1518 = tpu.vector_load %arg9[%get3A_1516, %get3A_1517] {strides = array<i32>} : memref<128x16xf32, #tpu.memory_space<vmem>>, vector<16xf32>,
      %add3A_1519 = arith.addf %mul3A_1514, %get3A_1518 : vector<16xf32>
      %gt3A_1520 = arith.cmpf ogt, %add3A_1519, %select_n3A_1504 : vector<16xf32>
      %gt3A_1521 = arith.cmpf ogt, %add3A_1519, %select_n3A_1501 : vector<16xf32>
      %select_n3A_1522 = arith.select %gt3A_1521, %add3A_1519, %select_n3A_1501 : vector<16xi1>, vector<16xf32>
      %select_n3A_1523 = arith.select %gt3A_1520, %select_n3A_1504, %select_n3A_1522 : vector<16xi1>, vector<16xf32>
      %select_n3A_1524 = arith.select %gt3A_1521, %broadcast_in_dim3A_1507, %select_n3A_1503 : vector<16xi1>, vector<16xi32>
      %select_n3A_1525 = arith.select %gt3A_1520, %select_n3A_1505, %select_n3A_1524 : vector<16xi1>, vector<16xi32>
      %select_n3A_1526 = arith.select %gt3A_1520, %add3A_1519, %select_n3A_1504 : vector<16xi1>, vector<16xf32>
      %select_n3A_1527 = arith.select %gt3A_1520, %broadcast_in_dim3A_1507, %select_n3A_1505 : vector<16xi1>, vector<16xi32>
      %broadcast_in_dim3A_1528 = arith.constant 32 : i32
      %broadcast_in_dim3A_1529 = vector.broadcast %broadcast_in_dim3A_1528 : i32 to vector<16xi32>
      %add3A_1530 = arith.addi %mul3A_818, %broadcast_in_dim3A_1529 : vector<16xi32>
      %gather3A_1531 = tpu.vector_load_idx %arg7[%add3A_1530] : memref<16384xf32, #tpu.memory_space<vmem>>[vector<16xi32>], vector<16xf32>,
      %get3A_1532 = arith.constant 96 : i32
      %get3A_1533 = arith.index_cast %get3A_1532 : i32 to index
      %get3A_1534 = arith.constant 0 : index
      %get3A_1535 = tpu.vector_load %arg9[%get3A_1533, %get3A_1534] {strides = array<i32>} : memref<128x16xf32, #tpu.memory_space<vmem>>, vector<16xf32>,
      %mul3A_1536 = arith.mulf %gather3A_1531, %get3A_1535 : vector<16xf32>
      %get3A_1537 = arith.constant 32 : i32
      %get3A_1538 = arith.index_cast %get3A_1537 : i32 to index
      %get3A_1539 = arith.constant 0 : index
      %get3A_1540 = tpu.vector_load %arg9[%get3A_1538, %get3A_1539] {strides = array<i32>} : memref<128x16xf32, #tpu.memory_space<vmem>>, vector<16xf32>,
      %add3A_1541 = arith.addf %mul3A_1536, %get3A_1540 : vector<16xf32>
      %gt3A_1542 = arith.cmpf ogt, %add3A_1541, %select_n3A_1526 : vector<16xf32>
      %gt3A_1543 = arith.cmpf ogt, %add3A_1541, %select_n3A_1523 : vector<16xf32>
      %select_n3A_1544 = arith.select %gt3A_1543, %add3A_1541, %select_n3A_1523 : vector<16xi1>, vector<16xf32>
      %select_n3A_1545 = arith.select %gt3A_1542, %select_n3A_1526, %select_n3A_1544 : vector<16xi1>, vector<16xf32>
      %select_n3A_1546 = arith.select %gt3A_1543, %broadcast_in_dim3A_1529, %select_n3A_1525 : vector<16xi1>, vector<16xi32>
      %select_n3A_1547 = arith.select %gt3A_1542, %select_n3A_1527, %select_n3A_1546 : vector<16xi1>, vector<16xi32>
      %select_n3A_1548 = arith.select %gt3A_1542, %add3A_1541, %select_n3A_1526 : vector<16xi1>, vector<16xf32>
      %select_n3A_1549 = arith.select %gt3A_1542, %broadcast_in_dim3A_1529, %select_n3A_1527 : vector<16xi1>, vector<16xi32>
      %broadcast_in_dim3A_1550 = arith.constant 33 : i32
      %broadcast_in_dim3A_1551 = vector.broadcast %broadcast_in_dim3A_1550 : i32 to vector<16xi32>
      %add3A_1552 = arith.addi %mul3A_818, %broadcast_in_dim3A_1551 : vector<16xi32>
      %gather3A_1553 = tpu.vector_load_idx %arg7[%add3A_1552] : memref<16384xf32, #tpu.memory_space<vmem>>[vector<16xi32>], vector<16xf32>,
      %get3A_1554 = arith.constant 97 : i32
      %get3A_1555 = arith.index_cast %get3A_1554 : i32 to index
      %get3A_1556 = arith.constant 0 : index
      %get3A_1557 = tpu.vector_load %arg9[%get3A_1555, %get3A_1556] {strides = array<i32>} : memref<128x16xf32, #tpu.memory_space<vmem>>, vector<16xf32>,
      %mul3A_1558 = arith.mulf %gather3A_1553, %get3A_1557 : vector<16xf32>
      %get3A_1559 = arith.constant 33 : i32
      %get3A_1560 = arith.index_cast %get3A_1559 : i32 to index
      %get3A_1561 = arith.constant 0 : index
      %get3A_1562 = tpu.vector_load %arg9[%get3A_1560, %get3A_1561] {strides = array<i32>} : memref<128x16xf32, #tpu.memory_space<vmem>>, vector<16xf32>,
      %add3A_1563 = arith.addf %mul3A_1558, %get3A_1562 : vector<16xf32>
      %gt3A_1564 = arith.cmpf ogt, %add3A_1563, %select_n3A_1548 : vector<16xf32>
      %gt3A_1565 = arith.cmpf ogt, %add3A_1563, %select_n3A_1545 : vector<16xf32>
      %select_n3A_1566 = arith.select %gt3A_1565, %add3A_1563, %select_n3A_1545 : vector<16xi1>, vector<16xf32>
      %select_n3A_1567 = arith.select %gt3A_1564, %select_n3A_1548, %select_n3A_1566 : vector<16xi1>, vector<16xf32>
      %select_n3A_1568 = arith.select %gt3A_1565, %broadcast_in_dim3A_1551, %select_n3A_1547 : vector<16xi1>, vector<16xi32>
      %select_n3A_1569 = arith.select %gt3A_1564, %select_n3A_1549, %select_n3A_1568 : vector<16xi1>, vector<16xi32>
      %select_n3A_1570 = arith.select %gt3A_1564, %add3A_1563, %select_n3A_1548 : vector<16xi1>, vector<16xf32>
      %select_n3A_1571 = arith.select %gt3A_1564, %broadcast_in_dim3A_1551, %select_n3A_1549 : vector<16xi1>, vector<16xi32>
      %broadcast_in_dim3A_1572 = arith.constant 34 : i32
      %broadcast_in_dim3A_1573 = vector.broadcast %broadcast_in_dim3A_1572 : i32 to vector<16xi32>
      %add3A_1574 = arith.addi %mul3A_818, %broadcast_in_dim3A_1573 : vector<16xi32>
      %gather3A_1575 = tpu.vector_load_idx %arg7[%add3A_1574] : memref<16384xf32, #tpu.memory_space<vmem>>[vector<16xi32>], vector<16xf32>,
      %get3A_1576 = arith.constant 98 : i32
      %get3A_1577 = arith.index_cast %get3A_1576 : i32 to index
      %get3A_1578 = arith.constant 0 : index
      %get3A_1579 = tpu.vector_load %arg9[%get3A_1577, %get3A_1578] {strides = array<i32>} : memref<128x16xf32, #tpu.memory_space<vmem>>, vector<16xf32>,
      %mul3A_1580 = arith.mulf %gather3A_1575, %get3A_1579 : vector<16xf32>
      %get3A_1581 = arith.constant 34 : i32
      %get3A_1582 = arith.index_cast %get3A_1581 : i32 to index
      %get3A_1583 = arith.constant 0 : index
      %get3A_1584 = tpu.vector_load %arg9[%get3A_1582, %get3A_1583] {strides = array<i32>} : memref<128x16xf32, #tpu.memory_space<vmem>>, vector<16xf32>,
      %add3A_1585 = arith.addf %mul3A_1580, %get3A_1584 : vector<16xf32>
      %gt3A_1586 = arith.cmpf ogt, %add3A_1585, %select_n3A_1570 : vector<16xf32>
      %gt3A_1587 = arith.cmpf ogt, %add3A_1585, %select_n3A_1567 : vector<16xf32>
      %select_n3A_1588 = arith.select %gt3A_1587, %add3A_1585, %select_n3A_1567 : vector<16xi1>, vector<16xf32>
      %select_n3A_1589 = arith.select %gt3A_1586, %select_n3A_1570, %select_n3A_1588 : vector<16xi1>, vector<16xf32>
      %select_n3A_1590 = arith.select %gt3A_1587, %broadcast_in_dim3A_1573, %select_n3A_1569 : vector<16xi1>, vector<16xi32>
      %select_n3A_1591 = arith.select %gt3A_1586, %select_n3A_1571, %select_n3A_1590 : vector<16xi1>, vector<16xi32>
      %select_n3A_1592 = arith.select %gt3A_1586, %add3A_1585, %select_n3A_1570 : vector<16xi1>, vector<16xf32>
      %select_n3A_1593 = arith.select %gt3A_1586, %broadcast_in_dim3A_1573, %select_n3A_1571 : vector<16xi1>, vector<16xi32>
      %broadcast_in_dim3A_1594 = arith.constant 35 : i32
      %broadcast_in_dim3A_1595 = vector.broadcast %broadcast_in_dim3A_1594 : i32 to vector<16xi32>
      %add3A_1596 = arith.addi %mul3A_818, %broadcast_in_dim3A_1595 : vector<16xi32>
      %gather3A_1597 = tpu.vector_load_idx %arg7[%add3A_1596] : memref<16384xf32, #tpu.memory_space<vmem>>[vector<16xi32>], vector<16xf32>,
      %get3A_1598 = arith.constant 99 : i32
      %get3A_1599 = arith.index_cast %get3A_1598 : i32 to index
      %get3A_1600 = arith.constant 0 : index
      %get3A_1601 = tpu.vector_load %arg9[%get3A_1599, %get3A_1600] {strides = array<i32>} : memref<128x16xf32, #tpu.memory_space<vmem>>, vector<16xf32>,
      %mul3A_1602 = arith.mulf %gather3A_1597, %get3A_1601 : vector<16xf32>
      %get3A_1603 = arith.constant 35 : i32
      %get3A_1604 = arith.index_cast %get3A_1603 : i32 to index
      %get3A_1605 = arith.constant 0 : index
      %get3A_1606 = tpu.vector_load %arg9[%get3A_1604, %get3A_1605] {strides = array<i32>} : memref<128x16xf32, #tpu.memory_space<vmem>>, vector<16xf32>,
      %add3A_1607 = arith.addf %mul3A_1602, %get3A_1606 : vector<16xf32>
      %gt3A_1608 = arith.cmpf ogt, %add3A_1607, %select_n3A_1592 : vector<16xf32>
      %gt3A_1609 = arith.cmpf ogt, %add3A_1607, %select_n3A_1589 : vector<16xf32>
      %select_n3A_1610 = arith.select %gt3A_1609, %add3A_1607, %select_n3A_1589 : vector<16xi1>, vector<16xf32>
      %select_n3A_1611 = arith.select %gt3A_1608, %select_n3A_1592, %select_n3A_1610 : vector<16xi1>, vector<16xf32>
      %select_n3A_1612 = arith.select %gt3A_1609, %broadcast_in_dim3A_1595, %select_n3A_1591 : vector<16xi1>, vector<16xi32>
      %select_n3A_1613 = arith.select %gt3A_1608, %select_n3A_1593, %select_n3A_1612 : vector<16xi1>, vector<16xi32>
      %select_n3A_1614 = arith.select %gt3A_1608, %add3A_1607, %select_n3A_1592 : vector<16xi1>, vector<16xf32>
      %select_n3A_1615 = arith.select %gt3A_1608, %broadcast_in_dim3A_1595, %select_n3A_1593 : vector<16xi1>, vector<16xi32>
      %broadcast_in_dim3A_1616 = arith.constant 36 : i32
      %broadcast_in_dim3A_1617 = vector.broadcast %broadcast_in_dim3A_1616 : i32 to vector<16xi32>
      %add3A_1618 = arith.addi %mul3A_818, %broadcast_in_dim3A_1617 : vector<16xi32>
      %gather3A_1619 = tpu.vector_load_idx %arg7[%add3A_1618] : memref<16384xf32, #tpu.memory_space<vmem>>[vector<16xi32>], vector<16xf32>,
      %get3A_1620 = arith.constant 100 : i32
      %get3A_1621 = arith.index_cast %get3A_1620 : i32 to index
      %get3A_1622 = arith.constant 0 : index
      %get3A_1623 = tpu.vector_load %arg9[%get3A_1621, %get3A_1622] {strides = array<i32>} : memref<128x16xf32, #tpu.memory_space<vmem>>, vector<16xf32>,
      %mul3A_1624 = arith.mulf %gather3A_1619, %get3A_1623 : vector<16xf32>
      %get3A_1625 = arith.constant 36 : i32
      %get3A_1626 = arith.index_cast %get3A_1625 : i32 to index
      %get3A_1627 = arith.constant 0 : index
      %get3A_1628 = tpu.vector_load %arg9[%get3A_1626, %get3A_1627] {strides = array<i32>} : memref<128x16xf32, #tpu.memory_space<vmem>>, vector<16xf32>,
      %add3A_1629 = arith.addf %mul3A_1624, %get3A_1628 : vector<16xf32>
      %gt3A_1630 = arith.cmpf ogt, %add3A_1629, %select_n3A_1614 : vector<16xf32>
      %gt3A_1631 = arith.cmpf ogt, %add3A_1629, %select_n3A_1611 : vector<16xf32>
      %select_n3A_1632 = arith.select %gt3A_1631, %add3A_1629, %select_n3A_1611 : vector<16xi1>, vector<16xf32>
      %select_n3A_1633 = arith.select %gt3A_1630, %select_n3A_1614, %select_n3A_1632 : vector<16xi1>, vector<16xf32>
      %select_n3A_1634 = arith.select %gt3A_1631, %broadcast_in_dim3A_1617, %select_n3A_1613 : vector<16xi1>, vector<16xi32>
      %select_n3A_1635 = arith.select %gt3A_1630, %select_n3A_1615, %select_n3A_1634 : vector<16xi1>, vector<16xi32>
      %select_n3A_1636 = arith.select %gt3A_1630, %add3A_1629, %select_n3A_1614 : vector<16xi1>, vector<16xf32>
      %select_n3A_1637 = arith.select %gt3A_1630, %broadcast_in_dim3A_1617, %select_n3A_1615 : vector<16xi1>, vector<16xi32>
      %broadcast_in_dim3A_1638 = arith.constant 37 : i32
      %broadcast_in_dim3A_1639 = vector.broadcast %broadcast_in_dim3A_1638 : i32 to vector<16xi32>
      %add3A_1640 = arith.addi %mul3A_818, %broadcast_in_dim3A_1639 : vector<16xi32>
      %gather3A_1641 = tpu.vector_load_idx %arg7[%add3A_1640] : memref<16384xf32, #tpu.memory_space<vmem>>[vector<16xi32>], vector<16xf32>,
      %get3A_1642 = arith.constant 101 : i32
      %get3A_1643 = arith.index_cast %get3A_1642 : i32 to index
      %get3A_1644 = arith.constant 0 : index
      %get3A_1645 = tpu.vector_load %arg9[%get3A_1643, %get3A_1644] {strides = array<i32>} : memref<128x16xf32, #tpu.memory_space<vmem>>, vector<16xf32>,
      %mul3A_1646 = arith.mulf %gather3A_1641, %get3A_1645 : vector<16xf32>
      %get3A_1647 = arith.constant 37 : i32
      %get3A_1648 = arith.index_cast %get3A_1647 : i32 to index
      %get3A_1649 = arith.constant 0 : index
      %get3A_1650 = tpu.vector_load %arg9[%get3A_1648, %get3A_1649] {strides = array<i32>} : memref<128x16xf32, #tpu.memory_space<vmem>>, vector<16xf32>,
      %add3A_1651 = arith.addf %mul3A_1646, %get3A_1650 : vector<16xf32>
      %gt3A_1652 = arith.cmpf ogt, %add3A_1651, %select_n3A_1636 : vector<16xf32>
      %gt3A_1653 = arith.cmpf ogt, %add3A_1651, %select_n3A_1633 : vector<16xf32>
      %select_n3A_1654 = arith.select %gt3A_1653, %add3A_1651, %select_n3A_1633 : vector<16xi1>, vector<16xf32>
      %select_n3A_1655 = arith.select %gt3A_1652, %select_n3A_1636, %select_n3A_1654 : vector<16xi1>, vector<16xf32>
      %select_n3A_1656 = arith.select %gt3A_1653, %broadcast_in_dim3A_1639, %select_n3A_1635 : vector<16xi1>, vector<16xi32>
      %select_n3A_1657 = arith.select %gt3A_1652, %select_n3A_1637, %select_n3A_1656 : vector<16xi1>, vector<16xi32>
      %select_n3A_1658 = arith.select %gt3A_1652, %add3A_1651, %select_n3A_1636 : vector<16xi1>, vector<16xf32>
      %select_n3A_1659 = arith.select %gt3A_1652, %broadcast_in_dim3A_1639, %select_n3A_1637 : vector<16xi1>, vector<16xi32>
      %broadcast_in_dim3A_1660 = arith.constant 38 : i32
      %broadcast_in_dim3A_1661 = vector.broadcast %broadcast_in_dim3A_1660 : i32 to vector<16xi32>
      %add3A_1662 = arith.addi %mul3A_818, %broadcast_in_dim3A_1661 : vector<16xi32>
      %gather3A_1663 = tpu.vector_load_idx %arg7[%add3A_1662] : memref<16384xf32, #tpu.memory_space<vmem>>[vector<16xi32>], vector<16xf32>,
      %get3A_1664 = arith.constant 102 : i32
      %get3A_1665 = arith.index_cast %get3A_1664 : i32 to index
      %get3A_1666 = arith.constant 0 : index
      %get3A_1667 = tpu.vector_load %arg9[%get3A_1665, %get3A_1666] {strides = array<i32>} : memref<128x16xf32, #tpu.memory_space<vmem>>, vector<16xf32>,
      %mul3A_1668 = arith.mulf %gather3A_1663, %get3A_1667 : vector<16xf32>
      %get3A_1669 = arith.constant 38 : i32
      %get3A_1670 = arith.index_cast %get3A_1669 : i32 to index
      %get3A_1671 = arith.constant 0 : index
      %get3A_1672 = tpu.vector_load %arg9[%get3A_1670, %get3A_1671] {strides = array<i32>} : memref<128x16xf32, #tpu.memory_space<vmem>>, vector<16xf32>,
      %add3A_1673 = arith.addf %mul3A_1668, %get3A_1672 : vector<16xf32>
      %gt3A_1674 = arith.cmpf ogt, %add3A_1673, %select_n3A_1658 : vector<16xf32>
      %gt3A_1675 = arith.cmpf ogt, %add3A_1673, %select_n3A_1655 : vector<16xf32>
      %select_n3A_1676 = arith.select %gt3A_1675, %add3A_1673, %select_n3A_1655 : vector<16xi1>, vector<16xf32>
      %select_n3A_1677 = arith.select %gt3A_1674, %select_n3A_1658, %select_n3A_1676 : vector<16xi1>, vector<16xf32>
      %select_n3A_1678 = arith.select %gt3A_1675, %broadcast_in_dim3A_1661, %select_n3A_1657 : vector<16xi1>, vector<16xi32>
      %select_n3A_1679 = arith.select %gt3A_1674, %select_n3A_1659, %select_n3A_1678 : vector<16xi1>, vector<16xi32>
      %select_n3A_1680 = arith.select %gt3A_1674, %add3A_1673, %select_n3A_1658 : vector<16xi1>, vector<16xf32>
      %select_n3A_1681 = arith.select %gt3A_1674, %broadcast_in_dim3A_1661, %select_n3A_1659 : vector<16xi1>, vector<16xi32>
      %broadcast_in_dim3A_1682 = arith.constant 39 : i32
      %broadcast_in_dim3A_1683 = vector.broadcast %broadcast_in_dim3A_1682 : i32 to vector<16xi32>
      %add3A_1684 = arith.addi %mul3A_818, %broadcast_in_dim3A_1683 : vector<16xi32>
      %gather3A_1685 = tpu.vector_load_idx %arg7[%add3A_1684] : memref<16384xf32, #tpu.memory_space<vmem>>[vector<16xi32>], vector<16xf32>,
      %get3A_1686 = arith.constant 103 : i32
      %get3A_1687 = arith.index_cast %get3A_1686 : i32 to index
      %get3A_1688 = arith.constant 0 : index
      %get3A_1689 = tpu.vector_load %arg9[%get3A_1687, %get3A_1688] {strides = array<i32>} : memref<128x16xf32, #tpu.memory_space<vmem>>, vector<16xf32>,
      %mul3A_1690 = arith.mulf %gather3A_1685, %get3A_1689 : vector<16xf32>
      %get3A_1691 = arith.constant 39 : i32
      %get3A_1692 = arith.index_cast %get3A_1691 : i32 to index
      %get3A_1693 = arith.constant 0 : index
      %get3A_1694 = tpu.vector_load %arg9[%get3A_1692, %get3A_1693] {strides = array<i32>} : memref<128x16xf32, #tpu.memory_space<vmem>>, vector<16xf32>,
      %add3A_1695 = arith.addf %mul3A_1690, %get3A_1694 : vector<16xf32>
      %gt3A_1696 = arith.cmpf ogt, %add3A_1695, %select_n3A_1680 : vector<16xf32>
      %gt3A_1697 = arith.cmpf ogt, %add3A_1695, %select_n3A_1677 : vector<16xf32>
      %select_n3A_1698 = arith.select %gt3A_1697, %add3A_1695, %select_n3A_1677 : vector<16xi1>, vector<16xf32>
      %select_n3A_1699 = arith.select %gt3A_1696, %select_n3A_1680, %select_n3A_1698 : vector<16xi1>, vector<16xf32>
      %select_n3A_1700 = arith.select %gt3A_1697, %broadcast_in_dim3A_1683, %select_n3A_1679 : vector<16xi1>, vector<16xi32>
      %select_n3A_1701 = arith.select %gt3A_1696, %select_n3A_1681, %select_n3A_1700 : vector<16xi1>, vector<16xi32>
      %select_n3A_1702 = arith.select %gt3A_1696, %add3A_1695, %select_n3A_1680 : vector<16xi1>, vector<16xf32>
      %select_n3A_1703 = arith.select %gt3A_1696, %broadcast_in_dim3A_1683, %select_n3A_1681 : vector<16xi1>, vector<16xi32>
      %broadcast_in_dim3A_1704 = arith.constant 40 : i32
      %broadcast_in_dim3A_1705 = vector.broadcast %broadcast_in_dim3A_1704 : i32 to vector<16xi32>
      %add3A_1706 = arith.addi %mul3A_818, %broadcast_in_dim3A_1705 : vector<16xi32>
      %gather3A_1707 = tpu.vector_load_idx %arg7[%add3A_1706] : memref<16384xf32, #tpu.memory_space<vmem>>[vector<16xi32>], vector<16xf32>,
      %get3A_1708 = arith.constant 104 : i32
      %get3A_1709 = arith.index_cast %get3A_1708 : i32 to index
      %get3A_1710 = arith.constant 0 : index
      %get3A_1711 = tpu.vector_load %arg9[%get3A_1709, %get3A_1710] {strides = array<i32>} : memref<128x16xf32, #tpu.memory_space<vmem>>, vector<16xf32>,
      %mul3A_1712 = arith.mulf %gather3A_1707, %get3A_1711 : vector<16xf32>
      %get3A_1713 = arith.constant 40 : i32
      %get3A_1714 = arith.index_cast %get3A_1713 : i32 to index
      %get3A_1715 = arith.constant 0 : index
      %get3A_1716 = tpu.vector_load %arg9[%get3A_1714, %get3A_1715] {strides = array<i32>} : memref<128x16xf32, #tpu.memory_space<vmem>>, vector<16xf32>,
      %add3A_1717 = arith.addf %mul3A_1712, %get3A_1716 : vector<16xf32>
      %gt3A_1718 = arith.cmpf ogt, %add3A_1717, %select_n3A_1702 : vector<16xf32>
      %gt3A_1719 = arith.cmpf ogt, %add3A_1717, %select_n3A_1699 : vector<16xf32>
      %select_n3A_1720 = arith.select %gt3A_1719, %add3A_1717, %select_n3A_1699 : vector<16xi1>, vector<16xf32>
      %select_n3A_1721 = arith.select %gt3A_1718, %select_n3A_1702, %select_n3A_1720 : vector<16xi1>, vector<16xf32>
      %select_n3A_1722 = arith.select %gt3A_1719, %broadcast_in_dim3A_1705, %select_n3A_1701 : vector<16xi1>, vector<16xi32>
      %select_n3A_1723 = arith.select %gt3A_1718, %select_n3A_1703, %select_n3A_1722 : vector<16xi1>, vector<16xi32>
      %select_n3A_1724 = arith.select %gt3A_1718, %add3A_1717, %select_n3A_1702 : vector<16xi1>, vector<16xf32>
      %select_n3A_1725 = arith.select %gt3A_1718, %broadcast_in_dim3A_1705, %select_n3A_1703 : vector<16xi1>, vector<16xi32>
      %broadcast_in_dim3A_1726 = arith.constant 41 : i32
      %broadcast_in_dim3A_1727 = vector.broadcast %broadcast_in_dim3A_1726 : i32 to vector<16xi32>
      %add3A_1728 = arith.addi %mul3A_818, %broadcast_in_dim3A_1727 : vector<16xi32>
      %gather3A_1729 = tpu.vector_load_idx %arg7[%add3A_1728] : memref<16384xf32, #tpu.memory_space<vmem>>[vector<16xi32>], vector<16xf32>,
      %get3A_1730 = arith.constant 105 : i32
      %get3A_1731 = arith.index_cast %get3A_1730 : i32 to index
      %get3A_1732 = arith.constant 0 : index
      %get3A_1733 = tpu.vector_load %arg9[%get3A_1731, %get3A_1732] {strides = array<i32>} : memref<128x16xf32, #tpu.memory_space<vmem>>, vector<16xf32>,
      %mul3A_1734 = arith.mulf %gather3A_1729, %get3A_1733 : vector<16xf32>
      %get3A_1735 = arith.constant 41 : i32
      %get3A_1736 = arith.index_cast %get3A_1735 : i32 to index
      %get3A_1737 = arith.constant 0 : index
      %get3A_1738 = tpu.vector_load %arg9[%get3A_1736, %get3A_1737] {strides = array<i32>} : memref<128x16xf32, #tpu.memory_space<vmem>>, vector<16xf32>,
      %add3A_1739 = arith.addf %mul3A_1734, %get3A_1738 : vector<16xf32>
      %gt3A_1740 = arith.cmpf ogt, %add3A_1739, %select_n3A_1724 : vector<16xf32>
      %gt3A_1741 = arith.cmpf ogt, %add3A_1739, %select_n3A_1721 : vector<16xf32>
      %select_n3A_1742 = arith.select %gt3A_1741, %add3A_1739, %select_n3A_1721 : vector<16xi1>, vector<16xf32>
      %select_n3A_1743 = arith.select %gt3A_1740, %select_n3A_1724, %select_n3A_1742 : vector<16xi1>, vector<16xf32>
      %select_n3A_1744 = arith.select %gt3A_1741, %broadcast_in_dim3A_1727, %select_n3A_1723 : vector<16xi1>, vector<16xi32>
      %select_n3A_1745 = arith.select %gt3A_1740, %select_n3A_1725, %select_n3A_1744 : vector<16xi1>, vector<16xi32>
      %select_n3A_1746 = arith.select %gt3A_1740, %add3A_1739, %select_n3A_1724 : vector<16xi1>, vector<16xf32>
      %select_n3A_1747 = arith.select %gt3A_1740, %broadcast_in_dim3A_1727, %select_n3A_1725 : vector<16xi1>, vector<16xi32>
      %broadcast_in_dim3A_1748 = arith.constant 42 : i32
      %broadcast_in_dim3A_1749 = vector.broadcast %broadcast_in_dim3A_1748 : i32 to vector<16xi32>
      %add3A_1750 = arith.addi %mul3A_818, %broadcast_in_dim3A_1749 : vector<16xi32>
      %gather3A_1751 = tpu.vector_load_idx %arg7[%add3A_1750] : memref<16384xf32, #tpu.memory_space<vmem>>[vector<16xi32>], vector<16xf32>,
      %get3A_1752 = arith.constant 106 : i32
      %get3A_1753 = arith.index_cast %get3A_1752 : i32 to index
      %get3A_1754 = arith.constant 0 : index
      %get3A_1755 = tpu.vector_load %arg9[%get3A_1753, %get3A_1754] {strides = array<i32>} : memref<128x16xf32, #tpu.memory_space<vmem>>, vector<16xf32>,
      %mul3A_1756 = arith.mulf %gather3A_1751, %get3A_1755 : vector<16xf32>
      %get3A_1757 = arith.constant 42 : i32
      %get3A_1758 = arith.index_cast %get3A_1757 : i32 to index
      %get3A_1759 = arith.constant 0 : index
      %get3A_1760 = tpu.vector_load %arg9[%get3A_1758, %get3A_1759] {strides = array<i32>} : memref<128x16xf32, #tpu.memory_space<vmem>>, vector<16xf32>,
      %add3A_1761 = arith.addf %mul3A_1756, %get3A_1760 : vector<16xf32>
      %gt3A_1762 = arith.cmpf ogt, %add3A_1761, %select_n3A_1746 : vector<16xf32>
      %gt3A_1763 = arith.cmpf ogt, %add3A_1761, %select_n3A_1743 : vector<16xf32>
      %select_n3A_1764 = arith.select %gt3A_1763, %add3A_1761, %select_n3A_1743 : vector<16xi1>, vector<16xf32>
      %select_n3A_1765 = arith.select %gt3A_1762, %select_n3A_1746, %select_n3A_1764 : vector<16xi1>, vector<16xf32>
      %select_n3A_1766 = arith.select %gt3A_1763, %broadcast_in_dim3A_1749, %select_n3A_1745 : vector<16xi1>, vector<16xi32>
      %select_n3A_1767 = arith.select %gt3A_1762, %select_n3A_1747, %select_n3A_1766 : vector<16xi1>, vector<16xi32>
      %select_n3A_1768 = arith.select %gt3A_1762, %add3A_1761, %select_n3A_1746 : vector<16xi1>, vector<16xf32>
      %select_n3A_1769 = arith.select %gt3A_1762, %broadcast_in_dim3A_1749, %select_n3A_1747 : vector<16xi1>, vector<16xi32>
      %broadcast_in_dim3A_1770 = arith.constant 43 : i32
      %broadcast_in_dim3A_1771 = vector.broadcast %broadcast_in_dim3A_1770 : i32 to vector<16xi32>
      %add3A_1772 = arith.addi %mul3A_818, %broadcast_in_dim3A_1771 : vector<16xi32>
      %gather3A_1773 = tpu.vector_load_idx %arg7[%add3A_1772] : memref<16384xf32, #tpu.memory_space<vmem>>[vector<16xi32>], vector<16xf32>,
      %get3A_1774 = arith.constant 107 : i32
      %get3A_1775 = arith.index_cast %get3A_1774 : i32 to index
      %get3A_1776 = arith.constant 0 : index
      %get3A_1777 = tpu.vector_load %arg9[%get3A_1775, %get3A_1776] {strides = array<i32>} : memref<128x16xf32, #tpu.memory_space<vmem>>, vector<16xf32>,
      %mul3A_1778 = arith.mulf %gather3A_1773, %get3A_1777 : vector<16xf32>
      %get3A_1779 = arith.constant 43 : i32
      %get3A_1780 = arith.index_cast %get3A_1779 : i32 to index
      %get3A_1781 = arith.constant 0 : index
      %get3A_1782 = tpu.vector_load %arg9[%get3A_1780, %get3A_1781] {strides = array<i32>} : memref<128x16xf32, #tpu.memory_space<vmem>>, vector<16xf32>,
      %add3A_1783 = arith.addf %mul3A_1778, %get3A_1782 : vector<16xf32>
      %gt3A_1784 = arith.cmpf ogt, %add3A_1783, %select_n3A_1768 : vector<16xf32>
      %gt3A_1785 = arith.cmpf ogt, %add3A_1783, %select_n3A_1765 : vector<16xf32>
      %select_n3A_1786 = arith.select %gt3A_1785, %add3A_1783, %select_n3A_1765 : vector<16xi1>, vector<16xf32>
      %select_n3A_1787 = arith.select %gt3A_1784, %select_n3A_1768, %select_n3A_1786 : vector<16xi1>, vector<16xf32>
      %select_n3A_1788 = arith.select %gt3A_1785, %broadcast_in_dim3A_1771, %select_n3A_1767 : vector<16xi1>, vector<16xi32>
      %select_n3A_1789 = arith.select %gt3A_1784, %select_n3A_1769, %select_n3A_1788 : vector<16xi1>, vector<16xi32>
      %select_n3A_1790 = arith.select %gt3A_1784, %add3A_1783, %select_n3A_1768 : vector<16xi1>, vector<16xf32>
      %select_n3A_1791 = arith.select %gt3A_1784, %broadcast_in_dim3A_1771, %select_n3A_1769 : vector<16xi1>, vector<16xi32>
      %broadcast_in_dim3A_1792 = arith.constant 44 : i32
      %broadcast_in_dim3A_1793 = vector.broadcast %broadcast_in_dim3A_1792 : i32 to vector<16xi32>
      %add3A_1794 = arith.addi %mul3A_818, %broadcast_in_dim3A_1793 : vector<16xi32>
      %gather3A_1795 = tpu.vector_load_idx %arg7[%add3A_1794] : memref<16384xf32, #tpu.memory_space<vmem>>[vector<16xi32>], vector<16xf32>,
      %get3A_1796 = arith.constant 108 : i32
      %get3A_1797 = arith.index_cast %get3A_1796 : i32 to index
      %get3A_1798 = arith.constant 0 : index
      %get3A_1799 = tpu.vector_load %arg9[%get3A_1797, %get3A_1798] {strides = array<i32>} : memref<128x16xf32, #tpu.memory_space<vmem>>, vector<16xf32>,
      %mul3A_1800 = arith.mulf %gather3A_1795, %get3A_1799 : vector<16xf32>
      %get3A_1801 = arith.constant 44 : i32
      %get3A_1802 = arith.index_cast %get3A_1801 : i32 to index
      %get3A_1803 = arith.constant 0 : index
      %get3A_1804 = tpu.vector_load %arg9[%get3A_1802, %get3A_1803] {strides = array<i32>} : memref<128x16xf32, #tpu.memory_space<vmem>>, vector<16xf32>,
      %add3A_1805 = arith.addf %mul3A_1800, %get3A_1804 : vector<16xf32>
      %gt3A_1806 = arith.cmpf ogt, %add3A_1805, %select_n3A_1790 : vector<16xf32>
      %gt3A_1807 = arith.cmpf ogt, %add3A_1805, %select_n3A_1787 : vector<16xf32>
      %select_n3A_1808 = arith.select %gt3A_1807, %add3A_1805, %select_n3A_1787 : vector<16xi1>, vector<16xf32>
      %select_n3A_1809 = arith.select %gt3A_1806, %select_n3A_1790, %select_n3A_1808 : vector<16xi1>, vector<16xf32>
      %select_n3A_1810 = arith.select %gt3A_1807, %broadcast_in_dim3A_1793, %select_n3A_1789 : vector<16xi1>, vector<16xi32>
      %select_n3A_1811 = arith.select %gt3A_1806, %select_n3A_1791, %select_n3A_1810 : vector<16xi1>, vector<16xi32>
      %select_n3A_1812 = arith.select %gt3A_1806, %add3A_1805, %select_n3A_1790 : vector<16xi1>, vector<16xf32>
      %select_n3A_1813 = arith.select %gt3A_1806, %broadcast_in_dim3A_1793, %select_n3A_1791 : vector<16xi1>, vector<16xi32>
      %broadcast_in_dim3A_1814 = arith.constant 45 : i32
      %broadcast_in_dim3A_1815 = vector.broadcast %broadcast_in_dim3A_1814 : i32 to vector<16xi32>
      %add3A_1816 = arith.addi %mul3A_818, %broadcast_in_dim3A_1815 : vector<16xi32>
      %gather3A_1817 = tpu.vector_load_idx %arg7[%add3A_1816] : memref<16384xf32, #tpu.memory_space<vmem>>[vector<16xi32>], vector<16xf32>,
      %get3A_1818 = arith.constant 109 : i32
      %get3A_1819 = arith.index_cast %get3A_1818 : i32 to index
      %get3A_1820 = arith.constant 0 : index
      %get3A_1821 = tpu.vector_load %arg9[%get3A_1819, %get3A_1820] {strides = array<i32>} : memref<128x16xf32, #tpu.memory_space<vmem>>, vector<16xf32>,
      %mul3A_1822 = arith.mulf %gather3A_1817, %get3A_1821 : vector<16xf32>
      %get3A_1823 = arith.constant 45 : i32
      %get3A_1824 = arith.index_cast %get3A_1823 : i32 to index
      %get3A_1825 = arith.constant 0 : index
      %get3A_1826 = tpu.vector_load %arg9[%get3A_1824, %get3A_1825] {strides = array<i32>} : memref<128x16xf32, #tpu.memory_space<vmem>>, vector<16xf32>,
      %add3A_1827 = arith.addf %mul3A_1822, %get3A_1826 : vector<16xf32>
      %gt3A_1828 = arith.cmpf ogt, %add3A_1827, %select_n3A_1812 : vector<16xf32>
      %gt3A_1829 = arith.cmpf ogt, %add3A_1827, %select_n3A_1809 : vector<16xf32>
      %select_n3A_1830 = arith.select %gt3A_1829, %add3A_1827, %select_n3A_1809 : vector<16xi1>, vector<16xf32>
      %select_n3A_1831 = arith.select %gt3A_1828, %select_n3A_1812, %select_n3A_1830 : vector<16xi1>, vector<16xf32>
      %select_n3A_1832 = arith.select %gt3A_1829, %broadcast_in_dim3A_1815, %select_n3A_1811 : vector<16xi1>, vector<16xi32>
      %select_n3A_1833 = arith.select %gt3A_1828, %select_n3A_1813, %select_n3A_1832 : vector<16xi1>, vector<16xi32>
      %select_n3A_1834 = arith.select %gt3A_1828, %add3A_1827, %select_n3A_1812 : vector<16xi1>, vector<16xf32>
      %select_n3A_1835 = arith.select %gt3A_1828, %broadcast_in_dim3A_1815, %select_n3A_1813 : vector<16xi1>, vector<16xi32>
      %broadcast_in_dim3A_1836 = arith.constant 46 : i32
      %broadcast_in_dim3A_1837 = vector.broadcast %broadcast_in_dim3A_1836 : i32 to vector<16xi32>
      %add3A_1838 = arith.addi %mul3A_818, %broadcast_in_dim3A_1837 : vector<16xi32>
      %gather3A_1839 = tpu.vector_load_idx %arg7[%add3A_1838] : memref<16384xf32, #tpu.memory_space<vmem>>[vector<16xi32>], vector<16xf32>,
      %get3A_1840 = arith.constant 110 : i32
      %get3A_1841 = arith.index_cast %get3A_1840 : i32 to index
      %get3A_1842 = arith.constant 0 : index
      %get3A_1843 = tpu.vector_load %arg9[%get3A_1841, %get3A_1842] {strides = array<i32>} : memref<128x16xf32, #tpu.memory_space<vmem>>, vector<16xf32>,
      %mul3A_1844 = arith.mulf %gather3A_1839, %get3A_1843 : vector<16xf32>
      %get3A_1845 = arith.constant 46 : i32
      %get3A_1846 = arith.index_cast %get3A_1845 : i32 to index
      %get3A_1847 = arith.constant 0 : index
      %get3A_1848 = tpu.vector_load %arg9[%get3A_1846, %get3A_1847] {strides = array<i32>} : memref<128x16xf32, #tpu.memory_space<vmem>>, vector<16xf32>,
      %add3A_1849 = arith.addf %mul3A_1844, %get3A_1848 : vector<16xf32>
      %gt3A_1850 = arith.cmpf ogt, %add3A_1849, %select_n3A_1834 : vector<16xf32>
      %gt3A_1851 = arith.cmpf ogt, %add3A_1849, %select_n3A_1831 : vector<16xf32>
      %select_n3A_1852 = arith.select %gt3A_1851, %add3A_1849, %select_n3A_1831 : vector<16xi1>, vector<16xf32>
      %select_n3A_1853 = arith.select %gt3A_1850, %select_n3A_1834, %select_n3A_1852 : vector<16xi1>, vector<16xf32>
      %select_n3A_1854 = arith.select %gt3A_1851, %broadcast_in_dim3A_1837, %select_n3A_1833 : vector<16xi1>, vector<16xi32>
      %select_n3A_1855 = arith.select %gt3A_1850, %select_n3A_1835, %select_n3A_1854 : vector<16xi1>, vector<16xi32>
      %select_n3A_1856 = arith.select %gt3A_1850, %add3A_1849, %select_n3A_1834 : vector<16xi1>, vector<16xf32>
      %select_n3A_1857 = arith.select %gt3A_1850, %broadcast_in_dim3A_1837, %select_n3A_1835 : vector<16xi1>, vector<16xi32>
      %broadcast_in_dim3A_1858 = arith.constant 47 : i32
      %broadcast_in_dim3A_1859 = vector.broadcast %broadcast_in_dim3A_1858 : i32 to vector<16xi32>
      %add3A_1860 = arith.addi %mul3A_818, %broadcast_in_dim3A_1859 : vector<16xi32>
      %gather3A_1861 = tpu.vector_load_idx %arg7[%add3A_1860] : memref<16384xf32, #tpu.memory_space<vmem>>[vector<16xi32>], vector<16xf32>,
      %get3A_1862 = arith.constant 111 : i32
      %get3A_1863 = arith.index_cast %get3A_1862 : i32 to index
      %get3A_1864 = arith.constant 0 : index
      %get3A_1865 = tpu.vector_load %arg9[%get3A_1863, %get3A_1864] {strides = array<i32>} : memref<128x16xf32, #tpu.memory_space<vmem>>, vector<16xf32>,
      %mul3A_1866 = arith.mulf %gather3A_1861, %get3A_1865 : vector<16xf32>
      %get3A_1867 = arith.constant 47 : i32
      %get3A_1868 = arith.index_cast %get3A_1867 : i32 to index
      %get3A_1869 = arith.constant 0 : index
      %get3A_1870 = tpu.vector_load %arg9[%get3A_1868, %get3A_1869] {strides = array<i32>} : memref<128x16xf32, #tpu.memory_space<vmem>>, vector<16xf32>,
      %add3A_1871 = arith.addf %mul3A_1866, %get3A_1870 : vector<16xf32>
      %gt3A_1872 = arith.cmpf ogt, %add3A_1871, %select_n3A_1856 : vector<16xf32>
      %gt3A_1873 = arith.cmpf ogt, %add3A_1871, %select_n3A_1853 : vector<16xf32>
      %select_n3A_1874 = arith.select %gt3A_1873, %add3A_1871, %select_n3A_1853 : vector<16xi1>, vector<16xf32>
      %select_n3A_1875 = arith.select %gt3A_1872, %select_n3A_1856, %select_n3A_1874 : vector<16xi1>, vector<16xf32>
      %select_n3A_1876 = arith.select %gt3A_1873, %broadcast_in_dim3A_1859, %select_n3A_1855 : vector<16xi1>, vector<16xi32>
      %select_n3A_1877 = arith.select %gt3A_1872, %select_n3A_1857, %select_n3A_1876 : vector<16xi1>, vector<16xi32>
      %select_n3A_1878 = arith.select %gt3A_1872, %add3A_1871, %select_n3A_1856 : vector<16xi1>, vector<16xf32>
      %select_n3A_1879 = arith.select %gt3A_1872, %broadcast_in_dim3A_1859, %select_n3A_1857 : vector<16xi1>, vector<16xi32>
      %broadcast_in_dim3A_1880 = arith.constant 48 : i32
      %broadcast_in_dim3A_1881 = vector.broadcast %broadcast_in_dim3A_1880 : i32 to vector<16xi32>
      %add3A_1882 = arith.addi %mul3A_818, %broadcast_in_dim3A_1881 : vector<16xi32>
      %gather3A_1883 = tpu.vector_load_idx %arg7[%add3A_1882] : memref<16384xf32, #tpu.memory_space<vmem>>[vector<16xi32>], vector<16xf32>,
      %get3A_1884 = arith.constant 112 : i32
      %get3A_1885 = arith.index_cast %get3A_1884 : i32 to index
      %get3A_1886 = arith.constant 0 : index
      %get3A_1887 = tpu.vector_load %arg9[%get3A_1885, %get3A_1886] {strides = array<i32>} : memref<128x16xf32, #tpu.memory_space<vmem>>, vector<16xf32>,
      %mul3A_1888 = arith.mulf %gather3A_1883, %get3A_1887 : vector<16xf32>
      %get3A_1889 = arith.constant 48 : i32
      %get3A_1890 = arith.index_cast %get3A_1889 : i32 to index
      %get3A_1891 = arith.constant 0 : index
      %get3A_1892 = tpu.vector_load %arg9[%get3A_1890, %get3A_1891] {strides = array<i32>} : memref<128x16xf32, #tpu.memory_space<vmem>>, vector<16xf32>,
      %add3A_1893 = arith.addf %mul3A_1888, %get3A_1892 : vector<16xf32>
      %gt3A_1894 = arith.cmpf ogt, %add3A_1893, %select_n3A_1878 : vector<16xf32>
      %gt3A_1895 = arith.cmpf ogt, %add3A_1893, %select_n3A_1875 : vector<16xf32>
      %select_n3A_1896 = arith.select %gt3A_1895, %add3A_1893, %select_n3A_1875 : vector<16xi1>, vector<16xf32>
      %select_n3A_1897 = arith.select %gt3A_1894, %select_n3A_1878, %select_n3A_1896 : vector<16xi1>, vector<16xf32>
      %select_n3A_1898 = arith.select %gt3A_1895, %broadcast_in_dim3A_1881, %select_n3A_1877 : vector<16xi1>, vector<16xi32>
      %select_n3A_1899 = arith.select %gt3A_1894, %select_n3A_1879, %select_n3A_1898 : vector<16xi1>, vector<16xi32>
      %select_n3A_1900 = arith.select %gt3A_1894, %add3A_1893, %select_n3A_1878 : vector<16xi1>, vector<16xf32>
      %select_n3A_1901 = arith.select %gt3A_1894, %broadcast_in_dim3A_1881, %select_n3A_1879 : vector<16xi1>, vector<16xi32>
      %broadcast_in_dim3A_1902 = arith.constant 49 : i32
      %broadcast_in_dim3A_1903 = vector.broadcast %broadcast_in_dim3A_1902 : i32 to vector<16xi32>
      %add3A_1904 = arith.addi %mul3A_818, %broadcast_in_dim3A_1903 : vector<16xi32>
      %gather3A_1905 = tpu.vector_load_idx %arg7[%add3A_1904] : memref<16384xf32, #tpu.memory_space<vmem>>[vector<16xi32>], vector<16xf32>,
      %get3A_1906 = arith.constant 113 : i32
      %get3A_1907 = arith.index_cast %get3A_1906 : i32 to index
      %get3A_1908 = arith.constant 0 : index
      %get3A_1909 = tpu.vector_load %arg9[%get3A_1907, %get3A_1908] {strides = array<i32>} : memref<128x16xf32, #tpu.memory_space<vmem>>, vector<16xf32>,
      %mul3A_1910 = arith.mulf %gather3A_1905, %get3A_1909 : vector<16xf32>
      %get3A_1911 = arith.constant 49 : i32
      %get3A_1912 = arith.index_cast %get3A_1911 : i32 to index
      %get3A_1913 = arith.constant 0 : index
      %get3A_1914 = tpu.vector_load %arg9[%get3A_1912, %get3A_1913] {strides = array<i32>} : memref<128x16xf32, #tpu.memory_space<vmem>>, vector<16xf32>,
      %add3A_1915 = arith.addf %mul3A_1910, %get3A_1914 : vector<16xf32>
      %gt3A_1916 = arith.cmpf ogt, %add3A_1915, %select_n3A_1900 : vector<16xf32>
      %gt3A_1917 = arith.cmpf ogt, %add3A_1915, %select_n3A_1897 : vector<16xf32>
      %select_n3A_1918 = arith.select %gt3A_1917, %add3A_1915, %select_n3A_1897 : vector<16xi1>, vector<16xf32>
      %select_n3A_1919 = arith.select %gt3A_1916, %select_n3A_1900, %select_n3A_1918 : vector<16xi1>, vector<16xf32>
      %select_n3A_1920 = arith.select %gt3A_1917, %broadcast_in_dim3A_1903, %select_n3A_1899 : vector<16xi1>, vector<16xi32>
      %select_n3A_1921 = arith.select %gt3A_1916, %select_n3A_1901, %select_n3A_1920 : vector<16xi1>, vector<16xi32>
      %select_n3A_1922 = arith.select %gt3A_1916, %add3A_1915, %select_n3A_1900 : vector<16xi1>, vector<16xf32>
      %select_n3A_1923 = arith.select %gt3A_1916, %broadcast_in_dim3A_1903, %select_n3A_1901 : vector<16xi1>, vector<16xi32>
      %broadcast_in_dim3A_1924 = arith.constant 50 : i32
      %broadcast_in_dim3A_1925 = vector.broadcast %broadcast_in_dim3A_1924 : i32 to vector<16xi32>
      %add3A_1926 = arith.addi %mul3A_818, %broadcast_in_dim3A_1925 : vector<16xi32>
      %gather3A_1927 = tpu.vector_load_idx %arg7[%add3A_1926] : memref<16384xf32, #tpu.memory_space<vmem>>[vector<16xi32>], vector<16xf32>,
      %get3A_1928 = arith.constant 114 : i32
      %get3A_1929 = arith.index_cast %get3A_1928 : i32 to index
      %get3A_1930 = arith.constant 0 : index
      %get3A_1931 = tpu.vector_load %arg9[%get3A_1929, %get3A_1930] {strides = array<i32>} : memref<128x16xf32, #tpu.memory_space<vmem>>, vector<16xf32>,
      %mul3A_1932 = arith.mulf %gather3A_1927, %get3A_1931 : vector<16xf32>
      %get3A_1933 = arith.constant 50 : i32
      %get3A_1934 = arith.index_cast %get3A_1933 : i32 to index
      %get3A_1935 = arith.constant 0 : index
      %get3A_1936 = tpu.vector_load %arg9[%get3A_1934, %get3A_1935] {strides = array<i32>} : memref<128x16xf32, #tpu.memory_space<vmem>>, vector<16xf32>,
      %add3A_1937 = arith.addf %mul3A_1932, %get3A_1936 : vector<16xf32>
      %gt3A_1938 = arith.cmpf ogt, %add3A_1937, %select_n3A_1922 : vector<16xf32>
      %gt3A_1939 = arith.cmpf ogt, %add3A_1937, %select_n3A_1919 : vector<16xf32>
      %select_n3A_1940 = arith.select %gt3A_1939, %add3A_1937, %select_n3A_1919 : vector<16xi1>, vector<16xf32>
      %select_n3A_1941 = arith.select %gt3A_1938, %select_n3A_1922, %select_n3A_1940 : vector<16xi1>, vector<16xf32>
      %select_n3A_1942 = arith.select %gt3A_1939, %broadcast_in_dim3A_1925, %select_n3A_1921 : vector<16xi1>, vector<16xi32>
      %select_n3A_1943 = arith.select %gt3A_1938, %select_n3A_1923, %select_n3A_1942 : vector<16xi1>, vector<16xi32>
      %select_n3A_1944 = arith.select %gt3A_1938, %add3A_1937, %select_n3A_1922 : vector<16xi1>, vector<16xf32>
      %select_n3A_1945 = arith.select %gt3A_1938, %broadcast_in_dim3A_1925, %select_n3A_1923 : vector<16xi1>, vector<16xi32>
      %broadcast_in_dim3A_1946 = arith.constant 51 : i32
      %broadcast_in_dim3A_1947 = vector.broadcast %broadcast_in_dim3A_1946 : i32 to vector<16xi32>
      %add3A_1948 = arith.addi %mul3A_818, %broadcast_in_dim3A_1947 : vector<16xi32>
      %gather3A_1949 = tpu.vector_load_idx %arg7[%add3A_1948] : memref<16384xf32, #tpu.memory_space<vmem>>[vector<16xi32>], vector<16xf32>,
      %get3A_1950 = arith.constant 115 : i32
      %get3A_1951 = arith.index_cast %get3A_1950 : i32 to index
      %get3A_1952 = arith.constant 0 : index
      %get3A_1953 = tpu.vector_load %arg9[%get3A_1951, %get3A_1952] {strides = array<i32>} : memref<128x16xf32, #tpu.memory_space<vmem>>, vector<16xf32>,
      %mul3A_1954 = arith.mulf %gather3A_1949, %get3A_1953 : vector<16xf32>
      %get3A_1955 = arith.constant 51 : i32
      %get3A_1956 = arith.index_cast %get3A_1955 : i32 to index
      %get3A_1957 = arith.constant 0 : index
      %get3A_1958 = tpu.vector_load %arg9[%get3A_1956, %get3A_1957] {strides = array<i32>} : memref<128x16xf32, #tpu.memory_space<vmem>>, vector<16xf32>,
      %add3A_1959 = arith.addf %mul3A_1954, %get3A_1958 : vector<16xf32>
      %gt3A_1960 = arith.cmpf ogt, %add3A_1959, %select_n3A_1944 : vector<16xf32>
      %gt3A_1961 = arith.cmpf ogt, %add3A_1959, %select_n3A_1941 : vector<16xf32>
      %select_n3A_1962 = arith.select %gt3A_1961, %add3A_1959, %select_n3A_1941 : vector<16xi1>, vector<16xf32>
      %select_n3A_1963 = arith.select %gt3A_1960, %select_n3A_1944, %select_n3A_1962 : vector<16xi1>, vector<16xf32>
      %select_n3A_1964 = arith.select %gt3A_1961, %broadcast_in_dim3A_1947, %select_n3A_1943 : vector<16xi1>, vector<16xi32>
      %select_n3A_1965 = arith.select %gt3A_1960, %select_n3A_1945, %select_n3A_1964 : vector<16xi1>, vector<16xi32>
      %select_n3A_1966 = arith.select %gt3A_1960, %add3A_1959, %select_n3A_1944 : vector<16xi1>, vector<16xf32>
      %select_n3A_1967 = arith.select %gt3A_1960, %broadcast_in_dim3A_1947, %select_n3A_1945 : vector<16xi1>, vector<16xi32>
      %broadcast_in_dim3A_1968 = arith.constant 52 : i32
      %broadcast_in_dim3A_1969 = vector.broadcast %broadcast_in_dim3A_1968 : i32 to vector<16xi32>
      %add3A_1970 = arith.addi %mul3A_818, %broadcast_in_dim3A_1969 : vector<16xi32>
      %gather3A_1971 = tpu.vector_load_idx %arg7[%add3A_1970] : memref<16384xf32, #tpu.memory_space<vmem>>[vector<16xi32>], vector<16xf32>,
      %get3A_1972 = arith.constant 116 : i32
      %get3A_1973 = arith.index_cast %get3A_1972 : i32 to index
      %get3A_1974 = arith.constant 0 : index
      %get3A_1975 = tpu.vector_load %arg9[%get3A_1973, %get3A_1974] {strides = array<i32>} : memref<128x16xf32, #tpu.memory_space<vmem>>, vector<16xf32>,
      %mul3A_1976 = arith.mulf %gather3A_1971, %get3A_1975 : vector<16xf32>
      %get3A_1977 = arith.constant 52 : i32
      %get3A_1978 = arith.index_cast %get3A_1977 : i32 to index
      %get3A_1979 = arith.constant 0 : index
      %get3A_1980 = tpu.vector_load %arg9[%get3A_1978, %get3A_1979] {strides = array<i32>} : memref<128x16xf32, #tpu.memory_space<vmem>>, vector<16xf32>,
      %add3A_1981 = arith.addf %mul3A_1976, %get3A_1980 : vector<16xf32>
      %gt3A_1982 = arith.cmpf ogt, %add3A_1981, %select_n3A_1966 : vector<16xf32>
      %gt3A_1983 = arith.cmpf ogt, %add3A_1981, %select_n3A_1963 : vector<16xf32>
      %select_n3A_1984 = arith.select %gt3A_1983, %add3A_1981, %select_n3A_1963 : vector<16xi1>, vector<16xf32>
      %select_n3A_1985 = arith.select %gt3A_1982, %select_n3A_1966, %select_n3A_1984 : vector<16xi1>, vector<16xf32>
      %select_n3A_1986 = arith.select %gt3A_1983, %broadcast_in_dim3A_1969, %select_n3A_1965 : vector<16xi1>, vector<16xi32>
      %select_n3A_1987 = arith.select %gt3A_1982, %select_n3A_1967, %select_n3A_1986 : vector<16xi1>, vector<16xi32>
      %select_n3A_1988 = arith.select %gt3A_1982, %add3A_1981, %select_n3A_1966 : vector<16xi1>, vector<16xf32>
      %select_n3A_1989 = arith.select %gt3A_1982, %broadcast_in_dim3A_1969, %select_n3A_1967 : vector<16xi1>, vector<16xi32>
      %broadcast_in_dim3A_1990 = arith.constant 53 : i32
      %broadcast_in_dim3A_1991 = vector.broadcast %broadcast_in_dim3A_1990 : i32 to vector<16xi32>
      %add3A_1992 = arith.addi %mul3A_818, %broadcast_in_dim3A_1991 : vector<16xi32>
      %gather3A_1993 = tpu.vector_load_idx %arg7[%add3A_1992] : memref<16384xf32, #tpu.memory_space<vmem>>[vector<16xi32>], vector<16xf32>,
      %get3A_1994 = arith.constant 117 : i32
      %get3A_1995 = arith.index_cast %get3A_1994 : i32 to index
      %get3A_1996 = arith.constant 0 : index
      %get3A_1997 = tpu.vector_load %arg9[%get3A_1995, %get3A_1996] {strides = array<i32>} : memref<128x16xf32, #tpu.memory_space<vmem>>, vector<16xf32>,
      %mul3A_1998 = arith.mulf %gather3A_1993, %get3A_1997 : vector<16xf32>
      %get3A_1999 = arith.constant 53 : i32
      %get3A_2000 = arith.index_cast %get3A_1999 : i32 to index
      %get3A_2001 = arith.constant 0 : index
      %get3A_2002 = tpu.vector_load %arg9[%get3A_2000, %get3A_2001] {strides = array<i32>} : memref<128x16xf32, #tpu.memory_space<vmem>>, vector<16xf32>,
      %add3A_2003 = arith.addf %mul3A_1998, %get3A_2002 : vector<16xf32>
      %gt3A_2004 = arith.cmpf ogt, %add3A_2003, %select_n3A_1988 : vector<16xf32>
      %gt3A_2005 = arith.cmpf ogt, %add3A_2003, %select_n3A_1985 : vector<16xf32>
      %select_n3A_2006 = arith.select %gt3A_2005, %add3A_2003, %select_n3A_1985 : vector<16xi1>, vector<16xf32>
      %select_n3A_2007 = arith.select %gt3A_2004, %select_n3A_1988, %select_n3A_2006 : vector<16xi1>, vector<16xf32>
      %select_n3A_2008 = arith.select %gt3A_2005, %broadcast_in_dim3A_1991, %select_n3A_1987 : vector<16xi1>, vector<16xi32>
      %select_n3A_2009 = arith.select %gt3A_2004, %select_n3A_1989, %select_n3A_2008 : vector<16xi1>, vector<16xi32>
      %select_n3A_2010 = arith.select %gt3A_2004, %add3A_2003, %select_n3A_1988 : vector<16xi1>, vector<16xf32>
      %select_n3A_2011 = arith.select %gt3A_2004, %broadcast_in_dim3A_1991, %select_n3A_1989 : vector<16xi1>, vector<16xi32>
      %broadcast_in_dim3A_2012 = arith.constant 54 : i32
      %broadcast_in_dim3A_2013 = vector.broadcast %broadcast_in_dim3A_2012 : i32 to vector<16xi32>
      %add3A_2014 = arith.addi %mul3A_818, %broadcast_in_dim3A_2013 : vector<16xi32>
      %gather3A_2015 = tpu.vector_load_idx %arg7[%add3A_2014] : memref<16384xf32, #tpu.memory_space<vmem>>[vector<16xi32>], vector<16xf32>,
      %get3A_2016 = arith.constant 118 : i32
      %get3A_2017 = arith.index_cast %get3A_2016 : i32 to index
      %get3A_2018 = arith.constant 0 : index
      %get3A_2019 = tpu.vector_load %arg9[%get3A_2017, %get3A_2018] {strides = array<i32>} : memref<128x16xf32, #tpu.memory_space<vmem>>, vector<16xf32>,
      %mul3A_2020 = arith.mulf %gather3A_2015, %get3A_2019 : vector<16xf32>
      %get3A_2021 = arith.constant 54 : i32
      %get3A_2022 = arith.index_cast %get3A_2021 : i32 to index
      %get3A_2023 = arith.constant 0 : index
      %get3A_2024 = tpu.vector_load %arg9[%get3A_2022, %get3A_2023] {strides = array<i32>} : memref<128x16xf32, #tpu.memory_space<vmem>>, vector<16xf32>,
      %add3A_2025 = arith.addf %mul3A_2020, %get3A_2024 : vector<16xf32>
      %gt3A_2026 = arith.cmpf ogt, %add3A_2025, %select_n3A_2010 : vector<16xf32>
      %gt3A_2027 = arith.cmpf ogt, %add3A_2025, %select_n3A_2007 : vector<16xf32>
      %select_n3A_2028 = arith.select %gt3A_2027, %add3A_2025, %select_n3A_2007 : vector<16xi1>, vector<16xf32>
      %select_n3A_2029 = arith.select %gt3A_2026, %select_n3A_2010, %select_n3A_2028 : vector<16xi1>, vector<16xf32>
      %select_n3A_2030 = arith.select %gt3A_2027, %broadcast_in_dim3A_2013, %select_n3A_2009 : vector<16xi1>, vector<16xi32>
      %select_n3A_2031 = arith.select %gt3A_2026, %select_n3A_2011, %select_n3A_2030 : vector<16xi1>, vector<16xi32>
      %select_n3A_2032 = arith.select %gt3A_2026, %add3A_2025, %select_n3A_2010 : vector<16xi1>, vector<16xf32>
      %select_n3A_2033 = arith.select %gt3A_2026, %broadcast_in_dim3A_2013, %select_n3A_2011 : vector<16xi1>, vector<16xi32>
      %broadcast_in_dim3A_2034 = arith.constant 55 : i32
      %broadcast_in_dim3A_2035 = vector.broadcast %broadcast_in_dim3A_2034 : i32 to vector<16xi32>
      %add3A_2036 = arith.addi %mul3A_818, %broadcast_in_dim3A_2035 : vector<16xi32>
      %gather3A_2037 = tpu.vector_load_idx %arg7[%add3A_2036] : memref<16384xf32, #tpu.memory_space<vmem>>[vector<16xi32>], vector<16xf32>,
      %get3A_2038 = arith.constant 119 : i32
      %get3A_2039 = arith.index_cast %get3A_2038 : i32 to index
      %get3A_2040 = arith.constant 0 : index
      %get3A_2041 = tpu.vector_load %arg9[%get3A_2039, %get3A_2040] {strides = array<i32>} : memref<128x16xf32, #tpu.memory_space<vmem>>, vector<16xf32>,
      %mul3A_2042 = arith.mulf %gather3A_2037, %get3A_2041 : vector<16xf32>
      %get3A_2043 = arith.constant 55 : i32
      %get3A_2044 = arith.index_cast %get3A_2043 : i32 to index
      %get3A_2045 = arith.constant 0 : index
      %get3A_2046 = tpu.vector_load %arg9[%get3A_2044, %get3A_2045] {strides = array<i32>} : memref<128x16xf32, #tpu.memory_space<vmem>>, vector<16xf32>,
      %add3A_2047 = arith.addf %mul3A_2042, %get3A_2046 : vector<16xf32>
      %gt3A_2048 = arith.cmpf ogt, %add3A_2047, %select_n3A_2032 : vector<16xf32>
      %gt3A_2049 = arith.cmpf ogt, %add3A_2047, %select_n3A_2029 : vector<16xf32>
      %select_n3A_2050 = arith.select %gt3A_2049, %add3A_2047, %select_n3A_2029 : vector<16xi1>, vector<16xf32>
      %select_n3A_2051 = arith.select %gt3A_2048, %select_n3A_2032, %select_n3A_2050 : vector<16xi1>, vector<16xf32>
      %select_n3A_2052 = arith.select %gt3A_2049, %broadcast_in_dim3A_2035, %select_n3A_2031 : vector<16xi1>, vector<16xi32>
      %select_n3A_2053 = arith.select %gt3A_2048, %select_n3A_2033, %select_n3A_2052 : vector<16xi1>, vector<16xi32>
      %select_n3A_2054 = arith.select %gt3A_2048, %add3A_2047, %select_n3A_2032 : vector<16xi1>, vector<16xf32>
      %select_n3A_2055 = arith.select %gt3A_2048, %broadcast_in_dim3A_2035, %select_n3A_2033 : vector<16xi1>, vector<16xi32>
      %broadcast_in_dim3A_2056 = arith.constant 56 : i32
      %broadcast_in_dim3A_2057 = vector.broadcast %broadcast_in_dim3A_2056 : i32 to vector<16xi32>
      %add3A_2058 = arith.addi %mul3A_818, %broadcast_in_dim3A_2057 : vector<16xi32>
      %gather3A_2059 = tpu.vector_load_idx %arg7[%add3A_2058] : memref<16384xf32, #tpu.memory_space<vmem>>[vector<16xi32>], vector<16xf32>,
      %get3A_2060 = arith.constant 120 : i32
      %get3A_2061 = arith.index_cast %get3A_2060 : i32 to index
      %get3A_2062 = arith.constant 0 : index
      %get3A_2063 = tpu.vector_load %arg9[%get3A_2061, %get3A_2062] {strides = array<i32>} : memref<128x16xf32, #tpu.memory_space<vmem>>, vector<16xf32>,
      %mul3A_2064 = arith.mulf %gather3A_2059, %get3A_2063 : vector<16xf32>
      %get3A_2065 = arith.constant 56 : i32
      %get3A_2066 = arith.index_cast %get3A_2065 : i32 to index
      %get3A_2067 = arith.constant 0 : index
      %get3A_2068 = tpu.vector_load %arg9[%get3A_2066, %get3A_2067] {strides = array<i32>} : memref<128x16xf32, #tpu.memory_space<vmem>>, vector<16xf32>,
      %add3A_2069 = arith.addf %mul3A_2064, %get3A_2068 : vector<16xf32>
      %gt3A_2070 = arith.cmpf ogt, %add3A_2069, %select_n3A_2054 : vector<16xf32>
      %gt3A_2071 = arith.cmpf ogt, %add3A_2069, %select_n3A_2051 : vector<16xf32>
      %select_n3A_2072 = arith.select %gt3A_2071, %add3A_2069, %select_n3A_2051 : vector<16xi1>, vector<16xf32>
      %select_n3A_2073 = arith.select %gt3A_2070, %select_n3A_2054, %select_n3A_2072 : vector<16xi1>, vector<16xf32>
      %select_n3A_2074 = arith.select %gt3A_2071, %broadcast_in_dim3A_2057, %select_n3A_2053 : vector<16xi1>, vector<16xi32>
      %select_n3A_2075 = arith.select %gt3A_2070, %select_n3A_2055, %select_n3A_2074 : vector<16xi1>, vector<16xi32>
      %select_n3A_2076 = arith.select %gt3A_2070, %add3A_2069, %select_n3A_2054 : vector<16xi1>, vector<16xf32>
      %select_n3A_2077 = arith.select %gt3A_2070, %broadcast_in_dim3A_2057, %select_n3A_2055 : vector<16xi1>, vector<16xi32>
      %broadcast_in_dim3A_2078 = arith.constant 57 : i32
      %broadcast_in_dim3A_2079 = vector.broadcast %broadcast_in_dim3A_2078 : i32 to vector<16xi32>
      %add3A_2080 = arith.addi %mul3A_818, %broadcast_in_dim3A_2079 : vector<16xi32>
      %gather3A_2081 = tpu.vector_load_idx %arg7[%add3A_2080] : memref<16384xf32, #tpu.memory_space<vmem>>[vector<16xi32>], vector<16xf32>,
      %get3A_2082 = arith.constant 121 : i32
      %get3A_2083 = arith.index_cast %get3A_2082 : i32 to index
      %get3A_2084 = arith.constant 0 : index
      %get3A_2085 = tpu.vector_load %arg9[%get3A_2083, %get3A_2084] {strides = array<i32>} : memref<128x16xf32, #tpu.memory_space<vmem>>, vector<16xf32>,
      %mul3A_2086 = arith.mulf %gather3A_2081, %get3A_2085 : vector<16xf32>
      %get3A_2087 = arith.constant 57 : i32
      %get3A_2088 = arith.index_cast %get3A_2087 : i32 to index
      %get3A_2089 = arith.constant 0 : index
      %get3A_2090 = tpu.vector_load %arg9[%get3A_2088, %get3A_2089] {strides = array<i32>} : memref<128x16xf32, #tpu.memory_space<vmem>>, vector<16xf32>,
      %add3A_2091 = arith.addf %mul3A_2086, %get3A_2090 : vector<16xf32>
      %gt3A_2092 = arith.cmpf ogt, %add3A_2091, %select_n3A_2076 : vector<16xf32>
      %gt3A_2093 = arith.cmpf ogt, %add3A_2091, %select_n3A_2073 : vector<16xf32>
      %select_n3A_2094 = arith.select %gt3A_2093, %add3A_2091, %select_n3A_2073 : vector<16xi1>, vector<16xf32>
      %select_n3A_2095 = arith.select %gt3A_2092, %select_n3A_2076, %select_n3A_2094 : vector<16xi1>, vector<16xf32>
      %select_n3A_2096 = arith.select %gt3A_2093, %broadcast_in_dim3A_2079, %select_n3A_2075 : vector<16xi1>, vector<16xi32>
      %select_n3A_2097 = arith.select %gt3A_2092, %select_n3A_2077, %select_n3A_2096 : vector<16xi1>, vector<16xi32>
      %select_n3A_2098 = arith.select %gt3A_2092, %add3A_2091, %select_n3A_2076 : vector<16xi1>, vector<16xf32>
      %select_n3A_2099 = arith.select %gt3A_2092, %broadcast_in_dim3A_2079, %select_n3A_2077 : vector<16xi1>, vector<16xi32>
      %broadcast_in_dim3A_2100 = arith.constant 58 : i32
      %broadcast_in_dim3A_2101 = vector.broadcast %broadcast_in_dim3A_2100 : i32 to vector<16xi32>
      %add3A_2102 = arith.addi %mul3A_818, %broadcast_in_dim3A_2101 : vector<16xi32>
      %gather3A_2103 = tpu.vector_load_idx %arg7[%add3A_2102] : memref<16384xf32, #tpu.memory_space<vmem>>[vector<16xi32>], vector<16xf32>,
      %get3A_2104 = arith.constant 122 : i32
      %get3A_2105 = arith.index_cast %get3A_2104 : i32 to index
      %get3A_2106 = arith.constant 0 : index
      %get3A_2107 = tpu.vector_load %arg9[%get3A_2105, %get3A_2106] {strides = array<i32>} : memref<128x16xf32, #tpu.memory_space<vmem>>, vector<16xf32>,
      %mul3A_2108 = arith.mulf %gather3A_2103, %get3A_2107 : vector<16xf32>
      %get3A_2109 = arith.constant 58 : i32
      %get3A_2110 = arith.index_cast %get3A_2109 : i32 to index
      %get3A_2111 = arith.constant 0 : index
      %get3A_2112 = tpu.vector_load %arg9[%get3A_2110, %get3A_2111] {strides = array<i32>} : memref<128x16xf32, #tpu.memory_space<vmem>>, vector<16xf32>,
      %add3A_2113 = arith.addf %mul3A_2108, %get3A_2112 : vector<16xf32>
      %gt3A_2114 = arith.cmpf ogt, %add3A_2113, %select_n3A_2098 : vector<16xf32>
      %gt3A_2115 = arith.cmpf ogt, %add3A_2113, %select_n3A_2095 : vector<16xf32>
      %select_n3A_2116 = arith.select %gt3A_2115, %add3A_2113, %select_n3A_2095 : vector<16xi1>, vector<16xf32>
      %select_n3A_2117 = arith.select %gt3A_2114, %select_n3A_2098, %select_n3A_2116 : vector<16xi1>, vector<16xf32>
      %select_n3A_2118 = arith.select %gt3A_2115, %broadcast_in_dim3A_2101, %select_n3A_2097 : vector<16xi1>, vector<16xi32>
      %select_n3A_2119 = arith.select %gt3A_2114, %select_n3A_2099, %select_n3A_2118 : vector<16xi1>, vector<16xi32>
      %select_n3A_2120 = arith.select %gt3A_2114, %add3A_2113, %select_n3A_2098 : vector<16xi1>, vector<16xf32>
      %select_n3A_2121 = arith.select %gt3A_2114, %broadcast_in_dim3A_2101, %select_n3A_2099 : vector<16xi1>, vector<16xi32>
      %broadcast_in_dim3A_2122 = arith.constant 59 : i32
      %broadcast_in_dim3A_2123 = vector.broadcast %broadcast_in_dim3A_2122 : i32 to vector<16xi32>
      %add3A_2124 = arith.addi %mul3A_818, %broadcast_in_dim3A_2123 : vector<16xi32>
      %gather3A_2125 = tpu.vector_load_idx %arg7[%add3A_2124] : memref<16384xf32, #tpu.memory_space<vmem>>[vector<16xi32>], vector<16xf32>,
      %get3A_2126 = arith.constant 123 : i32
      %get3A_2127 = arith.index_cast %get3A_2126 : i32 to index
      %get3A_2128 = arith.constant 0 : index
      %get3A_2129 = tpu.vector_load %arg9[%get3A_2127, %get3A_2128] {strides = array<i32>} : memref<128x16xf32, #tpu.memory_space<vmem>>, vector<16xf32>,
      %mul3A_2130 = arith.mulf %gather3A_2125, %get3A_2129 : vector<16xf32>
      %get3A_2131 = arith.constant 59 : i32
      %get3A_2132 = arith.index_cast %get3A_2131 : i32 to index
      %get3A_2133 = arith.constant 0 : index
      %get3A_2134 = tpu.vector_load %arg9[%get3A_2132, %get3A_2133] {strides = array<i32>} : memref<128x16xf32, #tpu.memory_space<vmem>>, vector<16xf32>,
      %add3A_2135 = arith.addf %mul3A_2130, %get3A_2134 : vector<16xf32>
      %gt3A_2136 = arith.cmpf ogt, %add3A_2135, %select_n3A_2120 : vector<16xf32>
      %gt3A_2137 = arith.cmpf ogt, %add3A_2135, %select_n3A_2117 : vector<16xf32>
      %select_n3A_2138 = arith.select %gt3A_2137, %add3A_2135, %select_n3A_2117 : vector<16xi1>, vector<16xf32>
      %select_n3A_2139 = arith.select %gt3A_2136, %select_n3A_2120, %select_n3A_2138 : vector<16xi1>, vector<16xf32>
      %select_n3A_2140 = arith.select %gt3A_2137, %broadcast_in_dim3A_2123, %select_n3A_2119 : vector<16xi1>, vector<16xi32>
      %select_n3A_2141 = arith.select %gt3A_2136, %select_n3A_2121, %select_n3A_2140 : vector<16xi1>, vector<16xi32>
      %select_n3A_2142 = arith.select %gt3A_2136, %add3A_2135, %select_n3A_2120 : vector<16xi1>, vector<16xf32>
      %select_n3A_2143 = arith.select %gt3A_2136, %broadcast_in_dim3A_2123, %select_n3A_2121 : vector<16xi1>, vector<16xi32>
      %broadcast_in_dim3A_2144 = arith.constant 60 : i32
      %broadcast_in_dim3A_2145 = vector.broadcast %broadcast_in_dim3A_2144 : i32 to vector<16xi32>
      %add3A_2146 = arith.addi %mul3A_818, %broadcast_in_dim3A_2145 : vector<16xi32>
      %gather3A_2147 = tpu.vector_load_idx %arg7[%add3A_2146] : memref<16384xf32, #tpu.memory_space<vmem>>[vector<16xi32>], vector<16xf32>,
      %get3A_2148 = arith.constant 124 : i32
      %get3A_2149 = arith.index_cast %get3A_2148 : i32 to index
      %get3A_2150 = arith.constant 0 : index
      %get3A_2151 = tpu.vector_load %arg9[%get3A_2149, %get3A_2150] {strides = array<i32>} : memref<128x16xf32, #tpu.memory_space<vmem>>, vector<16xf32>,
      %mul3A_2152 = arith.mulf %gather3A_2147, %get3A_2151 : vector<16xf32>
      %get3A_2153 = arith.constant 60 : i32
      %get3A_2154 = arith.index_cast %get3A_2153 : i32 to index
      %get3A_2155 = arith.constant 0 : index
      %get3A_2156 = tpu.vector_load %arg9[%get3A_2154, %get3A_2155] {strides = array<i32>} : memref<128x16xf32, #tpu.memory_space<vmem>>, vector<16xf32>,
      %add3A_2157 = arith.addf %mul3A_2152, %get3A_2156 : vector<16xf32>
      %gt3A_2158 = arith.cmpf ogt, %add3A_2157, %select_n3A_2142 : vector<16xf32>
      %gt3A_2159 = arith.cmpf ogt, %add3A_2157, %select_n3A_2139 : vector<16xf32>
      %select_n3A_2160 = arith.select %gt3A_2159, %add3A_2157, %select_n3A_2139 : vector<16xi1>, vector<16xf32>
      %select_n3A_2161 = arith.select %gt3A_2158, %select_n3A_2142, %select_n3A_2160 : vector<16xi1>, vector<16xf32>
      %select_n3A_2162 = arith.select %gt3A_2159, %broadcast_in_dim3A_2145, %select_n3A_2141 : vector<16xi1>, vector<16xi32>
      %select_n3A_2163 = arith.select %gt3A_2158, %select_n3A_2143, %select_n3A_2162 : vector<16xi1>, vector<16xi32>
      %select_n3A_2164 = arith.select %gt3A_2158, %add3A_2157, %select_n3A_2142 : vector<16xi1>, vector<16xf32>
      %select_n3A_2165 = arith.select %gt3A_2158, %broadcast_in_dim3A_2145, %select_n3A_2143 : vector<16xi1>, vector<16xi32>
      %broadcast_in_dim3A_2166 = arith.constant 61 : i32
      %broadcast_in_dim3A_2167 = vector.broadcast %broadcast_in_dim3A_2166 : i32 to vector<16xi32>
      %add3A_2168 = arith.addi %mul3A_818, %broadcast_in_dim3A_2167 : vector<16xi32>
      %gather3A_2169 = tpu.vector_load_idx %arg7[%add3A_2168] : memref<16384xf32, #tpu.memory_space<vmem>>[vector<16xi32>], vector<16xf32>,
      %get3A_2170 = arith.constant 125 : i32
      %get3A_2171 = arith.index_cast %get3A_2170 : i32 to index
      %get3A_2172 = arith.constant 0 : index
      %get3A_2173 = tpu.vector_load %arg9[%get3A_2171, %get3A_2172] {strides = array<i32>} : memref<128x16xf32, #tpu.memory_space<vmem>>, vector<16xf32>,
      %mul3A_2174 = arith.mulf %gather3A_2169, %get3A_2173 : vector<16xf32>
      %get3A_2175 = arith.constant 61 : i32
      %get3A_2176 = arith.index_cast %get3A_2175 : i32 to index
      %get3A_2177 = arith.constant 0 : index
      %get3A_2178 = tpu.vector_load %arg9[%get3A_2176, %get3A_2177] {strides = array<i32>} : memref<128x16xf32, #tpu.memory_space<vmem>>, vector<16xf32>,
      %add3A_2179 = arith.addf %mul3A_2174, %get3A_2178 : vector<16xf32>
      %gt3A_2180 = arith.cmpf ogt, %add3A_2179, %select_n3A_2164 : vector<16xf32>
      %gt3A_2181 = arith.cmpf ogt, %add3A_2179, %select_n3A_2161 : vector<16xf32>
      %select_n3A_2182 = arith.select %gt3A_2181, %add3A_2179, %select_n3A_2161 : vector<16xi1>, vector<16xf32>
      %select_n3A_2183 = arith.select %gt3A_2180, %select_n3A_2164, %select_n3A_2182 : vector<16xi1>, vector<16xf32>
      %select_n3A_2184 = arith.select %gt3A_2181, %broadcast_in_dim3A_2167, %select_n3A_2163 : vector<16xi1>, vector<16xi32>
      %select_n3A_2185 = arith.select %gt3A_2180, %select_n3A_2165, %select_n3A_2184 : vector<16xi1>, vector<16xi32>
      %select_n3A_2186 = arith.select %gt3A_2180, %add3A_2179, %select_n3A_2164 : vector<16xi1>, vector<16xf32>
      %select_n3A_2187 = arith.select %gt3A_2180, %broadcast_in_dim3A_2167, %select_n3A_2165 : vector<16xi1>, vector<16xi32>
      %broadcast_in_dim3A_2188 = arith.constant 62 : i32
      %broadcast_in_dim3A_2189 = vector.broadcast %broadcast_in_dim3A_2188 : i32 to vector<16xi32>
      %add3A_2190 = arith.addi %mul3A_818, %broadcast_in_dim3A_2189 : vector<16xi32>
      %gather3A_2191 = tpu.vector_load_idx %arg7[%add3A_2190] : memref<16384xf32, #tpu.memory_space<vmem>>[vector<16xi32>], vector<16xf32>,
      %get3A_2192 = arith.constant 126 : i32
      %get3A_2193 = arith.index_cast %get3A_2192 : i32 to index
      %get3A_2194 = arith.constant 0 : index
      %get3A_2195 = tpu.vector_load %arg9[%get3A_2193, %get3A_2194] {strides = array<i32>} : memref<128x16xf32, #tpu.memory_space<vmem>>, vector<16xf32>,
      %mul3A_2196 = arith.mulf %gather3A_2191, %get3A_2195 : vector<16xf32>
      %get3A_2197 = arith.constant 62 : i32
      %get3A_2198 = arith.index_cast %get3A_2197 : i32 to index
      %get3A_2199 = arith.constant 0 : index
      %get3A_2200 = tpu.vector_load %arg9[%get3A_2198, %get3A_2199] {strides = array<i32>} : memref<128x16xf32, #tpu.memory_space<vmem>>, vector<16xf32>,
      %add3A_2201 = arith.addf %mul3A_2196, %get3A_2200 : vector<16xf32>
      %gt3A_2202 = arith.cmpf ogt, %add3A_2201, %select_n3A_2186 : vector<16xf32>
      %gt3A_2203 = arith.cmpf ogt, %add3A_2201, %select_n3A_2183 : vector<16xf32>
      %select_n3A_2204 = arith.select %gt3A_2203, %add3A_2201, %select_n3A_2183 : vector<16xi1>, vector<16xf32>
      %select_n3A_2205 = arith.select %gt3A_2202, %select_n3A_2186, %select_n3A_2204 : vector<16xi1>, vector<16xf32>
      %select_n3A_2206 = arith.select %gt3A_2203, %broadcast_in_dim3A_2189, %select_n3A_2185 : vector<16xi1>, vector<16xi32>
      %select_n3A_2207 = arith.select %gt3A_2202, %select_n3A_2187, %select_n3A_2206 : vector<16xi1>, vector<16xi32>
      %select_n3A_2208 = arith.select %gt3A_2202, %add3A_2201, %select_n3A_2186 : vector<16xi1>, vector<16xf32>
      %select_n3A_2209 = arith.select %gt3A_2202, %broadcast_in_dim3A_2189, %select_n3A_2187 : vector<16xi1>, vector<16xi32>
      %broadcast_in_dim3A_2210 = arith.constant 63 : i32
      %broadcast_in_dim3A_2211 = vector.broadcast %broadcast_in_dim3A_2210 : i32 to vector<16xi32>
      %add3A_2212 = arith.addi %mul3A_818, %broadcast_in_dim3A_2211 : vector<16xi32>
      %gather3A_2213 = tpu.vector_load_idx %arg7[%add3A_2212] : memref<16384xf32, #tpu.memory_space<vmem>>[vector<16xi32>], vector<16xf32>,
      %get3A_2214 = arith.constant 127 : i32
      %get3A_2215 = arith.index_cast %get3A_2214 : i32 to index
      %get3A_2216 = arith.constant 0 : index
      %get3A_2217 = tpu.vector_load %arg9[%get3A_2215, %get3A_2216] {strides = array<i32>} : memref<128x16xf32, #tpu.memory_space<vmem>>, vector<16xf32>,
      %mul3A_2218 = arith.mulf %gather3A_2213, %get3A_2217 : vector<16xf32>
      %get3A_2219 = arith.constant 63 : i32
      %get3A_2220 = arith.index_cast %get3A_2219 : i32 to index
      %get3A_2221 = arith.constant 0 : index
      %get3A_2222 = tpu.vector_load %arg9[%get3A_2220, %get3A_2221] {strides = array<i32>} : memref<128x16xf32, #tpu.memory_space<vmem>>, vector<16xf32>,
      %add3A_2223 = arith.addf %mul3A_2218, %get3A_2222 : vector<16xf32>
      %gt3A_2224 = arith.cmpf ogt, %add3A_2223, %select_n3A_2208 : vector<16xf32>
      %gt3A_2225 = arith.cmpf ogt, %add3A_2223, %select_n3A_2205 : vector<16xf32>
      %select_n3A_2226 = arith.select %gt3A_2225, %add3A_2223, %select_n3A_2205 : vector<16xi1>, vector<16xf32>
      %select_n3A_2227 = arith.select %gt3A_2224, %select_n3A_2208, %select_n3A_2226 : vector<16xi1>, vector<16xf32>
      %select_n3A_2228 = arith.select %gt3A_2225, %broadcast_in_dim3A_2211, %select_n3A_2207 : vector<16xi1>, vector<16xi32>
      %select_n3A_2229 = arith.select %gt3A_2224, %select_n3A_2209, %select_n3A_2228 : vector<16xi1>, vector<16xi32>
      %select_n3A_2230 = arith.select %gt3A_2224, %add3A_2223, %select_n3A_2208 : vector<16xi1>, vector<16xf32>
      %select_n3A_2231 = arith.select %gt3A_2224, %broadcast_in_dim3A_2211, %select_n3A_2209 : vector<16xi1>, vector<16xi32>
      %sub3A = arith.subf %select_n3A_2227, %select_n3A_2230 : vector<16xf32>
      %exp3A = math.exp %sub3A : vector<16xf32>
      %add3A_2232 = arith.constant 1.000000e+00 : f32
      %add3A_2233 = vector.broadcast %add3A_2232 : f32 to vector<16xf32>
      %add3A_2234 = arith.addf %add3A_2233, %exp3A : vector<16xf32>
      %div3A = arith.constant 1.000000e+00 : f32
      %div3A_2235 = vector.broadcast %div3A : f32 to vector<16xf32>
      %div3A_2236 = arith.divf %div3A_2235, %add3A_2234 : vector<16xf32>
      %add3A_2237 = arith.constant 1.000000e+00 : f32
      %add3A_2238 = vector.broadcast %add3A_2237 : f32 to vector<16xf32>
      %add3A_2239 = arith.addf %add3A_2238, %exp3A : vector<16xf32>
      %div3A_2240 = arith.divf %exp3A, %add3A_2239 : vector<16xf32>
      %shift_left3A = arith.constant 8 : i32
      %shift_left3A_2241 = vector.broadcast %shift_left3A : i32 to vector<16xi32>
      %shift_left3A_2242 = arith.shli %select_n3A_2229, %shift_left3A_2241 : vector<16xi32>
      %or3A = arith.ori %select_n3A_2231, %shift_left3A_2242 : vector<16xi32>
      %mul3A_2243 = arith.constant 16 : i32
      %mul3A_2244 = arith.muli %scan3A_811, %mul3A_2243 : i32
      %swap3A_2245 = arith.index_cast %mul3A_2244 : i32 to index
      %swap3A_2246 = tpu.vector_load %arg10[%swap3A_2245] {strides = array<i32>} : memref<256xi32, #tpu.memory_space<vmem>>, vector<16xi32>,
      tpu.vector_store %arg10[%swap3A_2245], %or3A {strides = array<i32>} : memref<256xi32, #tpu.memory_space<vmem>>, vector<16xi32>,
      %mul3A_2247 = arith.constant 16 : i32
      %mul3A_2248 = arith.muli %scan3A_811, %mul3A_2247 : i32
      %swap3A_2249 = arith.index_cast %mul3A_2248 : i32 to index
      %swap3A_2250 = tpu.vector_load %arg11[%swap3A_2249] {strides = array<i32>} : memref<256xf32, #tpu.memory_space<vmem>>, vector<16xf32>,
      tpu.vector_store %arg11[%swap3A_2249], %div3A_2236 {strides = array<i32>} : memref<256xf32, #tpu.memory_space<vmem>>, vector<16xf32>,
      %mul3A_2251 = arith.constant 16 : i32
      %mul3A_2252 = arith.muli %scan3A_811, %mul3A_2251 : i32
      %swap3A_2253 = arith.index_cast %mul3A_2252 : i32 to index
      %swap3A_2254 = tpu.vector_load %arg12[%swap3A_2253] {strides = array<i32>} : memref<256xf32, #tpu.memory_space<vmem>>, vector<16xf32>,
      tpu.vector_store %arg12[%swap3A_2253], %div3A_2240 {strides = array<i32>} : memref<256xf32, #tpu.memory_space<vmem>>, vector<16xf32>,
    }
    %scan3A_797 = arith.constant 8 : i32
    %dma_wait3A_798 = arith.constant 8192 : i32
    %dma_wait3A_799 = tpu.memref_slice %arg7[%dma_wait3A_798] : memref<16384xf32, #tpu.memory_space<vmem>> -> memref<8192xf32, #tpu.memory_space<vmem>>
    %dma_wait3A_800 = tpu.memref_slice %arg3[%add3A_13] : memref<524288xf32, #tpu.memory_space<hbm>> -> memref<8192xf32, #tpu.memory_space<hbm>>
    %dma_wait3A_801 = arith.constant 8192 : i32
    %dma_wait3A_802 = tpu.memref_slice %arg7[%dma_wait3A_801] : memref<16384xf32, #tpu.memory_space<vmem>> -> memref<8192xf32, #tpu.memory_space<vmem>>
    %dma_wait3A_803 = tpu.memref_slice %arg3[%add3A_13] : memref<524288xf32, #tpu.memory_space<hbm>> -> memref<8192xf32, #tpu.memory_space<hbm>>
    tpu.wait_dma2 semaphore(%arg14 : memref<!tpu.dma_semaphore, #tpu.memory_space<semaphore_mem>>) src(%dma_wait3A_803 : memref<8192xf32, #tpu.memory_space<hbm>>) dst(%dma_wait3A_802 : memref<8192xf32, #tpu.memory_space<vmem>>)
    %scan3A_804 = arith.constant 8 : i32
    %scan3A_805 = arith.constant 8 : i32
    %scan3A_806 = arith.addi %scan3A_804, %scan3A_805 : i32
    %scan3A_807 = arith.constant 1 : i32
    scf.for %scan3A_811 = %scan3A_804 to %scan3A_806 step %scan3A_807  : i32 {
      %mul3A_812 = arith.constant 16 : i32
      %mul3A_813 = arith.muli %scan3A_811, %mul3A_812 : i32
      %add3A_814 = vector.broadcast %mul3A_813 : i32 to vector<16xi32>
      %add3A_815 = arith.addi %add3A_814, %iota3A : vector<16xi32>
      %mul3A_816 = arith.constant 64 : i32
      %mul3A_817 = vector.broadcast %mul3A_816 : i32 to vector<16xi32>
      %mul3A_818 = arith.muli %add3A_815, %mul3A_817 : vector<16xi32>
      %broadcast_in_dim3A_819 = arith.constant -3.000000e+38 : f32
      %broadcast_in_dim3A_820 = vector.broadcast %broadcast_in_dim3A_819 : f32 to vector<16xf32>
      %broadcast_in_dim3A_821 = arith.constant -3.000000e+38 : f32
      %broadcast_in_dim3A_822 = vector.broadcast %broadcast_in_dim3A_821 : f32 to vector<16xf32>
      %broadcast_in_dim3A_823 = arith.constant 0 : i32
      %broadcast_in_dim3A_824 = vector.broadcast %broadcast_in_dim3A_823 : i32 to vector<16xi32>
      %broadcast_in_dim3A_825 = arith.constant 0 : i32
      %broadcast_in_dim3A_826 = vector.broadcast %broadcast_in_dim3A_825 : i32 to vector<16xi32>
      %broadcast_in_dim3A_827 = arith.constant 0 : i32
      %broadcast_in_dim3A_828 = vector.broadcast %broadcast_in_dim3A_827 : i32 to vector<16xi32>
      %add3A_829 = arith.addi %mul3A_818, %broadcast_in_dim3A_828 : vector<16xi32>
      %gather3A_830 = tpu.vector_load_idx %arg7[%add3A_829] : memref<16384xf32, #tpu.memory_space<vmem>>[vector<16xi32>], vector<16xf32>,
      %get3A = arith.constant 64 : i32
      %get3A_831 = arith.index_cast %get3A : i32 to index
      %get3A_832 = arith.constant 0 : index
      %get3A_833 = tpu.vector_load %arg9[%get3A_831, %get3A_832] {strides = array<i32>} : memref<128x16xf32, #tpu.memory_space<vmem>>, vector<16xf32>,
      %mul3A_834 = arith.mulf %gather3A_830, %get3A_833 : vector<16xf32>
      %get3A_835 = arith.constant 0 : i32
      %get3A_836 = arith.index_cast %get3A_835 : i32 to index
      %get3A_837 = arith.constant 0 : index
      %get3A_838 = tpu.vector_load %arg9[%get3A_836, %get3A_837] {strides = array<i32>} : memref<128x16xf32, #tpu.memory_space<vmem>>, vector<16xf32>,
      %add3A_839 = arith.addf %mul3A_834, %get3A_838 : vector<16xf32>
      %gt3A = arith.cmpf ogt, %add3A_839, %broadcast_in_dim3A_820 : vector<16xf32>
      %gt3A_840 = arith.cmpf ogt, %add3A_839, %broadcast_in_dim3A_822 : vector<16xf32>
      %select_n3A = arith.select %gt3A_840, %add3A_839, %broadcast_in_dim3A_822 : vector<16xi1>, vector<16xf32>
      %select_n3A_841 = arith.select %gt3A, %broadcast_in_dim3A_820, %select_n3A : vector<16xi1>, vector<16xf32>
      %select_n3A_842 = arith.select %gt3A_840, %broadcast_in_dim3A_828, %broadcast_in_dim3A_826 : vector<16xi1>, vector<16xi32>
      %select_n3A_843 = arith.select %gt3A, %broadcast_in_dim3A_824, %select_n3A_842 : vector<16xi1>, vector<16xi32>
      %select_n3A_844 = arith.select %gt3A, %add3A_839, %broadcast_in_dim3A_820 : vector<16xi1>, vector<16xf32>
      %select_n3A_845 = arith.select %gt3A, %broadcast_in_dim3A_828, %broadcast_in_dim3A_824 : vector<16xi1>, vector<16xi32>
      %broadcast_in_dim3A_846 = arith.constant 1 : i32
      %broadcast_in_dim3A_847 = vector.broadcast %broadcast_in_dim3A_846 : i32 to vector<16xi32>
      %add3A_848 = arith.addi %mul3A_818, %broadcast_in_dim3A_847 : vector<16xi32>
      %gather3A_849 = tpu.vector_load_idx %arg7[%add3A_848] : memref<16384xf32, #tpu.memory_space<vmem>>[vector<16xi32>], vector<16xf32>,
      %get3A_850 = arith.constant 65 : i32
      %get3A_851 = arith.index_cast %get3A_850 : i32 to index
      %get3A_852 = arith.constant 0 : index
      %get3A_853 = tpu.vector_load %arg9[%get3A_851, %get3A_852] {strides = array<i32>} : memref<128x16xf32, #tpu.memory_space<vmem>>, vector<16xf32>,
      %mul3A_854 = arith.mulf %gather3A_849, %get3A_853 : vector<16xf32>
      %get3A_855 = arith.constant 1 : i32
      %get3A_856 = arith.index_cast %get3A_855 : i32 to index
      %get3A_857 = arith.constant 0 : index
      %get3A_858 = tpu.vector_load %arg9[%get3A_856, %get3A_857] {strides = array<i32>} : memref<128x16xf32, #tpu.memory_space<vmem>>, vector<16xf32>,
      %add3A_859 = arith.addf %mul3A_854, %get3A_858 : vector<16xf32>
      %gt3A_860 = arith.cmpf ogt, %add3A_859, %select_n3A_844 : vector<16xf32>
      %gt3A_861 = arith.cmpf ogt, %add3A_859, %select_n3A_841 : vector<16xf32>
      %select_n3A_862 = arith.select %gt3A_861, %add3A_859, %select_n3A_841 : vector<16xi1>, vector<16xf32>
      %select_n3A_863 = arith.select %gt3A_860, %select_n3A_844, %select_n3A_862 : vector<16xi1>, vector<16xf32>
      %select_n3A_864 = arith.select %gt3A_861, %broadcast_in_dim3A_847, %select_n3A_843 : vector<16xi1>, vector<16xi32>
      %select_n3A_865 = arith.select %gt3A_860, %select_n3A_845, %select_n3A_864 : vector<16xi1>, vector<16xi32>
      %select_n3A_866 = arith.select %gt3A_860, %add3A_859, %select_n3A_844 : vector<16xi1>, vector<16xf32>
      %select_n3A_867 = arith.select %gt3A_860, %broadcast_in_dim3A_847, %select_n3A_845 : vector<16xi1>, vector<16xi32>
      %broadcast_in_dim3A_868 = arith.constant 2 : i32
      %broadcast_in_dim3A_869 = vector.broadcast %broadcast_in_dim3A_868 : i32 to vector<16xi32>
      %add3A_870 = arith.addi %mul3A_818, %broadcast_in_dim3A_869 : vector<16xi32>
      %gather3A_871 = tpu.vector_load_idx %arg7[%add3A_870] : memref<16384xf32, #tpu.memory_space<vmem>>[vector<16xi32>], vector<16xf32>,
      %get3A_872 = arith.constant 66 : i32
      %get3A_873 = arith.index_cast %get3A_872 : i32 to index
      %get3A_874 = arith.constant 0 : index
      %get3A_875 = tpu.vector_load %arg9[%get3A_873, %get3A_874] {strides = array<i32>} : memref<128x16xf32, #tpu.memory_space<vmem>>, vector<16xf32>,
      %mul3A_876 = arith.mulf %gather3A_871, %get3A_875 : vector<16xf32>
      %get3A_877 = arith.constant 2 : i32
      %get3A_878 = arith.index_cast %get3A_877 : i32 to index
      %get3A_879 = arith.constant 0 : index
      %get3A_880 = tpu.vector_load %arg9[%get3A_878, %get3A_879] {strides = array<i32>} : memref<128x16xf32, #tpu.memory_space<vmem>>, vector<16xf32>,
      %add3A_881 = arith.addf %mul3A_876, %get3A_880 : vector<16xf32>
      %gt3A_882 = arith.cmpf ogt, %add3A_881, %select_n3A_866 : vector<16xf32>
      %gt3A_883 = arith.cmpf ogt, %add3A_881, %select_n3A_863 : vector<16xf32>
      %select_n3A_884 = arith.select %gt3A_883, %add3A_881, %select_n3A_863 : vector<16xi1>, vector<16xf32>
      %select_n3A_885 = arith.select %gt3A_882, %select_n3A_866, %select_n3A_884 : vector<16xi1>, vector<16xf32>
      %select_n3A_886 = arith.select %gt3A_883, %broadcast_in_dim3A_869, %select_n3A_865 : vector<16xi1>, vector<16xi32>
      %select_n3A_887 = arith.select %gt3A_882, %select_n3A_867, %select_n3A_886 : vector<16xi1>, vector<16xi32>
      %select_n3A_888 = arith.select %gt3A_882, %add3A_881, %select_n3A_866 : vector<16xi1>, vector<16xf32>
      %select_n3A_889 = arith.select %gt3A_882, %broadcast_in_dim3A_869, %select_n3A_867 : vector<16xi1>, vector<16xi32>
      %broadcast_in_dim3A_890 = arith.constant 3 : i32
      %broadcast_in_dim3A_891 = vector.broadcast %broadcast_in_dim3A_890 : i32 to vector<16xi32>
      %add3A_892 = arith.addi %mul3A_818, %broadcast_in_dim3A_891 : vector<16xi32>
      %gather3A_893 = tpu.vector_load_idx %arg7[%add3A_892] : memref<16384xf32, #tpu.memory_space<vmem>>[vector<16xi32>], vector<16xf32>,
      %get3A_894 = arith.constant 67 : i32
      %get3A_895 = arith.index_cast %get3A_894 : i32 to index
      %get3A_896 = arith.constant 0 : index
      %get3A_897 = tpu.vector_load %arg9[%get3A_895, %get3A_896] {strides = array<i32>} : memref<128x16xf32, #tpu.memory_space<vmem>>, vector<16xf32>,
      %mul3A_898 = arith.mulf %gather3A_893, %get3A_897 : vector<16xf32>
      %get3A_899 = arith.constant 3 : i32
      %get3A_900 = arith.index_cast %get3A_899 : i32 to index
      %get3A_901 = arith.constant 0 : index
      %get3A_902 = tpu.vector_load %arg9[%get3A_900, %get3A_901] {strides = array<i32>} : memref<128x16xf32, #tpu.memory_space<vmem>>, vector<16xf32>,
      %add3A_903 = arith.addf %mul3A_898, %get3A_902 : vector<16xf32>
      %gt3A_904 = arith.cmpf ogt, %add3A_903, %select_n3A_888 : vector<16xf32>
      %gt3A_905 = arith.cmpf ogt, %add3A_903, %select_n3A_885 : vector<16xf32>
      %select_n3A_906 = arith.select %gt3A_905, %add3A_903, %select_n3A_885 : vector<16xi1>, vector<16xf32>
      %select_n3A_907 = arith.select %gt3A_904, %select_n3A_888, %select_n3A_906 : vector<16xi1>, vector<16xf32>
      %select_n3A_908 = arith.select %gt3A_905, %broadcast_in_dim3A_891, %select_n3A_887 : vector<16xi1>, vector<16xi32>
      %select_n3A_909 = arith.select %gt3A_904, %select_n3A_889, %select_n3A_908 : vector<16xi1>, vector<16xi32>
      %select_n3A_910 = arith.select %gt3A_904, %add3A_903, %select_n3A_888 : vector<16xi1>, vector<16xf32>
      %select_n3A_911 = arith.select %gt3A_904, %broadcast_in_dim3A_891, %select_n3A_889 : vector<16xi1>, vector<16xi32>
      %broadcast_in_dim3A_912 = arith.constant 4 : i32
      %broadcast_in_dim3A_913 = vector.broadcast %broadcast_in_dim3A_912 : i32 to vector<16xi32>
      %add3A_914 = arith.addi %mul3A_818, %broadcast_in_dim3A_913 : vector<16xi32>
      %gather3A_915 = tpu.vector_load_idx %arg7[%add3A_914] : memref<16384xf32, #tpu.memory_space<vmem>>[vector<16xi32>], vector<16xf32>,
      %get3A_916 = arith.constant 68 : i32
      %get3A_917 = arith.index_cast %get3A_916 : i32 to index
      %get3A_918 = arith.constant 0 : index
      %get3A_919 = tpu.vector_load %arg9[%get3A_917, %get3A_918] {strides = array<i32>} : memref<128x16xf32, #tpu.memory_space<vmem>>, vector<16xf32>,
      %mul3A_920 = arith.mulf %gather3A_915, %get3A_919 : vector<16xf32>
      %get3A_921 = arith.constant 4 : i32
      %get3A_922 = arith.index_cast %get3A_921 : i32 to index
      %get3A_923 = arith.constant 0 : index
      %get3A_924 = tpu.vector_load %arg9[%get3A_922, %get3A_923] {strides = array<i32>} : memref<128x16xf32, #tpu.memory_space<vmem>>, vector<16xf32>,
      %add3A_925 = arith.addf %mul3A_920, %get3A_924 : vector<16xf32>
      %gt3A_926 = arith.cmpf ogt, %add3A_925, %select_n3A_910 : vector<16xf32>
      %gt3A_927 = arith.cmpf ogt, %add3A_925, %select_n3A_907 : vector<16xf32>
      %select_n3A_928 = arith.select %gt3A_927, %add3A_925, %select_n3A_907 : vector<16xi1>, vector<16xf32>
      %select_n3A_929 = arith.select %gt3A_926, %select_n3A_910, %select_n3A_928 : vector<16xi1>, vector<16xf32>
      %select_n3A_930 = arith.select %gt3A_927, %broadcast_in_dim3A_913, %select_n3A_909 : vector<16xi1>, vector<16xi32>
      %select_n3A_931 = arith.select %gt3A_926, %select_n3A_911, %select_n3A_930 : vector<16xi1>, vector<16xi32>
      %select_n3A_932 = arith.select %gt3A_926, %add3A_925, %select_n3A_910 : vector<16xi1>, vector<16xf32>
      %select_n3A_933 = arith.select %gt3A_926, %broadcast_in_dim3A_913, %select_n3A_911 : vector<16xi1>, vector<16xi32>
      %broadcast_in_dim3A_934 = arith.constant 5 : i32
      %broadcast_in_dim3A_935 = vector.broadcast %broadcast_in_dim3A_934 : i32 to vector<16xi32>
      %add3A_936 = arith.addi %mul3A_818, %broadcast_in_dim3A_935 : vector<16xi32>
      %gather3A_937 = tpu.vector_load_idx %arg7[%add3A_936] : memref<16384xf32, #tpu.memory_space<vmem>>[vector<16xi32>], vector<16xf32>,
      %get3A_938 = arith.constant 69 : i32
      %get3A_939 = arith.index_cast %get3A_938 : i32 to index
      %get3A_940 = arith.constant 0 : index
      %get3A_941 = tpu.vector_load %arg9[%get3A_939, %get3A_940] {strides = array<i32>} : memref<128x16xf32, #tpu.memory_space<vmem>>, vector<16xf32>,
      %mul3A_942 = arith.mulf %gather3A_937, %get3A_941 : vector<16xf32>
      %get3A_943 = arith.constant 5 : i32
      %get3A_944 = arith.index_cast %get3A_943 : i32 to index
      %get3A_945 = arith.constant 0 : index
      %get3A_946 = tpu.vector_load %arg9[%get3A_944, %get3A_945] {strides = array<i32>} : memref<128x16xf32, #tpu.memory_space<vmem>>, vector<16xf32>,
      %add3A_947 = arith.addf %mul3A_942, %get3A_946 : vector<16xf32>
      %gt3A_948 = arith.cmpf ogt, %add3A_947, %select_n3A_932 : vector<16xf32>
      %gt3A_949 = arith.cmpf ogt, %add3A_947, %select_n3A_929 : vector<16xf32>
      %select_n3A_950 = arith.select %gt3A_949, %add3A_947, %select_n3A_929 : vector<16xi1>, vector<16xf32>
      %select_n3A_951 = arith.select %gt3A_948, %select_n3A_932, %select_n3A_950 : vector<16xi1>, vector<16xf32>
      %select_n3A_952 = arith.select %gt3A_949, %broadcast_in_dim3A_935, %select_n3A_931 : vector<16xi1>, vector<16xi32>
      %select_n3A_953 = arith.select %gt3A_948, %select_n3A_933, %select_n3A_952 : vector<16xi1>, vector<16xi32>
      %select_n3A_954 = arith.select %gt3A_948, %add3A_947, %select_n3A_932 : vector<16xi1>, vector<16xf32>
      %select_n3A_955 = arith.select %gt3A_948, %broadcast_in_dim3A_935, %select_n3A_933 : vector<16xi1>, vector<16xi32>
      %broadcast_in_dim3A_956 = arith.constant 6 : i32
      %broadcast_in_dim3A_957 = vector.broadcast %broadcast_in_dim3A_956 : i32 to vector<16xi32>
      %add3A_958 = arith.addi %mul3A_818, %broadcast_in_dim3A_957 : vector<16xi32>
      %gather3A_959 = tpu.vector_load_idx %arg7[%add3A_958] : memref<16384xf32, #tpu.memory_space<vmem>>[vector<16xi32>], vector<16xf32>,
      %get3A_960 = arith.constant 70 : i32
      %get3A_961 = arith.index_cast %get3A_960 : i32 to index
      %get3A_962 = arith.constant 0 : index
      %get3A_963 = tpu.vector_load %arg9[%get3A_961, %get3A_962] {strides = array<i32>} : memref<128x16xf32, #tpu.memory_space<vmem>>, vector<16xf32>,
      %mul3A_964 = arith.mulf %gather3A_959, %get3A_963 : vector<16xf32>
      %get3A_965 = arith.constant 6 : i32
      %get3A_966 = arith.index_cast %get3A_965 : i32 to index
      %get3A_967 = arith.constant 0 : index
      %get3A_968 = tpu.vector_load %arg9[%get3A_966, %get3A_967] {strides = array<i32>} : memref<128x16xf32, #tpu.memory_space<vmem>>, vector<16xf32>,
      %add3A_969 = arith.addf %mul3A_964, %get3A_968 : vector<16xf32>
      %gt3A_970 = arith.cmpf ogt, %add3A_969, %select_n3A_954 : vector<16xf32>
      %gt3A_971 = arith.cmpf ogt, %add3A_969, %select_n3A_951 : vector<16xf32>
      %select_n3A_972 = arith.select %gt3A_971, %add3A_969, %select_n3A_951 : vector<16xi1>, vector<16xf32>
      %select_n3A_973 = arith.select %gt3A_970, %select_n3A_954, %select_n3A_972 : vector<16xi1>, vector<16xf32>
      %select_n3A_974 = arith.select %gt3A_971, %broadcast_in_dim3A_957, %select_n3A_953 : vector<16xi1>, vector<16xi32>
      %select_n3A_975 = arith.select %gt3A_970, %select_n3A_955, %select_n3A_974 : vector<16xi1>, vector<16xi32>
      %select_n3A_976 = arith.select %gt3A_970, %add3A_969, %select_n3A_954 : vector<16xi1>, vector<16xf32>
      %select_n3A_977 = arith.select %gt3A_970, %broadcast_in_dim3A_957, %select_n3A_955 : vector<16xi1>, vector<16xi32>
      %broadcast_in_dim3A_978 = arith.constant 7 : i32
      %broadcast_in_dim3A_979 = vector.broadcast %broadcast_in_dim3A_978 : i32 to vector<16xi32>
      %add3A_980 = arith.addi %mul3A_818, %broadcast_in_dim3A_979 : vector<16xi32>
      %gather3A_981 = tpu.vector_load_idx %arg7[%add3A_980] : memref<16384xf32, #tpu.memory_space<vmem>>[vector<16xi32>], vector<16xf32>,
      %get3A_982 = arith.constant 71 : i32
      %get3A_983 = arith.index_cast %get3A_982 : i32 to index
      %get3A_984 = arith.constant 0 : index
      %get3A_985 = tpu.vector_load %arg9[%get3A_983, %get3A_984] {strides = array<i32>} : memref<128x16xf32, #tpu.memory_space<vmem>>, vector<16xf32>,
      %mul3A_986 = arith.mulf %gather3A_981, %get3A_985 : vector<16xf32>
      %get3A_987 = arith.constant 7 : i32
      %get3A_988 = arith.index_cast %get3A_987 : i32 to index
      %get3A_989 = arith.constant 0 : index
      %get3A_990 = tpu.vector_load %arg9[%get3A_988, %get3A_989] {strides = array<i32>} : memref<128x16xf32, #tpu.memory_space<vmem>>, vector<16xf32>,
      %add3A_991 = arith.addf %mul3A_986, %get3A_990 : vector<16xf32>
      %gt3A_992 = arith.cmpf ogt, %add3A_991, %select_n3A_976 : vector<16xf32>
      %gt3A_993 = arith.cmpf ogt, %add3A_991, %select_n3A_973 : vector<16xf32>
      %select_n3A_994 = arith.select %gt3A_993, %add3A_991, %select_n3A_973 : vector<16xi1>, vector<16xf32>
      %select_n3A_995 = arith.select %gt3A_992, %select_n3A_976, %select_n3A_994 : vector<16xi1>, vector<16xf32>
      %select_n3A_996 = arith.select %gt3A_993, %broadcast_in_dim3A_979, %select_n3A_975 : vector<16xi1>, vector<16xi32>
      %select_n3A_997 = arith.select %gt3A_992, %select_n3A_977, %select_n3A_996 : vector<16xi1>, vector<16xi32>
      %select_n3A_998 = arith.select %gt3A_992, %add3A_991, %select_n3A_976 : vector<16xi1>, vector<16xf32>
      %select_n3A_999 = arith.select %gt3A_992, %broadcast_in_dim3A_979, %select_n3A_977 : vector<16xi1>, vector<16xi32>
      %broadcast_in_dim3A_1000 = arith.constant 8 : i32
      %broadcast_in_dim3A_1001 = vector.broadcast %broadcast_in_dim3A_1000 : i32 to vector<16xi32>
      %add3A_1002 = arith.addi %mul3A_818, %broadcast_in_dim3A_1001 : vector<16xi32>
      %gather3A_1003 = tpu.vector_load_idx %arg7[%add3A_1002] : memref<16384xf32, #tpu.memory_space<vmem>>[vector<16xi32>], vector<16xf32>,
      %get3A_1004 = arith.constant 72 : i32
      %get3A_1005 = arith.index_cast %get3A_1004 : i32 to index
      %get3A_1006 = arith.constant 0 : index
      %get3A_1007 = tpu.vector_load %arg9[%get3A_1005, %get3A_1006] {strides = array<i32>} : memref<128x16xf32, #tpu.memory_space<vmem>>, vector<16xf32>,
      %mul3A_1008 = arith.mulf %gather3A_1003, %get3A_1007 : vector<16xf32>
      %get3A_1009 = arith.constant 8 : i32
      %get3A_1010 = arith.index_cast %get3A_1009 : i32 to index
      %get3A_1011 = arith.constant 0 : index
      %get3A_1012 = tpu.vector_load %arg9[%get3A_1010, %get3A_1011] {strides = array<i32>} : memref<128x16xf32, #tpu.memory_space<vmem>>, vector<16xf32>,
      %add3A_1013 = arith.addf %mul3A_1008, %get3A_1012 : vector<16xf32>
      %gt3A_1014 = arith.cmpf ogt, %add3A_1013, %select_n3A_998 : vector<16xf32>
      %gt3A_1015 = arith.cmpf ogt, %add3A_1013, %select_n3A_995 : vector<16xf32>
      %select_n3A_1016 = arith.select %gt3A_1015, %add3A_1013, %select_n3A_995 : vector<16xi1>, vector<16xf32>
      %select_n3A_1017 = arith.select %gt3A_1014, %select_n3A_998, %select_n3A_1016 : vector<16xi1>, vector<16xf32>
      %select_n3A_1018 = arith.select %gt3A_1015, %broadcast_in_dim3A_1001, %select_n3A_997 : vector<16xi1>, vector<16xi32>
      %select_n3A_1019 = arith.select %gt3A_1014, %select_n3A_999, %select_n3A_1018 : vector<16xi1>, vector<16xi32>
      %select_n3A_1020 = arith.select %gt3A_1014, %add3A_1013, %select_n3A_998 : vector<16xi1>, vector<16xf32>
      %select_n3A_1021 = arith.select %gt3A_1014, %broadcast_in_dim3A_1001, %select_n3A_999 : vector<16xi1>, vector<16xi32>
      %broadcast_in_dim3A_1022 = arith.constant 9 : i32
      %broadcast_in_dim3A_1023 = vector.broadcast %broadcast_in_dim3A_1022 : i32 to vector<16xi32>
      %add3A_1024 = arith.addi %mul3A_818, %broadcast_in_dim3A_1023 : vector<16xi32>
      %gather3A_1025 = tpu.vector_load_idx %arg7[%add3A_1024] : memref<16384xf32, #tpu.memory_space<vmem>>[vector<16xi32>], vector<16xf32>,
      %get3A_1026 = arith.constant 73 : i32
      %get3A_1027 = arith.index_cast %get3A_1026 : i32 to index
      %get3A_1028 = arith.constant 0 : index
      %get3A_1029 = tpu.vector_load %arg9[%get3A_1027, %get3A_1028] {strides = array<i32>} : memref<128x16xf32, #tpu.memory_space<vmem>>, vector<16xf32>,
      %mul3A_1030 = arith.mulf %gather3A_1025, %get3A_1029 : vector<16xf32>
      %get3A_1031 = arith.constant 9 : i32
      %get3A_1032 = arith.index_cast %get3A_1031 : i32 to index
      %get3A_1033 = arith.constant 0 : index
      %get3A_1034 = tpu.vector_load %arg9[%get3A_1032, %get3A_1033] {strides = array<i32>} : memref<128x16xf32, #tpu.memory_space<vmem>>, vector<16xf32>,
      %add3A_1035 = arith.addf %mul3A_1030, %get3A_1034 : vector<16xf32>
      %gt3A_1036 = arith.cmpf ogt, %add3A_1035, %select_n3A_1020 : vector<16xf32>
      %gt3A_1037 = arith.cmpf ogt, %add3A_1035, %select_n3A_1017 : vector<16xf32>
      %select_n3A_1038 = arith.select %gt3A_1037, %add3A_1035, %select_n3A_1017 : vector<16xi1>, vector<16xf32>
      %select_n3A_1039 = arith.select %gt3A_1036, %select_n3A_1020, %select_n3A_1038 : vector<16xi1>, vector<16xf32>
      %select_n3A_1040 = arith.select %gt3A_1037, %broadcast_in_dim3A_1023, %select_n3A_1019 : vector<16xi1>, vector<16xi32>
      %select_n3A_1041 = arith.select %gt3A_1036, %select_n3A_1021, %select_n3A_1040 : vector<16xi1>, vector<16xi32>
      %select_n3A_1042 = arith.select %gt3A_1036, %add3A_1035, %select_n3A_1020 : vector<16xi1>, vector<16xf32>
      %select_n3A_1043 = arith.select %gt3A_1036, %broadcast_in_dim3A_1023, %select_n3A_1021 : vector<16xi1>, vector<16xi32>
      %broadcast_in_dim3A_1044 = arith.constant 10 : i32
      %broadcast_in_dim3A_1045 = vector.broadcast %broadcast_in_dim3A_1044 : i32 to vector<16xi32>
      %add3A_1046 = arith.addi %mul3A_818, %broadcast_in_dim3A_1045 : vector<16xi32>
      %gather3A_1047 = tpu.vector_load_idx %arg7[%add3A_1046] : memref<16384xf32, #tpu.memory_space<vmem>>[vector<16xi32>], vector<16xf32>,
      %get3A_1048 = arith.constant 74 : i32
      %get3A_1049 = arith.index_cast %get3A_1048 : i32 to index
      %get3A_1050 = arith.constant 0 : index
      %get3A_1051 = tpu.vector_load %arg9[%get3A_1049, %get3A_1050] {strides = array<i32>} : memref<128x16xf32, #tpu.memory_space<vmem>>, vector<16xf32>,
      %mul3A_1052 = arith.mulf %gather3A_1047, %get3A_1051 : vector<16xf32>
      %get3A_1053 = arith.constant 10 : i32
      %get3A_1054 = arith.index_cast %get3A_1053 : i32 to index
      %get3A_1055 = arith.constant 0 : index
      %get3A_1056 = tpu.vector_load %arg9[%get3A_1054, %get3A_1055] {strides = array<i32>} : memref<128x16xf32, #tpu.memory_space<vmem>>, vector<16xf32>,
      %add3A_1057 = arith.addf %mul3A_1052, %get3A_1056 : vector<16xf32>
      %gt3A_1058 = arith.cmpf ogt, %add3A_1057, %select_n3A_1042 : vector<16xf32>
      %gt3A_1059 = arith.cmpf ogt, %add3A_1057, %select_n3A_1039 : vector<16xf32>
      %select_n3A_1060 = arith.select %gt3A_1059, %add3A_1057, %select_n3A_1039 : vector<16xi1>, vector<16xf32>
      %select_n3A_1061 = arith.select %gt3A_1058, %select_n3A_1042, %select_n3A_1060 : vector<16xi1>, vector<16xf32>
      %select_n3A_1062 = arith.select %gt3A_1059, %broadcast_in_dim3A_1045, %select_n3A_1041 : vector<16xi1>, vector<16xi32>
      %select_n3A_1063 = arith.select %gt3A_1058, %select_n3A_1043, %select_n3A_1062 : vector<16xi1>, vector<16xi32>
      %select_n3A_1064 = arith.select %gt3A_1058, %add3A_1057, %select_n3A_1042 : vector<16xi1>, vector<16xf32>
      %select_n3A_1065 = arith.select %gt3A_1058, %broadcast_in_dim3A_1045, %select_n3A_1043 : vector<16xi1>, vector<16xi32>
      %broadcast_in_dim3A_1066 = arith.constant 11 : i32
      %broadcast_in_dim3A_1067 = vector.broadcast %broadcast_in_dim3A_1066 : i32 to vector<16xi32>
      %add3A_1068 = arith.addi %mul3A_818, %broadcast_in_dim3A_1067 : vector<16xi32>
      %gather3A_1069 = tpu.vector_load_idx %arg7[%add3A_1068] : memref<16384xf32, #tpu.memory_space<vmem>>[vector<16xi32>], vector<16xf32>,
      %get3A_1070 = arith.constant 75 : i32
      %get3A_1071 = arith.index_cast %get3A_1070 : i32 to index
      %get3A_1072 = arith.constant 0 : index
      %get3A_1073 = tpu.vector_load %arg9[%get3A_1071, %get3A_1072] {strides = array<i32>} : memref<128x16xf32, #tpu.memory_space<vmem>>, vector<16xf32>,
      %mul3A_1074 = arith.mulf %gather3A_1069, %get3A_1073 : vector<16xf32>
      %get3A_1075 = arith.constant 11 : i32
      %get3A_1076 = arith.index_cast %get3A_1075 : i32 to index
      %get3A_1077 = arith.constant 0 : index
      %get3A_1078 = tpu.vector_load %arg9[%get3A_1076, %get3A_1077] {strides = array<i32>} : memref<128x16xf32, #tpu.memory_space<vmem>>, vector<16xf32>,
      %add3A_1079 = arith.addf %mul3A_1074, %get3A_1078 : vector<16xf32>
      %gt3A_1080 = arith.cmpf ogt, %add3A_1079, %select_n3A_1064 : vector<16xf32>
      %gt3A_1081 = arith.cmpf ogt, %add3A_1079, %select_n3A_1061 : vector<16xf32>
      %select_n3A_1082 = arith.select %gt3A_1081, %add3A_1079, %select_n3A_1061 : vector<16xi1>, vector<16xf32>
      %select_n3A_1083 = arith.select %gt3A_1080, %select_n3A_1064, %select_n3A_1082 : vector<16xi1>, vector<16xf32>
      %select_n3A_1084 = arith.select %gt3A_1081, %broadcast_in_dim3A_1067, %select_n3A_1063 : vector<16xi1>, vector<16xi32>
      %select_n3A_1085 = arith.select %gt3A_1080, %select_n3A_1065, %select_n3A_1084 : vector<16xi1>, vector<16xi32>
      %select_n3A_1086 = arith.select %gt3A_1080, %add3A_1079, %select_n3A_1064 : vector<16xi1>, vector<16xf32>
      %select_n3A_1087 = arith.select %gt3A_1080, %broadcast_in_dim3A_1067, %select_n3A_1065 : vector<16xi1>, vector<16xi32>
      %broadcast_in_dim3A_1088 = arith.constant 12 : i32
      %broadcast_in_dim3A_1089 = vector.broadcast %broadcast_in_dim3A_1088 : i32 to vector<16xi32>
      %add3A_1090 = arith.addi %mul3A_818, %broadcast_in_dim3A_1089 : vector<16xi32>
      %gather3A_1091 = tpu.vector_load_idx %arg7[%add3A_1090] : memref<16384xf32, #tpu.memory_space<vmem>>[vector<16xi32>], vector<16xf32>,
      %get3A_1092 = arith.constant 76 : i32
      %get3A_1093 = arith.index_cast %get3A_1092 : i32 to index
      %get3A_1094 = arith.constant 0 : index
      %get3A_1095 = tpu.vector_load %arg9[%get3A_1093, %get3A_1094] {strides = array<i32>} : memref<128x16xf32, #tpu.memory_space<vmem>>, vector<16xf32>,
      %mul3A_1096 = arith.mulf %gather3A_1091, %get3A_1095 : vector<16xf32>
      %get3A_1097 = arith.constant 12 : i32
      %get3A_1098 = arith.index_cast %get3A_1097 : i32 to index
      %get3A_1099 = arith.constant 0 : index
      %get3A_1100 = tpu.vector_load %arg9[%get3A_1098, %get3A_1099] {strides = array<i32>} : memref<128x16xf32, #tpu.memory_space<vmem>>, vector<16xf32>,
      %add3A_1101 = arith.addf %mul3A_1096, %get3A_1100 : vector<16xf32>
      %gt3A_1102 = arith.cmpf ogt, %add3A_1101, %select_n3A_1086 : vector<16xf32>
      %gt3A_1103 = arith.cmpf ogt, %add3A_1101, %select_n3A_1083 : vector<16xf32>
      %select_n3A_1104 = arith.select %gt3A_1103, %add3A_1101, %select_n3A_1083 : vector<16xi1>, vector<16xf32>
      %select_n3A_1105 = arith.select %gt3A_1102, %select_n3A_1086, %select_n3A_1104 : vector<16xi1>, vector<16xf32>
      %select_n3A_1106 = arith.select %gt3A_1103, %broadcast_in_dim3A_1089, %select_n3A_1085 : vector<16xi1>, vector<16xi32>
      %select_n3A_1107 = arith.select %gt3A_1102, %select_n3A_1087, %select_n3A_1106 : vector<16xi1>, vector<16xi32>
      %select_n3A_1108 = arith.select %gt3A_1102, %add3A_1101, %select_n3A_1086 : vector<16xi1>, vector<16xf32>
      %select_n3A_1109 = arith.select %gt3A_1102, %broadcast_in_dim3A_1089, %select_n3A_1087 : vector<16xi1>, vector<16xi32>
      %broadcast_in_dim3A_1110 = arith.constant 13 : i32
      %broadcast_in_dim3A_1111 = vector.broadcast %broadcast_in_dim3A_1110 : i32 to vector<16xi32>
      %add3A_1112 = arith.addi %mul3A_818, %broadcast_in_dim3A_1111 : vector<16xi32>
      %gather3A_1113 = tpu.vector_load_idx %arg7[%add3A_1112] : memref<16384xf32, #tpu.memory_space<vmem>>[vector<16xi32>], vector<16xf32>,
      %get3A_1114 = arith.constant 77 : i32
      %get3A_1115 = arith.index_cast %get3A_1114 : i32 to index
      %get3A_1116 = arith.constant 0 : index
      %get3A_1117 = tpu.vector_load %arg9[%get3A_1115, %get3A_1116] {strides = array<i32>} : memref<128x16xf32, #tpu.memory_space<vmem>>, vector<16xf32>,
      %mul3A_1118 = arith.mulf %gather3A_1113, %get3A_1117 : vector<16xf32>
      %get3A_1119 = arith.constant 13 : i32
      %get3A_1120 = arith.index_cast %get3A_1119 : i32 to index
      %get3A_1121 = arith.constant 0 : index
      %get3A_1122 = tpu.vector_load %arg9[%get3A_1120, %get3A_1121] {strides = array<i32>} : memref<128x16xf32, #tpu.memory_space<vmem>>, vector<16xf32>,
      %add3A_1123 = arith.addf %mul3A_1118, %get3A_1122 : vector<16xf32>
      %gt3A_1124 = arith.cmpf ogt, %add3A_1123, %select_n3A_1108 : vector<16xf32>
      %gt3A_1125 = arith.cmpf ogt, %add3A_1123, %select_n3A_1105 : vector<16xf32>
      %select_n3A_1126 = arith.select %gt3A_1125, %add3A_1123, %select_n3A_1105 : vector<16xi1>, vector<16xf32>
      %select_n3A_1127 = arith.select %gt3A_1124, %select_n3A_1108, %select_n3A_1126 : vector<16xi1>, vector<16xf32>
      %select_n3A_1128 = arith.select %gt3A_1125, %broadcast_in_dim3A_1111, %select_n3A_1107 : vector<16xi1>, vector<16xi32>
      %select_n3A_1129 = arith.select %gt3A_1124, %select_n3A_1109, %select_n3A_1128 : vector<16xi1>, vector<16xi32>
      %select_n3A_1130 = arith.select %gt3A_1124, %add3A_1123, %select_n3A_1108 : vector<16xi1>, vector<16xf32>
      %select_n3A_1131 = arith.select %gt3A_1124, %broadcast_in_dim3A_1111, %select_n3A_1109 : vector<16xi1>, vector<16xi32>
      %broadcast_in_dim3A_1132 = arith.constant 14 : i32
      %broadcast_in_dim3A_1133 = vector.broadcast %broadcast_in_dim3A_1132 : i32 to vector<16xi32>
      %add3A_1134 = arith.addi %mul3A_818, %broadcast_in_dim3A_1133 : vector<16xi32>
      %gather3A_1135 = tpu.vector_load_idx %arg7[%add3A_1134] : memref<16384xf32, #tpu.memory_space<vmem>>[vector<16xi32>], vector<16xf32>,
      %get3A_1136 = arith.constant 78 : i32
      %get3A_1137 = arith.index_cast %get3A_1136 : i32 to index
      %get3A_1138 = arith.constant 0 : index
      %get3A_1139 = tpu.vector_load %arg9[%get3A_1137, %get3A_1138] {strides = array<i32>} : memref<128x16xf32, #tpu.memory_space<vmem>>, vector<16xf32>,
      %mul3A_1140 = arith.mulf %gather3A_1135, %get3A_1139 : vector<16xf32>
      %get3A_1141 = arith.constant 14 : i32
      %get3A_1142 = arith.index_cast %get3A_1141 : i32 to index
      %get3A_1143 = arith.constant 0 : index
      %get3A_1144 = tpu.vector_load %arg9[%get3A_1142, %get3A_1143] {strides = array<i32>} : memref<128x16xf32, #tpu.memory_space<vmem>>, vector<16xf32>,
      %add3A_1145 = arith.addf %mul3A_1140, %get3A_1144 : vector<16xf32>
      %gt3A_1146 = arith.cmpf ogt, %add3A_1145, %select_n3A_1130 : vector<16xf32>
      %gt3A_1147 = arith.cmpf ogt, %add3A_1145, %select_n3A_1127 : vector<16xf32>
      %select_n3A_1148 = arith.select %gt3A_1147, %add3A_1145, %select_n3A_1127 : vector<16xi1>, vector<16xf32>
      %select_n3A_1149 = arith.select %gt3A_1146, %select_n3A_1130, %select_n3A_1148 : vector<16xi1>, vector<16xf32>
      %select_n3A_1150 = arith.select %gt3A_1147, %broadcast_in_dim3A_1133, %select_n3A_1129 : vector<16xi1>, vector<16xi32>
      %select_n3A_1151 = arith.select %gt3A_1146, %select_n3A_1131, %select_n3A_1150 : vector<16xi1>, vector<16xi32>
      %select_n3A_1152 = arith.select %gt3A_1146, %add3A_1145, %select_n3A_1130 : vector<16xi1>, vector<16xf32>
      %select_n3A_1153 = arith.select %gt3A_1146, %broadcast_in_dim3A_1133, %select_n3A_1131 : vector<16xi1>, vector<16xi32>
      %broadcast_in_dim3A_1154 = arith.constant 15 : i32
      %broadcast_in_dim3A_1155 = vector.broadcast %broadcast_in_dim3A_1154 : i32 to vector<16xi32>
      %add3A_1156 = arith.addi %mul3A_818, %broadcast_in_dim3A_1155 : vector<16xi32>
      %gather3A_1157 = tpu.vector_load_idx %arg7[%add3A_1156] : memref<16384xf32, #tpu.memory_space<vmem>>[vector<16xi32>], vector<16xf32>,
      %get3A_1158 = arith.constant 79 : i32
      %get3A_1159 = arith.index_cast %get3A_1158 : i32 to index
      %get3A_1160 = arith.constant 0 : index
      %get3A_1161 = tpu.vector_load %arg9[%get3A_1159, %get3A_1160] {strides = array<i32>} : memref<128x16xf32, #tpu.memory_space<vmem>>, vector<16xf32>,
      %mul3A_1162 = arith.mulf %gather3A_1157, %get3A_1161 : vector<16xf32>
      %get3A_1163 = arith.constant 15 : i32
      %get3A_1164 = arith.index_cast %get3A_1163 : i32 to index
      %get3A_1165 = arith.constant 0 : index
      %get3A_1166 = tpu.vector_load %arg9[%get3A_1164, %get3A_1165] {strides = array<i32>} : memref<128x16xf32, #tpu.memory_space<vmem>>, vector<16xf32>,
      %add3A_1167 = arith.addf %mul3A_1162, %get3A_1166 : vector<16xf32>
      %gt3A_1168 = arith.cmpf ogt, %add3A_1167, %select_n3A_1152 : vector<16xf32>
      %gt3A_1169 = arith.cmpf ogt, %add3A_1167, %select_n3A_1149 : vector<16xf32>
      %select_n3A_1170 = arith.select %gt3A_1169, %add3A_1167, %select_n3A_1149 : vector<16xi1>, vector<16xf32>
      %select_n3A_1171 = arith.select %gt3A_1168, %select_n3A_1152, %select_n3A_1170 : vector<16xi1>, vector<16xf32>
      %select_n3A_1172 = arith.select %gt3A_1169, %broadcast_in_dim3A_1155, %select_n3A_1151 : vector<16xi1>, vector<16xi32>
      %select_n3A_1173 = arith.select %gt3A_1168, %select_n3A_1153, %select_n3A_1172 : vector<16xi1>, vector<16xi32>
      %select_n3A_1174 = arith.select %gt3A_1168, %add3A_1167, %select_n3A_1152 : vector<16xi1>, vector<16xf32>
      %select_n3A_1175 = arith.select %gt3A_1168, %broadcast_in_dim3A_1155, %select_n3A_1153 : vector<16xi1>, vector<16xi32>
      %broadcast_in_dim3A_1176 = arith.constant 16 : i32
      %broadcast_in_dim3A_1177 = vector.broadcast %broadcast_in_dim3A_1176 : i32 to vector<16xi32>
      %add3A_1178 = arith.addi %mul3A_818, %broadcast_in_dim3A_1177 : vector<16xi32>
      %gather3A_1179 = tpu.vector_load_idx %arg7[%add3A_1178] : memref<16384xf32, #tpu.memory_space<vmem>>[vector<16xi32>], vector<16xf32>,
      %get3A_1180 = arith.constant 80 : i32
      %get3A_1181 = arith.index_cast %get3A_1180 : i32 to index
      %get3A_1182 = arith.constant 0 : index
      %get3A_1183 = tpu.vector_load %arg9[%get3A_1181, %get3A_1182] {strides = array<i32>} : memref<128x16xf32, #tpu.memory_space<vmem>>, vector<16xf32>,
      %mul3A_1184 = arith.mulf %gather3A_1179, %get3A_1183 : vector<16xf32>
      %get3A_1185 = arith.constant 16 : i32
      %get3A_1186 = arith.index_cast %get3A_1185 : i32 to index
      %get3A_1187 = arith.constant 0 : index
      %get3A_1188 = tpu.vector_load %arg9[%get3A_1186, %get3A_1187] {strides = array<i32>} : memref<128x16xf32, #tpu.memory_space<vmem>>, vector<16xf32>,
      %add3A_1189 = arith.addf %mul3A_1184, %get3A_1188 : vector<16xf32>
      %gt3A_1190 = arith.cmpf ogt, %add3A_1189, %select_n3A_1174 : vector<16xf32>
      %gt3A_1191 = arith.cmpf ogt, %add3A_1189, %select_n3A_1171 : vector<16xf32>
      %select_n3A_1192 = arith.select %gt3A_1191, %add3A_1189, %select_n3A_1171 : vector<16xi1>, vector<16xf32>
      %select_n3A_1193 = arith.select %gt3A_1190, %select_n3A_1174, %select_n3A_1192 : vector<16xi1>, vector<16xf32>
      %select_n3A_1194 = arith.select %gt3A_1191, %broadcast_in_dim3A_1177, %select_n3A_1173 : vector<16xi1>, vector<16xi32>
      %select_n3A_1195 = arith.select %gt3A_1190, %select_n3A_1175, %select_n3A_1194 : vector<16xi1>, vector<16xi32>
      %select_n3A_1196 = arith.select %gt3A_1190, %add3A_1189, %select_n3A_1174 : vector<16xi1>, vector<16xf32>
      %select_n3A_1197 = arith.select %gt3A_1190, %broadcast_in_dim3A_1177, %select_n3A_1175 : vector<16xi1>, vector<16xi32>
      %broadcast_in_dim3A_1198 = arith.constant 17 : i32
      %broadcast_in_dim3A_1199 = vector.broadcast %broadcast_in_dim3A_1198 : i32 to vector<16xi32>
      %add3A_1200 = arith.addi %mul3A_818, %broadcast_in_dim3A_1199 : vector<16xi32>
      %gather3A_1201 = tpu.vector_load_idx %arg7[%add3A_1200] : memref<16384xf32, #tpu.memory_space<vmem>>[vector<16xi32>], vector<16xf32>,
      %get3A_1202 = arith.constant 81 : i32
      %get3A_1203 = arith.index_cast %get3A_1202 : i32 to index
      %get3A_1204 = arith.constant 0 : index
      %get3A_1205 = tpu.vector_load %arg9[%get3A_1203, %get3A_1204] {strides = array<i32>} : memref<128x16xf32, #tpu.memory_space<vmem>>, vector<16xf32>,
      %mul3A_1206 = arith.mulf %gather3A_1201, %get3A_1205 : vector<16xf32>
      %get3A_1207 = arith.constant 17 : i32
      %get3A_1208 = arith.index_cast %get3A_1207 : i32 to index
      %get3A_1209 = arith.constant 0 : index
      %get3A_1210 = tpu.vector_load %arg9[%get3A_1208, %get3A_1209] {strides = array<i32>} : memref<128x16xf32, #tpu.memory_space<vmem>>, vector<16xf32>,
      %add3A_1211 = arith.addf %mul3A_1206, %get3A_1210 : vector<16xf32>
      %gt3A_1212 = arith.cmpf ogt, %add3A_1211, %select_n3A_1196 : vector<16xf32>
      %gt3A_1213 = arith.cmpf ogt, %add3A_1211, %select_n3A_1193 : vector<16xf32>
      %select_n3A_1214 = arith.select %gt3A_1213, %add3A_1211, %select_n3A_1193 : vector<16xi1>, vector<16xf32>
      %select_n3A_1215 = arith.select %gt3A_1212, %select_n3A_1196, %select_n3A_1214 : vector<16xi1>, vector<16xf32>
      %select_n3A_1216 = arith.select %gt3A_1213, %broadcast_in_dim3A_1199, %select_n3A_1195 : vector<16xi1>, vector<16xi32>
      %select_n3A_1217 = arith.select %gt3A_1212, %select_n3A_1197, %select_n3A_1216 : vector<16xi1>, vector<16xi32>
      %select_n3A_1218 = arith.select %gt3A_1212, %add3A_1211, %select_n3A_1196 : vector<16xi1>, vector<16xf32>
      %select_n3A_1219 = arith.select %gt3A_1212, %broadcast_in_dim3A_1199, %select_n3A_1197 : vector<16xi1>, vector<16xi32>
      %broadcast_in_dim3A_1220 = arith.constant 18 : i32
      %broadcast_in_dim3A_1221 = vector.broadcast %broadcast_in_dim3A_1220 : i32 to vector<16xi32>
      %add3A_1222 = arith.addi %mul3A_818, %broadcast_in_dim3A_1221 : vector<16xi32>
      %gather3A_1223 = tpu.vector_load_idx %arg7[%add3A_1222] : memref<16384xf32, #tpu.memory_space<vmem>>[vector<16xi32>], vector<16xf32>,
      %get3A_1224 = arith.constant 82 : i32
      %get3A_1225 = arith.index_cast %get3A_1224 : i32 to index
      %get3A_1226 = arith.constant 0 : index
      %get3A_1227 = tpu.vector_load %arg9[%get3A_1225, %get3A_1226] {strides = array<i32>} : memref<128x16xf32, #tpu.memory_space<vmem>>, vector<16xf32>,
      %mul3A_1228 = arith.mulf %gather3A_1223, %get3A_1227 : vector<16xf32>
      %get3A_1229 = arith.constant 18 : i32
      %get3A_1230 = arith.index_cast %get3A_1229 : i32 to index
      %get3A_1231 = arith.constant 0 : index
      %get3A_1232 = tpu.vector_load %arg9[%get3A_1230, %get3A_1231] {strides = array<i32>} : memref<128x16xf32, #tpu.memory_space<vmem>>, vector<16xf32>,
      %add3A_1233 = arith.addf %mul3A_1228, %get3A_1232 : vector<16xf32>
      %gt3A_1234 = arith.cmpf ogt, %add3A_1233, %select_n3A_1218 : vector<16xf32>
      %gt3A_1235 = arith.cmpf ogt, %add3A_1233, %select_n3A_1215 : vector<16xf32>
      %select_n3A_1236 = arith.select %gt3A_1235, %add3A_1233, %select_n3A_1215 : vector<16xi1>, vector<16xf32>
      %select_n3A_1237 = arith.select %gt3A_1234, %select_n3A_1218, %select_n3A_1236 : vector<16xi1>, vector<16xf32>
      %select_n3A_1238 = arith.select %gt3A_1235, %broadcast_in_dim3A_1221, %select_n3A_1217 : vector<16xi1>, vector<16xi32>
      %select_n3A_1239 = arith.select %gt3A_1234, %select_n3A_1219, %select_n3A_1238 : vector<16xi1>, vector<16xi32>
      %select_n3A_1240 = arith.select %gt3A_1234, %add3A_1233, %select_n3A_1218 : vector<16xi1>, vector<16xf32>
      %select_n3A_1241 = arith.select %gt3A_1234, %broadcast_in_dim3A_1221, %select_n3A_1219 : vector<16xi1>, vector<16xi32>
      %broadcast_in_dim3A_1242 = arith.constant 19 : i32
      %broadcast_in_dim3A_1243 = vector.broadcast %broadcast_in_dim3A_1242 : i32 to vector<16xi32>
      %add3A_1244 = arith.addi %mul3A_818, %broadcast_in_dim3A_1243 : vector<16xi32>
      %gather3A_1245 = tpu.vector_load_idx %arg7[%add3A_1244] : memref<16384xf32, #tpu.memory_space<vmem>>[vector<16xi32>], vector<16xf32>,
      %get3A_1246 = arith.constant 83 : i32
      %get3A_1247 = arith.index_cast %get3A_1246 : i32 to index
      %get3A_1248 = arith.constant 0 : index
      %get3A_1249 = tpu.vector_load %arg9[%get3A_1247, %get3A_1248] {strides = array<i32>} : memref<128x16xf32, #tpu.memory_space<vmem>>, vector<16xf32>,
      %mul3A_1250 = arith.mulf %gather3A_1245, %get3A_1249 : vector<16xf32>
      %get3A_1251 = arith.constant 19 : i32
      %get3A_1252 = arith.index_cast %get3A_1251 : i32 to index
      %get3A_1253 = arith.constant 0 : index
      %get3A_1254 = tpu.vector_load %arg9[%get3A_1252, %get3A_1253] {strides = array<i32>} : memref<128x16xf32, #tpu.memory_space<vmem>>, vector<16xf32>,
      %add3A_1255 = arith.addf %mul3A_1250, %get3A_1254 : vector<16xf32>
      %gt3A_1256 = arith.cmpf ogt, %add3A_1255, %select_n3A_1240 : vector<16xf32>
      %gt3A_1257 = arith.cmpf ogt, %add3A_1255, %select_n3A_1237 : vector<16xf32>
      %select_n3A_1258 = arith.select %gt3A_1257, %add3A_1255, %select_n3A_1237 : vector<16xi1>, vector<16xf32>
      %select_n3A_1259 = arith.select %gt3A_1256, %select_n3A_1240, %select_n3A_1258 : vector<16xi1>, vector<16xf32>
      %select_n3A_1260 = arith.select %gt3A_1257, %broadcast_in_dim3A_1243, %select_n3A_1239 : vector<16xi1>, vector<16xi32>
      %select_n3A_1261 = arith.select %gt3A_1256, %select_n3A_1241, %select_n3A_1260 : vector<16xi1>, vector<16xi32>
      %select_n3A_1262 = arith.select %gt3A_1256, %add3A_1255, %select_n3A_1240 : vector<16xi1>, vector<16xf32>
      %select_n3A_1263 = arith.select %gt3A_1256, %broadcast_in_dim3A_1243, %select_n3A_1241 : vector<16xi1>, vector<16xi32>
      %broadcast_in_dim3A_1264 = arith.constant 20 : i32
      %broadcast_in_dim3A_1265 = vector.broadcast %broadcast_in_dim3A_1264 : i32 to vector<16xi32>
      %add3A_1266 = arith.addi %mul3A_818, %broadcast_in_dim3A_1265 : vector<16xi32>
      %gather3A_1267 = tpu.vector_load_idx %arg7[%add3A_1266] : memref<16384xf32, #tpu.memory_space<vmem>>[vector<16xi32>], vector<16xf32>,
      %get3A_1268 = arith.constant 84 : i32
      %get3A_1269 = arith.index_cast %get3A_1268 : i32 to index
      %get3A_1270 = arith.constant 0 : index
      %get3A_1271 = tpu.vector_load %arg9[%get3A_1269, %get3A_1270] {strides = array<i32>} : memref<128x16xf32, #tpu.memory_space<vmem>>, vector<16xf32>,
      %mul3A_1272 = arith.mulf %gather3A_1267, %get3A_1271 : vector<16xf32>
      %get3A_1273 = arith.constant 20 : i32
      %get3A_1274 = arith.index_cast %get3A_1273 : i32 to index
      %get3A_1275 = arith.constant 0 : index
      %get3A_1276 = tpu.vector_load %arg9[%get3A_1274, %get3A_1275] {strides = array<i32>} : memref<128x16xf32, #tpu.memory_space<vmem>>, vector<16xf32>,
      %add3A_1277 = arith.addf %mul3A_1272, %get3A_1276 : vector<16xf32>
      %gt3A_1278 = arith.cmpf ogt, %add3A_1277, %select_n3A_1262 : vector<16xf32>
      %gt3A_1279 = arith.cmpf ogt, %add3A_1277, %select_n3A_1259 : vector<16xf32>
      %select_n3A_1280 = arith.select %gt3A_1279, %add3A_1277, %select_n3A_1259 : vector<16xi1>, vector<16xf32>
      %select_n3A_1281 = arith.select %gt3A_1278, %select_n3A_1262, %select_n3A_1280 : vector<16xi1>, vector<16xf32>
      %select_n3A_1282 = arith.select %gt3A_1279, %broadcast_in_dim3A_1265, %select_n3A_1261 : vector<16xi1>, vector<16xi32>
      %select_n3A_1283 = arith.select %gt3A_1278, %select_n3A_1263, %select_n3A_1282 : vector<16xi1>, vector<16xi32>
      %select_n3A_1284 = arith.select %gt3A_1278, %add3A_1277, %select_n3A_1262 : vector<16xi1>, vector<16xf32>
      %select_n3A_1285 = arith.select %gt3A_1278, %broadcast_in_dim3A_1265, %select_n3A_1263 : vector<16xi1>, vector<16xi32>
      %broadcast_in_dim3A_1286 = arith.constant 21 : i32
      %broadcast_in_dim3A_1287 = vector.broadcast %broadcast_in_dim3A_1286 : i32 to vector<16xi32>
      %add3A_1288 = arith.addi %mul3A_818, %broadcast_in_dim3A_1287 : vector<16xi32>
      %gather3A_1289 = tpu.vector_load_idx %arg7[%add3A_1288] : memref<16384xf32, #tpu.memory_space<vmem>>[vector<16xi32>], vector<16xf32>,
      %get3A_1290 = arith.constant 85 : i32
      %get3A_1291 = arith.index_cast %get3A_1290 : i32 to index
      %get3A_1292 = arith.constant 0 : index
      %get3A_1293 = tpu.vector_load %arg9[%get3A_1291, %get3A_1292] {strides = array<i32>} : memref<128x16xf32, #tpu.memory_space<vmem>>, vector<16xf32>,
      %mul3A_1294 = arith.mulf %gather3A_1289, %get3A_1293 : vector<16xf32>
      %get3A_1295 = arith.constant 21 : i32
      %get3A_1296 = arith.index_cast %get3A_1295 : i32 to index
      %get3A_1297 = arith.constant 0 : index
      %get3A_1298 = tpu.vector_load %arg9[%get3A_1296, %get3A_1297] {strides = array<i32>} : memref<128x16xf32, #tpu.memory_space<vmem>>, vector<16xf32>,
      %add3A_1299 = arith.addf %mul3A_1294, %get3A_1298 : vector<16xf32>
      %gt3A_1300 = arith.cmpf ogt, %add3A_1299, %select_n3A_1284 : vector<16xf32>
      %gt3A_1301 = arith.cmpf ogt, %add3A_1299, %select_n3A_1281 : vector<16xf32>
      %select_n3A_1302 = arith.select %gt3A_1301, %add3A_1299, %select_n3A_1281 : vector<16xi1>, vector<16xf32>
      %select_n3A_1303 = arith.select %gt3A_1300, %select_n3A_1284, %select_n3A_1302 : vector<16xi1>, vector<16xf32>
      %select_n3A_1304 = arith.select %gt3A_1301, %broadcast_in_dim3A_1287, %select_n3A_1283 : vector<16xi1>, vector<16xi32>
      %select_n3A_1305 = arith.select %gt3A_1300, %select_n3A_1285, %select_n3A_1304 : vector<16xi1>, vector<16xi32>
      %select_n3A_1306 = arith.select %gt3A_1300, %add3A_1299, %select_n3A_1284 : vector<16xi1>, vector<16xf32>
      %select_n3A_1307 = arith.select %gt3A_1300, %broadcast_in_dim3A_1287, %select_n3A_1285 : vector<16xi1>, vector<16xi32>
      %broadcast_in_dim3A_1308 = arith.constant 22 : i32
      %broadcast_in_dim3A_1309 = vector.broadcast %broadcast_in_dim3A_1308 : i32 to vector<16xi32>
      %add3A_1310 = arith.addi %mul3A_818, %broadcast_in_dim3A_1309 : vector<16xi32>
      %gather3A_1311 = tpu.vector_load_idx %arg7[%add3A_1310] : memref<16384xf32, #tpu.memory_space<vmem>>[vector<16xi32>], vector<16xf32>,
      %get3A_1312 = arith.constant 86 : i32
      %get3A_1313 = arith.index_cast %get3A_1312 : i32 to index
      %get3A_1314 = arith.constant 0 : index
      %get3A_1315 = tpu.vector_load %arg9[%get3A_1313, %get3A_1314] {strides = array<i32>} : memref<128x16xf32, #tpu.memory_space<vmem>>, vector<16xf32>,
      %mul3A_1316 = arith.mulf %gather3A_1311, %get3A_1315 : vector<16xf32>
      %get3A_1317 = arith.constant 22 : i32
      %get3A_1318 = arith.index_cast %get3A_1317 : i32 to index
      %get3A_1319 = arith.constant 0 : index
      %get3A_1320 = tpu.vector_load %arg9[%get3A_1318, %get3A_1319] {strides = array<i32>} : memref<128x16xf32, #tpu.memory_space<vmem>>, vector<16xf32>,
      %add3A_1321 = arith.addf %mul3A_1316, %get3A_1320 : vector<16xf32>
      %gt3A_1322 = arith.cmpf ogt, %add3A_1321, %select_n3A_1306 : vector<16xf32>
      %gt3A_1323 = arith.cmpf ogt, %add3A_1321, %select_n3A_1303 : vector<16xf32>
      %select_n3A_1324 = arith.select %gt3A_1323, %add3A_1321, %select_n3A_1303 : vector<16xi1>, vector<16xf32>
      %select_n3A_1325 = arith.select %gt3A_1322, %select_n3A_1306, %select_n3A_1324 : vector<16xi1>, vector<16xf32>
      %select_n3A_1326 = arith.select %gt3A_1323, %broadcast_in_dim3A_1309, %select_n3A_1305 : vector<16xi1>, vector<16xi32>
      %select_n3A_1327 = arith.select %gt3A_1322, %select_n3A_1307, %select_n3A_1326 : vector<16xi1>, vector<16xi32>
      %select_n3A_1328 = arith.select %gt3A_1322, %add3A_1321, %select_n3A_1306 : vector<16xi1>, vector<16xf32>
      %select_n3A_1329 = arith.select %gt3A_1322, %broadcast_in_dim3A_1309, %select_n3A_1307 : vector<16xi1>, vector<16xi32>
      %broadcast_in_dim3A_1330 = arith.constant 23 : i32
      %broadcast_in_dim3A_1331 = vector.broadcast %broadcast_in_dim3A_1330 : i32 to vector<16xi32>
      %add3A_1332 = arith.addi %mul3A_818, %broadcast_in_dim3A_1331 : vector<16xi32>
      %gather3A_1333 = tpu.vector_load_idx %arg7[%add3A_1332] : memref<16384xf32, #tpu.memory_space<vmem>>[vector<16xi32>], vector<16xf32>,
      %get3A_1334 = arith.constant 87 : i32
      %get3A_1335 = arith.index_cast %get3A_1334 : i32 to index
      %get3A_1336 = arith.constant 0 : index
      %get3A_1337 = tpu.vector_load %arg9[%get3A_1335, %get3A_1336] {strides = array<i32>} : memref<128x16xf32, #tpu.memory_space<vmem>>, vector<16xf32>,
      %mul3A_1338 = arith.mulf %gather3A_1333, %get3A_1337 : vector<16xf32>
      %get3A_1339 = arith.constant 23 : i32
      %get3A_1340 = arith.index_cast %get3A_1339 : i32 to index
      %get3A_1341 = arith.constant 0 : index
      %get3A_1342 = tpu.vector_load %arg9[%get3A_1340, %get3A_1341] {strides = array<i32>} : memref<128x16xf32, #tpu.memory_space<vmem>>, vector<16xf32>,
      %add3A_1343 = arith.addf %mul3A_1338, %get3A_1342 : vector<16xf32>
      %gt3A_1344 = arith.cmpf ogt, %add3A_1343, %select_n3A_1328 : vector<16xf32>
      %gt3A_1345 = arith.cmpf ogt, %add3A_1343, %select_n3A_1325 : vector<16xf32>
      %select_n3A_1346 = arith.select %gt3A_1345, %add3A_1343, %select_n3A_1325 : vector<16xi1>, vector<16xf32>
      %select_n3A_1347 = arith.select %gt3A_1344, %select_n3A_1328, %select_n3A_1346 : vector<16xi1>, vector<16xf32>
      %select_n3A_1348 = arith.select %gt3A_1345, %broadcast_in_dim3A_1331, %select_n3A_1327 : vector<16xi1>, vector<16xi32>
      %select_n3A_1349 = arith.select %gt3A_1344, %select_n3A_1329, %select_n3A_1348 : vector<16xi1>, vector<16xi32>
      %select_n3A_1350 = arith.select %gt3A_1344, %add3A_1343, %select_n3A_1328 : vector<16xi1>, vector<16xf32>
      %select_n3A_1351 = arith.select %gt3A_1344, %broadcast_in_dim3A_1331, %select_n3A_1329 : vector<16xi1>, vector<16xi32>
      %broadcast_in_dim3A_1352 = arith.constant 24 : i32
      %broadcast_in_dim3A_1353 = vector.broadcast %broadcast_in_dim3A_1352 : i32 to vector<16xi32>
      %add3A_1354 = arith.addi %mul3A_818, %broadcast_in_dim3A_1353 : vector<16xi32>
      %gather3A_1355 = tpu.vector_load_idx %arg7[%add3A_1354] : memref<16384xf32, #tpu.memory_space<vmem>>[vector<16xi32>], vector<16xf32>,
      %get3A_1356 = arith.constant 88 : i32
      %get3A_1357 = arith.index_cast %get3A_1356 : i32 to index
      %get3A_1358 = arith.constant 0 : index
      %get3A_1359 = tpu.vector_load %arg9[%get3A_1357, %get3A_1358] {strides = array<i32>} : memref<128x16xf32, #tpu.memory_space<vmem>>, vector<16xf32>,
      %mul3A_1360 = arith.mulf %gather3A_1355, %get3A_1359 : vector<16xf32>
      %get3A_1361 = arith.constant 24 : i32
      %get3A_1362 = arith.index_cast %get3A_1361 : i32 to index
      %get3A_1363 = arith.constant 0 : index
      %get3A_1364 = tpu.vector_load %arg9[%get3A_1362, %get3A_1363] {strides = array<i32>} : memref<128x16xf32, #tpu.memory_space<vmem>>, vector<16xf32>,
      %add3A_1365 = arith.addf %mul3A_1360, %get3A_1364 : vector<16xf32>
      %gt3A_1366 = arith.cmpf ogt, %add3A_1365, %select_n3A_1350 : vector<16xf32>
      %gt3A_1367 = arith.cmpf ogt, %add3A_1365, %select_n3A_1347 : vector<16xf32>
      %select_n3A_1368 = arith.select %gt3A_1367, %add3A_1365, %select_n3A_1347 : vector<16xi1>, vector<16xf32>
      %select_n3A_1369 = arith.select %gt3A_1366, %select_n3A_1350, %select_n3A_1368 : vector<16xi1>, vector<16xf32>
      %select_n3A_1370 = arith.select %gt3A_1367, %broadcast_in_dim3A_1353, %select_n3A_1349 : vector<16xi1>, vector<16xi32>
      %select_n3A_1371 = arith.select %gt3A_1366, %select_n3A_1351, %select_n3A_1370 : vector<16xi1>, vector<16xi32>
      %select_n3A_1372 = arith.select %gt3A_1366, %add3A_1365, %select_n3A_1350 : vector<16xi1>, vector<16xf32>
      %select_n3A_1373 = arith.select %gt3A_1366, %broadcast_in_dim3A_1353, %select_n3A_1351 : vector<16xi1>, vector<16xi32>
      %broadcast_in_dim3A_1374 = arith.constant 25 : i32
      %broadcast_in_dim3A_1375 = vector.broadcast %broadcast_in_dim3A_1374 : i32 to vector<16xi32>
      %add3A_1376 = arith.addi %mul3A_818, %broadcast_in_dim3A_1375 : vector<16xi32>
      %gather3A_1377 = tpu.vector_load_idx %arg7[%add3A_1376] : memref<16384xf32, #tpu.memory_space<vmem>>[vector<16xi32>], vector<16xf32>,
      %get3A_1378 = arith.constant 89 : i32
      %get3A_1379 = arith.index_cast %get3A_1378 : i32 to index
      %get3A_1380 = arith.constant 0 : index
      %get3A_1381 = tpu.vector_load %arg9[%get3A_1379, %get3A_1380] {strides = array<i32>} : memref<128x16xf32, #tpu.memory_space<vmem>>, vector<16xf32>,
      %mul3A_1382 = arith.mulf %gather3A_1377, %get3A_1381 : vector<16xf32>
      %get3A_1383 = arith.constant 25 : i32
      %get3A_1384 = arith.index_cast %get3A_1383 : i32 to index
      %get3A_1385 = arith.constant 0 : index
      %get3A_1386 = tpu.vector_load %arg9[%get3A_1384, %get3A_1385] {strides = array<i32>} : memref<128x16xf32, #tpu.memory_space<vmem>>, vector<16xf32>,
      %add3A_1387 = arith.addf %mul3A_1382, %get3A_1386 : vector<16xf32>
      %gt3A_1388 = arith.cmpf ogt, %add3A_1387, %select_n3A_1372 : vector<16xf32>
      %gt3A_1389 = arith.cmpf ogt, %add3A_1387, %select_n3A_1369 : vector<16xf32>
      %select_n3A_1390 = arith.select %gt3A_1389, %add3A_1387, %select_n3A_1369 : vector<16xi1>, vector<16xf32>
      %select_n3A_1391 = arith.select %gt3A_1388, %select_n3A_1372, %select_n3A_1390 : vector<16xi1>, vector<16xf32>
      %select_n3A_1392 = arith.select %gt3A_1389, %broadcast_in_dim3A_1375, %select_n3A_1371 : vector<16xi1>, vector<16xi32>
      %select_n3A_1393 = arith.select %gt3A_1388, %select_n3A_1373, %select_n3A_1392 : vector<16xi1>, vector<16xi32>
      %select_n3A_1394 = arith.select %gt3A_1388, %add3A_1387, %select_n3A_1372 : vector<16xi1>, vector<16xf32>
      %select_n3A_1395 = arith.select %gt3A_1388, %broadcast_in_dim3A_1375, %select_n3A_1373 : vector<16xi1>, vector<16xi32>
      %broadcast_in_dim3A_1396 = arith.constant 26 : i32
      %broadcast_in_dim3A_1397 = vector.broadcast %broadcast_in_dim3A_1396 : i32 to vector<16xi32>
      %add3A_1398 = arith.addi %mul3A_818, %broadcast_in_dim3A_1397 : vector<16xi32>
      %gather3A_1399 = tpu.vector_load_idx %arg7[%add3A_1398] : memref<16384xf32, #tpu.memory_space<vmem>>[vector<16xi32>], vector<16xf32>,
      %get3A_1400 = arith.constant 90 : i32
      %get3A_1401 = arith.index_cast %get3A_1400 : i32 to index
      %get3A_1402 = arith.constant 0 : index
      %get3A_1403 = tpu.vector_load %arg9[%get3A_1401, %get3A_1402] {strides = array<i32>} : memref<128x16xf32, #tpu.memory_space<vmem>>, vector<16xf32>,
      %mul3A_1404 = arith.mulf %gather3A_1399, %get3A_1403 : vector<16xf32>
      %get3A_1405 = arith.constant 26 : i32
      %get3A_1406 = arith.index_cast %get3A_1405 : i32 to index
      %get3A_1407 = arith.constant 0 : index
      %get3A_1408 = tpu.vector_load %arg9[%get3A_1406, %get3A_1407] {strides = array<i32>} : memref<128x16xf32, #tpu.memory_space<vmem>>, vector<16xf32>,
      %add3A_1409 = arith.addf %mul3A_1404, %get3A_1408 : vector<16xf32>
      %gt3A_1410 = arith.cmpf ogt, %add3A_1409, %select_n3A_1394 : vector<16xf32>
      %gt3A_1411 = arith.cmpf ogt, %add3A_1409, %select_n3A_1391 : vector<16xf32>
      %select_n3A_1412 = arith.select %gt3A_1411, %add3A_1409, %select_n3A_1391 : vector<16xi1>, vector<16xf32>
      %select_n3A_1413 = arith.select %gt3A_1410, %select_n3A_1394, %select_n3A_1412 : vector<16xi1>, vector<16xf32>
      %select_n3A_1414 = arith.select %gt3A_1411, %broadcast_in_dim3A_1397, %select_n3A_1393 : vector<16xi1>, vector<16xi32>
      %select_n3A_1415 = arith.select %gt3A_1410, %select_n3A_1395, %select_n3A_1414 : vector<16xi1>, vector<16xi32>
      %select_n3A_1416 = arith.select %gt3A_1410, %add3A_1409, %select_n3A_1394 : vector<16xi1>, vector<16xf32>
      %select_n3A_1417 = arith.select %gt3A_1410, %broadcast_in_dim3A_1397, %select_n3A_1395 : vector<16xi1>, vector<16xi32>
      %broadcast_in_dim3A_1418 = arith.constant 27 : i32
      %broadcast_in_dim3A_1419 = vector.broadcast %broadcast_in_dim3A_1418 : i32 to vector<16xi32>
      %add3A_1420 = arith.addi %mul3A_818, %broadcast_in_dim3A_1419 : vector<16xi32>
      %gather3A_1421 = tpu.vector_load_idx %arg7[%add3A_1420] : memref<16384xf32, #tpu.memory_space<vmem>>[vector<16xi32>], vector<16xf32>,
      %get3A_1422 = arith.constant 91 : i32
      %get3A_1423 = arith.index_cast %get3A_1422 : i32 to index
      %get3A_1424 = arith.constant 0 : index
      %get3A_1425 = tpu.vector_load %arg9[%get3A_1423, %get3A_1424] {strides = array<i32>} : memref<128x16xf32, #tpu.memory_space<vmem>>, vector<16xf32>,
      %mul3A_1426 = arith.mulf %gather3A_1421, %get3A_1425 : vector<16xf32>
      %get3A_1427 = arith.constant 27 : i32
      %get3A_1428 = arith.index_cast %get3A_1427 : i32 to index
      %get3A_1429 = arith.constant 0 : index
      %get3A_1430 = tpu.vector_load %arg9[%get3A_1428, %get3A_1429] {strides = array<i32>} : memref<128x16xf32, #tpu.memory_space<vmem>>, vector<16xf32>,
      %add3A_1431 = arith.addf %mul3A_1426, %get3A_1430 : vector<16xf32>
      %gt3A_1432 = arith.cmpf ogt, %add3A_1431, %select_n3A_1416 : vector<16xf32>
      %gt3A_1433 = arith.cmpf ogt, %add3A_1431, %select_n3A_1413 : vector<16xf32>
      %select_n3A_1434 = arith.select %gt3A_1433, %add3A_1431, %select_n3A_1413 : vector<16xi1>, vector<16xf32>
      %select_n3A_1435 = arith.select %gt3A_1432, %select_n3A_1416, %select_n3A_1434 : vector<16xi1>, vector<16xf32>
      %select_n3A_1436 = arith.select %gt3A_1433, %broadcast_in_dim3A_1419, %select_n3A_1415 : vector<16xi1>, vector<16xi32>
      %select_n3A_1437 = arith.select %gt3A_1432, %select_n3A_1417, %select_n3A_1436 : vector<16xi1>, vector<16xi32>
      %select_n3A_1438 = arith.select %gt3A_1432, %add3A_1431, %select_n3A_1416 : vector<16xi1>, vector<16xf32>
      %select_n3A_1439 = arith.select %gt3A_1432, %broadcast_in_dim3A_1419, %select_n3A_1417 : vector<16xi1>, vector<16xi32>
      %broadcast_in_dim3A_1440 = arith.constant 28 : i32
      %broadcast_in_dim3A_1441 = vector.broadcast %broadcast_in_dim3A_1440 : i32 to vector<16xi32>
      %add3A_1442 = arith.addi %mul3A_818, %broadcast_in_dim3A_1441 : vector<16xi32>
      %gather3A_1443 = tpu.vector_load_idx %arg7[%add3A_1442] : memref<16384xf32, #tpu.memory_space<vmem>>[vector<16xi32>], vector<16xf32>,
      %get3A_1444 = arith.constant 92 : i32
      %get3A_1445 = arith.index_cast %get3A_1444 : i32 to index
      %get3A_1446 = arith.constant 0 : index
      %get3A_1447 = tpu.vector_load %arg9[%get3A_1445, %get3A_1446] {strides = array<i32>} : memref<128x16xf32, #tpu.memory_space<vmem>>, vector<16xf32>,
      %mul3A_1448 = arith.mulf %gather3A_1443, %get3A_1447 : vector<16xf32>
      %get3A_1449 = arith.constant 28 : i32
      %get3A_1450 = arith.index_cast %get3A_1449 : i32 to index
      %get3A_1451 = arith.constant 0 : index
      %get3A_1452 = tpu.vector_load %arg9[%get3A_1450, %get3A_1451] {strides = array<i32>} : memref<128x16xf32, #tpu.memory_space<vmem>>, vector<16xf32>,
      %add3A_1453 = arith.addf %mul3A_1448, %get3A_1452 : vector<16xf32>
      %gt3A_1454 = arith.cmpf ogt, %add3A_1453, %select_n3A_1438 : vector<16xf32>
      %gt3A_1455 = arith.cmpf ogt, %add3A_1453, %select_n3A_1435 : vector<16xf32>
      %select_n3A_1456 = arith.select %gt3A_1455, %add3A_1453, %select_n3A_1435 : vector<16xi1>, vector<16xf32>
      %select_n3A_1457 = arith.select %gt3A_1454, %select_n3A_1438, %select_n3A_1456 : vector<16xi1>, vector<16xf32>
      %select_n3A_1458 = arith.select %gt3A_1455, %broadcast_in_dim3A_1441, %select_n3A_1437 : vector<16xi1>, vector<16xi32>
      %select_n3A_1459 = arith.select %gt3A_1454, %select_n3A_1439, %select_n3A_1458 : vector<16xi1>, vector<16xi32>
      %select_n3A_1460 = arith.select %gt3A_1454, %add3A_1453, %select_n3A_1438 : vector<16xi1>, vector<16xf32>
      %select_n3A_1461 = arith.select %gt3A_1454, %broadcast_in_dim3A_1441, %select_n3A_1439 : vector<16xi1>, vector<16xi32>
      %broadcast_in_dim3A_1462 = arith.constant 29 : i32
      %broadcast_in_dim3A_1463 = vector.broadcast %broadcast_in_dim3A_1462 : i32 to vector<16xi32>
      %add3A_1464 = arith.addi %mul3A_818, %broadcast_in_dim3A_1463 : vector<16xi32>
      %gather3A_1465 = tpu.vector_load_idx %arg7[%add3A_1464] : memref<16384xf32, #tpu.memory_space<vmem>>[vector<16xi32>], vector<16xf32>,
      %get3A_1466 = arith.constant 93 : i32
      %get3A_1467 = arith.index_cast %get3A_1466 : i32 to index
      %get3A_1468 = arith.constant 0 : index
      %get3A_1469 = tpu.vector_load %arg9[%get3A_1467, %get3A_1468] {strides = array<i32>} : memref<128x16xf32, #tpu.memory_space<vmem>>, vector<16xf32>,
      %mul3A_1470 = arith.mulf %gather3A_1465, %get3A_1469 : vector<16xf32>
      %get3A_1471 = arith.constant 29 : i32
      %get3A_1472 = arith.index_cast %get3A_1471 : i32 to index
      %get3A_1473 = arith.constant 0 : index
      %get3A_1474 = tpu.vector_load %arg9[%get3A_1472, %get3A_1473] {strides = array<i32>} : memref<128x16xf32, #tpu.memory_space<vmem>>, vector<16xf32>,
      %add3A_1475 = arith.addf %mul3A_1470, %get3A_1474 : vector<16xf32>
      %gt3A_1476 = arith.cmpf ogt, %add3A_1475, %select_n3A_1460 : vector<16xf32>
      %gt3A_1477 = arith.cmpf ogt, %add3A_1475, %select_n3A_1457 : vector<16xf32>
      %select_n3A_1478 = arith.select %gt3A_1477, %add3A_1475, %select_n3A_1457 : vector<16xi1>, vector<16xf32>
      %select_n3A_1479 = arith.select %gt3A_1476, %select_n3A_1460, %select_n3A_1478 : vector<16xi1>, vector<16xf32>
      %select_n3A_1480 = arith.select %gt3A_1477, %broadcast_in_dim3A_1463, %select_n3A_1459 : vector<16xi1>, vector<16xi32>
      %select_n3A_1481 = arith.select %gt3A_1476, %select_n3A_1461, %select_n3A_1480 : vector<16xi1>, vector<16xi32>
      %select_n3A_1482 = arith.select %gt3A_1476, %add3A_1475, %select_n3A_1460 : vector<16xi1>, vector<16xf32>
      %select_n3A_1483 = arith.select %gt3A_1476, %broadcast_in_dim3A_1463, %select_n3A_1461 : vector<16xi1>, vector<16xi32>
      %broadcast_in_dim3A_1484 = arith.constant 30 : i32
      %broadcast_in_dim3A_1485 = vector.broadcast %broadcast_in_dim3A_1484 : i32 to vector<16xi32>
      %add3A_1486 = arith.addi %mul3A_818, %broadcast_in_dim3A_1485 : vector<16xi32>
      %gather3A_1487 = tpu.vector_load_idx %arg7[%add3A_1486] : memref<16384xf32, #tpu.memory_space<vmem>>[vector<16xi32>], vector<16xf32>,
      %get3A_1488 = arith.constant 94 : i32
      %get3A_1489 = arith.index_cast %get3A_1488 : i32 to index
      %get3A_1490 = arith.constant 0 : index
      %get3A_1491 = tpu.vector_load %arg9[%get3A_1489, %get3A_1490] {strides = array<i32>} : memref<128x16xf32, #tpu.memory_space<vmem>>, vector<16xf32>,
      %mul3A_1492 = arith.mulf %gather3A_1487, %get3A_1491 : vector<16xf32>
      %get3A_1493 = arith.constant 30 : i32
      %get3A_1494 = arith.index_cast %get3A_1493 : i32 to index
      %get3A_1495 = arith.constant 0 : index
      %get3A_1496 = tpu.vector_load %arg9[%get3A_1494, %get3A_1495] {strides = array<i32>} : memref<128x16xf32, #tpu.memory_space<vmem>>, vector<16xf32>,
      %add3A_1497 = arith.addf %mul3A_1492, %get3A_1496 : vector<16xf32>
      %gt3A_1498 = arith.cmpf ogt, %add3A_1497, %select_n3A_1482 : vector<16xf32>
      %gt3A_1499 = arith.cmpf ogt, %add3A_1497, %select_n3A_1479 : vector<16xf32>
      %select_n3A_1500 = arith.select %gt3A_1499, %add3A_1497, %select_n3A_1479 : vector<16xi1>, vector<16xf32>
      %select_n3A_1501 = arith.select %gt3A_1498, %select_n3A_1482, %select_n3A_1500 : vector<16xi1>, vector<16xf32>
      %select_n3A_1502 = arith.select %gt3A_1499, %broadcast_in_dim3A_1485, %select_n3A_1481 : vector<16xi1>, vector<16xi32>
      %select_n3A_1503 = arith.select %gt3A_1498, %select_n3A_1483, %select_n3A_1502 : vector<16xi1>, vector<16xi32>
      %select_n3A_1504 = arith.select %gt3A_1498, %add3A_1497, %select_n3A_1482 : vector<16xi1>, vector<16xf32>
      %select_n3A_1505 = arith.select %gt3A_1498, %broadcast_in_dim3A_1485, %select_n3A_1483 : vector<16xi1>, vector<16xi32>
      %broadcast_in_dim3A_1506 = arith.constant 31 : i32
      %broadcast_in_dim3A_1507 = vector.broadcast %broadcast_in_dim3A_1506 : i32 to vector<16xi32>
      %add3A_1508 = arith.addi %mul3A_818, %broadcast_in_dim3A_1507 : vector<16xi32>
      %gather3A_1509 = tpu.vector_load_idx %arg7[%add3A_1508] : memref<16384xf32, #tpu.memory_space<vmem>>[vector<16xi32>], vector<16xf32>,
      %get3A_1510 = arith.constant 95 : i32
      %get3A_1511 = arith.index_cast %get3A_1510 : i32 to index
      %get3A_1512 = arith.constant 0 : index
      %get3A_1513 = tpu.vector_load %arg9[%get3A_1511, %get3A_1512] {strides = array<i32>} : memref<128x16xf32, #tpu.memory_space<vmem>>, vector<16xf32>,
      %mul3A_1514 = arith.mulf %gather3A_1509, %get3A_1513 : vector<16xf32>
      %get3A_1515 = arith.constant 31 : i32
      %get3A_1516 = arith.index_cast %get3A_1515 : i32 to index
      %get3A_1517 = arith.constant 0 : index
      %get3A_1518 = tpu.vector_load %arg9[%get3A_1516, %get3A_1517] {strides = array<i32>} : memref<128x16xf32, #tpu.memory_space<vmem>>, vector<16xf32>,
      %add3A_1519 = arith.addf %mul3A_1514, %get3A_1518 : vector<16xf32>
      %gt3A_1520 = arith.cmpf ogt, %add3A_1519, %select_n3A_1504 : vector<16xf32>
      %gt3A_1521 = arith.cmpf ogt, %add3A_1519, %select_n3A_1501 : vector<16xf32>
      %select_n3A_1522 = arith.select %gt3A_1521, %add3A_1519, %select_n3A_1501 : vector<16xi1>, vector<16xf32>
      %select_n3A_1523 = arith.select %gt3A_1520, %select_n3A_1504, %select_n3A_1522 : vector<16xi1>, vector<16xf32>
      %select_n3A_1524 = arith.select %gt3A_1521, %broadcast_in_dim3A_1507, %select_n3A_1503 : vector<16xi1>, vector<16xi32>
      %select_n3A_1525 = arith.select %gt3A_1520, %select_n3A_1505, %select_n3A_1524 : vector<16xi1>, vector<16xi32>
      %select_n3A_1526 = arith.select %gt3A_1520, %add3A_1519, %select_n3A_1504 : vector<16xi1>, vector<16xf32>
      %select_n3A_1527 = arith.select %gt3A_1520, %broadcast_in_dim3A_1507, %select_n3A_1505 : vector<16xi1>, vector<16xi32>
      %broadcast_in_dim3A_1528 = arith.constant 32 : i32
      %broadcast_in_dim3A_1529 = vector.broadcast %broadcast_in_dim3A_1528 : i32 to vector<16xi32>
      %add3A_1530 = arith.addi %mul3A_818, %broadcast_in_dim3A_1529 : vector<16xi32>
      %gather3A_1531 = tpu.vector_load_idx %arg7[%add3A_1530] : memref<16384xf32, #tpu.memory_space<vmem>>[vector<16xi32>], vector<16xf32>,
      %get3A_1532 = arith.constant 96 : i32
      %get3A_1533 = arith.index_cast %get3A_1532 : i32 to index
      %get3A_1534 = arith.constant 0 : index
      %get3A_1535 = tpu.vector_load %arg9[%get3A_1533, %get3A_1534] {strides = array<i32>} : memref<128x16xf32, #tpu.memory_space<vmem>>, vector<16xf32>,
      %mul3A_1536 = arith.mulf %gather3A_1531, %get3A_1535 : vector<16xf32>
      %get3A_1537 = arith.constant 32 : i32
      %get3A_1538 = arith.index_cast %get3A_1537 : i32 to index
      %get3A_1539 = arith.constant 0 : index
      %get3A_1540 = tpu.vector_load %arg9[%get3A_1538, %get3A_1539] {strides = array<i32>} : memref<128x16xf32, #tpu.memory_space<vmem>>, vector<16xf32>,
      %add3A_1541 = arith.addf %mul3A_1536, %get3A_1540 : vector<16xf32>
      %gt3A_1542 = arith.cmpf ogt, %add3A_1541, %select_n3A_1526 : vector<16xf32>
      %gt3A_1543 = arith.cmpf ogt, %add3A_1541, %select_n3A_1523 : vector<16xf32>
      %select_n3A_1544 = arith.select %gt3A_1543, %add3A_1541, %select_n3A_1523 : vector<16xi1>, vector<16xf32>
      %select_n3A_1545 = arith.select %gt3A_1542, %select_n3A_1526, %select_n3A_1544 : vector<16xi1>, vector<16xf32>
      %select_n3A_1546 = arith.select %gt3A_1543, %broadcast_in_dim3A_1529, %select_n3A_1525 : vector<16xi1>, vector<16xi32>
      %select_n3A_1547 = arith.select %gt3A_1542, %select_n3A_1527, %select_n3A_1546 : vector<16xi1>, vector<16xi32>
      %select_n3A_1548 = arith.select %gt3A_1542, %add3A_1541, %select_n3A_1526 : vector<16xi1>, vector<16xf32>
      %select_n3A_1549 = arith.select %gt3A_1542, %broadcast_in_dim3A_1529, %select_n3A_1527 : vector<16xi1>, vector<16xi32>
      %broadcast_in_dim3A_1550 = arith.constant 33 : i32
      %broadcast_in_dim3A_1551 = vector.broadcast %broadcast_in_dim3A_1550 : i32 to vector<16xi32>
      %add3A_1552 = arith.addi %mul3A_818, %broadcast_in_dim3A_1551 : vector<16xi32>
      %gather3A_1553 = tpu.vector_load_idx %arg7[%add3A_1552] : memref<16384xf32, #tpu.memory_space<vmem>>[vector<16xi32>], vector<16xf32>,
      %get3A_1554 = arith.constant 97 : i32
      %get3A_1555 = arith.index_cast %get3A_1554 : i32 to index
      %get3A_1556 = arith.constant 0 : index
      %get3A_1557 = tpu.vector_load %arg9[%get3A_1555, %get3A_1556] {strides = array<i32>} : memref<128x16xf32, #tpu.memory_space<vmem>>, vector<16xf32>,
      %mul3A_1558 = arith.mulf %gather3A_1553, %get3A_1557 : vector<16xf32>
      %get3A_1559 = arith.constant 33 : i32
      %get3A_1560 = arith.index_cast %get3A_1559 : i32 to index
      %get3A_1561 = arith.constant 0 : index
      %get3A_1562 = tpu.vector_load %arg9[%get3A_1560, %get3A_1561] {strides = array<i32>} : memref<128x16xf32, #tpu.memory_space<vmem>>, vector<16xf32>,
      %add3A_1563 = arith.addf %mul3A_1558, %get3A_1562 : vector<16xf32>
      %gt3A_1564 = arith.cmpf ogt, %add3A_1563, %select_n3A_1548 : vector<16xf32>
      %gt3A_1565 = arith.cmpf ogt, %add3A_1563, %select_n3A_1545 : vector<16xf32>
      %select_n3A_1566 = arith.select %gt3A_1565, %add3A_1563, %select_n3A_1545 : vector<16xi1>, vector<16xf32>
      %select_n3A_1567 = arith.select %gt3A_1564, %select_n3A_1548, %select_n3A_1566 : vector<16xi1>, vector<16xf32>
      %select_n3A_1568 = arith.select %gt3A_1565, %broadcast_in_dim3A_1551, %select_n3A_1547 : vector<16xi1>, vector<16xi32>
      %select_n3A_1569 = arith.select %gt3A_1564, %select_n3A_1549, %select_n3A_1568 : vector<16xi1>, vector<16xi32>
      %select_n3A_1570 = arith.select %gt3A_1564, %add3A_1563, %select_n3A_1548 : vector<16xi1>, vector<16xf32>
      %select_n3A_1571 = arith.select %gt3A_1564, %broadcast_in_dim3A_1551, %select_n3A_1549 : vector<16xi1>, vector<16xi32>
      %broadcast_in_dim3A_1572 = arith.constant 34 : i32
      %broadcast_in_dim3A_1573 = vector.broadcast %broadcast_in_dim3A_1572 : i32 to vector<16xi32>
      %add3A_1574 = arith.addi %mul3A_818, %broadcast_in_dim3A_1573 : vector<16xi32>
      %gather3A_1575 = tpu.vector_load_idx %arg7[%add3A_1574] : memref<16384xf32, #tpu.memory_space<vmem>>[vector<16xi32>], vector<16xf32>,
      %get3A_1576 = arith.constant 98 : i32
      %get3A_1577 = arith.index_cast %get3A_1576 : i32 to index
      %get3A_1578 = arith.constant 0 : index
      %get3A_1579 = tpu.vector_load %arg9[%get3A_1577, %get3A_1578] {strides = array<i32>} : memref<128x16xf32, #tpu.memory_space<vmem>>, vector<16xf32>,
      %mul3A_1580 = arith.mulf %gather3A_1575, %get3A_1579 : vector<16xf32>
      %get3A_1581 = arith.constant 34 : i32
      %get3A_1582 = arith.index_cast %get3A_1581 : i32 to index
      %get3A_1583 = arith.constant 0 : index
      %get3A_1584 = tpu.vector_load %arg9[%get3A_1582, %get3A_1583] {strides = array<i32>} : memref<128x16xf32, #tpu.memory_space<vmem>>, vector<16xf32>,
      %add3A_1585 = arith.addf %mul3A_1580, %get3A_1584 : vector<16xf32>
      %gt3A_1586 = arith.cmpf ogt, %add3A_1585, %select_n3A_1570 : vector<16xf32>
      %gt3A_1587 = arith.cmpf ogt, %add3A_1585, %select_n3A_1567 : vector<16xf32>
      %select_n3A_1588 = arith.select %gt3A_1587, %add3A_1585, %select_n3A_1567 : vector<16xi1>, vector<16xf32>
      %select_n3A_1589 = arith.select %gt3A_1586, %select_n3A_1570, %select_n3A_1588 : vector<16xi1>, vector<16xf32>
      %select_n3A_1590 = arith.select %gt3A_1587, %broadcast_in_dim3A_1573, %select_n3A_1569 : vector<16xi1>, vector<16xi32>
      %select_n3A_1591 = arith.select %gt3A_1586, %select_n3A_1571, %select_n3A_1590 : vector<16xi1>, vector<16xi32>
      %select_n3A_1592 = arith.select %gt3A_1586, %add3A_1585, %select_n3A_1570 : vector<16xi1>, vector<16xf32>
      %select_n3A_1593 = arith.select %gt3A_1586, %broadcast_in_dim3A_1573, %select_n3A_1571 : vector<16xi1>, vector<16xi32>
      %broadcast_in_dim3A_1594 = arith.constant 35 : i32
      %broadcast_in_dim3A_1595 = vector.broadcast %broadcast_in_dim3A_1594 : i32 to vector<16xi32>
      %add3A_1596 = arith.addi %mul3A_818, %broadcast_in_dim3A_1595 : vector<16xi32>
      %gather3A_1597 = tpu.vector_load_idx %arg7[%add3A_1596] : memref<16384xf32, #tpu.memory_space<vmem>>[vector<16xi32>], vector<16xf32>,
      %get3A_1598 = arith.constant 99 : i32
      %get3A_1599 = arith.index_cast %get3A_1598 : i32 to index
      %get3A_1600 = arith.constant 0 : index
      %get3A_1601 = tpu.vector_load %arg9[%get3A_1599, %get3A_1600] {strides = array<i32>} : memref<128x16xf32, #tpu.memory_space<vmem>>, vector<16xf32>,
      %mul3A_1602 = arith.mulf %gather3A_1597, %get3A_1601 : vector<16xf32>
      %get3A_1603 = arith.constant 35 : i32
      %get3A_1604 = arith.index_cast %get3A_1603 : i32 to index
      %get3A_1605 = arith.constant 0 : index
      %get3A_1606 = tpu.vector_load %arg9[%get3A_1604, %get3A_1605] {strides = array<i32>} : memref<128x16xf32, #tpu.memory_space<vmem>>, vector<16xf32>,
      %add3A_1607 = arith.addf %mul3A_1602, %get3A_1606 : vector<16xf32>
      %gt3A_1608 = arith.cmpf ogt, %add3A_1607, %select_n3A_1592 : vector<16xf32>
      %gt3A_1609 = arith.cmpf ogt, %add3A_1607, %select_n3A_1589 : vector<16xf32>
      %select_n3A_1610 = arith.select %gt3A_1609, %add3A_1607, %select_n3A_1589 : vector<16xi1>, vector<16xf32>
      %select_n3A_1611 = arith.select %gt3A_1608, %select_n3A_1592, %select_n3A_1610 : vector<16xi1>, vector<16xf32>
      %select_n3A_1612 = arith.select %gt3A_1609, %broadcast_in_dim3A_1595, %select_n3A_1591 : vector<16xi1>, vector<16xi32>
      %select_n3A_1613 = arith.select %gt3A_1608, %select_n3A_1593, %select_n3A_1612 : vector<16xi1>, vector<16xi32>
      %select_n3A_1614 = arith.select %gt3A_1608, %add3A_1607, %select_n3A_1592 : vector<16xi1>, vector<16xf32>
      %select_n3A_1615 = arith.select %gt3A_1608, %broadcast_in_dim3A_1595, %select_n3A_1593 : vector<16xi1>, vector<16xi32>
      %broadcast_in_dim3A_1616 = arith.constant 36 : i32
      %broadcast_in_dim3A_1617 = vector.broadcast %broadcast_in_dim3A_1616 : i32 to vector<16xi32>
      %add3A_1618 = arith.addi %mul3A_818, %broadcast_in_dim3A_1617 : vector<16xi32>
      %gather3A_1619 = tpu.vector_load_idx %arg7[%add3A_1618] : memref<16384xf32, #tpu.memory_space<vmem>>[vector<16xi32>], vector<16xf32>,
      %get3A_1620 = arith.constant 100 : i32
      %get3A_1621 = arith.index_cast %get3A_1620 : i32 to index
      %get3A_1622 = arith.constant 0 : index
      %get3A_1623 = tpu.vector_load %arg9[%get3A_1621, %get3A_1622] {strides = array<i32>} : memref<128x16xf32, #tpu.memory_space<vmem>>, vector<16xf32>,
      %mul3A_1624 = arith.mulf %gather3A_1619, %get3A_1623 : vector<16xf32>
      %get3A_1625 = arith.constant 36 : i32
      %get3A_1626 = arith.index_cast %get3A_1625 : i32 to index
      %get3A_1627 = arith.constant 0 : index
      %get3A_1628 = tpu.vector_load %arg9[%get3A_1626, %get3A_1627] {strides = array<i32>} : memref<128x16xf32, #tpu.memory_space<vmem>>, vector<16xf32>,
      %add3A_1629 = arith.addf %mul3A_1624, %get3A_1628 : vector<16xf32>
      %gt3A_1630 = arith.cmpf ogt, %add3A_1629, %select_n3A_1614 : vector<16xf32>
      %gt3A_1631 = arith.cmpf ogt, %add3A_1629, %select_n3A_1611 : vector<16xf32>
      %select_n3A_1632 = arith.select %gt3A_1631, %add3A_1629, %select_n3A_1611 : vector<16xi1>, vector<16xf32>
      %select_n3A_1633 = arith.select %gt3A_1630, %select_n3A_1614, %select_n3A_1632 : vector<16xi1>, vector<16xf32>
      %select_n3A_1634 = arith.select %gt3A_1631, %broadcast_in_dim3A_1617, %select_n3A_1613 : vector<16xi1>, vector<16xi32>
      %select_n3A_1635 = arith.select %gt3A_1630, %select_n3A_1615, %select_n3A_1634 : vector<16xi1>, vector<16xi32>
      %select_n3A_1636 = arith.select %gt3A_1630, %add3A_1629, %select_n3A_1614 : vector<16xi1>, vector<16xf32>
      %select_n3A_1637 = arith.select %gt3A_1630, %broadcast_in_dim3A_1617, %select_n3A_1615 : vector<16xi1>, vector<16xi32>
      %broadcast_in_dim3A_1638 = arith.constant 37 : i32
      %broadcast_in_dim3A_1639 = vector.broadcast %broadcast_in_dim3A_1638 : i32 to vector<16xi32>
      %add3A_1640 = arith.addi %mul3A_818, %broadcast_in_dim3A_1639 : vector<16xi32>
      %gather3A_1641 = tpu.vector_load_idx %arg7[%add3A_1640] : memref<16384xf32, #tpu.memory_space<vmem>>[vector<16xi32>], vector<16xf32>,
      %get3A_1642 = arith.constant 101 : i32
      %get3A_1643 = arith.index_cast %get3A_1642 : i32 to index
      %get3A_1644 = arith.constant 0 : index
      %get3A_1645 = tpu.vector_load %arg9[%get3A_1643, %get3A_1644] {strides = array<i32>} : memref<128x16xf32, #tpu.memory_space<vmem>>, vector<16xf32>,
      %mul3A_1646 = arith.mulf %gather3A_1641, %get3A_1645 : vector<16xf32>
      %get3A_1647 = arith.constant 37 : i32
      %get3A_1648 = arith.index_cast %get3A_1647 : i32 to index
      %get3A_1649 = arith.constant 0 : index
      %get3A_1650 = tpu.vector_load %arg9[%get3A_1648, %get3A_1649] {strides = array<i32>} : memref<128x16xf32, #tpu.memory_space<vmem>>, vector<16xf32>,
      %add3A_1651 = arith.addf %mul3A_1646, %get3A_1650 : vector<16xf32>
      %gt3A_1652 = arith.cmpf ogt, %add3A_1651, %select_n3A_1636 : vector<16xf32>
      %gt3A_1653 = arith.cmpf ogt, %add3A_1651, %select_n3A_1633 : vector<16xf32>
      %select_n3A_1654 = arith.select %gt3A_1653, %add3A_1651, %select_n3A_1633 : vector<16xi1>, vector<16xf32>
      %select_n3A_1655 = arith.select %gt3A_1652, %select_n3A_1636, %select_n3A_1654 : vector<16xi1>, vector<16xf32>
      %select_n3A_1656 = arith.select %gt3A_1653, %broadcast_in_dim3A_1639, %select_n3A_1635 : vector<16xi1>, vector<16xi32>
      %select_n3A_1657 = arith.select %gt3A_1652, %select_n3A_1637, %select_n3A_1656 : vector<16xi1>, vector<16xi32>
      %select_n3A_1658 = arith.select %gt3A_1652, %add3A_1651, %select_n3A_1636 : vector<16xi1>, vector<16xf32>
      %select_n3A_1659 = arith.select %gt3A_1652, %broadcast_in_dim3A_1639, %select_n3A_1637 : vector<16xi1>, vector<16xi32>
      %broadcast_in_dim3A_1660 = arith.constant 38 : i32
      %broadcast_in_dim3A_1661 = vector.broadcast %broadcast_in_dim3A_1660 : i32 to vector<16xi32>
      %add3A_1662 = arith.addi %mul3A_818, %broadcast_in_dim3A_1661 : vector<16xi32>
      %gather3A_1663 = tpu.vector_load_idx %arg7[%add3A_1662] : memref<16384xf32, #tpu.memory_space<vmem>>[vector<16xi32>], vector<16xf32>,
      %get3A_1664 = arith.constant 102 : i32
      %get3A_1665 = arith.index_cast %get3A_1664 : i32 to index
      %get3A_1666 = arith.constant 0 : index
      %get3A_1667 = tpu.vector_load %arg9[%get3A_1665, %get3A_1666] {strides = array<i32>} : memref<128x16xf32, #tpu.memory_space<vmem>>, vector<16xf32>,
      %mul3A_1668 = arith.mulf %gather3A_1663, %get3A_1667 : vector<16xf32>
      %get3A_1669 = arith.constant 38 : i32
      %get3A_1670 = arith.index_cast %get3A_1669 : i32 to index
      %get3A_1671 = arith.constant 0 : index
      %get3A_1672 = tpu.vector_load %arg9[%get3A_1670, %get3A_1671] {strides = array<i32>} : memref<128x16xf32, #tpu.memory_space<vmem>>, vector<16xf32>,
      %add3A_1673 = arith.addf %mul3A_1668, %get3A_1672 : vector<16xf32>
      %gt3A_1674 = arith.cmpf ogt, %add3A_1673, %select_n3A_1658 : vector<16xf32>
      %gt3A_1675 = arith.cmpf ogt, %add3A_1673, %select_n3A_1655 : vector<16xf32>
      %select_n3A_1676 = arith.select %gt3A_1675, %add3A_1673, %select_n3A_1655 : vector<16xi1>, vector<16xf32>
      %select_n3A_1677 = arith.select %gt3A_1674, %select_n3A_1658, %select_n3A_1676 : vector<16xi1>, vector<16xf32>
      %select_n3A_1678 = arith.select %gt3A_1675, %broadcast_in_dim3A_1661, %select_n3A_1657 : vector<16xi1>, vector<16xi32>
      %select_n3A_1679 = arith.select %gt3A_1674, %select_n3A_1659, %select_n3A_1678 : vector<16xi1>, vector<16xi32>
      %select_n3A_1680 = arith.select %gt3A_1674, %add3A_1673, %select_n3A_1658 : vector<16xi1>, vector<16xf32>
      %select_n3A_1681 = arith.select %gt3A_1674, %broadcast_in_dim3A_1661, %select_n3A_1659 : vector<16xi1>, vector<16xi32>
      %broadcast_in_dim3A_1682 = arith.constant 39 : i32
      %broadcast_in_dim3A_1683 = vector.broadcast %broadcast_in_dim3A_1682 : i32 to vector<16xi32>
      %add3A_1684 = arith.addi %mul3A_818, %broadcast_in_dim3A_1683 : vector<16xi32>
      %gather3A_1685 = tpu.vector_load_idx %arg7[%add3A_1684] : memref<16384xf32, #tpu.memory_space<vmem>>[vector<16xi32>], vector<16xf32>,
      %get3A_1686 = arith.constant 103 : i32
      %get3A_1687 = arith.index_cast %get3A_1686 : i32 to index
      %get3A_1688 = arith.constant 0 : index
      %get3A_1689 = tpu.vector_load %arg9[%get3A_1687, %get3A_1688] {strides = array<i32>} : memref<128x16xf32, #tpu.memory_space<vmem>>, vector<16xf32>,
      %mul3A_1690 = arith.mulf %gather3A_1685, %get3A_1689 : vector<16xf32>
      %get3A_1691 = arith.constant 39 : i32
      %get3A_1692 = arith.index_cast %get3A_1691 : i32 to index
      %get3A_1693 = arith.constant 0 : index
      %get3A_1694 = tpu.vector_load %arg9[%get3A_1692, %get3A_1693] {strides = array<i32>} : memref<128x16xf32, #tpu.memory_space<vmem>>, vector<16xf32>,
      %add3A_1695 = arith.addf %mul3A_1690, %get3A_1694 : vector<16xf32>
      %gt3A_1696 = arith.cmpf ogt, %add3A_1695, %select_n3A_1680 : vector<16xf32>
      %gt3A_1697 = arith.cmpf ogt, %add3A_1695, %select_n3A_1677 : vector<16xf32>
      %select_n3A_1698 = arith.select %gt3A_1697, %add3A_1695, %select_n3A_1677 : vector<16xi1>, vector<16xf32>
      %select_n3A_1699 = arith.select %gt3A_1696, %select_n3A_1680, %select_n3A_1698 : vector<16xi1>, vector<16xf32>
      %select_n3A_1700 = arith.select %gt3A_1697, %broadcast_in_dim3A_1683, %select_n3A_1679 : vector<16xi1>, vector<16xi32>
      %select_n3A_1701 = arith.select %gt3A_1696, %select_n3A_1681, %select_n3A_1700 : vector<16xi1>, vector<16xi32>
      %select_n3A_1702 = arith.select %gt3A_1696, %add3A_1695, %select_n3A_1680 : vector<16xi1>, vector<16xf32>
      %select_n3A_1703 = arith.select %gt3A_1696, %broadcast_in_dim3A_1683, %select_n3A_1681 : vector<16xi1>, vector<16xi32>
      %broadcast_in_dim3A_1704 = arith.constant 40 : i32
      %broadcast_in_dim3A_1705 = vector.broadcast %broadcast_in_dim3A_1704 : i32 to vector<16xi32>
      %add3A_1706 = arith.addi %mul3A_818, %broadcast_in_dim3A_1705 : vector<16xi32>
      %gather3A_1707 = tpu.vector_load_idx %arg7[%add3A_1706] : memref<16384xf32, #tpu.memory_space<vmem>>[vector<16xi32>], vector<16xf32>,
      %get3A_1708 = arith.constant 104 : i32
      %get3A_1709 = arith.index_cast %get3A_1708 : i32 to index
      %get3A_1710 = arith.constant 0 : index
      %get3A_1711 = tpu.vector_load %arg9[%get3A_1709, %get3A_1710] {strides = array<i32>} : memref<128x16xf32, #tpu.memory_space<vmem>>, vector<16xf32>,
      %mul3A_1712 = arith.mulf %gather3A_1707, %get3A_1711 : vector<16xf32>
      %get3A_1713 = arith.constant 40 : i32
      %get3A_1714 = arith.index_cast %get3A_1713 : i32 to index
      %get3A_1715 = arith.constant 0 : index
      %get3A_1716 = tpu.vector_load %arg9[%get3A_1714, %get3A_1715] {strides = array<i32>} : memref<128x16xf32, #tpu.memory_space<vmem>>, vector<16xf32>,
      %add3A_1717 = arith.addf %mul3A_1712, %get3A_1716 : vector<16xf32>
      %gt3A_1718 = arith.cmpf ogt, %add3A_1717, %select_n3A_1702 : vector<16xf32>
      %gt3A_1719 = arith.cmpf ogt, %add3A_1717, %select_n3A_1699 : vector<16xf32>
      %select_n3A_1720 = arith.select %gt3A_1719, %add3A_1717, %select_n3A_1699 : vector<16xi1>, vector<16xf32>
      %select_n3A_1721 = arith.select %gt3A_1718, %select_n3A_1702, %select_n3A_1720 : vector<16xi1>, vector<16xf32>
      %select_n3A_1722 = arith.select %gt3A_1719, %broadcast_in_dim3A_1705, %select_n3A_1701 : vector<16xi1>, vector<16xi32>
      %select_n3A_1723 = arith.select %gt3A_1718, %select_n3A_1703, %select_n3A_1722 : vector<16xi1>, vector<16xi32>
      %select_n3A_1724 = arith.select %gt3A_1718, %add3A_1717, %select_n3A_1702 : vector<16xi1>, vector<16xf32>
      %select_n3A_1725 = arith.select %gt3A_1718, %broadcast_in_dim3A_1705, %select_n3A_1703 : vector<16xi1>, vector<16xi32>
      %broadcast_in_dim3A_1726 = arith.constant 41 : i32
      %broadcast_in_dim3A_1727 = vector.broadcast %broadcast_in_dim3A_1726 : i32 to vector<16xi32>
      %add3A_1728 = arith.addi %mul3A_818, %broadcast_in_dim3A_1727 : vector<16xi32>
      %gather3A_1729 = tpu.vector_load_idx %arg7[%add3A_1728] : memref<16384xf32, #tpu.memory_space<vmem>>[vector<16xi32>], vector<16xf32>,
      %get3A_1730 = arith.constant 105 : i32
      %get3A_1731 = arith.index_cast %get3A_1730 : i32 to index
      %get3A_1732 = arith.constant 0 : index
      %get3A_1733 = tpu.vector_load %arg9[%get3A_1731, %get3A_1732] {strides = array<i32>} : memref<128x16xf32, #tpu.memory_space<vmem>>, vector<16xf32>,
      %mul3A_1734 = arith.mulf %gather3A_1729, %get3A_1733 : vector<16xf32>
      %get3A_1735 = arith.constant 41 : i32
      %get3A_1736 = arith.index_cast %get3A_1735 : i32 to index
      %get3A_1737 = arith.constant 0 : index
      %get3A_1738 = tpu.vector_load %arg9[%get3A_1736, %get3A_1737] {strides = array<i32>} : memref<128x16xf32, #tpu.memory_space<vmem>>, vector<16xf32>,
      %add3A_1739 = arith.addf %mul3A_1734, %get3A_1738 : vector<16xf32>
      %gt3A_1740 = arith.cmpf ogt, %add3A_1739, %select_n3A_1724 : vector<16xf32>
      %gt3A_1741 = arith.cmpf ogt, %add3A_1739, %select_n3A_1721 : vector<16xf32>
      %select_n3A_1742 = arith.select %gt3A_1741, %add3A_1739, %select_n3A_1721 : vector<16xi1>, vector<16xf32>
      %select_n3A_1743 = arith.select %gt3A_1740, %select_n3A_1724, %select_n3A_1742 : vector<16xi1>, vector<16xf32>
      %select_n3A_1744 = arith.select %gt3A_1741, %broadcast_in_dim3A_1727, %select_n3A_1723 : vector<16xi1>, vector<16xi32>
      %select_n3A_1745 = arith.select %gt3A_1740, %select_n3A_1725, %select_n3A_1744 : vector<16xi1>, vector<16xi32>
      %select_n3A_1746 = arith.select %gt3A_1740, %add3A_1739, %select_n3A_1724 : vector<16xi1>, vector<16xf32>
      %select_n3A_1747 = arith.select %gt3A_1740, %broadcast_in_dim3A_1727, %select_n3A_1725 : vector<16xi1>, vector<16xi32>
      %broadcast_in_dim3A_1748 = arith.constant 42 : i32
      %broadcast_in_dim3A_1749 = vector.broadcast %broadcast_in_dim3A_1748 : i32 to vector<16xi32>
      %add3A_1750 = arith.addi %mul3A_818, %broadcast_in_dim3A_1749 : vector<16xi32>
      %gather3A_1751 = tpu.vector_load_idx %arg7[%add3A_1750] : memref<16384xf32, #tpu.memory_space<vmem>>[vector<16xi32>], vector<16xf32>,
      %get3A_1752 = arith.constant 106 : i32
      %get3A_1753 = arith.index_cast %get3A_1752 : i32 to index
      %get3A_1754 = arith.constant 0 : index
      %get3A_1755 = tpu.vector_load %arg9[%get3A_1753, %get3A_1754] {strides = array<i32>} : memref<128x16xf32, #tpu.memory_space<vmem>>, vector<16xf32>,
      %mul3A_1756 = arith.mulf %gather3A_1751, %get3A_1755 : vector<16xf32>
      %get3A_1757 = arith.constant 42 : i32
      %get3A_1758 = arith.index_cast %get3A_1757 : i32 to index
      %get3A_1759 = arith.constant 0 : index
      %get3A_1760 = tpu.vector_load %arg9[%get3A_1758, %get3A_1759] {strides = array<i32>} : memref<128x16xf32, #tpu.memory_space<vmem>>, vector<16xf32>,
      %add3A_1761 = arith.addf %mul3A_1756, %get3A_1760 : vector<16xf32>
      %gt3A_1762 = arith.cmpf ogt, %add3A_1761, %select_n3A_1746 : vector<16xf32>
      %gt3A_1763 = arith.cmpf ogt, %add3A_1761, %select_n3A_1743 : vector<16xf32>
      %select_n3A_1764 = arith.select %gt3A_1763, %add3A_1761, %select_n3A_1743 : vector<16xi1>, vector<16xf32>
      %select_n3A_1765 = arith.select %gt3A_1762, %select_n3A_1746, %select_n3A_1764 : vector<16xi1>, vector<16xf32>
      %select_n3A_1766 = arith.select %gt3A_1763, %broadcast_in_dim3A_1749, %select_n3A_1745 : vector<16xi1>, vector<16xi32>
      %select_n3A_1767 = arith.select %gt3A_1762, %select_n3A_1747, %select_n3A_1766 : vector<16xi1>, vector<16xi32>
      %select_n3A_1768 = arith.select %gt3A_1762, %add3A_1761, %select_n3A_1746 : vector<16xi1>, vector<16xf32>
      %select_n3A_1769 = arith.select %gt3A_1762, %broadcast_in_dim3A_1749, %select_n3A_1747 : vector<16xi1>, vector<16xi32>
      %broadcast_in_dim3A_1770 = arith.constant 43 : i32
      %broadcast_in_dim3A_1771 = vector.broadcast %broadcast_in_dim3A_1770 : i32 to vector<16xi32>
      %add3A_1772 = arith.addi %mul3A_818, %broadcast_in_dim3A_1771 : vector<16xi32>
      %gather3A_1773 = tpu.vector_load_idx %arg7[%add3A_1772] : memref<16384xf32, #tpu.memory_space<vmem>>[vector<16xi32>], vector<16xf32>,
      %get3A_1774 = arith.constant 107 : i32
      %get3A_1775 = arith.index_cast %get3A_1774 : i32 to index
      %get3A_1776 = arith.constant 0 : index
      %get3A_1777 = tpu.vector_load %arg9[%get3A_1775, %get3A_1776] {strides = array<i32>} : memref<128x16xf32, #tpu.memory_space<vmem>>, vector<16xf32>,
      %mul3A_1778 = arith.mulf %gather3A_1773, %get3A_1777 : vector<16xf32>
      %get3A_1779 = arith.constant 43 : i32
      %get3A_1780 = arith.index_cast %get3A_1779 : i32 to index
      %get3A_1781 = arith.constant 0 : index
      %get3A_1782 = tpu.vector_load %arg9[%get3A_1780, %get3A_1781] {strides = array<i32>} : memref<128x16xf32, #tpu.memory_space<vmem>>, vector<16xf32>,
      %add3A_1783 = arith.addf %mul3A_1778, %get3A_1782 : vector<16xf32>
      %gt3A_1784 = arith.cmpf ogt, %add3A_1783, %select_n3A_1768 : vector<16xf32>
      %gt3A_1785 = arith.cmpf ogt, %add3A_1783, %select_n3A_1765 : vector<16xf32>
      %select_n3A_1786 = arith.select %gt3A_1785, %add3A_1783, %select_n3A_1765 : vector<16xi1>, vector<16xf32>
      %select_n3A_1787 = arith.select %gt3A_1784, %select_n3A_1768, %select_n3A_1786 : vector<16xi1>, vector<16xf32>
      %select_n3A_1788 = arith.select %gt3A_1785, %broadcast_in_dim3A_1771, %select_n3A_1767 : vector<16xi1>, vector<16xi32>
      %select_n3A_1789 = arith.select %gt3A_1784, %select_n3A_1769, %select_n3A_1788 : vector<16xi1>, vector<16xi32>
      %select_n3A_1790 = arith.select %gt3A_1784, %add3A_1783, %select_n3A_1768 : vector<16xi1>, vector<16xf32>
      %select_n3A_1791 = arith.select %gt3A_1784, %broadcast_in_dim3A_1771, %select_n3A_1769 : vector<16xi1>, vector<16xi32>
      %broadcast_in_dim3A_1792 = arith.constant 44 : i32
      %broadcast_in_dim3A_1793 = vector.broadcast %broadcast_in_dim3A_1792 : i32 to vector<16xi32>
      %add3A_1794 = arith.addi %mul3A_818, %broadcast_in_dim3A_1793 : vector<16xi32>
      %gather3A_1795 = tpu.vector_load_idx %arg7[%add3A_1794] : memref<16384xf32, #tpu.memory_space<vmem>>[vector<16xi32>], vector<16xf32>,
      %get3A_1796 = arith.constant 108 : i32
      %get3A_1797 = arith.index_cast %get3A_1796 : i32 to index
      %get3A_1798 = arith.constant 0 : index
      %get3A_1799 = tpu.vector_load %arg9[%get3A_1797, %get3A_1798] {strides = array<i32>} : memref<128x16xf32, #tpu.memory_space<vmem>>, vector<16xf32>,
      %mul3A_1800 = arith.mulf %gather3A_1795, %get3A_1799 : vector<16xf32>
      %get3A_1801 = arith.constant 44 : i32
      %get3A_1802 = arith.index_cast %get3A_1801 : i32 to index
      %get3A_1803 = arith.constant 0 : index
      %get3A_1804 = tpu.vector_load %arg9[%get3A_1802, %get3A_1803] {strides = array<i32>} : memref<128x16xf32, #tpu.memory_space<vmem>>, vector<16xf32>,
      %add3A_1805 = arith.addf %mul3A_1800, %get3A_1804 : vector<16xf32>
      %gt3A_1806 = arith.cmpf ogt, %add3A_1805, %select_n3A_1790 : vector<16xf32>
      %gt3A_1807 = arith.cmpf ogt, %add3A_1805, %select_n3A_1787 : vector<16xf32>
      %select_n3A_1808 = arith.select %gt3A_1807, %add3A_1805, %select_n3A_1787 : vector<16xi1>, vector<16xf32>
      %select_n3A_1809 = arith.select %gt3A_1806, %select_n3A_1790, %select_n3A_1808 : vector<16xi1>, vector<16xf32>
      %select_n3A_1810 = arith.select %gt3A_1807, %broadcast_in_dim3A_1793, %select_n3A_1789 : vector<16xi1>, vector<16xi32>
      %select_n3A_1811 = arith.select %gt3A_1806, %select_n3A_1791, %select_n3A_1810 : vector<16xi1>, vector<16xi32>
      %select_n3A_1812 = arith.select %gt3A_1806, %add3A_1805, %select_n3A_1790 : vector<16xi1>, vector<16xf32>
      %select_n3A_1813 = arith.select %gt3A_1806, %broadcast_in_dim3A_1793, %select_n3A_1791 : vector<16xi1>, vector<16xi32>
      %broadcast_in_dim3A_1814 = arith.constant 45 : i32
      %broadcast_in_dim3A_1815 = vector.broadcast %broadcast_in_dim3A_1814 : i32 to vector<16xi32>
      %add3A_1816 = arith.addi %mul3A_818, %broadcast_in_dim3A_1815 : vector<16xi32>
      %gather3A_1817 = tpu.vector_load_idx %arg7[%add3A_1816] : memref<16384xf32, #tpu.memory_space<vmem>>[vector<16xi32>], vector<16xf32>,
      %get3A_1818 = arith.constant 109 : i32
      %get3A_1819 = arith.index_cast %get3A_1818 : i32 to index
      %get3A_1820 = arith.constant 0 : index
      %get3A_1821 = tpu.vector_load %arg9[%get3A_1819, %get3A_1820] {strides = array<i32>} : memref<128x16xf32, #tpu.memory_space<vmem>>, vector<16xf32>,
      %mul3A_1822 = arith.mulf %gather3A_1817, %get3A_1821 : vector<16xf32>
      %get3A_1823 = arith.constant 45 : i32
      %get3A_1824 = arith.index_cast %get3A_1823 : i32 to index
      %get3A_1825 = arith.constant 0 : index
      %get3A_1826 = tpu.vector_load %arg9[%get3A_1824, %get3A_1825] {strides = array<i32>} : memref<128x16xf32, #tpu.memory_space<vmem>>, vector<16xf32>,
      %add3A_1827 = arith.addf %mul3A_1822, %get3A_1826 : vector<16xf32>
      %gt3A_1828 = arith.cmpf ogt, %add3A_1827, %select_n3A_1812 : vector<16xf32>
      %gt3A_1829 = arith.cmpf ogt, %add3A_1827, %select_n3A_1809 : vector<16xf32>
      %select_n3A_1830 = arith.select %gt3A_1829, %add3A_1827, %select_n3A_1809 : vector<16xi1>, vector<16xf32>
      %select_n3A_1831 = arith.select %gt3A_1828, %select_n3A_1812, %select_n3A_1830 : vector<16xi1>, vector<16xf32>
      %select_n3A_1832 = arith.select %gt3A_1829, %broadcast_in_dim3A_1815, %select_n3A_1811 : vector<16xi1>, vector<16xi32>
      %select_n3A_1833 = arith.select %gt3A_1828, %select_n3A_1813, %select_n3A_1832 : vector<16xi1>, vector<16xi32>
      %select_n3A_1834 = arith.select %gt3A_1828, %add3A_1827, %select_n3A_1812 : vector<16xi1>, vector<16xf32>
      %select_n3A_1835 = arith.select %gt3A_1828, %broadcast_in_dim3A_1815, %select_n3A_1813 : vector<16xi1>, vector<16xi32>
      %broadcast_in_dim3A_1836 = arith.constant 46 : i32
      %broadcast_in_dim3A_1837 = vector.broadcast %broadcast_in_dim3A_1836 : i32 to vector<16xi32>
      %add3A_1838 = arith.addi %mul3A_818, %broadcast_in_dim3A_1837 : vector<16xi32>
      %gather3A_1839 = tpu.vector_load_idx %arg7[%add3A_1838] : memref<16384xf32, #tpu.memory_space<vmem>>[vector<16xi32>], vector<16xf32>,
      %get3A_1840 = arith.constant 110 : i32
      %get3A_1841 = arith.index_cast %get3A_1840 : i32 to index
      %get3A_1842 = arith.constant 0 : index
      %get3A_1843 = tpu.vector_load %arg9[%get3A_1841, %get3A_1842] {strides = array<i32>} : memref<128x16xf32, #tpu.memory_space<vmem>>, vector<16xf32>,
      %mul3A_1844 = arith.mulf %gather3A_1839, %get3A_1843 : vector<16xf32>
      %get3A_1845 = arith.constant 46 : i32
      %get3A_1846 = arith.index_cast %get3A_1845 : i32 to index
      %get3A_1847 = arith.constant 0 : index
      %get3A_1848 = tpu.vector_load %arg9[%get3A_1846, %get3A_1847] {strides = array<i32>} : memref<128x16xf32, #tpu.memory_space<vmem>>, vector<16xf32>,
      %add3A_1849 = arith.addf %mul3A_1844, %get3A_1848 : vector<16xf32>
      %gt3A_1850 = arith.cmpf ogt, %add3A_1849, %select_n3A_1834 : vector<16xf32>
      %gt3A_1851 = arith.cmpf ogt, %add3A_1849, %select_n3A_1831 : vector<16xf32>
      %select_n3A_1852 = arith.select %gt3A_1851, %add3A_1849, %select_n3A_1831 : vector<16xi1>, vector<16xf32>
      %select_n3A_1853 = arith.select %gt3A_1850, %select_n3A_1834, %select_n3A_1852 : vector<16xi1>, vector<16xf32>
      %select_n3A_1854 = arith.select %gt3A_1851, %broadcast_in_dim3A_1837, %select_n3A_1833 : vector<16xi1>, vector<16xi32>
      %select_n3A_1855 = arith.select %gt3A_1850, %select_n3A_1835, %select_n3A_1854 : vector<16xi1>, vector<16xi32>
      %select_n3A_1856 = arith.select %gt3A_1850, %add3A_1849, %select_n3A_1834 : vector<16xi1>, vector<16xf32>
      %select_n3A_1857 = arith.select %gt3A_1850, %broadcast_in_dim3A_1837, %select_n3A_1835 : vector<16xi1>, vector<16xi32>
      %broadcast_in_dim3A_1858 = arith.constant 47 : i32
      %broadcast_in_dim3A_1859 = vector.broadcast %broadcast_in_dim3A_1858 : i32 to vector<16xi32>
      %add3A_1860 = arith.addi %mul3A_818, %broadcast_in_dim3A_1859 : vector<16xi32>
      %gather3A_1861 = tpu.vector_load_idx %arg7[%add3A_1860] : memref<16384xf32, #tpu.memory_space<vmem>>[vector<16xi32>], vector<16xf32>,
      %get3A_1862 = arith.constant 111 : i32
      %get3A_1863 = arith.index_cast %get3A_1862 : i32 to index
      %get3A_1864 = arith.constant 0 : index
      %get3A_1865 = tpu.vector_load %arg9[%get3A_1863, %get3A_1864] {strides = array<i32>} : memref<128x16xf32, #tpu.memory_space<vmem>>, vector<16xf32>,
      %mul3A_1866 = arith.mulf %gather3A_1861, %get3A_1865 : vector<16xf32>
      %get3A_1867 = arith.constant 47 : i32
      %get3A_1868 = arith.index_cast %get3A_1867 : i32 to index
      %get3A_1869 = arith.constant 0 : index
      %get3A_1870 = tpu.vector_load %arg9[%get3A_1868, %get3A_1869] {strides = array<i32>} : memref<128x16xf32, #tpu.memory_space<vmem>>, vector<16xf32>,
      %add3A_1871 = arith.addf %mul3A_1866, %get3A_1870 : vector<16xf32>
      %gt3A_1872 = arith.cmpf ogt, %add3A_1871, %select_n3A_1856 : vector<16xf32>
      %gt3A_1873 = arith.cmpf ogt, %add3A_1871, %select_n3A_1853 : vector<16xf32>
      %select_n3A_1874 = arith.select %gt3A_1873, %add3A_1871, %select_n3A_1853 : vector<16xi1>, vector<16xf32>
      %select_n3A_1875 = arith.select %gt3A_1872, %select_n3A_1856, %select_n3A_1874 : vector<16xi1>, vector<16xf32>
      %select_n3A_1876 = arith.select %gt3A_1873, %broadcast_in_dim3A_1859, %select_n3A_1855 : vector<16xi1>, vector<16xi32>
      %select_n3A_1877 = arith.select %gt3A_1872, %select_n3A_1857, %select_n3A_1876 : vector<16xi1>, vector<16xi32>
      %select_n3A_1878 = arith.select %gt3A_1872, %add3A_1871, %select_n3A_1856 : vector<16xi1>, vector<16xf32>
      %select_n3A_1879 = arith.select %gt3A_1872, %broadcast_in_dim3A_1859, %select_n3A_1857 : vector<16xi1>, vector<16xi32>
      %broadcast_in_dim3A_1880 = arith.constant 48 : i32
      %broadcast_in_dim3A_1881 = vector.broadcast %broadcast_in_dim3A_1880 : i32 to vector<16xi32>
      %add3A_1882 = arith.addi %mul3A_818, %broadcast_in_dim3A_1881 : vector<16xi32>
      %gather3A_1883 = tpu.vector_load_idx %arg7[%add3A_1882] : memref<16384xf32, #tpu.memory_space<vmem>>[vector<16xi32>], vector<16xf32>,
      %get3A_1884 = arith.constant 112 : i32
      %get3A_1885 = arith.index_cast %get3A_1884 : i32 to index
      %get3A_1886 = arith.constant 0 : index
      %get3A_1887 = tpu.vector_load %arg9[%get3A_1885, %get3A_1886] {strides = array<i32>} : memref<128x16xf32, #tpu.memory_space<vmem>>, vector<16xf32>,
      %mul3A_1888 = arith.mulf %gather3A_1883, %get3A_1887 : vector<16xf32>
      %get3A_1889 = arith.constant 48 : i32
      %get3A_1890 = arith.index_cast %get3A_1889 : i32 to index
      %get3A_1891 = arith.constant 0 : index
      %get3A_1892 = tpu.vector_load %arg9[%get3A_1890, %get3A_1891] {strides = array<i32>} : memref<128x16xf32, #tpu.memory_space<vmem>>, vector<16xf32>,
      %add3A_1893 = arith.addf %mul3A_1888, %get3A_1892 : vector<16xf32>
      %gt3A_1894 = arith.cmpf ogt, %add3A_1893, %select_n3A_1878 : vector<16xf32>
      %gt3A_1895 = arith.cmpf ogt, %add3A_1893, %select_n3A_1875 : vector<16xf32>
      %select_n3A_1896 = arith.select %gt3A_1895, %add3A_1893, %select_n3A_1875 : vector<16xi1>, vector<16xf32>
      %select_n3A_1897 = arith.select %gt3A_1894, %select_n3A_1878, %select_n3A_1896 : vector<16xi1>, vector<16xf32>
      %select_n3A_1898 = arith.select %gt3A_1895, %broadcast_in_dim3A_1881, %select_n3A_1877 : vector<16xi1>, vector<16xi32>
      %select_n3A_1899 = arith.select %gt3A_1894, %select_n3A_1879, %select_n3A_1898 : vector<16xi1>, vector<16xi32>
      %select_n3A_1900 = arith.select %gt3A_1894, %add3A_1893, %select_n3A_1878 : vector<16xi1>, vector<16xf32>
      %select_n3A_1901 = arith.select %gt3A_1894, %broadcast_in_dim3A_1881, %select_n3A_1879 : vector<16xi1>, vector<16xi32>
      %broadcast_in_dim3A_1902 = arith.constant 49 : i32
      %broadcast_in_dim3A_1903 = vector.broadcast %broadcast_in_dim3A_1902 : i32 to vector<16xi32>
      %add3A_1904 = arith.addi %mul3A_818, %broadcast_in_dim3A_1903 : vector<16xi32>
      %gather3A_1905 = tpu.vector_load_idx %arg7[%add3A_1904] : memref<16384xf32, #tpu.memory_space<vmem>>[vector<16xi32>], vector<16xf32>,
      %get3A_1906 = arith.constant 113 : i32
      %get3A_1907 = arith.index_cast %get3A_1906 : i32 to index
      %get3A_1908 = arith.constant 0 : index
      %get3A_1909 = tpu.vector_load %arg9[%get3A_1907, %get3A_1908] {strides = array<i32>} : memref<128x16xf32, #tpu.memory_space<vmem>>, vector<16xf32>,
      %mul3A_1910 = arith.mulf %gather3A_1905, %get3A_1909 : vector<16xf32>
      %get3A_1911 = arith.constant 49 : i32
      %get3A_1912 = arith.index_cast %get3A_1911 : i32 to index
      %get3A_1913 = arith.constant 0 : index
      %get3A_1914 = tpu.vector_load %arg9[%get3A_1912, %get3A_1913] {strides = array<i32>} : memref<128x16xf32, #tpu.memory_space<vmem>>, vector<16xf32>,
      %add3A_1915 = arith.addf %mul3A_1910, %get3A_1914 : vector<16xf32>
      %gt3A_1916 = arith.cmpf ogt, %add3A_1915, %select_n3A_1900 : vector<16xf32>
      %gt3A_1917 = arith.cmpf ogt, %add3A_1915, %select_n3A_1897 : vector<16xf32>
      %select_n3A_1918 = arith.select %gt3A_1917, %add3A_1915, %select_n3A_1897 : vector<16xi1>, vector<16xf32>
      %select_n3A_1919 = arith.select %gt3A_1916, %select_n3A_1900, %select_n3A_1918 : vector<16xi1>, vector<16xf32>
      %select_n3A_1920 = arith.select %gt3A_1917, %broadcast_in_dim3A_1903, %select_n3A_1899 : vector<16xi1>, vector<16xi32>
      %select_n3A_1921 = arith.select %gt3A_1916, %select_n3A_1901, %select_n3A_1920 : vector<16xi1>, vector<16xi32>
      %select_n3A_1922 = arith.select %gt3A_1916, %add3A_1915, %select_n3A_1900 : vector<16xi1>, vector<16xf32>
      %select_n3A_1923 = arith.select %gt3A_1916, %broadcast_in_dim3A_1903, %select_n3A_1901 : vector<16xi1>, vector<16xi32>
      %broadcast_in_dim3A_1924 = arith.constant 50 : i32
      %broadcast_in_dim3A_1925 = vector.broadcast %broadcast_in_dim3A_1924 : i32 to vector<16xi32>
      %add3A_1926 = arith.addi %mul3A_818, %broadcast_in_dim3A_1925 : vector<16xi32>
      %gather3A_1927 = tpu.vector_load_idx %arg7[%add3A_1926] : memref<16384xf32, #tpu.memory_space<vmem>>[vector<16xi32>], vector<16xf32>,
      %get3A_1928 = arith.constant 114 : i32
      %get3A_1929 = arith.index_cast %get3A_1928 : i32 to index
      %get3A_1930 = arith.constant 0 : index
      %get3A_1931 = tpu.vector_load %arg9[%get3A_1929, %get3A_1930] {strides = array<i32>} : memref<128x16xf32, #tpu.memory_space<vmem>>, vector<16xf32>,
      %mul3A_1932 = arith.mulf %gather3A_1927, %get3A_1931 : vector<16xf32>
      %get3A_1933 = arith.constant 50 : i32
      %get3A_1934 = arith.index_cast %get3A_1933 : i32 to index
      %get3A_1935 = arith.constant 0 : index
      %get3A_1936 = tpu.vector_load %arg9[%get3A_1934, %get3A_1935] {strides = array<i32>} : memref<128x16xf32, #tpu.memory_space<vmem>>, vector<16xf32>,
      %add3A_1937 = arith.addf %mul3A_1932, %get3A_1936 : vector<16xf32>
      %gt3A_1938 = arith.cmpf ogt, %add3A_1937, %select_n3A_1922 : vector<16xf32>
      %gt3A_1939 = arith.cmpf ogt, %add3A_1937, %select_n3A_1919 : vector<16xf32>
      %select_n3A_1940 = arith.select %gt3A_1939, %add3A_1937, %select_n3A_1919 : vector<16xi1>, vector<16xf32>
      %select_n3A_1941 = arith.select %gt3A_1938, %select_n3A_1922, %select_n3A_1940 : vector<16xi1>, vector<16xf32>
      %select_n3A_1942 = arith.select %gt3A_1939, %broadcast_in_dim3A_1925, %select_n3A_1921 : vector<16xi1>, vector<16xi32>
      %select_n3A_1943 = arith.select %gt3A_1938, %select_n3A_1923, %select_n3A_1942 : vector<16xi1>, vector<16xi32>
      %select_n3A_1944 = arith.select %gt3A_1938, %add3A_1937, %select_n3A_1922 : vector<16xi1>, vector<16xf32>
      %select_n3A_1945 = arith.select %gt3A_1938, %broadcast_in_dim3A_1925, %select_n3A_1923 : vector<16xi1>, vector<16xi32>
      %broadcast_in_dim3A_1946 = arith.constant 51 : i32
      %broadcast_in_dim3A_1947 = vector.broadcast %broadcast_in_dim3A_1946 : i32 to vector<16xi32>
      %add3A_1948 = arith.addi %mul3A_818, %broadcast_in_dim3A_1947 : vector<16xi32>
      %gather3A_1949 = tpu.vector_load_idx %arg7[%add3A_1948] : memref<16384xf32, #tpu.memory_space<vmem>>[vector<16xi32>], vector<16xf32>,
      %get3A_1950 = arith.constant 115 : i32
      %get3A_1951 = arith.index_cast %get3A_1950 : i32 to index
      %get3A_1952 = arith.constant 0 : index
      %get3A_1953 = tpu.vector_load %arg9[%get3A_1951, %get3A_1952] {strides = array<i32>} : memref<128x16xf32, #tpu.memory_space<vmem>>, vector<16xf32>,
      %mul3A_1954 = arith.mulf %gather3A_1949, %get3A_1953 : vector<16xf32>
      %get3A_1955 = arith.constant 51 : i32
      %get3A_1956 = arith.index_cast %get3A_1955 : i32 to index
      %get3A_1957 = arith.constant 0 : index
      %get3A_1958 = tpu.vector_load %arg9[%get3A_1956, %get3A_1957] {strides = array<i32>} : memref<128x16xf32, #tpu.memory_space<vmem>>, vector<16xf32>,
      %add3A_1959 = arith.addf %mul3A_1954, %get3A_1958 : vector<16xf32>
      %gt3A_1960 = arith.cmpf ogt, %add3A_1959, %select_n3A_1944 : vector<16xf32>
      %gt3A_1961 = arith.cmpf ogt, %add3A_1959, %select_n3A_1941 : vector<16xf32>
      %select_n3A_1962 = arith.select %gt3A_1961, %add3A_1959, %select_n3A_1941 : vector<16xi1>, vector<16xf32>
      %select_n3A_1963 = arith.select %gt3A_1960, %select_n3A_1944, %select_n3A_1962 : vector<16xi1>, vector<16xf32>
      %select_n3A_1964 = arith.select %gt3A_1961, %broadcast_in_dim3A_1947, %select_n3A_1943 : vector<16xi1>, vector<16xi32>
      %select_n3A_1965 = arith.select %gt3A_1960, %select_n3A_1945, %select_n3A_1964 : vector<16xi1>, vector<16xi32>
      %select_n3A_1966 = arith.select %gt3A_1960, %add3A_1959, %select_n3A_1944 : vector<16xi1>, vector<16xf32>
      %select_n3A_1967 = arith.select %gt3A_1960, %broadcast_in_dim3A_1947, %select_n3A_1945 : vector<16xi1>, vector<16xi32>
      %broadcast_in_dim3A_1968 = arith.constant 52 : i32
      %broadcast_in_dim3A_1969 = vector.broadcast %broadcast_in_dim3A_1968 : i32 to vector<16xi32>
      %add3A_1970 = arith.addi %mul3A_818, %broadcast_in_dim3A_1969 : vector<16xi32>
      %gather3A_1971 = tpu.vector_load_idx %arg7[%add3A_1970] : memref<16384xf32, #tpu.memory_space<vmem>>[vector<16xi32>], vector<16xf32>,
      %get3A_1972 = arith.constant 116 : i32
      %get3A_1973 = arith.index_cast %get3A_1972 : i32 to index
      %get3A_1974 = arith.constant 0 : index
      %get3A_1975 = tpu.vector_load %arg9[%get3A_1973, %get3A_1974] {strides = array<i32>} : memref<128x16xf32, #tpu.memory_space<vmem>>, vector<16xf32>,
      %mul3A_1976 = arith.mulf %gather3A_1971, %get3A_1975 : vector<16xf32>
      %get3A_1977 = arith.constant 52 : i32
      %get3A_1978 = arith.index_cast %get3A_1977 : i32 to index
      %get3A_1979 = arith.constant 0 : index
      %get3A_1980 = tpu.vector_load %arg9[%get3A_1978, %get3A_1979] {strides = array<i32>} : memref<128x16xf32, #tpu.memory_space<vmem>>, vector<16xf32>,
      %add3A_1981 = arith.addf %mul3A_1976, %get3A_1980 : vector<16xf32>
      %gt3A_1982 = arith.cmpf ogt, %add3A_1981, %select_n3A_1966 : vector<16xf32>
      %gt3A_1983 = arith.cmpf ogt, %add3A_1981, %select_n3A_1963 : vector<16xf32>
      %select_n3A_1984 = arith.select %gt3A_1983, %add3A_1981, %select_n3A_1963 : vector<16xi1>, vector<16xf32>
      %select_n3A_1985 = arith.select %gt3A_1982, %select_n3A_1966, %select_n3A_1984 : vector<16xi1>, vector<16xf32>
      %select_n3A_1986 = arith.select %gt3A_1983, %broadcast_in_dim3A_1969, %select_n3A_1965 : vector<16xi1>, vector<16xi32>
      %select_n3A_1987 = arith.select %gt3A_1982, %select_n3A_1967, %select_n3A_1986 : vector<16xi1>, vector<16xi32>
      %select_n3A_1988 = arith.select %gt3A_1982, %add3A_1981, %select_n3A_1966 : vector<16xi1>, vector<16xf32>
      %select_n3A_1989 = arith.select %gt3A_1982, %broadcast_in_dim3A_1969, %select_n3A_1967 : vector<16xi1>, vector<16xi32>
      %broadcast_in_dim3A_1990 = arith.constant 53 : i32
      %broadcast_in_dim3A_1991 = vector.broadcast %broadcast_in_dim3A_1990 : i32 to vector<16xi32>
      %add3A_1992 = arith.addi %mul3A_818, %broadcast_in_dim3A_1991 : vector<16xi32>
      %gather3A_1993 = tpu.vector_load_idx %arg7[%add3A_1992] : memref<16384xf32, #tpu.memory_space<vmem>>[vector<16xi32>], vector<16xf32>,
      %get3A_1994 = arith.constant 117 : i32
      %get3A_1995 = arith.index_cast %get3A_1994 : i32 to index
      %get3A_1996 = arith.constant 0 : index
      %get3A_1997 = tpu.vector_load %arg9[%get3A_1995, %get3A_1996] {strides = array<i32>} : memref<128x16xf32, #tpu.memory_space<vmem>>, vector<16xf32>,
      %mul3A_1998 = arith.mulf %gather3A_1993, %get3A_1997 : vector<16xf32>
      %get3A_1999 = arith.constant 53 : i32
      %get3A_2000 = arith.index_cast %get3A_1999 : i32 to index
      %get3A_2001 = arith.constant 0 : index
      %get3A_2002 = tpu.vector_load %arg9[%get3A_2000, %get3A_2001] {strides = array<i32>} : memref<128x16xf32, #tpu.memory_space<vmem>>, vector<16xf32>,
      %add3A_2003 = arith.addf %mul3A_1998, %get3A_2002 : vector<16xf32>
      %gt3A_2004 = arith.cmpf ogt, %add3A_2003, %select_n3A_1988 : vector<16xf32>
      %gt3A_2005 = arith.cmpf ogt, %add3A_2003, %select_n3A_1985 : vector<16xf32>
      %select_n3A_2006 = arith.select %gt3A_2005, %add3A_2003, %select_n3A_1985 : vector<16xi1>, vector<16xf32>
      %select_n3A_2007 = arith.select %gt3A_2004, %select_n3A_1988, %select_n3A_2006 : vector<16xi1>, vector<16xf32>
      %select_n3A_2008 = arith.select %gt3A_2005, %broadcast_in_dim3A_1991, %select_n3A_1987 : vector<16xi1>, vector<16xi32>
      %select_n3A_2009 = arith.select %gt3A_2004, %select_n3A_1989, %select_n3A_2008 : vector<16xi1>, vector<16xi32>
      %select_n3A_2010 = arith.select %gt3A_2004, %add3A_2003, %select_n3A_1988 : vector<16xi1>, vector<16xf32>
      %select_n3A_2011 = arith.select %gt3A_2004, %broadcast_in_dim3A_1991, %select_n3A_1989 : vector<16xi1>, vector<16xi32>
      %broadcast_in_dim3A_2012 = arith.constant 54 : i32
      %broadcast_in_dim3A_2013 = vector.broadcast %broadcast_in_dim3A_2012 : i32 to vector<16xi32>
      %add3A_2014 = arith.addi %mul3A_818, %broadcast_in_dim3A_2013 : vector<16xi32>
      %gather3A_2015 = tpu.vector_load_idx %arg7[%add3A_2014] : memref<16384xf32, #tpu.memory_space<vmem>>[vector<16xi32>], vector<16xf32>,
      %get3A_2016 = arith.constant 118 : i32
      %get3A_2017 = arith.index_cast %get3A_2016 : i32 to index
      %get3A_2018 = arith.constant 0 : index
      %get3A_2019 = tpu.vector_load %arg9[%get3A_2017, %get3A_2018] {strides = array<i32>} : memref<128x16xf32, #tpu.memory_space<vmem>>, vector<16xf32>,
      %mul3A_2020 = arith.mulf %gather3A_2015, %get3A_2019 : vector<16xf32>
      %get3A_2021 = arith.constant 54 : i32
      %get3A_2022 = arith.index_cast %get3A_2021 : i32 to index
      %get3A_2023 = arith.constant 0 : index
      %get3A_2024 = tpu.vector_load %arg9[%get3A_2022, %get3A_2023] {strides = array<i32>} : memref<128x16xf32, #tpu.memory_space<vmem>>, vector<16xf32>,
      %add3A_2025 = arith.addf %mul3A_2020, %get3A_2024 : vector<16xf32>
      %gt3A_2026 = arith.cmpf ogt, %add3A_2025, %select_n3A_2010 : vector<16xf32>
      %gt3A_2027 = arith.cmpf ogt, %add3A_2025, %select_n3A_2007 : vector<16xf32>
      %select_n3A_2028 = arith.select %gt3A_2027, %add3A_2025, %select_n3A_2007 : vector<16xi1>, vector<16xf32>
      %select_n3A_2029 = arith.select %gt3A_2026, %select_n3A_2010, %select_n3A_2028 : vector<16xi1>, vector<16xf32>
      %select_n3A_2030 = arith.select %gt3A_2027, %broadcast_in_dim3A_2013, %select_n3A_2009 : vector<16xi1>, vector<16xi32>
      %select_n3A_2031 = arith.select %gt3A_2026, %select_n3A_2011, %select_n3A_2030 : vector<16xi1>, vector<16xi32>
      %select_n3A_2032 = arith.select %gt3A_2026, %add3A_2025, %select_n3A_2010 : vector<16xi1>, vector<16xf32>
      %select_n3A_2033 = arith.select %gt3A_2026, %broadcast_in_dim3A_2013, %select_n3A_2011 : vector<16xi1>, vector<16xi32>
      %broadcast_in_dim3A_2034 = arith.constant 55 : i32
      %broadcast_in_dim3A_2035 = vector.broadcast %broadcast_in_dim3A_2034 : i32 to vector<16xi32>
      %add3A_2036 = arith.addi %mul3A_818, %broadcast_in_dim3A_2035 : vector<16xi32>
      %gather3A_2037 = tpu.vector_load_idx %arg7[%add3A_2036] : memref<16384xf32, #tpu.memory_space<vmem>>[vector<16xi32>], vector<16xf32>,
      %get3A_2038 = arith.constant 119 : i32
      %get3A_2039 = arith.index_cast %get3A_2038 : i32 to index
      %get3A_2040 = arith.constant 0 : index
      %get3A_2041 = tpu.vector_load %arg9[%get3A_2039, %get3A_2040] {strides = array<i32>} : memref<128x16xf32, #tpu.memory_space<vmem>>, vector<16xf32>,
      %mul3A_2042 = arith.mulf %gather3A_2037, %get3A_2041 : vector<16xf32>
      %get3A_2043 = arith.constant 55 : i32
      %get3A_2044 = arith.index_cast %get3A_2043 : i32 to index
      %get3A_2045 = arith.constant 0 : index
      %get3A_2046 = tpu.vector_load %arg9[%get3A_2044, %get3A_2045] {strides = array<i32>} : memref<128x16xf32, #tpu.memory_space<vmem>>, vector<16xf32>,
      %add3A_2047 = arith.addf %mul3A_2042, %get3A_2046 : vector<16xf32>
      %gt3A_2048 = arith.cmpf ogt, %add3A_2047, %select_n3A_2032 : vector<16xf32>
      %gt3A_2049 = arith.cmpf ogt, %add3A_2047, %select_n3A_2029 : vector<16xf32>
      %select_n3A_2050 = arith.select %gt3A_2049, %add3A_2047, %select_n3A_2029 : vector<16xi1>, vector<16xf32>
      %select_n3A_2051 = arith.select %gt3A_2048, %select_n3A_2032, %select_n3A_2050 : vector<16xi1>, vector<16xf32>
      %select_n3A_2052 = arith.select %gt3A_2049, %broadcast_in_dim3A_2035, %select_n3A_2031 : vector<16xi1>, vector<16xi32>
      %select_n3A_2053 = arith.select %gt3A_2048, %select_n3A_2033, %select_n3A_2052 : vector<16xi1>, vector<16xi32>
      %select_n3A_2054 = arith.select %gt3A_2048, %add3A_2047, %select_n3A_2032 : vector<16xi1>, vector<16xf32>
      %select_n3A_2055 = arith.select %gt3A_2048, %broadcast_in_dim3A_2035, %select_n3A_2033 : vector<16xi1>, vector<16xi32>
      %broadcast_in_dim3A_2056 = arith.constant 56 : i32
      %broadcast_in_dim3A_2057 = vector.broadcast %broadcast_in_dim3A_2056 : i32 to vector<16xi32>
      %add3A_2058 = arith.addi %mul3A_818, %broadcast_in_dim3A_2057 : vector<16xi32>
      %gather3A_2059 = tpu.vector_load_idx %arg7[%add3A_2058] : memref<16384xf32, #tpu.memory_space<vmem>>[vector<16xi32>], vector<16xf32>,
      %get3A_2060 = arith.constant 120 : i32
      %get3A_2061 = arith.index_cast %get3A_2060 : i32 to index
      %get3A_2062 = arith.constant 0 : index
      %get3A_2063 = tpu.vector_load %arg9[%get3A_2061, %get3A_2062] {strides = array<i32>} : memref<128x16xf32, #tpu.memory_space<vmem>>, vector<16xf32>,
      %mul3A_2064 = arith.mulf %gather3A_2059, %get3A_2063 : vector<16xf32>
      %get3A_2065 = arith.constant 56 : i32
      %get3A_2066 = arith.index_cast %get3A_2065 : i32 to index
      %get3A_2067 = arith.constant 0 : index
      %get3A_2068 = tpu.vector_load %arg9[%get3A_2066, %get3A_2067] {strides = array<i32>} : memref<128x16xf32, #tpu.memory_space<vmem>>, vector<16xf32>,
      %add3A_2069 = arith.addf %mul3A_2064, %get3A_2068 : vector<16xf32>
      %gt3A_2070 = arith.cmpf ogt, %add3A_2069, %select_n3A_2054 : vector<16xf32>
      %gt3A_2071 = arith.cmpf ogt, %add3A_2069, %select_n3A_2051 : vector<16xf32>
      %select_n3A_2072 = arith.select %gt3A_2071, %add3A_2069, %select_n3A_2051 : vector<16xi1>, vector<16xf32>
      %select_n3A_2073 = arith.select %gt3A_2070, %select_n3A_2054, %select_n3A_2072 : vector<16xi1>, vector<16xf32>
      %select_n3A_2074 = arith.select %gt3A_2071, %broadcast_in_dim3A_2057, %select_n3A_2053 : vector<16xi1>, vector<16xi32>
      %select_n3A_2075 = arith.select %gt3A_2070, %select_n3A_2055, %select_n3A_2074 : vector<16xi1>, vector<16xi32>
      %select_n3A_2076 = arith.select %gt3A_2070, %add3A_2069, %select_n3A_2054 : vector<16xi1>, vector<16xf32>
      %select_n3A_2077 = arith.select %gt3A_2070, %broadcast_in_dim3A_2057, %select_n3A_2055 : vector<16xi1>, vector<16xi32>
      %broadcast_in_dim3A_2078 = arith.constant 57 : i32
      %broadcast_in_dim3A_2079 = vector.broadcast %broadcast_in_dim3A_2078 : i32 to vector<16xi32>
      %add3A_2080 = arith.addi %mul3A_818, %broadcast_in_dim3A_2079 : vector<16xi32>
      %gather3A_2081 = tpu.vector_load_idx %arg7[%add3A_2080] : memref<16384xf32, #tpu.memory_space<vmem>>[vector<16xi32>], vector<16xf32>,
      %get3A_2082 = arith.constant 121 : i32
      %get3A_2083 = arith.index_cast %get3A_2082 : i32 to index
      %get3A_2084 = arith.constant 0 : index
      %get3A_2085 = tpu.vector_load %arg9[%get3A_2083, %get3A_2084] {strides = array<i32>} : memref<128x16xf32, #tpu.memory_space<vmem>>, vector<16xf32>,
      %mul3A_2086 = arith.mulf %gather3A_2081, %get3A_2085 : vector<16xf32>
      %get3A_2087 = arith.constant 57 : i32
      %get3A_2088 = arith.index_cast %get3A_2087 : i32 to index
      %get3A_2089 = arith.constant 0 : index
      %get3A_2090 = tpu.vector_load %arg9[%get3A_2088, %get3A_2089] {strides = array<i32>} : memref<128x16xf32, #tpu.memory_space<vmem>>, vector<16xf32>,
      %add3A_2091 = arith.addf %mul3A_2086, %get3A_2090 : vector<16xf32>
      %gt3A_2092 = arith.cmpf ogt, %add3A_2091, %select_n3A_2076 : vector<16xf32>
      %gt3A_2093 = arith.cmpf ogt, %add3A_2091, %select_n3A_2073 : vector<16xf32>
      %select_n3A_2094 = arith.select %gt3A_2093, %add3A_2091, %select_n3A_2073 : vector<16xi1>, vector<16xf32>
      %select_n3A_2095 = arith.select %gt3A_2092, %select_n3A_2076, %select_n3A_2094 : vector<16xi1>, vector<16xf32>
      %select_n3A_2096 = arith.select %gt3A_2093, %broadcast_in_dim3A_2079, %select_n3A_2075 : vector<16xi1>, vector<16xi32>
      %select_n3A_2097 = arith.select %gt3A_2092, %select_n3A_2077, %select_n3A_2096 : vector<16xi1>, vector<16xi32>
      %select_n3A_2098 = arith.select %gt3A_2092, %add3A_2091, %select_n3A_2076 : vector<16xi1>, vector<16xf32>
      %select_n3A_2099 = arith.select %gt3A_2092, %broadcast_in_dim3A_2079, %select_n3A_2077 : vector<16xi1>, vector<16xi32>
      %broadcast_in_dim3A_2100 = arith.constant 58 : i32
      %broadcast_in_dim3A_2101 = vector.broadcast %broadcast_in_dim3A_2100 : i32 to vector<16xi32>
      %add3A_2102 = arith.addi %mul3A_818, %broadcast_in_dim3A_2101 : vector<16xi32>
      %gather3A_2103 = tpu.vector_load_idx %arg7[%add3A_2102] : memref<16384xf32, #tpu.memory_space<vmem>>[vector<16xi32>], vector<16xf32>,
      %get3A_2104 = arith.constant 122 : i32
      %get3A_2105 = arith.index_cast %get3A_2104 : i32 to index
      %get3A_2106 = arith.constant 0 : index
      %get3A_2107 = tpu.vector_load %arg9[%get3A_2105, %get3A_2106] {strides = array<i32>} : memref<128x16xf32, #tpu.memory_space<vmem>>, vector<16xf32>,
      %mul3A_2108 = arith.mulf %gather3A_2103, %get3A_2107 : vector<16xf32>
      %get3A_2109 = arith.constant 58 : i32
      %get3A_2110 = arith.index_cast %get3A_2109 : i32 to index
      %get3A_2111 = arith.constant 0 : index
      %get3A_2112 = tpu.vector_load %arg9[%get3A_2110, %get3A_2111] {strides = array<i32>} : memref<128x16xf32, #tpu.memory_space<vmem>>, vector<16xf32>,
      %add3A_2113 = arith.addf %mul3A_2108, %get3A_2112 : vector<16xf32>
      %gt3A_2114 = arith.cmpf ogt, %add3A_2113, %select_n3A_2098 : vector<16xf32>
      %gt3A_2115 = arith.cmpf ogt, %add3A_2113, %select_n3A_2095 : vector<16xf32>
      %select_n3A_2116 = arith.select %gt3A_2115, %add3A_2113, %select_n3A_2095 : vector<16xi1>, vector<16xf32>
      %select_n3A_2117 = arith.select %gt3A_2114, %select_n3A_2098, %select_n3A_2116 : vector<16xi1>, vector<16xf32>
      %select_n3A_2118 = arith.select %gt3A_2115, %broadcast_in_dim3A_2101, %select_n3A_2097 : vector<16xi1>, vector<16xi32>
      %select_n3A_2119 = arith.select %gt3A_2114, %select_n3A_2099, %select_n3A_2118 : vector<16xi1>, vector<16xi32>
      %select_n3A_2120 = arith.select %gt3A_2114, %add3A_2113, %select_n3A_2098 : vector<16xi1>, vector<16xf32>
      %select_n3A_2121 = arith.select %gt3A_2114, %broadcast_in_dim3A_2101, %select_n3A_2099 : vector<16xi1>, vector<16xi32>
      %broadcast_in_dim3A_2122 = arith.constant 59 : i32
      %broadcast_in_dim3A_2123 = vector.broadcast %broadcast_in_dim3A_2122 : i32 to vector<16xi32>
      %add3A_2124 = arith.addi %mul3A_818, %broadcast_in_dim3A_2123 : vector<16xi32>
      %gather3A_2125 = tpu.vector_load_idx %arg7[%add3A_2124] : memref<16384xf32, #tpu.memory_space<vmem>>[vector<16xi32>], vector<16xf32>,
      %get3A_2126 = arith.constant 123 : i32
      %get3A_2127 = arith.index_cast %get3A_2126 : i32 to index
      %get3A_2128 = arith.constant 0 : index
      %get3A_2129 = tpu.vector_load %arg9[%get3A_2127, %get3A_2128] {strides = array<i32>} : memref<128x16xf32, #tpu.memory_space<vmem>>, vector<16xf32>,
      %mul3A_2130 = arith.mulf %gather3A_2125, %get3A_2129 : vector<16xf32>
      %get3A_2131 = arith.constant 59 : i32
      %get3A_2132 = arith.index_cast %get3A_2131 : i32 to index
      %get3A_2133 = arith.constant 0 : index
      %get3A_2134 = tpu.vector_load %arg9[%get3A_2132, %get3A_2133] {strides = array<i32>} : memref<128x16xf32, #tpu.memory_space<vmem>>, vector<16xf32>,
      %add3A_2135 = arith.addf %mul3A_2130, %get3A_2134 : vector<16xf32>
      %gt3A_2136 = arith.cmpf ogt, %add3A_2135, %select_n3A_2120 : vector<16xf32>
      %gt3A_2137 = arith.cmpf ogt, %add3A_2135, %select_n3A_2117 : vector<16xf32>
      %select_n3A_2138 = arith.select %gt3A_2137, %add3A_2135, %select_n3A_2117 : vector<16xi1>, vector<16xf32>
      %select_n3A_2139 = arith.select %gt3A_2136, %select_n3A_2120, %select_n3A_2138 : vector<16xi1>, vector<16xf32>
      %select_n3A_2140 = arith.select %gt3A_2137, %broadcast_in_dim3A_2123, %select_n3A_2119 : vector<16xi1>, vector<16xi32>
      %select_n3A_2141 = arith.select %gt3A_2136, %select_n3A_2121, %select_n3A_2140 : vector<16xi1>, vector<16xi32>
      %select_n3A_2142 = arith.select %gt3A_2136, %add3A_2135, %select_n3A_2120 : vector<16xi1>, vector<16xf32>
      %select_n3A_2143 = arith.select %gt3A_2136, %broadcast_in_dim3A_2123, %select_n3A_2121 : vector<16xi1>, vector<16xi32>
      %broadcast_in_dim3A_2144 = arith.constant 60 : i32
      %broadcast_in_dim3A_2145 = vector.broadcast %broadcast_in_dim3A_2144 : i32 to vector<16xi32>
      %add3A_2146 = arith.addi %mul3A_818, %broadcast_in_dim3A_2145 : vector<16xi32>
      %gather3A_2147 = tpu.vector_load_idx %arg7[%add3A_2146] : memref<16384xf32, #tpu.memory_space<vmem>>[vector<16xi32>], vector<16xf32>,
      %get3A_2148 = arith.constant 124 : i32
      %get3A_2149 = arith.index_cast %get3A_2148 : i32 to index
      %get3A_2150 = arith.constant 0 : index
      %get3A_2151 = tpu.vector_load %arg9[%get3A_2149, %get3A_2150] {strides = array<i32>} : memref<128x16xf32, #tpu.memory_space<vmem>>, vector<16xf32>,
      %mul3A_2152 = arith.mulf %gather3A_2147, %get3A_2151 : vector<16xf32>
      %get3A_2153 = arith.constant 60 : i32
      %get3A_2154 = arith.index_cast %get3A_2153 : i32 to index
      %get3A_2155 = arith.constant 0 : index
      %get3A_2156 = tpu.vector_load %arg9[%get3A_2154, %get3A_2155] {strides = array<i32>} : memref<128x16xf32, #tpu.memory_space<vmem>>, vector<16xf32>,
      %add3A_2157 = arith.addf %mul3A_2152, %get3A_2156 : vector<16xf32>
      %gt3A_2158 = arith.cmpf ogt, %add3A_2157, %select_n3A_2142 : vector<16xf32>
      %gt3A_2159 = arith.cmpf ogt, %add3A_2157, %select_n3A_2139 : vector<16xf32>
      %select_n3A_2160 = arith.select %gt3A_2159, %add3A_2157, %select_n3A_2139 : vector<16xi1>, vector<16xf32>
      %select_n3A_2161 = arith.select %gt3A_2158, %select_n3A_2142, %select_n3A_2160 : vector<16xi1>, vector<16xf32>
      %select_n3A_2162 = arith.select %gt3A_2159, %broadcast_in_dim3A_2145, %select_n3A_2141 : vector<16xi1>, vector<16xi32>
      %select_n3A_2163 = arith.select %gt3A_2158, %select_n3A_2143, %select_n3A_2162 : vector<16xi1>, vector<16xi32>
      %select_n3A_2164 = arith.select %gt3A_2158, %add3A_2157, %select_n3A_2142 : vector<16xi1>, vector<16xf32>
      %select_n3A_2165 = arith.select %gt3A_2158, %broadcast_in_dim3A_2145, %select_n3A_2143 : vector<16xi1>, vector<16xi32>
      %broadcast_in_dim3A_2166 = arith.constant 61 : i32
      %broadcast_in_dim3A_2167 = vector.broadcast %broadcast_in_dim3A_2166 : i32 to vector<16xi32>
      %add3A_2168 = arith.addi %mul3A_818, %broadcast_in_dim3A_2167 : vector<16xi32>
      %gather3A_2169 = tpu.vector_load_idx %arg7[%add3A_2168] : memref<16384xf32, #tpu.memory_space<vmem>>[vector<16xi32>], vector<16xf32>,
      %get3A_2170 = arith.constant 125 : i32
      %get3A_2171 = arith.index_cast %get3A_2170 : i32 to index
      %get3A_2172 = arith.constant 0 : index
      %get3A_2173 = tpu.vector_load %arg9[%get3A_2171, %get3A_2172] {strides = array<i32>} : memref<128x16xf32, #tpu.memory_space<vmem>>, vector<16xf32>,
      %mul3A_2174 = arith.mulf %gather3A_2169, %get3A_2173 : vector<16xf32>
      %get3A_2175 = arith.constant 61 : i32
      %get3A_2176 = arith.index_cast %get3A_2175 : i32 to index
      %get3A_2177 = arith.constant 0 : index
      %get3A_2178 = tpu.vector_load %arg9[%get3A_2176, %get3A_2177] {strides = array<i32>} : memref<128x16xf32, #tpu.memory_space<vmem>>, vector<16xf32>,
      %add3A_2179 = arith.addf %mul3A_2174, %get3A_2178 : vector<16xf32>
      %gt3A_2180 = arith.cmpf ogt, %add3A_2179, %select_n3A_2164 : vector<16xf32>
      %gt3A_2181 = arith.cmpf ogt, %add3A_2179, %select_n3A_2161 : vector<16xf32>
      %select_n3A_2182 = arith.select %gt3A_2181, %add3A_2179, %select_n3A_2161 : vector<16xi1>, vector<16xf32>
      %select_n3A_2183 = arith.select %gt3A_2180, %select_n3A_2164, %select_n3A_2182 : vector<16xi1>, vector<16xf32>
      %select_n3A_2184 = arith.select %gt3A_2181, %broadcast_in_dim3A_2167, %select_n3A_2163 : vector<16xi1>, vector<16xi32>
      %select_n3A_2185 = arith.select %gt3A_2180, %select_n3A_2165, %select_n3A_2184 : vector<16xi1>, vector<16xi32>
      %select_n3A_2186 = arith.select %gt3A_2180, %add3A_2179, %select_n3A_2164 : vector<16xi1>, vector<16xf32>
      %select_n3A_2187 = arith.select %gt3A_2180, %broadcast_in_dim3A_2167, %select_n3A_2165 : vector<16xi1>, vector<16xi32>
      %broadcast_in_dim3A_2188 = arith.constant 62 : i32
      %broadcast_in_dim3A_2189 = vector.broadcast %broadcast_in_dim3A_2188 : i32 to vector<16xi32>
      %add3A_2190 = arith.addi %mul3A_818, %broadcast_in_dim3A_2189 : vector<16xi32>
      %gather3A_2191 = tpu.vector_load_idx %arg7[%add3A_2190] : memref<16384xf32, #tpu.memory_space<vmem>>[vector<16xi32>], vector<16xf32>,
      %get3A_2192 = arith.constant 126 : i32
      %get3A_2193 = arith.index_cast %get3A_2192 : i32 to index
      %get3A_2194 = arith.constant 0 : index
      %get3A_2195 = tpu.vector_load %arg9[%get3A_2193, %get3A_2194] {strides = array<i32>} : memref<128x16xf32, #tpu.memory_space<vmem>>, vector<16xf32>,
      %mul3A_2196 = arith.mulf %gather3A_2191, %get3A_2195 : vector<16xf32>
      %get3A_2197 = arith.constant 62 : i32
      %get3A_2198 = arith.index_cast %get3A_2197 : i32 to index
      %get3A_2199 = arith.constant 0 : index
      %get3A_2200 = tpu.vector_load %arg9[%get3A_2198, %get3A_2199] {strides = array<i32>} : memref<128x16xf32, #tpu.memory_space<vmem>>, vector<16xf32>,
      %add3A_2201 = arith.addf %mul3A_2196, %get3A_2200 : vector<16xf32>
      %gt3A_2202 = arith.cmpf ogt, %add3A_2201, %select_n3A_2186 : vector<16xf32>
      %gt3A_2203 = arith.cmpf ogt, %add3A_2201, %select_n3A_2183 : vector<16xf32>
      %select_n3A_2204 = arith.select %gt3A_2203, %add3A_2201, %select_n3A_2183 : vector<16xi1>, vector<16xf32>
      %select_n3A_2205 = arith.select %gt3A_2202, %select_n3A_2186, %select_n3A_2204 : vector<16xi1>, vector<16xf32>
      %select_n3A_2206 = arith.select %gt3A_2203, %broadcast_in_dim3A_2189, %select_n3A_2185 : vector<16xi1>, vector<16xi32>
      %select_n3A_2207 = arith.select %gt3A_2202, %select_n3A_2187, %select_n3A_2206 : vector<16xi1>, vector<16xi32>
      %select_n3A_2208 = arith.select %gt3A_2202, %add3A_2201, %select_n3A_2186 : vector<16xi1>, vector<16xf32>
      %select_n3A_2209 = arith.select %gt3A_2202, %broadcast_in_dim3A_2189, %select_n3A_2187 : vector<16xi1>, vector<16xi32>
      %broadcast_in_dim3A_2210 = arith.constant 63 : i32
      %broadcast_in_dim3A_2211 = vector.broadcast %broadcast_in_dim3A_2210 : i32 to vector<16xi32>
      %add3A_2212 = arith.addi %mul3A_818, %broadcast_in_dim3A_2211 : vector<16xi32>
      %gather3A_2213 = tpu.vector_load_idx %arg7[%add3A_2212] : memref<16384xf32, #tpu.memory_space<vmem>>[vector<16xi32>], vector<16xf32>,
      %get3A_2214 = arith.constant 127 : i32
      %get3A_2215 = arith.index_cast %get3A_2214 : i32 to index
      %get3A_2216 = arith.constant 0 : index
      %get3A_2217 = tpu.vector_load %arg9[%get3A_2215, %get3A_2216] {strides = array<i32>} : memref<128x16xf32, #tpu.memory_space<vmem>>, vector<16xf32>,
      %mul3A_2218 = arith.mulf %gather3A_2213, %get3A_2217 : vector<16xf32>
      %get3A_2219 = arith.constant 63 : i32
      %get3A_2220 = arith.index_cast %get3A_2219 : i32 to index
      %get3A_2221 = arith.constant 0 : index
      %get3A_2222 = tpu.vector_load %arg9[%get3A_2220, %get3A_2221] {strides = array<i32>} : memref<128x16xf32, #tpu.memory_space<vmem>>, vector<16xf32>,
      %add3A_2223 = arith.addf %mul3A_2218, %get3A_2222 : vector<16xf32>
      %gt3A_2224 = arith.cmpf ogt, %add3A_2223, %select_n3A_2208 : vector<16xf32>
      %gt3A_2225 = arith.cmpf ogt, %add3A_2223, %select_n3A_2205 : vector<16xf32>
      %select_n3A_2226 = arith.select %gt3A_2225, %add3A_2223, %select_n3A_2205 : vector<16xi1>, vector<16xf32>
      %select_n3A_2227 = arith.select %gt3A_2224, %select_n3A_2208, %select_n3A_2226 : vector<16xi1>, vector<16xf32>
      %select_n3A_2228 = arith.select %gt3A_2225, %broadcast_in_dim3A_2211, %select_n3A_2207 : vector<16xi1>, vector<16xi32>
      %select_n3A_2229 = arith.select %gt3A_2224, %select_n3A_2209, %select_n3A_2228 : vector<16xi1>, vector<16xi32>
      %select_n3A_2230 = arith.select %gt3A_2224, %add3A_2223, %select_n3A_2208 : vector<16xi1>, vector<16xf32>
      %select_n3A_2231 = arith.select %gt3A_2224, %broadcast_in_dim3A_2211, %select_n3A_2209 : vector<16xi1>, vector<16xi32>
      %sub3A = arith.subf %select_n3A_2227, %select_n3A_2230 : vector<16xf32>
      %exp3A = math.exp %sub3A : vector<16xf32>
      %add3A_2232 = arith.constant 1.000000e+00 : f32
      %add3A_2233 = vector.broadcast %add3A_2232 : f32 to vector<16xf32>
      %add3A_2234 = arith.addf %add3A_2233, %exp3A : vector<16xf32>
      %div3A = arith.constant 1.000000e+00 : f32
      %div3A_2235 = vector.broadcast %div3A : f32 to vector<16xf32>
      %div3A_2236 = arith.divf %div3A_2235, %add3A_2234 : vector<16xf32>
      %add3A_2237 = arith.constant 1.000000e+00 : f32
      %add3A_2238 = vector.broadcast %add3A_2237 : f32 to vector<16xf32>
      %add3A_2239 = arith.addf %add3A_2238, %exp3A : vector<16xf32>
      %div3A_2240 = arith.divf %exp3A, %add3A_2239 : vector<16xf32>
      %shift_left3A = arith.constant 8 : i32
      %shift_left3A_2241 = vector.broadcast %shift_left3A : i32 to vector<16xi32>
      %shift_left3A_2242 = arith.shli %select_n3A_2229, %shift_left3A_2241 : vector<16xi32>
      %or3A = arith.ori %select_n3A_2231, %shift_left3A_2242 : vector<16xi32>
      %mul3A_2243 = arith.constant 16 : i32
      %mul3A_2244 = arith.muli %scan3A_811, %mul3A_2243 : i32
      %swap3A_2245 = arith.index_cast %mul3A_2244 : i32 to index
      %swap3A_2246 = tpu.vector_load %arg10[%swap3A_2245] {strides = array<i32>} : memref<256xi32, #tpu.memory_space<vmem>>, vector<16xi32>,
      tpu.vector_store %arg10[%swap3A_2245], %or3A {strides = array<i32>} : memref<256xi32, #tpu.memory_space<vmem>>, vector<16xi32>,
      %mul3A_2247 = arith.constant 16 : i32
      %mul3A_2248 = arith.muli %scan3A_811, %mul3A_2247 : i32
      %swap3A_2249 = arith.index_cast %mul3A_2248 : i32 to index
      %swap3A_2250 = tpu.vector_load %arg11[%swap3A_2249] {strides = array<i32>} : memref<256xf32, #tpu.memory_space<vmem>>, vector<16xf32>,
      tpu.vector_store %arg11[%swap3A_2249], %div3A_2236 {strides = array<i32>} : memref<256xf32, #tpu.memory_space<vmem>>, vector<16xf32>,
      %mul3A_2251 = arith.constant 16 : i32
      %mul3A_2252 = arith.muli %scan3A_811, %mul3A_2251 : i32
      %swap3A_2253 = arith.index_cast %mul3A_2252 : i32 to index
      %swap3A_2254 = tpu.vector_load %arg12[%swap3A_2253] {strides = array<i32>} : memref<256xf32, #tpu.memory_space<vmem>>, vector<16xf32>,
      tpu.vector_store %arg12[%swap3A_2253], %div3A_2240 {strides = array<i32>} : memref<256xf32, #tpu.memory_space<vmem>>, vector<16xf32>,
    }
    %scan3A_808 = arith.constant 8 : i32
    %mul3A_809 = arith.constant 256 : i32
    %mul3A_810 = arith.muli %add3A, %mul3A_809 : i32
    "tpu.region"() ({
      %run_scoped3A = tpu.sem_alloc : memref<!tpu.dma_semaphore, #tpu.memory_space<semaphore_mem>>
      %dma_start3A_811 = tpu.memref_slice %arg4[%mul3A_810] : memref<8192xi32, #tpu.memory_space<hbm>> -> memref<256xi32, #tpu.memory_space<hbm>>
      %dma_start3A_812 = tpu.memref_slice %arg4[%mul3A_810] : memref<8192xi32, #tpu.memory_space<hbm>> -> memref<256xi32, #tpu.memory_space<hbm>>
      tpu.enqueue_dma source(%arg10 : memref<256xi32, #tpu.memory_space<vmem>>) target(%dma_start3A_812 : memref<256xi32, #tpu.memory_space<hbm>>) target_semaphore(%run_scoped3A : memref<!tpu.dma_semaphore, #tpu.memory_space<semaphore_mem>>)
      %dma_wait3A_813 = tpu.memref_slice %arg4[%mul3A_810] : memref<8192xi32, #tpu.memory_space<hbm>> -> memref<256xi32, #tpu.memory_space<hbm>>
      %dma_wait3A_814 = tpu.memref_slice %arg4[%mul3A_810] : memref<8192xi32, #tpu.memory_space<hbm>> -> memref<256xi32, #tpu.memory_space<hbm>>
      tpu.wait_dma2 semaphore(%run_scoped3A : memref<!tpu.dma_semaphore, #tpu.memory_space<semaphore_mem>>) src(%arg10 : memref<256xi32, #tpu.memory_space<vmem>>) dst(%dma_wait3A_814 : memref<256xi32, #tpu.memory_space<hbm>>)
      tpu.yield
    }) : () -> ()
    "tpu.region"() ({
      %run_scoped3A = tpu.sem_alloc : memref<!tpu.dma_semaphore, #tpu.memory_space<semaphore_mem>>
      %dma_start3A_811 = tpu.memref_slice %arg5[%mul3A_810] : memref<8192xf32, #tpu.memory_space<hbm>> -> memref<256xf32, #tpu.memory_space<hbm>>
      %dma_start3A_812 = tpu.memref_slice %arg5[%mul3A_810] : memref<8192xf32, #tpu.memory_space<hbm>> -> memref<256xf32, #tpu.memory_space<hbm>>
      tpu.enqueue_dma source(%arg11 : memref<256xf32, #tpu.memory_space<vmem>>) target(%dma_start3A_812 : memref<256xf32, #tpu.memory_space<hbm>>) target_semaphore(%run_scoped3A : memref<!tpu.dma_semaphore, #tpu.memory_space<semaphore_mem>>)
      %dma_wait3A_813 = tpu.memref_slice %arg5[%mul3A_810] : memref<8192xf32, #tpu.memory_space<hbm>> -> memref<256xf32, #tpu.memory_space<hbm>>
      %dma_wait3A_814 = tpu.memref_slice %arg5[%mul3A_810] : memref<8192xf32, #tpu.memory_space<hbm>> -> memref<256xf32, #tpu.memory_space<hbm>>
      tpu.wait_dma2 semaphore(%run_scoped3A : memref<!tpu.dma_semaphore, #tpu.memory_space<semaphore_mem>>) src(%arg11 : memref<256xf32, #tpu.memory_space<vmem>>) dst(%dma_wait3A_814 : memref<256xf32, #tpu.memory_space<hbm>>)
      tpu.yield
    }) : () -> ()
    "tpu.region"() ({
      %run_scoped3A = tpu.sem_alloc : memref<!tpu.dma_semaphore, #tpu.memory_space<semaphore_mem>>
      %dma_start3A_811 = tpu.memref_slice %arg6[%mul3A_810] : memref<8192xf32, #tpu.memory_space<hbm>> -> memref<256xf32, #tpu.memory_space<hbm>>
      %dma_start3A_812 = tpu.memref_slice %arg6[%mul3A_810] : memref<8192xf32, #tpu.memory_space<hbm>> -> memref<256xf32, #tpu.memory_space<hbm>>
      tpu.enqueue_dma source(%arg12 : memref<256xf32, #tpu.memory_space<vmem>>) target(%dma_start3A_812 : memref<256xf32, #tpu.memory_space<hbm>>) target_semaphore(%run_scoped3A : memref<!tpu.dma_semaphore, #tpu.memory_space<semaphore_mem>>)
      %dma_wait3A_813 = tpu.memref_slice %arg6[%mul3A_810] : memref<8192xf32, #tpu.memory_space<hbm>> -> memref<256xf32, #tpu.memory_space<hbm>>
      %dma_wait3A_814 = tpu.memref_slice %arg6[%mul3A_810] : memref<8192xf32, #tpu.memory_space<hbm>> -> memref<256xf32, #tpu.memory_space<hbm>>
      tpu.wait_dma2 semaphore(%run_scoped3A : memref<!tpu.dma_semaphore, #tpu.memory_space<semaphore_mem>>) src(%arg12 : memref<256xf32, #tpu.memory_space<vmem>>) dst(%dma_wait3A_814 : memref<256xf32, #tpu.memory_space<hbm>>)
      tpu.yield
    }) : () -> ()
    return
  }
}

module attributes {stable_mosaic.version = 14 : i64} {
  func.func @_expand_body(%arg0: i32, %arg1: memref<1024xi32, #tpu.memory_space<vmem>>, %arg2: memref<1024xf32, #tpu.memory_space<vmem>>, %arg3: memref<1024xf32, #tpu.memory_space<vmem>>, %arg4: memref<64x1024xf32, #tpu.memory_space<vmem>>, %arg5: memref<64x1xf32, #tpu.memory_space<vmem>>) attributes {dimension_semantics = [#tpu.dimension_semantics<arbitrary>], iteration_bounds = array<i64: 8>, scalar_prefetch = 0 : i64, scratch_operands = 0 : i64, tpu.core_type = #tpu.core_type<tc>, window_params = [{transform_indices = @transform_0, window_bounds = array<i64: 1024>}, {transform_indices = @transform_1, window_bounds = array<i64: 1024>}, {transform_indices = @transform_2, window_bounds = array<i64: 1024>}, {transform_indices = @transform_3, window_bounds = array<i64: 64, 1024>}, {pipeline_mode = #tpu.pipeline_mode<synchronous>, transform_indices = @transform_4, window_bounds = array<i64: 64, 1>}]} {
    %get3A = arith.constant 0 : index
    %get3A_0 = vector.load %arg1[%get3A] : memref<1024xi32, #tpu.memory_space<vmem>>, vector<1024xi32>
    %reshape3A = vector.shape_cast %get3A_0 : vector<1024xi32> to vector<1x1024xi32>
    %and3A = arith.constant 255 : i32
    %and3A_1 = vector.broadcast %and3A : i32 to vector<1x1024xi32>
    %and3A_2 = arith.andi %reshape3A, %and3A_1 : vector<1x1024xi32>
    %shift_right_arithmetic3A = arith.constant 8 : i32
    %shift_right_arithmetic3A_3 = vector.broadcast %shift_right_arithmetic3A : i32 to vector<1x1024xi32>
    %shift_right_arithmetic3A_4 = arith.shrsi %reshape3A, %shift_right_arithmetic3A_3 : vector<1x1024xi32>
    %get3A_5 = arith.constant 0 : index
    %get3A_6 = vector.load %arg2[%get3A_5] : memref<1024xf32, #tpu.memory_space<vmem>>, vector<1024xf32>
    %reshape3A_7 = vector.shape_cast %get3A_6 : vector<1024xf32> to vector<1x1024xf32>
    %get3A_8 = arith.constant 0 : index
    %get3A_9 = vector.load %arg3[%get3A_8] : memref<1024xf32, #tpu.memory_space<vmem>>, vector<1024xf32>
    %reshape3A_10 = vector.shape_cast %get3A_9 : vector<1024xf32> to vector<1x1024xf32>
    %iota3A = tpu.iota {dimensions = array<i32: 0>} : vector<64x1024xi32>
    %eq3A = vector.broadcast %and3A_2 : vector<1x1024xi32> to vector<64x1024xi32>
    %eq3A_11 = arith.cmpi eq, %iota3A, %eq3A : vector<64x1024xi32>
    %jit3A = arith.constant 0.000000e+00 : f32
    %broadcast_in_dim3A = vector.shape_cast %reshape3A_7 : vector<1x1024xf32> to vector<1x1024xf32>
    %broadcast_in_dim3A_12 = vector.broadcast %broadcast_in_dim3A : vector<1x1024xf32> to vector<64x1024xf32>
    %broadcast_in_dim3A_13 = vector.broadcast %jit3A : f32 to vector<64x1024xf32>
    %select_n3A = arith.select %eq3A_11, %broadcast_in_dim3A_12, %broadcast_in_dim3A_13 : vector<64x1024xi1>, vector<64x1024xf32>
    %eq3A_14 = vector.broadcast %shift_right_arithmetic3A_4 : vector<1x1024xi32> to vector<64x1024xi32>
    %eq3A_15 = arith.cmpi eq, %iota3A, %eq3A_14 : vector<64x1024xi32>
    %jit3A_16 = arith.constant 0.000000e+00 : f32
    %broadcast_in_dim3A_17 = vector.shape_cast %reshape3A_10 : vector<1x1024xf32> to vector<1x1024xf32>
    %broadcast_in_dim3A_18 = vector.broadcast %broadcast_in_dim3A_17 : vector<1x1024xf32> to vector<64x1024xf32>
    %broadcast_in_dim3A_19 = vector.broadcast %jit3A_16 : f32 to vector<64x1024xf32>
    %select_n3A_20 = arith.select %eq3A_15, %broadcast_in_dim3A_18, %broadcast_in_dim3A_19 : vector<64x1024xi1>, vector<64x1024xf32>
    %add3A = arith.addf %select_n3A, %select_n3A_20 : vector<64x1024xf32>
    %swap3A = arith.constant 0 : index
    %swap3A_21 = arith.constant 0 : index
    %swap3A_22 = vector.load %arg4[%swap3A, %swap3A_21] : memref<64x1024xf32, #tpu.memory_space<vmem>>, vector<64x1024xf32>
    tpu.vector_store %arg4[%swap3A, %swap3A_21], %add3A {strides = array<i32>} : memref<64x1024xf32, #tpu.memory_space<vmem>>, vector<64x1024xf32>,
    %eq3A_23 = arith.constant 0 : i32
    %eq3A_24 = arith.cmpi eq, %arg0, %eq3A_23 : i32
    %convert_element_type3A = arith.extui %eq3A_24 : i1 to i32
    %cond3A = arith.constant 0 : i32
    %cond3A_25 = arith.cmpi ne, %convert_element_type3A, %cond3A : i32
    scf.if %cond3A_25 {
      %broadcast_in_dim3A_35 = arith.constant 0.000000e+00 : f32
      %broadcast_in_dim3A_36 = vector.broadcast %broadcast_in_dim3A_35 : f32 to vector<64x1xf32>
      %swap3A_37 = arith.constant 0 : index
      %swap3A_38 = arith.constant 0 : index
      %swap3A_39 = vector.load %arg5[%swap3A_37, %swap3A_38] : memref<64x1xf32, #tpu.memory_space<vmem>>, vector<64x1xf32>
      tpu.vector_store %arg5[%swap3A_37, %swap3A_38], %broadcast_in_dim3A_36 {strides = array<i32>} : memref<64x1xf32, #tpu.memory_space<vmem>>, vector<64x1xf32>,
    } else {
    }
    %get3A_26 = arith.constant 0 : index
    %get3A_27 = arith.constant 0 : index
    %get3A_28 = vector.load %arg5[%get3A_26, %get3A_27] : memref<64x1xf32, #tpu.memory_space<vmem>>, vector<64x1xf32>
    %reduce_sum3A = arith.constant dense<0.000000e+00> : vector<64xf32>
    %reduce_sum3A_29 = vector.multi_reduction <add>, %add3A, %reduce_sum3A [1] : vector<64x1024xf32> to vector<64xf32>
    %broadcast_in_dim3A_30 = vector.shape_cast %reduce_sum3A_29 : vector<64xf32> to vector<64x1xf32>
    %add3A_31 = arith.addf %get3A_28, %broadcast_in_dim3A_30 : vector<64x1xf32>
    %swap3A_32 = arith.constant 0 : index
    %swap3A_33 = arith.constant 0 : index
    %swap3A_34 = vector.load %arg5[%swap3A_32, %swap3A_33] : memref<64x1xf32, #tpu.memory_space<vmem>>, vector<64x1xf32>
    tpu.vector_store %arg5[%swap3A_32, %swap3A_33], %add3A_31 {strides = array<i32>} : memref<64x1xf32, #tpu.memory_space<vmem>>, vector<64x1xf32>,
    return
  }
  func.func @transform_0(%arg0: i32) -> i32 {
    %c0_i32 = arith.constant 0 : i32
    return %arg0 : i32
  }
  func.func @transform_1(%arg0: i32) -> i32 {
    %c0_i32 = arith.constant 0 : i32
    return %arg0 : i32
  }
  func.func @transform_2(%arg0: i32) -> i32 {
    %c0_i32 = arith.constant 0 : i32
    return %arg0 : i32
  }
  func.func @transform_3(%arg0: i32) -> (i32, i32) {
    %c0_i32 = arith.constant 0 : i32
    %c0_i32_0 = arith.constant 0 : i32
    return %c0_i32, %arg0 : i32, i32
  }
  func.func @transform_4(%arg0: i32) -> (i32, i32) {
    %c0_i32 = arith.constant 0 : i32
    %c0_i32_0 = arith.constant 0 : i32
    %c0_i32_1 = arith.constant 0 : i32
    return %c0_i32, %c0_i32_0 : i32, i32
  }
}

module attributes {stable_mosaic.version = 14 : i64} {
  func.func @_prologue_body(%arg0: memref<1x1xi32, #tpu.memory_space<vmem>>, %arg1: memref<6x32xf32, #tpu.memory_space<vmem>>, %arg2: memref<96x32xf32, #tpu.memory_space<vmem>>, %arg3: memref<1x96xf32, #tpu.memory_space<vmem>>, %arg4: memref<32x32xf32, #tpu.memory_space<vmem>>, %arg5: memref<64x32xf32, #tpu.memory_space<vmem>>, %arg6: memref<1x64xf32, #tpu.memory_space<vmem>>, %arg7: memref<64x32xf32, #tpu.memory_space<vmem>>, %arg8: memref<1x64xf32, #tpu.memory_space<vmem>>, %arg9: memref<4x64xf32, #tpu.memory_space<vmem>>) attributes {dimension_semantics = [], scalar_prefetch = 0 : i64, scratch_operands = 0 : i64, tpu.core_type = #tpu.core_type<tc>} {
    %get3A = arith.constant 0 : index
    %get3A_0 = arith.constant 0 : index
    %get3A_1 = vector.load %arg0[%get3A, %get3A_0] : memref<1x1xi32, #tpu.memory_space<vmem>>, vector<1x1xi32>
    %iota3A = tpu.iota {dimensions = array<i32: 0>} : vector<6x1xi32>
    %eq3A = vector.broadcast %get3A_1 : vector<1x1xi32> to vector<6x1xi32>
    %eq3A_2 = arith.cmpi eq, %iota3A, %eq3A : vector<6x1xi32>
    %get3A_3 = arith.constant 0 : index
    %get3A_4 = arith.constant 0 : index
    %get3A_5 = vector.load %arg1[%get3A_3, %get3A_4] : memref<6x32xf32, #tpu.memory_space<vmem>>, vector<6x32xf32>
    %jit3A = arith.constant 0.000000e+00 : f32
    %broadcast_in_dim3A = vector.shape_cast %eq3A_2 : vector<6x1xi1> to vector<6x1xi1>
    %broadcast_in_dim3A_6 = vector.broadcast %broadcast_in_dim3A : vector<6x1xi1> to vector<6x32xi1>
    %broadcast_in_dim3A_7 = vector.broadcast %jit3A : f32 to vector<6x32xf32>
    %select_n3A = arith.select %broadcast_in_dim3A_6, %get3A_5, %broadcast_in_dim3A_7 : vector<6x32xi1>, vector<6x32xf32>
    %reduce_sum3A = arith.constant dense<0.000000e+00> : vector<32xf32>
    %reduce_sum3A_8 = vector.multi_reduction <add>, %select_n3A, %reduce_sum3A [0] : vector<6x32xf32> to vector<32xf32>
    %broadcast_in_dim3A_9 = vector.shape_cast %reduce_sum3A_8 : vector<32xf32> to vector<1x32xf32>
    %get3A_10 = arith.constant 0 : index
    %get3A_11 = arith.constant 0 : index
    %get3A_12 = vector.load %arg2[%get3A_10, %get3A_11] : memref<96x32xf32, #tpu.memory_space<vmem>>, vector<32x32xf32>
    %get3A_13 = arith.constant 32 : index
    %get3A_14 = arith.constant 0 : index
    %get3A_15 = vector.load %arg2[%get3A_13, %get3A_14] : memref<96x32xf32, #tpu.memory_space<vmem>>, vector<32x32xf32>
    %get3A_16 = arith.constant 0 : index
    %get3A_17 = arith.constant 0 : index
    %get3A_18 = vector.load %arg3[%get3A_16, %get3A_17] : memref<1x96xf32, #tpu.memory_space<vmem>>, vector<1x32xf32>
    %get3A_19 = vector.shape_cast %get3A_18 : vector<1x32xf32> to vector<32xf32>
    %get3A_20 = arith.constant 0 : index
    %get3A_21 = arith.constant 32 : index
    %get3A_22 = vector.load %arg3[%get3A_20, %get3A_21] : memref<1x96xf32, #tpu.memory_space<vmem>>, vector<1x32xf32>
    %get3A_23 = vector.shape_cast %get3A_22 : vector<1x32xf32> to vector<32xf32>
    %dot_general3A = arith.constant dense<0.000000e+00> : vector<1x32xf32>
    %dot_general3A_24 = tpu.matmul %broadcast_in_dim3A_9, %get3A_12, %dot_general3A {dimension_numbers = #tpu.dot_dimension_numbers<[1], [1], [0], [0], [0, 0, 1, 0], [], []>, transpose_lhs_hint = false} : vector<1x32xf32>, vector<32x32xf32>, vector<1x32xf32> -> vector<1x32xf32>
    %broadcast_in_dim3A_25 = vector.shape_cast %get3A_19 : vector<32xf32> to vector<1x32xf32>
    %add3A = arith.addf %dot_general3A_24, %broadcast_in_dim3A_25 : vector<1x32xf32>
    %get3A_26 = arith.constant 0 : index
    %get3A_27 = arith.constant 0 : index
    %get3A_28 = vector.load %arg4[%get3A_26, %get3A_27] : memref<32x32xf32, #tpu.memory_space<vmem>>, vector<32x32xf32>
    %dot_general3A_29 = arith.constant dense<0.000000e+00> : vector<32x32xf32>
    %dot_general3A_30 = tpu.matmul %get3A_28, %get3A_15, %dot_general3A_29 {dimension_numbers = #tpu.dot_dimension_numbers<[1], [1], [0], [0], [0, 0, 1, 0], [], []>, transpose_lhs_hint = false} : vector<32x32xf32>, vector<32x32xf32>, vector<32x32xf32> -> vector<32x32xf32>
    %broadcast_in_dim3A_31 = vector.shape_cast %get3A_23 : vector<32xf32> to vector<1x32xf32>
    %add3A_32 = vector.broadcast %broadcast_in_dim3A_31 : vector<1x32xf32> to vector<32x32xf32>
    %add3A_33 = arith.addf %dot_general3A_30, %add3A_32 : vector<32x32xf32>
    %mul3A = vector.broadcast %add3A : vector<1x32xf32> to vector<32x32xf32>
    %mul3A_34 = arith.mulf %add3A_33, %mul3A : vector<32x32xf32>
    %iota3A_35 = tpu.iota {dimensions = array<i32: 0>} : vector<32x4xi32>
    %iota3A_36 = tpu.iota {dimensions = array<i32: 1>} : vector<32x4xi32>
    %jit3A_37 = arith.constant 8 : i32
    %div3A = vector.broadcast %jit3A_37 : i32 to vector<32x4xi32>
    %div3A_38 = arith.divsi %iota3A_35, %div3A : vector<32x4xi32>
    %sign3A = arith.constant 0 : i32
    %sign3A_39 = vector.broadcast %sign3A : i32 to vector<32x4xi32>
    %sign3A_40 = arith.cmpi sgt, %iota3A_35, %sign3A_39 : vector<32x4xi32>
    %sign3A_41 = arith.extui %sign3A_40 : vector<32x4xi1> to vector<32x4xi32>
    %sign3A_42 = arith.constant 0 : i32
    %sign3A_43 = vector.broadcast %sign3A_42 : i32 to vector<32x4xi32>
    %sign3A_44 = arith.cmpi slt, %iota3A_35, %sign3A_43 : vector<32x4xi32>
    %sign3A_45 = arith.extui %sign3A_44 : vector<32x4xi1> to vector<32x4xi32>
    %sign3A_46 = arith.subi %sign3A_41, %sign3A_45 : vector<32x4xi32>
    %sign3A_47 = arith.constant 0 : i32
    %sign3A_48 = arith.cmpi sgt, %jit3A_37, %sign3A_47 : i32
    %sign3A_49 = arith.extui %sign3A_48 : i1 to i32
    %sign3A_50 = arith.constant 0 : i32
    %sign3A_51 = arith.cmpi slt, %jit3A_37, %sign3A_50 : i32
    %sign3A_52 = arith.extui %sign3A_51 : i1 to i32
    %sign3A_53 = arith.subi %sign3A_49, %sign3A_52 : i32
    %ne3A = vector.broadcast %sign3A_53 : i32 to vector<32x4xi32>
    %ne3A_54 = arith.cmpi ne, %sign3A_46, %ne3A : vector<32x4xi32>
    %rem3A = vector.broadcast %jit3A_37 : i32 to vector<32x4xi32>
    %rem3A_55 = arith.remsi %iota3A_35, %rem3A : vector<32x4xi32>
    %ne3A_56 = arith.constant 0 : i32
    %ne3A_57 = vector.broadcast %ne3A_56 : i32 to vector<32x4xi32>
    %ne3A_58 = arith.cmpi ne, %rem3A_55, %ne3A_57 : vector<32x4xi32>
    %and3A = arith.andi %ne3A_54, %ne3A_58 : vector<32x4xi1>
    %sub3A = arith.constant 1 : i32
    %sub3A_59 = vector.broadcast %sub3A : i32 to vector<32x4xi32>
    %sub3A_60 = arith.subi %div3A_38, %sub3A_59 : vector<32x4xi32>
    %select_n3A_61 = arith.select %and3A, %sub3A_60, %div3A_38 : vector<32x4xi1>, vector<32x4xi32>
    %eq3A_62 = arith.cmpi eq, %select_n3A_61, %iota3A_36 : vector<32x4xi32>
    %convert_element_type3A = arith.extui %eq3A_62 : vector<32x4xi1> to vector<32x4xi32>
    %convert_element_type3A_63 = arith.sitofp %convert_element_type3A : vector<32x4xi32> to vector<32x4xf32>
    %dot_general3A_64 = arith.constant dense<0.000000e+00> : vector<32x4xf32>
    %dot_general3A_65 = tpu.matmul %mul3A_34, %convert_element_type3A_63, %dot_general3A_64 {dimension_numbers = #tpu.dot_dimension_numbers<[1], [0], [0], [1], [0, 0, 1, 1], [], []>, transpose_lhs_hint = false} : vector<32x32xf32>, vector<32x4xf32>, vector<32x4xf32> -> vector<32x4xf32>
    %sqrt3A = arith.constant 8.000000e+00 : f32
    %sqrt3A_66 = math.sqrt %sqrt3A : f32
    %div3A_67 = vector.broadcast %sqrt3A_66 : f32 to vector<32x4xf32>
    %div3A_68 = arith.divf %dot_general3A_65, %div3A_67 : vector<32x4xf32>
    %reduce_max3A = arith.constant dense<0xFF800000> : vector<4xf32>
    %reduce_max3A_69 = vector.multi_reduction <maximumf>, %div3A_68, %reduce_max3A [0] : vector<32x4xf32> to vector<4xf32>
    %max3A = arith.constant 0xFF800000 : f32
    %max3A_70 = vector.broadcast %max3A : f32 to vector<4xf32>
    %max3A_71 = arith.maximumf %max3A_70, %reduce_max3A_69 : vector<4xf32>
    %broadcast_in_dim3A_72 = vector.shape_cast %max3A_71 : vector<4xf32> to vector<1x4xf32>
    %sub3A_73 = vector.broadcast %broadcast_in_dim3A_72 : vector<1x4xf32> to vector<32x4xf32>
    %sub3A_74 = arith.subf %div3A_68, %sub3A_73 : vector<32x4xf32>
    %exp3A = math.exp %sub3A_74 : vector<32x4xf32>
    %reduce_sum3A_75 = arith.constant dense<0.000000e+00> : vector<4xf32>
    %reduce_sum3A_76 = vector.multi_reduction <add>, %exp3A, %reduce_sum3A_75 [0] : vector<32x4xf32> to vector<4xf32>
    %broadcast_in_dim3A_77 = vector.shape_cast %reduce_sum3A_76 : vector<4xf32> to vector<1x4xf32>
    %div3A_78 = vector.broadcast %broadcast_in_dim3A_77 : vector<1x4xf32> to vector<32x4xf32>
    %div3A_79 = arith.divf %exp3A, %div3A_78 : vector<32x4xf32>
    %reduce_sum3A_80 = arith.constant dense<0.000000e+00> : vector<32xf32>
    %reduce_sum3A_81 = vector.multi_reduction <add>, %div3A_79, %reduce_sum3A_80 [1] : vector<32x4xf32> to vector<32xf32>
    %broadcast_in_dim3A_82 = vector.shape_cast %reduce_sum3A_81 : vector<32xf32> to vector<32x1xf32>
    %div3A_83 = arith.constant 4.000000e+00 : f32
    %div3A_84 = vector.broadcast %div3A_83 : f32 to vector<32x1xf32>
    %div3A_85 = arith.divf %broadcast_in_dim3A_82, %div3A_84 : vector<32x1xf32>
    %reduce_max3A_86 = arith.constant dense<0xFF800000> : vector<1xf32>
    %reduce_max3A_87 = vector.multi_reduction <maximumf>, %div3A_85, %reduce_max3A_86 [0] : vector<32x1xf32> to vector<1xf32>
    %max3A_88 = arith.constant 0xFF800000 : f32
    %max3A_89 = vector.broadcast %max3A_88 : f32 to vector<1xf32>
    %max3A_90 = arith.maximumf %max3A_89, %reduce_max3A_87 : vector<1xf32>
    %broadcast_in_dim3A_91 = vector.shape_cast %max3A_90 : vector<1xf32> to vector<1x1xf32>
    %sub3A_92 = vector.broadcast %broadcast_in_dim3A_91 : vector<1x1xf32> to vector<32x1xf32>
    %sub3A_93 = arith.subf %div3A_85, %sub3A_92 : vector<32x1xf32>
    %exp3A_94 = math.exp %sub3A_93 : vector<32x1xf32>
    %reduce_sum3A_95 = arith.constant dense<0.000000e+00> : vector<1xf32>
    %reduce_sum3A_96 = vector.multi_reduction <add>, %exp3A_94, %reduce_sum3A_95 [0] : vector<32x1xf32> to vector<1xf32>
    %broadcast_in_dim3A_97 = vector.shape_cast %reduce_sum3A_96 : vector<1xf32> to vector<1x1xf32>
    %div3A_98 = vector.broadcast %broadcast_in_dim3A_97 : vector<1x1xf32> to vector<32x1xf32>
    %div3A_99 = arith.divf %exp3A_94, %div3A_98 : vector<32x1xf32>
    %reshape3A = vector.shape_cast %div3A_99 : vector<32x1xf32> to vector<1x32xf32>
    %get3A_100 = arith.constant 0 : index
    %get3A_101 = arith.constant 0 : index
    %get3A_102 = vector.load %arg5[%get3A_100, %get3A_101] : memref<64x32xf32, #tpu.memory_space<vmem>>, vector<64x32xf32>
    %dot_general3A_103 = arith.constant dense<0.000000e+00> : vector<1x64xf32>
    %dot_general3A_104 = tpu.matmul %reshape3A, %get3A_102, %dot_general3A_103 {dimension_numbers = #tpu.dot_dimension_numbers<[1], [1], [0], [0], [0, 0, 1, 0], [], []>, transpose_lhs_hint = false} : vector<1x32xf32>, vector<64x32xf32>, vector<1x64xf32> -> vector<1x64xf32>
    %get3A_105 = arith.constant 0 : index
    %get3A_106 = arith.constant 0 : index
    %get3A_107 = vector.load %arg6[%get3A_105, %get3A_106] : memref<1x64xf32, #tpu.memory_space<vmem>>, vector<1x64xf32>
    %add3A_108 = arith.addf %dot_general3A_104, %get3A_107 : vector<1x64xf32>
    %get3A_109 = arith.constant 0 : index
    %get3A_110 = arith.constant 0 : index
    %get3A_111 = vector.load %arg7[%get3A_109, %get3A_110] : memref<64x32xf32, #tpu.memory_space<vmem>>, vector<64x32xf32>
    %dot_general3A_112 = arith.constant dense<0.000000e+00> : vector<1x64xf32>
    %dot_general3A_113 = tpu.matmul %reshape3A, %get3A_111, %dot_general3A_112 {dimension_numbers = #tpu.dot_dimension_numbers<[1], [1], [0], [0], [0, 0, 1, 0], [], []>, transpose_lhs_hint = false} : vector<1x32xf32>, vector<64x32xf32>, vector<1x64xf32> -> vector<1x64xf32>
    %get3A_114 = arith.constant 0 : index
    %get3A_115 = arith.constant 0 : index
    %get3A_116 = vector.load %arg8[%get3A_114, %get3A_115] : memref<1x64xf32, #tpu.memory_space<vmem>>, vector<1x64xf32>
    %add3A_117 = arith.addf %dot_general3A_113, %get3A_116 : vector<1x64xf32>
    %max3A_118 = arith.constant 0.000000e+00 : f32
    %max3A_119 = vector.broadcast %max3A_118 : f32 to vector<1x64xf32>
    %max3A_120 = arith.maximumf %add3A_117, %max3A_119 : vector<1x64xf32>
    %abs3A = math.absf %add3A_117 : vector<1x64xf32>
    %neg3A = arith.constant 0.000000e+00 : f32
    %neg3A_121 = vector.broadcast %neg3A : f32 to vector<1x64xf32>
    %neg3A_122 = arith.subf %neg3A_121, %abs3A : vector<1x64xf32>
    %exp3A_123 = math.exp %neg3A_122 : vector<1x64xf32>
    %log1p3A = math.log1p %exp3A_123 : vector<1x64xf32>
    %add3A_124 = arith.addf %max3A_120, %log1p3A : vector<1x64xf32>
    %broadcast_in_dim3A_125 = arith.constant 0.000000e+00 : f32
    %broadcast_in_dim3A_126 = vector.broadcast %broadcast_in_dim3A_125 : f32 to vector<2x64xf32>
    %swap3A = arith.constant 0 : index
    %swap3A_127 = arith.constant 0 : index
    %swap3A_128 = vector.load %arg9[%swap3A, %swap3A_127] : memref<4x64xf32, #tpu.memory_space<vmem>>, vector<2x64xf32>
    tpu.vector_store %arg9[%swap3A, %swap3A_127], %broadcast_in_dim3A_126 {strides = array<i32>} : memref<4x64xf32, #tpu.memory_space<vmem>>, vector<2x64xf32>,
    %swap3A_129 = arith.constant 2 : index
    %swap3A_130 = arith.constant 0 : index
    %swap3A_131 = vector.load %arg9[%swap3A_129, %swap3A_130] : memref<4x64xf32, #tpu.memory_space<vmem>>, vector<1x64xf32>
    tpu.vector_store %arg9[%swap3A_129, %swap3A_130], %add3A_108 {strides = array<i32>} : memref<4x64xf32, #tpu.memory_space<vmem>>, vector<1x64xf32>,
    %add3A_132 = arith.constant 0.00999999977 : f32
    %add3A_133 = vector.broadcast %add3A_132 : f32 to vector<1x64xf32>
    %add3A_134 = arith.addf %add3A_124, %add3A_133 : vector<1x64xf32>
    %swap3A_135 = arith.constant 3 : index
    %swap3A_136 = arith.constant 0 : index
    %swap3A_137 = vector.load %arg9[%swap3A_135, %swap3A_136] : memref<4x64xf32, #tpu.memory_space<vmem>>, vector<1x64xf32>
    tpu.vector_store %arg9[%swap3A_135, %swap3A_136], %add3A_134 {strides = array<i32>} : memref<4x64xf32, #tpu.memory_space<vmem>>, vector<1x64xf32>,
    return
  }
}

</mosaic_0001>

<sc_bundles>
// kernel: kernel.5.cloned.1.call-start
scs
__scs_entry_jumppad:
0x0: {  	(pc) =	sbr.rel $0x88, $3  }
0x1: {  	(tag) =	ssettag $0x0;
	lr =	simm.s32 $0x1  }
0x2: {  	[smem:$0x3F97] =	sst lr;
	_ =	strace $0xD0000000  }
0x3: {  	_ = 	snop  }
0x4: {  	_ = 	snop  }
0x5: {  	_ = 	snop  }
0x6: {  	_ = 	snop  }
0x7: {  	_ = 	snop  }
__scs_overlays_trampoline_lowered:
0x8: {  	[smem:$0x3FA6] =	sst s0  }
0x9: {  	[smem:$0x3FA7] =	sst s1  }
0xa: {  	[smem:$0x3FA8] =	sst s2  }
0xb: {  	[smem:$0x3FA9] =	sst s3  }
0xc: {  	[smem:$0x3FAA] =	sst s4  }
0xd: {  	[smem:$0x3FAB] =	sst s5  }
0xe: {  	[smem:$0x3FAC] =	sst s6  }
0xf: {  	[smem:$0x3FAD] =	sst s7  }
0x10: {  	[smem:$0x3FAE] =	sst s8  }
0x11: {  	[smem:$0x3FAF] =	sst s9;
	s0 =	simm.s32 @!p0 $0x0  }
0x12: {  	s1 =	sld [smem:$0x3F95];
	s0 =	simm.s32 @p0 $0x1  }
0x13: {  	[smem:$0x3FB0] =	sst s0;
	s0 =	simm.s32 @!p1 $0x0  }
0x14: {  	s2 =	sld [smem:$0x3F94];
	s0 =	simm.s32 @p1 $0x1  }
0x15: {  	[smem:$0x3FB1] =	sst s0;
	s0 =	simm.s32 @!p2 $0x0  }
0x16: {  	s3 =	sld [smem:$0x3FDB];
	s0 =	simm.s32 @p2 $0x1  }
0x17: {  	s4 =	simm.s32 $0x1BF5;
	[smem:$0x3FB3] =	sst s0  }
0x18: {  	s0 =	sld [smem:$0x3F96];
	_ =	swait.ge [sflag:s4], $0x0  }
0x19: {  	s7 =	sld [smem:$0x3F97]  }
0x1a: {  	s8 =	sadd.s32 $0xFFFFE003, lr  }
0x1b: {  	s9 =	sadd.s32 $0xFFFFFEF7, lr;
	s5 =	simm.s32 $0xFFFFFFFF;
	p2 =	slt.u32 s8, $0xFFFFF086  }
0x1c: {  	p1 =	slt.u32 s9, $0xF7A;
	s5 =	simm.s32 @!p2 $0x0  }
0x1d: {  	s5 =	simm.s32 @p1 $0x1;
	p0 =	seq.s32 s7, s2  }
0x1e: {  	s7 =	smul.u32 @!p0 $0xF7A, s2;
	p2 =	seq.s32 @!p0 s5, $0x0  }
0x1f: {  	s9 =	smul.u32 $0xF7A, s1;
	s8 =	simm.s32 @!p0 $0x1BF5;
	p2 =	por !p2, p0  }
0x20: {  	[sflag:s8] =	ssyncset.s32 @!p0 $0xFFFFF086;
	s6 =	sadd.s32 @!p0 s3, s7;
	s7 =	simm.s32 @!p0 $0x108  }
0x21: {  	s3 =	sadd.s32 s3, s9;
	s6 =	sadd.s32 @!p0 $0x88, s6;
	s7 =	simm.s32 @p2 $0x1082  }
0x22: {  	[simem:s7], [sflag:s8] =	dma.local @!p0 [hbm:s6], $0xF7A  }
0x23: {  	s9 =	sor.u32 $0xD0000000, s2;
	s6 =	simm.s32 $0x108;
	_ =	swait.ge @!p0 [sflag:s8], $0x0  }
0x24: {  	s3 =	sadd.s32 $0x88, s3;
	s6 =	simm.s32 @!p1 $0x1082;
	[sflag:s4] =	ssyncset.s32 $0xFFFFF086  }
0x25: {  	[simem:s6], [sflag:s4] =	dma.local [hbm:s3], $0xF7A  }
0x26: {  	[smem:$0x3F97] =	sst s1;
	(tag) =	ssettag s2;
	_ =	strace s9  }
0x27: {  	s1 =	sld [smem:$0x3FA7]  }
0x28: {  	s2 =	sld [smem:$0x3FA8]  }
0x29: {  	s4 =	sld [smem:$0x3FAA]  }
0x2a: {  	p0 =	seq.s32 s5, $0x0;
	s5 =	sld [smem:$0x3FAB]  }
0x2b: {  	s6 =	sld [smem:$0x3FAC]  }
0x2c: {  	s7 =	sld [smem:$0x3FAD]  }
0x2d: {  	s3 =	simm.s32 $0x108;
	s8 =	sld [smem:$0x3FAE]  }
0x2e: {  	s3 =	simm.s32 @!p0 $0x1082;
	s9 =	sld [smem:$0x3FAF]  }
0x2f: {  	lr =	sadd.s32 s0, s3;
	s0 =	sld [smem:$0x3FA6]  }
0x30: {  	s3 =	sld [smem:$0x3FA9]  }
0x31: {  	[smem:$0x3FB2] =	sst s10  }
0x32: {  	s10 =	sld [smem:$0x3FB0];
	_ =	sdelay $0x3  }
0x33: {  	p0 =	seq.s32 s10, $0x1;
	s10 =	sld [smem:$0x3FB2];
	_ =	sdelay $0x3  }
0x34: {  	[smem:$0x3FB2] =	sst s10  }
0x35: {  	s10 =	sld [smem:$0x3FB1];
	_ =	sdelay $0x3  }
0x36: {  	p1 =	seq.s32 s10, $0x1;
	s10 =	sld [smem:$0x3FB2];
	_ =	sdelay $0x3  }
0x37: {  	[smem:$0x3FB2] =	sst s10  }
0x38: {  	s10 =	sld [smem:$0x3FB3]  }
0x39: {  	_ = 	snop;
	(pc) =	sbr.ind lr, $3  }
0x3a: {  	_ = 	snop  }
0x3b: {  	_ = 	snop  }
0x3c: {  	p2 =	seq.s32 s10, $0x1;
	s10 =	sld [smem:$0x3FB2]  }
0x3d: {  	_ =	shalt  }
0x3e: {  	_ =	shalt  }
0x3f: {  	_ =	shalt  }
0x40: {  	_ =	shalt  }
0x41: {  	_ =	shalt  }
0x42: {  	_ =	shalt  }
0x43: {  	_ =	shalt  }
0x44: {  	_ =	shalt  }
0x45: {  	_ =	shalt  }
0x46: {  	_ =	shalt  }
0x47: {  	_ =	shalt  }
0x48: {  	_ =	shalt  }
0x49: {  	_ =	shalt  }
0x4a: {  	_ =	shalt  }
0x4b: {  	_ =	shalt  }
0x4c: {  	_ =	shalt  }
0x4d: {  	_ =	shalt  }
0x4e: {  	_ =	shalt  }
0x4f: {  	_ =	shalt  }
0x50: {  	_ =	shalt  }
0x51: {  	_ =	shalt  }
0x52: {  	_ =	shalt  }
0x53: {  	_ =	shalt  }
0x54: {  	_ =	shalt  }
0x55: {  	_ =	shalt  }
0x56: {  	_ =	shalt  }
0x57: {  	_ =	shalt  }
0x58: {  	_ =	shalt  }
0x59: {  	_ =	shalt  }
0x5a: {  	_ =	shalt  }
0x5b: {  	_ =	shalt  }
0x5c: {  	_ =	shalt  }
0x5d: {  	_ =	shalt  }
0x5e: {  	_ =	shalt  }
0x5f: {  	_ =	shalt  }
0x60: {  	_ =	shalt  }
0x61: {  	_ =	shalt  }
0x62: {  	_ =	shalt  }
0x63: {  	_ =	shalt  }
0x64: {  	_ =	shalt  }
0x65: {  	_ =	shalt  }
0x66: {  	_ =	shalt  }
0x67: {  	_ =	shalt  }
0x68: {  	_ =	shalt  }
0x69: {  	_ =	shalt  }
0x6a: {  	_ =	shalt  }
0x6b: {  	_ =	shalt  }
0x6c: {  	_ =	shalt  }
0x6d: {  	_ =	shalt  }
0x6e: {  	_ =	shalt  }
0x6f: {  	_ =	shalt  }
0x70: {  	_ =	shalt  }
0x71: {  	_ =	shalt  }
0x72: {  	_ =	shalt  }
0x73: {  	_ =	shalt  }
0x74: {  	_ =	shalt  }
0x75: {  	_ =	shalt  }
0x76: {  	_ =	shalt  }
0x77: {  	_ =	shalt  }
0x78: {  	_ =	shalt  }
0x79: {  	_ =	shalt  }
0x7a: {  	_ =	shalt  }
0x7b: {  	_ =	shalt  }
0x7c: {  	_ =	shalt  }
0x7d: {  	_ =	shalt  }
0x7e: {  	_ =	shalt  }
0x7f: {  	_ =	shalt  }
0x80: {  	_ =	shalt  }
0x81: {  	_ =	shalt  }
0x82: {  	_ =	shalt  }
0x83: {  	_ =	shalt  }
0x84: {  	_ =	shalt  }
0x85: {  	_ =	shalt  }
0x86: {  	_ =	shalt  }
0x87: {  	_ =	shalt  }
.Lfunc_end0:
.L_simem_size_0:
called_computation_lowered:
.L_overlay_start_0:
0x88: {  	s2 =	sld [smem:$0x3FD9]  }
0x89: {  	s3 =	sld [smem:$0x3FFE];
	_ =	sdelay $0x1  }
0x8a: {  	s1 =	srdreg.scid  }
0x8b: {  	s0 =	sand.u32 $0x1, s1  }
0x8c: {  	s14 =	sshll.u32 s0, $0xA;
	s2 =	sadd.s32 s3, s2  }
0x8d: {  	s2 =	sadd.s32 s2, s14  }
0x8e: {  	[smem:$0x3FBE] =	sst s2  }
0x8f: {  	_ = 	snop  }
0x90: {  	s2 =	sld [smem:$0x3FD0];
	_ =	sdelay $0x2  }
0x91: {  	s15 =	simm.s32 $0xA;
	s4 =	simm.s32 $0x10  }
0x92: {  	[smem:s4], [sflag:s15] =	dma.local [hbm:s2], $0x1  }
0x93: {  	_ =	swait.eq [sflag:s15], $0x1  }
0x94: {  	[sflag:s15] =	ssyncset.done $0x0  }
0x95: {  	[sflag:s15] =	ssyncadd.s32 $0xFFFFFFFF  }
0x96: {  	s16 =	sld [smem:$0x10];
	(tm) =	ssettm $0x1  }
0x97: {  	s17 =	sld [smem:$0x3FFB];
	_ =	sdelay $0x3  }
0x98: {  	_ =	strace s17  }
0x99: {  	s3 =	sld [smem:$0x3FFC];
	_ =	sdelay $0x3  }
0x9a: {  	_ =	strace s3  }
0x9b: {  	s3 =	sld [smem:$0x3FFD];
	_ =	sdelay $0x3  }
0x9c: {  	_ =	strace s3  }
0x9d: {  	_ =	strace $0x8FFFFFFF  }
0x9e: {  	s18 =	sld [smem:$0x3FDB];
	_ =	sdelay $0x1  }
0x9f: {  	s19 =	simm.s32 $_scs_section_size  }
0xa0: {  	s5 =	simm.s32 $_size__tile_overlayer_lowered;
	s6 =	simm.s32 $_tile_overlayer_lowered  }
0xa1: {  	s22 =	simm.s32 $0x1BFF;
	s21 =	sshll.u32 s6, $0x1;
	s3 =	sadd.s32 s19, s18  }
0xa2: {  	s7 =	simm.s32 $0x0;
	s20 =	sshll.u32 s5, $0x1;
	s5 =	sadd.s32 s21, s3  }
0xa3: {  	[timem:s7], [sflag:s22] =	dma.local [hbm:s5], s20  }
0xa4: {  	_ =	swait.ge [sflag:s22], s20  }
0xa5: {  	s4 =	ssub.s32 $0x0, s20;
	[sflag:s22] =	ssyncset.done $0x0  }
0xa6: {  	[sflag:s22] =	ssyncadd.s32 s4;
	_ =	sdelay $0x1  }
0xa7: {  	s23 =	simm.s32 $0x1B8B  }
0xa8: {  	_ =	swait.ge [sflag:s23], $0x1  }
0xa9: {  	[sflag:s23] =	ssyncset.done $0x0  }
0xaa: {  	s25 =	simm.s32 $0x1B8E;
	s24 =	sld [smem:$0x3FFE];
	[sflag:s23] =	ssyncadd.s32 $0xFFFFFFFF  }
0xab: {  	s26 =	simm.s32 $execute0_lowered;
	[smem:$0x3FD2] =	sst s25  }
0xac: {  	s5 =	sshll.u32 s26, $0x1;
	_ =	strace $0x80000046;
	[dreg:$0x1] =	wrdreg $0xFFFFFFFF  }
0xad: {  	s28 =	simm.s32 $_size_execute0_lowered;
	s3 =	sadd.s32 s3, s5;
	[dreg:$0x0] =	wrdreg $0x0  }
0xae: {  	s5 =	sshll.u32 s28, $0x1;
	[dreg:$0x2] =	wrdreg s3  }
0xaf: {  	[dreg:$0x3] =	wrdreg s5  }
0xb0: {  	[dreg:$0x4] =	wrdreg $0xC0  }
0xb1: {  	_ =	task [dreg:s7], $0x5FFFF  }
0xb2: {  	[dreg:$0x1] =	wrdreg $0xFFFFFFFF  }
0xb3: {  	[dreg:$0x0] =	wrdreg $0x60  }
0xb4: {  	[dreg:$0x2] =	wrdreg s24  }
0xb5: {  	[dreg:$0x3] =	wrdreg s16  }
0xb6: {  	[dreg:$0x4] =	wrdreg $0x9  }
0xb7: {  	_ =	task.clear_ibuf [dreg:s7], $0x5FFFF;
	_ =	strace $0x90000046  }
0xb8: {  	s29 =	simm.s32 $0x9;
	_ =	strace $0x80000048  }
0xb9: {  	_ =	swait.ge [sflag:s29], $0x1  }
0xba: {  	[sflag:s29] =	ssyncadd.s32 $0xFFFFFFFF  }
0xbb: {  	_ =	strace $0x90000048  }
0xbc: {  	_ =	sfence  }
0xbd: {  	s30 =	sld [smem:$0x0];
	_ =	sdelay $0x2  }
0xbe: {  	s31 =	sshll.u32 s1, $0xD;
	s1 =	sshrl.u32 s1, $0x2  }
0xbf: {  	s3 =	sand.u32 $0x4000, s31;
	s1 =	sadd.s32 s1, s30  }
0xc0: {  	s0 =	sor.u32 s3, s0;
	s1 =	sshll.u32 s1, $0x11  }
0xc1: {  	s0 =	sor.u32 s1, s0  }
0xc2: {  	s0 =	sadd.s32 $0x8F2B, s0  }
0xc3: {  	[sflag:s0] =	ssyncadd.remote.s32 $0x1  }
0xc4: {  	_ =	sfence.sel $0xFFFF  }
0xc5: {  	[dreg:$0x0] =	wrdreg $0xFFFFFFFF;
	(pc) =	sbr.abs _section_cstart, $3  }
0xc6: {  	[dreg:$0x1] =	wrdreg $0xFFFFFFFF  }
0xc7: {  	_ =	task.clear_ibuf [dreg:s7], $0x2FFFF;
	_ =	strace $0x9FFFFFFF  }
0xc8: {  	(tm) =	ssettm $0x7FFFFFFF  }
0xc9: {  	_ =	shalt  }
tec
execute0_lowered:
.L_overlay_start_1:
0x0: {  	(tag) =	ssettag $0x1  }
0x1: {  	v0 =	vlaneseq.u32  }
0x2: {  	v19 =	vimm.s32 $0x129;
	v20 =	vimm.s32 $0x1A9;
	v21 =	vimm.s32 $0x12A  }
0x3: {  	v22 =	vimm.s32 $0x1AA;
	v23 =	vimm.s32 $0x12B;
	v24 =	vimm.s32 $0x1AB  }
0x4: {  	v25 =	vimm.s32 $0x12C;
	v26 =	vimm.s32 $0x1AC;
	v27 =	vimm.s32 $0x12D  }
0x5: {  	s4 =	rddreg [dreg:$0x0];
	v28 =	vimm.s32 $0x1AD;
	v29 =	vimm.s32 $0x12E;
	v30 =	vimm.s32 $0x1AE  }
0x6: {  	s5 =	rddreg [dreg:$0x1];
	v31 =	vimm.s32 $0x12F;
	v32 =	vimm.s32 $0x1AF;
	v33 =	vimm.s32 $0x130  }
0x7: {  	s0 =	rddreg [dreg:$0x2];
	v34 =	vimm.s32 $0x1B0;
	v35 =	vimm.s32 $0x131;
	v36 =	vimm.s32 $0x1B1  }
0x8: {  	s2 =	simm.s32 $0x0;
	s3 =	srdreg.scid;
	s1 =	stileid.u32;
	v37 =	vimm.s32 $0x132;
	v38 =	vimm.s32 $0x1B2;
	v39 =	vimm.s32 $0x133  }
0x9: {  	v40 =	vimm.s32 $0x1B3;
	v41 =	vimm.s32 $0x134;
	v42 =	vimm.s32 $0x1B4;
	s10 =	simm.s32 $0x4000;
	s11 =	simm.s32 $0x3;
	s12 =	simm.s32 $0x2000  }
0xa: {  	v43 =	vimm.s32 $0x135;
	v44 =	vimm.s32 $0x1B5;
	v45 =	vimm.s32 $0x136;
	s13 =	simm.s32 $0x1;
	s14 =	simm.s32 $0x2;
	s15 =	simm.s32 $0x8200  }
0xb: {  	v46 =	vimm.s32 $0x1B6;
	v47 =	vimm.s32 $0x137;
	v48 =	vimm.s32 $0x1B7;
	s16 =	simm.s32 $0x8300;
	s17 =	simm.s32 $0x8400;
	s18 =	simm.s32 $0x0  }
0xc: {  	v49 =	vimm.s32 $0x138;
	v50 =	vimm.s32 $0x1B8;
	v51 =	vimm.s32 $0x139;
	[smem:$0x7FF] =	sst s2;
	s6 =	sand.u32 $0x1, s3;
	s7 =	sshll.u32 s1, $0x1  }
0xd: {  	v52 =	vimm.s32 $0x1B9;
	v53 =	vimm.s32 $0x13A;
	v54 =	vimm.s32 $0x1BA;
	s3 =	sadd.s32 $0x1E00, s4;
	_ =	strace $0x80000047;
	s7 =	sor.u32 s6, s7  }
0xe: {  	v55 =	vimm.s32 $0x13B;
	v56 =	vimm.s32 $0x1BB;
	v57 =	vimm.s32 $0x13C;
	s6 =	ssub.s32 $0x2, s6;
	s8 =	sshll.u32 s7, $0x5;
	s7 =	sshll.u32 s7, $0xB  }
0xf: {  	v58 =	vimm.s32 $0x1BC;
	v59 =	vimm.s32 $0x13D;
	v60 =	vimm.s32 $0x1BD;
	s9 =	sshrl.u32 s6, $0x1;
	s8 =	sadd.s32 s8, s4;
	s4 =	sadd.s32 s5, s7  }
0x10: {  	v61 =	vimm.s32 $0x13E;
	v62 =	vimm.s32 $0x1BE;
	v1 =	vimm.s32 $0x1BF;
	s9 =	ssub.s32 s6, s9;
	s5 =	sadd.s32 $0x400, s4;
	s6 =	sadd.s32 $0x2000, s8  }
0x11: {  	v2 =	vimm.s32 $0x0;
	v63 =	vmul.u32 $0x40, v0;
	v0 =	vimm.s32 $0x13F;
	s7 =	sadd.s32 $0x2400, s8;
	s8 =	sadd.s32 $0x2800, s8;
	s9 =	smax.u32 s9, $0x1  }
.LBB2_1:
0x12: {  	[tilespmem:s10], [sflag:$0x3] =	stream.linear.gather [hbm4b:s3+s2], $0x200, $0x38;
	[tilespmem:$0x8500] =	vst v63  }
0x13: {  	_ =	swait.ge [sflag:s11], $0x200  }
0x14: {  	v3 =	vimm.s32 $0x100;
	[sflag:s11] =	ssyncset.done $0x0  }
0x15: {  	[sflag:s11] =	ssyncadd.s32 $0xFFFFFE00  }
0x16: {  	[tilespmem:s2], [sflag:$0x1] =	stream.linear.gather [hbm4b:s4+s2], $0x2000, $0x38;
	[tilespmem:$0x8500] =	vst v63  }
0x17: {  	_ = 	snop  }
0x18: {  	[tilespmem:s12], [sflag:$0x2] =	stream.linear.gather [hbm4b:s5+s2], $0x2000, $0x38;
	[tilespmem:$0x8500] =	vst v63  }
0x19: {  	v3 =	vld.idx.msk [tilespmem:v3+s10+$0x0], $0xffff;
	_ =	sdelay $0x4  }
0x1a: {  	[tilespmem:$0x4200] =	vst v3;
	v3 =	vimm.s32 $0x180;
	_ =	sdelay $0x4  }
0x1b: {  	v3 =	vld.idx.msk [tilespmem:v3+s10+$0x0], $0xffff;
	_ =	sdelay $0x4  }
0x1c: {  	[tilespmem:$0x6200] =	vst v3;
	v3 =	vimm.s32 $0x101;
	_ =	sdelay $0x4  }
0x1d: {  	v3 =	vld.idx.msk [tilespmem:v3+s10+$0x0], $0xffff;
	_ =	sdelay $0x4  }
0x1e: {  	[tilespmem:$0x4280] =	vst v3;
	v3 =	vimm.s32 $0x181;
	_ =	sdelay $0x4  }
0x1f: {  	v3 =	vld.idx.msk [tilespmem:v3+s10+$0x0], $0xffff;
	_ =	sdelay $0x4  }
0x20: {  	[tilespmem:$0x6280] =	vst v3;
	v3 =	vimm.s32 $0x102;
	_ =	sdelay $0x4  }
0x21: {  	v3 =	vld.idx.msk [tilespmem:v3+s10+$0x0], $0xffff;
	_ =	sdelay $0x4  }
0x22: {  	[tilespmem:$0x4300] =	vst v3;
	v3 =	vimm.s32 $0x182;
	_ =	sdelay $0x4  }
0x23: {  	v3 =	vld.idx.msk [tilespmem:v3+s10+$0x0], $0xffff;
	_ =	sdelay $0x4  }
0x24: {  	[tilespmem:$0x6300] =	vst v3;
	v3 =	vimm.s32 $0x103;
	_ =	sdelay $0x4  }
0x25: {  	v3 =	vld.idx.msk [tilespmem:v3+s10+$0x0], $0xffff;
	_ =	sdelay $0x4  }
0x26: {  	[tilespmem:$0x4380] =	vst v3;
	v3 =	vimm.s32 $0x183;
	_ =	sdelay $0x4  }
0x27: {  	v3 =	vld.idx.msk [tilespmem:v3+s10+$0x0], $0xffff;
	_ =	sdelay $0x4  }
0x28: {  	[tilespmem:$0x6380] =	vst v3;
	v3 =	vimm.s32 $0x104;
	_ =	sdelay $0x4  }
0x29: {  	v3 =	vld.idx.msk [tilespmem:v3+s10+$0x0], $0xffff;
	_ =	sdelay $0x4  }
0x2a: {  	[tilespmem:$0x4400] =	vst v3;
	v3 =	vimm.s32 $0x184;
	_ =	sdelay $0x4  }
0x2b: {  	v3 =	vld.idx.msk [tilespmem:v3+s10+$0x0], $0xffff;
	_ =	sdelay $0x4  }
0x2c: {  	[tilespmem:$0x6400] =	vst v3;
	v3 =	vimm.s32 $0x105;
	_ =	sdelay $0x4  }
0x2d: {  	v3 =	vld.idx.msk [tilespmem:v3+s10+$0x0], $0xffff;
	_ =	sdelay $0x4  }
0x2e: {  	[tilespmem:$0x4480] =	vst v3;
	v3 =	vimm.s32 $0x185;
	_ =	sdelay $0x4  }
0x2f: {  	v3 =	vld.idx.msk [tilespmem:v3+s10+$0x0], $0xffff;
	_ =	sdelay $0x4  }
0x30: {  	[tilespmem:$0x6480] =	vst v3;
	v3 =	vimm.s32 $0x106;
	_ =	sdelay $0x4  }
0x31: {  	v3 =	vld.idx.msk [tilespmem:v3+s10+$0x0], $0xffff;
	_ =	sdelay $0x4  }
0x32: {  	[tilespmem:$0x4500] =	vst v3;
	v3 =	vimm.s32 $0x186;
	_ =	sdelay $0x4  }
0x33: {  	v3 =	vld.idx.msk [tilespmem:v3+s10+$0x0], $0xffff;
	_ =	sdelay $0x4  }
0x34: {  	[tilespmem:$0x6500] =	vst v3;
	v3 =	vimm.s32 $0x107;
	_ =	sdelay $0x4  }
0x35: {  	v3 =	vld.idx.msk [tilespmem:v3+s10+$0x0], $0xffff;
	_ =	sdelay $0x4  }
0x36: {  	[tilespmem:$0x4580] =	vst v3;
	v3 =	vimm.s32 $0x187;
	_ =	sdelay $0x4  }
0x37: {  	v3 =	vld.idx.msk [tilespmem:v3+s10+$0x0], $0xffff;
	_ =	sdelay $0x4  }
0x38: {  	[tilespmem:$0x6580] =	vst v3;
	v3 =	vimm.s32 $0x108;
	_ =	sdelay $0x4  }
0x39: {  	v3 =	vld.idx.msk [tilespmem:v3+s10+$0x0], $0xffff;
	_ =	sdelay $0x4  }
0x3a: {  	[tilespmem:$0x4600] =	vst v3;
	v3 =	vimm.s32 $0x188;
	_ =	sdelay $0x4  }
0x3b: {  	v3 =	vld.idx.msk [tilespmem:v3+s10+$0x0], $0xffff;
	_ =	sdelay $0x4  }
0x3c: {  	[tilespmem:$0x6600] =	vst v3;
	v3 =	vimm.s32 $0x109;
	_ =	sdelay $0x4  }
0x3d: {  	v3 =	vld.idx.msk [tilespmem:v3+s10+$0x0], $0xffff;
	_ =	sdelay $0x4  }
0x3e: {  	[tilespmem:$0x4680] =	vst v3;
	v3 =	vimm.s32 $0x189;
	_ =	sdelay $0x4  }
0x3f: {  	v3 =	vld.idx.msk [tilespmem:v3+s10+$0x0], $0xffff;
	_ =	sdelay $0x4  }
0x40: {  	[tilespmem:$0x6680] =	vst v3;
	v3 =	vimm.s32 $0x10A;
	_ =	sdelay $0x4  }
0x41: {  	v3 =	vld.idx.msk [tilespmem:v3+s10+$0x0], $0xffff;
	_ =	sdelay $0x4  }
0x42: {  	[tilespmem:$0x4700] =	vst v3;
	v3 =	vimm.s32 $0x18A;
	_ =	sdelay $0x4  }
0x43: {  	v3 =	vld.idx.msk [tilespmem:v3+s10+$0x0], $0xffff;
	_ =	sdelay $0x4  }
0x44: {  	[tilespmem:$0x6700] =	vst v3;
	v3 =	vimm.s32 $0x10B;
	_ =	sdelay $0x4  }
0x45: {  	v3 =	vld.idx.msk [tilespmem:v3+s10+$0x0], $0xffff;
	_ =	sdelay $0x4  }
0x46: {  	[tilespmem:$0x4780] =	vst v3;
	v3 =	vimm.s32 $0x18B;
	_ =	sdelay $0x4  }
0x47: {  	v3 =	vld.idx.msk [tilespmem:v3+s10+$0x0], $0xffff;
	_ =	sdelay $0x4  }
0x48: {  	[tilespmem:$0x6780] =	vst v3;
	v3 =	vimm.s32 $0x10C;
	_ =	sdelay $0x4  }
0x49: {  	v3 =	vld.idx.msk [tilespmem:v3+s10+$0x0], $0xffff;
	_ =	sdelay $0x4  }
0x4a: {  	[tilespmem:$0x4800] =	vst v3;
	v3 =	vimm.s32 $0x18C;
	_ =	sdelay $0x4  }
0x4b: {  	v3 =	vld.idx.msk [tilespmem:v3+s10+$0x0], $0xffff;
	_ =	sdelay $0x4  }
0x4c: {  	[tilespmem:$0x6800] =	vst v3;
	v3 =	vimm.s32 $0x10D;
	_ =	sdelay $0x4  }
0x4d: {  	v3 =	vld.idx.msk [tilespmem:v3+s10+$0x0], $0xffff;
	_ =	sdelay $0x4  }
0x4e: {  	[tilespmem:$0x4880] =	vst v3;
	v3 =	vimm.s32 $0x18D;
	_ =	sdelay $0x4  }
0x4f: {  	v3 =	vld.idx.msk [tilespmem:v3+s10+$0x0], $0xffff;
	_ =	sdelay $0x4  }
0x50: {  	[tilespmem:$0x6880] =	vst v3;
	v3 =	vimm.s32 $0x10E;
	_ =	sdelay $0x4  }
0x51: {  	v3 =	vld.idx.msk [tilespmem:v3+s10+$0x0], $0xffff;
	_ =	sdelay $0x4  }
0x52: {  	[tilespmem:$0x4900] =	vst v3;
	v3 =	vimm.s32 $0x18E;
	_ =	sdelay $0x4  }
0x53: {  	v3 =	vld.idx.msk [tilespmem:v3+s10+$0x0], $0xffff;
	_ =	sdelay $0x4  }
0x54: {  	[tilespmem:$0x6900] =	vst v3;
	v3 =	vimm.s32 $0x10F;
	_ =	sdelay $0x4  }
0x55: {  	v3 =	vld.idx.msk [tilespmem:v3+s10+$0x0], $0xffff;
	_ =	sdelay $0x4  }
0x56: {  	[tilespmem:$0x4980] =	vst v3;
	v3 =	vimm.s32 $0x18F;
	_ =	sdelay $0x4  }
0x57: {  	v3 =	vld.idx.msk [tilespmem:v3+s10+$0x0], $0xffff;
	_ =	sdelay $0x4  }
0x58: {  	[tilespmem:$0x6980] =	vst v3;
	v3 =	vimm.s32 $0x110;
	_ =	sdelay $0x4  }
0x59: {  	v3 =	vld.idx.msk [tilespmem:v3+s10+$0x0], $0xffff;
	_ =	sdelay $0x4  }
0x5a: {  	[tilespmem:$0x4A00] =	vst v3;
	v3 =	vimm.s32 $0x190;
	_ =	sdelay $0x4  }
0x5b: {  	v3 =	vld.idx.msk [tilespmem:v3+s10+$0x0], $0xffff;
	_ =	sdelay $0x4  }
0x5c: {  	[tilespmem:$0x6A00] =	vst v3;
	v3 =	vimm.s32 $0x111;
	_ =	sdelay $0x4  }
0x5d: {  	v3 =	vld.idx.msk [tilespmem:v3+s10+$0x0], $0xffff;
	_ =	sdelay $0x4  }
0x5e: {  	[tilespmem:$0x4A80] =	vst v3;
	v3 =	vimm.s32 $0x191;
	_ =	sdelay $0x4  }
0x5f: {  	v3 =	vld.idx.msk [tilespmem:v3+s10+$0x0], $0xffff;
	_ =	sdelay $0x4  }
0x60: {  	[tilespmem:$0x6A80] =	vst v3;
	v3 =	vimm.s32 $0x112;
	_ =	sdelay $0x4  }
0x61: {  	v3 =	vld.idx.msk [tilespmem:v3+s10+$0x0], $0xffff;
	_ =	sdelay $0x4  }
0x62: {  	[tilespmem:$0x4B00] =	vst v3;
	v3 =	vimm.s32 $0x192;
	_ =	sdelay $0x4  }
0x63: {  	v3 =	vld.idx.msk [tilespmem:v3+s10+$0x0], $0xffff;
	_ =	sdelay $0x4  }
0x64: {  	[tilespmem:$0x6B00] =	vst v3;
	v3 =	vimm.s32 $0x113;
	_ =	sdelay $0x4  }
0x65: {  	v3 =	vld.idx.msk [tilespmem:v3+s10+$0x0], $0xffff;
	_ =	sdelay $0x4  }
0x66: {  	[tilespmem:$0x4B80] =	vst v3;
	v3 =	vimm.s32 $0x193;
	_ =	sdelay $0x4  }
0x67: {  	v3 =	vld.idx.msk [tilespmem:v3+s10+$0x0], $0xffff;
	_ =	sdelay $0x4  }
0x68: {  	[tilespmem:$0x6B80] =	vst v3;
	v3 =	vimm.s32 $0x114;
	_ =	sdelay $0x4  }
0x69: {  	v3 =	vld.idx.msk [tilespmem:v3+s10+$0x0], $0xffff;
	_ =	sdelay $0x4  }
0x6a: {  	[tilespmem:$0x4C00] =	vst v3;
	v3 =	vimm.s32 $0x194;
	_ =	sdelay $0x4  }
0x6b: {  	v3 =	vld.idx.msk [tilespmem:v3+s10+$0x0], $0xffff;
	_ =	sdelay $0x4  }
0x6c: {  	[tilespmem:$0x6C00] =	vst v3;
	v3 =	vimm.s32 $0x115;
	_ =	sdelay $0x4  }
0x6d: {  	v3 =	vld.idx.msk [tilespmem:v3+s10+$0x0], $0xffff;
	_ =	sdelay $0x4  }
0x6e: {  	[tilespmem:$0x4C80] =	vst v3;
	v3 =	vimm.s32 $0x195;
	_ =	sdelay $0x4  }
0x6f: {  	v3 =	vld.idx.msk [tilespmem:v3+s10+$0x0], $0xffff;
	_ =	sdelay $0x4  }
0x70: {  	[tilespmem:$0x6C80] =	vst v3;
	v3 =	vimm.s32 $0x116;
	_ =	sdelay $0x4  }
0x71: {  	v3 =	vld.idx.msk [tilespmem:v3+s10+$0x0], $0xffff;
	_ =	sdelay $0x4  }
0x72: {  	[tilespmem:$0x4D00] =	vst v3;
	v3 =	vimm.s32 $0x196;
	_ =	sdelay $0x4  }
0x73: {  	v3 =	vld.idx.msk [tilespmem:v3+s10+$0x0], $0xffff;
	_ =	sdelay $0x4  }
0x74: {  	[tilespmem:$0x6D00] =	vst v3;
	v3 =	vimm.s32 $0x117;
	_ =	sdelay $0x4  }
0x75: {  	v3 =	vld.idx.msk [tilespmem:v3+s10+$0x0], $0xffff;
	_ =	sdelay $0x4  }
0x76: {  	[tilespmem:$0x4D80] =	vst v3;
	v3 =	vimm.s32 $0x197;
	_ =	sdelay $0x4  }
0x77: {  	v3 =	vld.idx.msk [tilespmem:v3+s10+$0x0], $0xffff;
	_ =	sdelay $0x4  }
0x78: {  	[tilespmem:$0x6D80] =	vst v3;
	v3 =	vimm.s32 $0x118;
	_ =	sdelay $0x4  }
0x79: {  	v3 =	vld.idx.msk [tilespmem:v3+s10+$0x0], $0xffff;
	_ =	sdelay $0x4  }
0x7a: {  	[tilespmem:$0x4E00] =	vst v3;
	v3 =	vimm.s32 $0x198;
	_ =	sdelay $0x4  }
0x7b: {  	v3 =	vld.idx.msk [tilespmem:v3+s10+$0x0], $0xffff;
	_ =	sdelay $0x4  }
0x7c: {  	[tilespmem:$0x6E00] =	vst v3;
	v3 =	vimm.s32 $0x119;
	_ =	sdelay $0x4  }
0x7d: {  	v3 =	vld.idx.msk [tilespmem:v3+s10+$0x0], $0xffff;
	_ =	sdelay $0x4  }
0x7e: {  	[tilespmem:$0x4E80] =	vst v3;
	v3 =	vimm.s32 $0x199;
	_ =	sdelay $0x4  }
0x7f: {  	v3 =	vld.idx.msk [tilespmem:v3+s10+$0x0], $0xffff;
	_ =	sdelay $0x4  }
0x80: {  	[tilespmem:$0x6E80] =	vst v3;
	v3 =	vimm.s32 $0x11A;
	_ =	sdelay $0x4  }
0x81: {  	v3 =	vld.idx.msk [tilespmem:v3+s10+$0x0], $0xffff;
	_ =	sdelay $0x4  }
0x82: {  	[tilespmem:$0x4F00] =	vst v3;
	v3 =	vimm.s32 $0x19A;
	_ =	sdelay $0x4  }
0x83: {  	v3 =	vld.idx.msk [tilespmem:v3+s10+$0x0], $0xffff;
	_ =	sdelay $0x4  }
0x84: {  	[tilespmem:$0x6F00] =	vst v3;
	v3 =	vimm.s32 $0x11B;
	_ =	sdelay $0x4  }
0x85: {  	v3 =	vld.idx.msk [tilespmem:v3+s10+$0x0], $0xffff;
	_ =	sdelay $0x4  }
0x86: {  	[tilespmem:$0x4F80] =	vst v3;
	v3 =	vimm.s32 $0x19B;
	_ =	sdelay $0x4  }
0x87: {  	v3 =	vld.idx.msk [tilespmem:v3+s10+$0x0], $0xffff;
	_ =	sdelay $0x4  }
0x88: {  	[tilespmem:$0x6F80] =	vst v3;
	v3 =	vimm.s32 $0x11C;
	_ =	sdelay $0x4  }
0x89: {  	v3 =	vld.idx.msk [tilespmem:v3+s10+$0x0], $0xffff;
	_ =	sdelay $0x4  }
0x8a: {  	[tilespmem:$0x5000] =	vst v3;
	v3 =	vimm.s32 $0x19C;
	_ =	sdelay $0x4  }
0x8b: {  	v3 =	vld.idx.msk [tilespmem:v3+s10+$0x0], $0xffff;
	_ =	sdelay $0x4  }
0x8c: {  	[tilespmem:$0x7000] =	vst v3;
	v3 =	vimm.s32 $0x11D;
	_ =	sdelay $0x4  }
0x8d: {  	v3 =	vld.idx.msk [tilespmem:v3+s10+$0x0], $0xffff;
	_ =	sdelay $0x4  }
0x8e: {  	[tilespmem:$0x5080] =	vst v3;
	v3 =	vimm.s32 $0x19D;
	_ =	sdelay $0x4  }
0x8f: {  	v3 =	vld.idx.msk [tilespmem:v3+s10+$0x0], $0xffff;
	_ =	sdelay $0x4  }
0x90: {  	[tilespmem:$0x7080] =	vst v3;
	v3 =	vimm.s32 $0x11E;
	_ =	sdelay $0x4  }
0x91: {  	v3 =	vld.idx.msk [tilespmem:v3+s10+$0x0], $0xffff;
	_ =	sdelay $0x4  }
0x92: {  	[tilespmem:$0x5100] =	vst v3;
	v3 =	vimm.s32 $0x19E;
	_ =	sdelay $0x4  }
0x93: {  	v3 =	vld.idx.msk [tilespmem:v3+s10+$0x0], $0xffff;
	_ =	sdelay $0x4  }
0x94: {  	[tilespmem:$0x7100] =	vst v3;
	v3 =	vimm.s32 $0x11F;
	_ =	sdelay $0x4  }
0x95: {  	v3 =	vld.idx.msk [tilespmem:v3+s10+$0x0], $0xffff;
	_ =	sdelay $0x4  }
0x96: {  	[tilespmem:$0x5180] =	vst v3;
	v3 =	vimm.s32 $0x19F;
	_ =	sdelay $0x4  }
0x97: {  	v3 =	vld.idx.msk [tilespmem:v3+s10+$0x0], $0xffff;
	_ =	sdelay $0x4  }
0x98: {  	[tilespmem:$0x7180] =	vst v3;
	v3 =	vimm.s32 $0x120;
	_ =	sdelay $0x4  }
0x99: {  	v3 =	vld.idx.msk [tilespmem:v3+s10+$0x0], $0xffff;
	_ =	sdelay $0x4  }
0x9a: {  	[tilespmem:$0x5200] =	vst v3;
	v3 =	vimm.s32 $0x1A0;
	_ =	sdelay $0x4  }
0x9b: {  	v3 =	vld.idx.msk [tilespmem:v3+s10+$0x0], $0xffff;
	_ =	sdelay $0x4  }
0x9c: {  	[tilespmem:$0x7200] =	vst v3;
	v3 =	vimm.s32 $0x121;
	_ =	sdelay $0x4  }
0x9d: {  	v3 =	vld.idx.msk [tilespmem:v3+s10+$0x0], $0xffff;
	_ =	sdelay $0x4  }
0x9e: {  	[tilespmem:$0x5280] =	vst v3;
	v3 =	vimm.s32 $0x1A1;
	_ =	sdelay $0x4  }
0x9f: {  	v3 =	vld.idx.msk [tilespmem:v3+s10+$0x0], $0xffff;
	_ =	sdelay $0x4  }
0xa0: {  	[tilespmem:$0x7280] =	vst v3;
	v3 =	vimm.s32 $0x122;
	_ =	sdelay $0x4  }
0xa1: {  	v3 =	vld.idx.msk [tilespmem:v3+s10+$0x0], $0xffff;
	_ =	sdelay $0x4  }
0xa2: {  	[tilespmem:$0x5300] =	vst v3;
	v3 =	vimm.s32 $0x1A2;
	_ =	sdelay $0x4  }
0xa3: {  	v3 =	vld.idx.msk [tilespmem:v3+s10+$0x0], $0xffff;
	_ =	sdelay $0x4  }
0xa4: {  	[tilespmem:$0x7300] =	vst v3;
	v3 =	vimm.s32 $0x123;
	_ =	sdelay $0x4  }
0xa5: {  	v3 =	vld.idx.msk [tilespmem:v3+s10+$0x0], $0xffff;
	_ =	sdelay $0x4  }
0xa6: {  	[tilespmem:$0x5380] =	vst v3;
	v3 =	vimm.s32 $0x1A3;
	_ =	sdelay $0x4  }
0xa7: {  	v3 =	vld.idx.msk [tilespmem:v3+s10+$0x0], $0xffff;
	_ =	sdelay $0x4  }
0xa8: {  	[tilespmem:$0x7380] =	vst v3;
	v3 =	vimm.s32 $0x124;
	_ =	sdelay $0x4  }
0xa9: {  	v3 =	vld.idx.msk [tilespmem:v3+s10+$0x0], $0xffff;
	_ =	sdelay $0x4  }
0xaa: {  	[tilespmem:$0x5400] =	vst v3;
	v3 =	vimm.s32 $0x1A4;
	_ =	sdelay $0x4  }
0xab: {  	v3 =	vld.idx.msk [tilespmem:v3+s10+$0x0], $0xffff;
	_ =	sdelay $0x4  }
0xac: {  	[tilespmem:$0x7400] =	vst v3;
	v3 =	vimm.s32 $0x125;
	_ =	sdelay $0x4  }
0xad: {  	v3 =	vld.idx.msk [tilespmem:v3+s10+$0x0], $0xffff;
	_ =	sdelay $0x4  }
0xae: {  	[tilespmem:$0x5480] =	vst v3;
	v3 =	vimm.s32 $0x1A5;
	_ =	sdelay $0x4  }
0xaf: {  	v3 =	vld.idx.msk [tilespmem:v3+s10+$0x0], $0xffff;
	_ =	sdelay $0x4  }
0xb0: {  	[tilespmem:$0x7480] =	vst v3;
	v3 =	vimm.s32 $0x126;
	_ =	sdelay $0x4  }
0xb1: {  	v3 =	vld.idx.msk [tilespmem:v3+s10+$0x0], $0xffff;
	_ =	sdelay $0x4  }
0xb2: {  	[tilespmem:$0x5500] =	vst v3;
	v3 =	vimm.s32 $0x1A6;
	_ =	sdelay $0x4  }
0xb3: {  	v3 =	vld.idx.msk [tilespmem:v3+s10+$0x0], $0xffff;
	_ =	sdelay $0x4  }
0xb4: {  	[tilespmem:$0x7500] =	vst v3;
	v3 =	vimm.s32 $0x127;
	_ =	sdelay $0x4  }
0xb5: {  	v3 =	vld.idx.msk [tilespmem:v3+s10+$0x0], $0xffff;
	_ =	sdelay $0x4  }
0xb6: {  	[tilespmem:$0x5580] =	vst v3;
	v3 =	vimm.s32 $0x1A7;
	_ =	sdelay $0x4  }
0xb7: {  	v3 =	vld.idx.msk [tilespmem:v3+s10+$0x0], $0xffff;
	_ =	sdelay $0x4  }
0xb8: {  	[tilespmem:$0x7580] =	vst v3;
	v3 =	vimm.s32 $0x128;
	_ =	sdelay $0x4  }
0xb9: {  	v3 =	vld.idx.msk [tilespmem:v3+s10+$0x0], $0xffff;
	_ =	sdelay $0x4  }
0xba: {  	[tilespmem:$0x5600] =	vst v3;
	v3 =	vimm.s32 $0x1A8;
	_ =	sdelay $0x4  }
0xbb: {  	v3 =	vld.idx.msk [tilespmem:v3+s10+$0x0], $0xffff;
	_ =	sdelay $0x4  }
0xbc: {  	[tilespmem:$0x7600] =	vst v3  }
0xbd: {  	v3 =	vld.idx.msk [tilespmem:v19+s10+$0x0], $0xffff;
	_ =	sdelay $0x4  }
0xbe: {  	[tilespmem:$0x5680] =	vst v3  }
0xbf: {  	v3 =	vld.idx.msk [tilespmem:v20+s10+$0x0], $0xffff;
	_ =	sdelay $0x4  }
0xc0: {  	[tilespmem:$0x7680] =	vst v3  }
0xc1: {  	v3 =	vld.idx.msk [tilespmem:v21+s10+$0x0], $0xffff;
	_ =	sdelay $0x4  }
0xc2: {  	[tilespmem:$0x5700] =	vst v3  }
0xc3: {  	v3 =	vld.idx.msk [tilespmem:v22+s10+$0x0], $0xffff;
	_ =	sdelay $0x4  }
0xc4: {  	[tilespmem:$0x7700] =	vst v3  }
0xc5: {  	v3 =	vld.idx.msk [tilespmem:v23+s10+$0x0], $0xffff;
	_ =	sdelay $0x4  }
0xc6: {  	[tilespmem:$0x5780] =	vst v3  }
0xc7: {  	v3 =	vld.idx.msk [tilespmem:v24+s10+$0x0], $0xffff;
	_ =	sdelay $0x4  }
0xc8: {  	[tilespmem:$0x7780] =	vst v3  }
0xc9: {  	v3 =	vld.idx.msk [tilespmem:v25+s10+$0x0], $0xffff;
	_ =	sdelay $0x4  }
0xca: {  	[tilespmem:$0x5800] =	vst v3  }
0xcb: {  	v3 =	vld.idx.msk [tilespmem:v26+s10+$0x0], $0xffff;
	_ =	sdelay $0x4  }
0xcc: {  	[tilespmem:$0x7800] =	vst v3  }
0xcd: {  	v3 =	vld.idx.msk [tilespmem:v27+s10+$0x0], $0xffff;
	_ =	sdelay $0x4  }
0xce: {  	[tilespmem:$0x5880] =	vst v3  }
0xcf: {  	v3 =	vld.idx.msk [tilespmem:v28+s10+$0x0], $0xffff;
	_ =	sdelay $0x4  }
0xd0: {  	[tilespmem:$0x7880] =	vst v3  }
0xd1: {  	v3 =	vld.idx.msk [tilespmem:v29+s10+$0x0], $0xffff;
	_ =	sdelay $0x4  }
0xd2: {  	[tilespmem:$0x5900] =	vst v3  }
0xd3: {  	v3 =	vld.idx.msk [tilespmem:v30+s10+$0x0], $0xffff;
	_ =	sdelay $0x4  }
0xd4: {  	[tilespmem:$0x7900] =	vst v3  }
0xd5: {  	v3 =	vld.idx.msk [tilespmem:v31+s10+$0x0], $0xffff;
	_ =	sdelay $0x4  }
0xd6: {  	[tilespmem:$0x5980] =	vst v3  }
0xd7: {  	v3 =	vld.idx.msk [tilespmem:v32+s10+$0x0], $0xffff;
	_ =	sdelay $0x4  }
0xd8: {  	[tilespmem:$0x7980] =	vst v3  }
0xd9: {  	v3 =	vld.idx.msk [tilespmem:v33+s10+$0x0], $0xffff;
	_ =	sdelay $0x4  }
0xda: {  	[tilespmem:$0x5A00] =	vst v3  }
0xdb: {  	v3 =	vld.idx.msk [tilespmem:v34+s10+$0x0], $0xffff;
	_ =	sdelay $0x4  }
0xdc: {  	[tilespmem:$0x7A00] =	vst v3  }
0xdd: {  	v3 =	vld.idx.msk [tilespmem:v35+s10+$0x0], $0xffff;
	_ =	sdelay $0x4  }
0xde: {  	[tilespmem:$0x5A80] =	vst v3  }
0xdf: {  	v3 =	vld.idx.msk [tilespmem:v36+s10+$0x0], $0xffff;
	_ =	sdelay $0x4  }
0xe0: {  	[tilespmem:$0x7A80] =	vst v3  }
0xe1: {  	v3 =	vld.idx.msk [tilespmem:v37+s10+$0x0], $0xffff;
	_ =	sdelay $0x4  }
0xe2: {  	[tilespmem:$0x5B00] =	vst v3  }
0xe3: {  	v3 =	vld.idx.msk [tilespmem:v38+s10+$0x0], $0xffff;
	_ =	sdelay $0x4  }
0xe4: {  	[tilespmem:$0x7B00] =	vst v3  }
0xe5: {  	v3 =	vld.idx.msk [tilespmem:v39+s10+$0x0], $0xffff;
	_ =	sdelay $0x4  }
0xe6: {  	[tilespmem:$0x5B80] =	vst v3  }
0xe7: {  	v3 =	vld.idx.msk [tilespmem:v40+s10+$0x0], $0xffff;
	_ =	sdelay $0x4  }
0xe8: {  	[tilespmem:$0x7B80] =	vst v3  }
0xe9: {  	v3 =	vld.idx.msk [tilespmem:v41+s10+$0x0], $0xffff;
	_ =	sdelay $0x4  }
0xea: {  	[tilespmem:$0x5C00] =	vst v3  }
0xeb: {  	v3 =	vld.idx.msk [tilespmem:v42+s10+$0x0], $0xffff;
	_ =	sdelay $0x4  }
0xec: {  	[tilespmem:$0x7C00] =	vst v3  }
0xed: {  	v3 =	vld.idx.msk [tilespmem:v43+s10+$0x0], $0xffff;
	_ =	sdelay $0x4  }
0xee: {  	[tilespmem:$0x5C80] =	vst v3  }
0xef: {  	v3 =	vld.idx.msk [tilespmem:v44+s10+$0x0], $0xffff;
	_ =	sdelay $0x4  }
0xf0: {  	[tilespmem:$0x7C80] =	vst v3  }
0xf1: {  	v3 =	vld.idx.msk [tilespmem:v45+s10+$0x0], $0xffff;
	_ =	sdelay $0x4  }
0xf2: {  	[tilespmem:$0x5D00] =	vst v3  }
0xf3: {  	v3 =	vld.idx.msk [tilespmem:v46+s10+$0x0], $0xffff;
	_ =	sdelay $0x4  }
0xf4: {  	[tilespmem:$0x7D00] =	vst v3  }
0xf5: {  	v3 =	vld.idx.msk [tilespmem:v47+s10+$0x0], $0xffff;
	_ =	sdelay $0x4  }
0xf6: {  	[tilespmem:$0x5D80] =	vst v3  }
0xf7: {  	v3 =	vld.idx.msk [tilespmem:v48+s10+$0x0], $0xffff;
	_ =	sdelay $0x4  }
0xf8: {  	[tilespmem:$0x7D80] =	vst v3  }
0xf9: {  	v3 =	vld.idx.msk [tilespmem:v49+s10+$0x0], $0xffff;
	_ =	sdelay $0x4  }
0xfa: {  	[tilespmem:$0x5E00] =	vst v3  }
0xfb: {  	v3 =	vld.idx.msk [tilespmem:v50+s10+$0x0], $0xffff;
	_ =	sdelay $0x4  }
0xfc: {  	[tilespmem:$0x7E00] =	vst v3  }
0xfd: {  	v3 =	vld.idx.msk [tilespmem:v51+s10+$0x0], $0xffff;
	_ =	sdelay $0x4  }
0xfe: {  	[tilespmem:$0x5E80] =	vst v3  }
0xff: {  	v3 =	vld.idx.msk [tilespmem:v52+s10+$0x0], $0xffff;
	_ =	sdelay $0x4  }
0x100: {  	[tilespmem:$0x7E80] =	vst v3  }
0x101: {  	v3 =	vld.idx.msk [tilespmem:v53+s10+$0x0], $0xffff;
	_ =	sdelay $0x4  }
0x102: {  	[tilespmem:$0x5F00] =	vst v3  }
0x103: {  	v3 =	vld.idx.msk [tilespmem:v54+s10+$0x0], $0xffff;
	_ =	sdelay $0x4  }
0x104: {  	[tilespmem:$0x7F00] =	vst v3  }
0x105: {  	v3 =	vld.idx.msk [tilespmem:v55+s10+$0x0], $0xffff;
	_ =	sdelay $0x4  }
0x106: {  	[tilespmem:$0x5F80] =	vst v3  }
0x107: {  	v3 =	vld.idx.msk [tilespmem:v56+s10+$0x0], $0xffff;
	_ =	sdelay $0x4  }
0x108: {  	[tilespmem:$0x7F80] =	vst v3  }
0x109: {  	v3 =	vld.idx.msk [tilespmem:v57+s10+$0x0], $0xffff;
	_ =	sdelay $0x4  }
0x10a: {  	[tilespmem:$0x6000] =	vst v3  }
0x10b: {  	v3 =	vld.idx.msk [tilespmem:v58+s10+$0x0], $0xffff;
	_ =	sdelay $0x4  }
0x10c: {  	[tilespmem:$0x8000] =	vst v3  }
0x10d: {  	v3 =	vld.idx.msk [tilespmem:v59+s10+$0x0], $0xffff;
	_ =	sdelay $0x4  }
0x10e: {  	[tilespmem:$0x6080] =	vst v3  }
0x10f: {  	v3 =	vld.idx.msk [tilespmem:v60+s10+$0x0], $0xffff;
	_ =	sdelay $0x4  }
0x110: {  	[tilespmem:$0x8080] =	vst v3  }
0x111: {  	v3 =	vld.idx.msk [tilespmem:v61+s10+$0x0], $0xffff;
	_ =	sdelay $0x4  }
0x112: {  	[tilespmem:$0x6100] =	vst v3  }
0x113: {  	v3 =	vld.idx.msk [tilespmem:v62+s10+$0x0], $0xffff;
	_ =	sdelay $0x4  }
0x114: {  	[tilespmem:$0x8100] =	vst v3  }
0x115: {  	v3 =	vld.idx.msk [tilespmem:v0+s10+$0x0], $0xffff;
	_ =	sdelay $0x4  }
0x116: {  	[tilespmem:$0x6180] =	vst v3  }
0x117: {  	v3 =	vld.idx.msk [tilespmem:v1+s10+$0x0], $0xffff;
	_ =	sdelay $0x4  }
0x118: {  	[tilespmem:$0x8180] =	vst v3  }
0x119: {  	_ =	swait.ge [sflag:s13], $0x2000  }
0x11a: {  	s19 =	simm.s32 $0x8400;
	s20 =	simm.s32 $0x8300;
	[sflag:s13] =	ssyncset.done $0x0  }
0x11b: {  	s21 =	simm.s32 $0x8200;
	s22 =	simm.s32 $0x0;
	[sflag:s13] =	ssyncadd.s32 $0xFFFFE000  }
.LBB2_2:
0x11c: {  	v3 =	vmov s22  }
0x11d: {  	v3 =	vshll.u32 v3, $0x6  }
0x11e: {  	v3 =	vor.u32 v63, v3  }
0x11f: {  	v4 =	vor.u32 $0x1, v3;
	_ =	sdelay $0x1  }
0x120: {  	v6 =	vld [tilespmem:$0x6200]  }
0x121: {  	v8 =	vld [tilespmem:$0x6280]  }
0x122: {  	v9 =	vor.u32 $0x2, v3;
	v5 =	vld.idx.msk [tilespmem:v3+s2+$0x0], $0xffff  }
0x123: {  	v4 =	vld.idx.msk [tilespmem:v4+s2+$0x0], $0xffff  }
0x124: {  	v7 =	vld [tilespmem:$0x4200]  }
0x125: {  	v10 =	vld [tilespmem:$0x4280]  }
0x126: {  	v14 =	vld [tilespmem:$0x6300];
	v12 =	vor.u32 $0x3, v3  }
0x127: {  	v13 =	vld.idx.msk [tilespmem:v9+s2+$0x0], $0xffff;
	v5 =	vmul.f32 v6, v5  }
0x128: {  	v4 =	vmul.f32 v8, v4  }
0x129: {  	v9 =	vld [tilespmem:$0x4300];
	v5 =	vadd.f32 v7, v5  }
0x12a: {  	v11 =	vld [tilespmem:$0x6380];
	v4 =	vadd.f32 v10, v4;
	v10 =	vor.u32 $0x4, v3  }
0x12b: {  	v6 =	vld.idx.msk [tilespmem:v12+s2+$0x0], $0xffff;
	vm0 =	vgt.f32 v5, $-3.000000010e+38  }
0x12c: {  	v7 =	vmul.f32 v14, v13;
	v5 =	vnsel vm0, $0xFF61B1E6, v5  }
0x12d: {  	v12 =	vor.u32 $0x5, v3;
	v8 =	vld [tilespmem:$0x4380];
	vm2 =	vgt.f32 v4, $-3.000000010e+38;
	vm0 =	vgt.f32 v4, v5  }
0x12e: {  	v7 =	vadd.f32 v9, v7;
	v9 =	vld [tilespmem:$0x6400];
	v13 =	vnsel vm2, $0xFF61B1E6, v4;
	vm1 =	vmneg vm0  }
0x12f: {  	vm2 =	vmand vm1, vm2;
	v10 =	vld.idx.msk [tilespmem:v10+s2+$0x0], $0xffff;
	v13 =	vsel vm1, v13, v5;
	v4 =	vsel vm1, v5, v4  }
0x130: {  	v5 =	vmul.f32 v11, v6;
	v6 =	vor.u32 $0x6, v3;
	v11 =	vsel vm0, $0x1, v2  }
0x131: {  	v15 =	vld [tilespmem:$0x4400];
	v14 =	vsel vm2, $0x1, v2;
	vm5 =	vgt.f32 v7, v4;
	vm6 =	vgt.f32 v7, v13  }
0x132: {  	v13 =	vsel vm6, v7, v13;
	v14 =	vsel vm6, $0x2, v14;
	v5 =	vadd.f32 v8, v5;
	v8 =	vld.idx.msk [tilespmem:v12+s2+$0x0], $0xffff  }
0x133: {  	v12 =	vsel vm5, v4, v13;
	v13 =	vsel vm5, v11, v14;
	v4 =	vsel vm5, v7, v4;
	v7 =	vld [tilespmem:$0x6480]  }
0x134: {  	v14 =	vor.u32 $0x7, v3;
	vm7 =	vgt.f32 v5, v12;
	v9 =	vmul.f32 v9, v10;
	v10 =	vld [tilespmem:$0x4480]  }
0x135: {  	v11 =	vsel vm5, $0x2, v11;
	vm8 =	vgt.f32 v5, v4;
	v12 =	vsel vm7, v5, v12;
	v6 =	vld.idx.msk [tilespmem:v6+s2+$0x0], $0xffff  }
0x136: {  	v13 =	vsel vm7, $0x3, v13;
	v12 =	vsel vm8, v4, v12;
	v9 =	vadd.f32 v15, v9;
	v15 =	vld [tilespmem:$0x6500]  }
0x137: {  	v13 =	vsel vm8, v11, v13;
	v4 =	vsel vm8, v5, v4;
	v5 =	vsel vm8, $0x3, v11  }
0x138: {  	v11 =	vor.u32 $0x8, v3;
	v7 =	vmul.f32 v7, v8;
	v8 =	vld [tilespmem:$0x4500];
	vm9 =	vgt.f32 v9, v12  }
0x139: {  	v18 =	vimm.s32 $0x0;
	v14 =	vld.idx.msk [tilespmem:v14+s2+$0x0], $0xffff;
	vm10 =	vgt.f32 v9, v4;
	v12 =	vsel vm9, v9, v12  }
0x13a: {  	v13 =	vsel vm9, $0x4, v13;
	v7 =	vadd.f32 v10, v7;
	v10 =	vld [tilespmem:$0x6580];
	v12 =	vsel vm10, v4, v12  }
0x13b: {  	v13 =	vsel vm10, v5, v13;
	v4 =	vsel vm10, v9, v4;
	v6 =	vmul.f32 v15, v6  }
0x13c: {  	v9 =	vor.u32 $0x9, v3;
	v5 =	vsel vm10, $0x4, v5;
	vm12 =	vgt.f32 v7, v12;
	v15 =	vld [tilespmem:$0x4580]  }
0x13d: {  	vm11 =	vgt.f32 v7, v4;
	v12 =	vsel vm12, v7, v12;
	v6 =	vadd.f32 v8, v6;
	v8 =	vld.idx.msk [tilespmem:v11+s2+$0x0], $0xffff  }
0x13e: {  	v13 =	vsel vm12, $0x5, v13;
	v11 =	vsel vm11, v4, v12;
	v4 =	vsel vm11, v7, v4;
	v7 =	vld [tilespmem:$0x6600]  }
0x13f: {  	v12 =	vsel vm11, v5, v13;
	v10 =	vmul.f32 v10, v14;
	v14 =	vor.u32 $0xA, v3  }
0x140: {  	v13 =	vld [tilespmem:$0x4600];
	v5 =	vsel vm11, $0x5, v5;
	vm13 =	vgt.f32 v6, v11;
	vm14 =	vgt.f32 v6, v4  }
0x141: {  	v9 =	vld.idx.msk [tilespmem:v9+s2+$0x0], $0xffff;
	v11 =	vsel vm13, v6, v11;
	v12 =	vsel vm13, $0x6, v12;
	v10 =	vadd.f32 v15, v10  }
0x142: {  	v15 =	vld [tilespmem:$0x6680];
	v11 =	vsel vm14, v4, v11;
	v12 =	vsel vm14, v5, v12;
	v4 =	vsel vm14, v6, v4  }
0x143: {  	vm15 =	vgt.f32 v10, v11;
	v6 =	vmul.f32 v7, v8;
	v7 =	vld [tilespmem:$0x4680];
	v8 =	vor.u32 $0xB, v3  }
0x144: {  	v5 =	vsel vm14, $0x6, v5;
	vm4 =	vgt.f32 v10, v4;
	v11 =	vsel vm15, v10, v11;
	v14 =	vld.idx.msk [tilespmem:v14+s2+$0x0], $0xffff  }
0x145: {  	v12 =	vsel vm15, $0x7, v12;
	v11 =	vsel vm4, v4, v11;
	v6 =	vadd.f32 v13, v6;
	v13 =	vld [tilespmem:$0x6700]  }
0x146: {  	v12 =	vsel vm4, v5, v12;
	v4 =	vsel vm4, v10, v4;
	v10 =	vor.u32 $0xC, v3  }
0x147: {  	v5 =	vsel vm4, $0x7, v5;
	v9 =	vmul.f32 v15, v9;
	v15 =	vld [tilespmem:$0x4700];
	vm6 =	vgt.f32 v6, v11  }
0x148: {  	vm5 =	vgt.f32 v6, v4;
	v11 =	vsel vm6, v6, v11;
	v12 =	vsel vm6, $0x8, v12;
	v8 =	vld.idx.msk [tilespmem:v8+s2+$0x0], $0xffff  }
0x149: {  	v7 =	vadd.f32 v7, v9;
	v9 =	vsel vm5, v4, v11;
	v4 =	vsel vm5, v6, v4;
	v6 =	vld [tilespmem:$0x6780]  }
0x14a: {  	v11 =	vsel vm5, v5, v12;
	v12 =	vmul.f32 v13, v14;
	v14 =	vor.u32 $0xD, v3  }
0x14b: {  	v5 =	vsel vm5, $0x8, v5;
	vm7 =	vgt.f32 v7, v9;
	v13 =	vld [tilespmem:$0x4780];
	vm8 =	vgt.f32 v7, v4  }
0x14c: {  	v10 =	vld.idx.msk [tilespmem:v10+s2+$0x0], $0xffff;
	v9 =	vsel vm7, v7, v9;
	v11 =	vsel vm7, $0x9, v11;
	v12 =	vadd.f32 v15, v12  }
0x14d: {  	v9 =	vsel vm8, v4, v9;
	v15 =	vld [tilespmem:$0x6800];
	v11 =	vsel vm8, v5, v11;
	v4 =	vsel vm8, v7, v4  }
0x14e: {  	v7 =	vld [tilespmem:$0x4800];
	vm9 =	vgt.f32 v12, v9;
	v6 =	vmul.f32 v6, v8;
	v8 =	vor.u32 $0xE, v3  }
0x14f: {  	v5 =	vsel vm8, $0x9, v5;
	vm10 =	vgt.f32 v12, v4;
	v9 =	vsel vm9, v12, v9;
	v14 =	vld.idx.msk [tilespmem:v14+s2+$0x0], $0xffff  }
0x150: {  	v11 =	vsel vm9, $0xA, v11;
	v9 =	vsel vm10, v4, v9;
	v6 =	vadd.f32 v13, v6;
	v13 =	vld [tilespmem:$0x6880]  }
0x151: {  	v11 =	vsel vm10, v5, v11;
	v4 =	vsel vm10, v12, v4;
	v12 =	vor.u32 $0xF, v3  }
0x152: {  	v5 =	vsel vm10, $0xA, v5;
	v10 =	vmul.f32 v15, v10;
	v15 =	vld [tilespmem:$0x4880];
	vm12 =	vgt.f32 v6, v9  }
0x153: {  	vm11 =	vgt.f32 v6, v4;
	v9 =	vsel vm12, v6, v9;
	v11 =	vsel vm12, $0xB, v11;
	v8 =	vld.idx.msk [tilespmem:v8+s2+$0x0], $0xffff  }
0x154: {  	v7 =	vadd.f32 v7, v10;
	v9 =	vsel vm11, v4, v9;
	v4 =	vsel vm11, v6, v4;
	v6 =	vld [tilespmem:$0x6900]  }
0x155: {  	v10 =	vsel vm11, v5, v11;
	v11 =	vmul.f32 v13, v14;
	v14 =	vor.u32 $0x10, v3  }
0x156: {  	v16 =	vor.u32 $0x2B, v3;
	v5 =	vsel vm11, $0xB, v5;
	vm13 =	vgt.f32 v7, v9;
	v13 =	vld [tilespmem:$0x4900]  }
0x157: {  	vm14 =	vgt.f32 v7, v4;
	v12 =	vld.idx.msk [tilespmem:v12+s2+$0x0], $0xffff;
	v9 =	vsel vm13, v7, v9;
	v10 =	vsel vm13, $0xC, v10  }
0x158: {  	v9 =	vsel vm14, v4, v9;
	v11 =	vadd.f32 v15, v11;
	v15 =	vld [tilespmem:$0x6980];
	v10 =	vsel vm14, v5, v10  }
0x159: {  	v4 =	vsel vm14, v7, v4;
	v7 =	vld [tilespmem:$0x4980];
	v6 =	vmul.f32 v6, v8;
	v8 =	vor.u32 $0x11, v3  }
0x15a: {  	v5 =	vsel vm14, $0xC, v5;
	vm15 =	vgt.f32 v11, v9;
	vm4 =	vgt.f32 v11, v4;
	v14 =	vld.idx.msk [tilespmem:v14+s2+$0x0], $0xffff  }
0x15b: {  	v9 =	vsel vm15, v11, v9;
	v10 =	vsel vm15, $0xD, v10;
	v6 =	vadd.f32 v13, v6;
	v13 =	vld [tilespmem:$0x6A00]  }
0x15c: {  	v9 =	vsel vm4, v4, v9;
	v10 =	vsel vm4, v5, v10;
	v4 =	vsel vm4, v11, v4  }
0x15d: {  	v11 =	vmul.f32 v15, v12;
	v12 =	vor.u32 $0x12, v3;
	v15 =	vld [tilespmem:$0x4A00];
	vm6 =	vgt.f32 v6, v9  }
0x15e: {  	v5 =	vsel vm4, $0xD, v5;
	vm5 =	vgt.f32 v6, v4;
	v9 =	vsel vm6, v6, v9;
	v8 =	vld.idx.msk [tilespmem:v8+s2+$0x0], $0xffff  }
0x15f: {  	v7 =	vadd.f32 v7, v11;
	v9 =	vsel vm5, v4, v9;
	v4 =	vsel vm5, v6, v4;
	v6 =	vld [tilespmem:$0x6A80]  }
0x160: {  	v10 =	vsel vm6, $0xE, v10;
	v11 =	vmul.f32 v13, v14;
	v14 =	vor.u32 $0x13, v3  }
0x161: {  	v10 =	vsel vm5, v5, v10;
	v5 =	vsel vm5, $0xE, v5;
	vm7 =	vgt.f32 v7, v9;
	v13 =	vld [tilespmem:$0x4A80]  }
0x162: {  	vm8 =	vgt.f32 v7, v4;
	v9 =	vsel vm7, v7, v9;
	v12 =	vld.idx.msk [tilespmem:v12+s2+$0x0], $0xffff;
	v10 =	vsel vm7, $0xF, v10  }
0x163: {  	v9 =	vsel vm8, v4, v9;
	v11 =	vadd.f32 v15, v11;
	v15 =	vld [tilespmem:$0x6B00];
	v10 =	vsel vm8, v5, v10  }
0x164: {  	v4 =	vsel vm8, v7, v4;
	v7 =	vld [tilespmem:$0x4B00];
	v6 =	vmul.f32 v6, v8;
	v8 =	vor.u32 $0x14, v3  }
0x165: {  	v5 =	vsel vm8, $0xF, v5;
	vm9 =	vgt.f32 v11, v9;
	vm10 =	vgt.f32 v11, v4;
	v14 =	vld.idx.msk [tilespmem:v14+s2+$0x0], $0xffff  }
0x166: {  	v9 =	vsel vm9, v11, v9;
	v10 =	vsel vm9, $0x10, v10;
	v6 =	vadd.f32 v13, v6;
	v13 =	vld [tilespmem:$0x6B80]  }
0x167: {  	v9 =	vsel vm10, v4, v9;
	v10 =	vsel vm10, v5, v10;
	v4 =	vsel vm10, v11, v4  }
0x168: {  	v11 =	vmul.f32 v15, v12;
	v12 =	vor.u32 $0x15, v3;
	v15 =	vld [tilespmem:$0x4B80];
	vm12 =	vgt.f32 v6, v9  }
0x169: {  	v5 =	vsel vm10, $0x10, v5;
	vm11 =	vgt.f32 v6, v4;
	v9 =	vsel vm12, v6, v9;
	v8 =	vld.idx.msk [tilespmem:v8+s2+$0x0], $0xffff  }
0x16a: {  	v7 =	vadd.f32 v7, v11;
	v9 =	vsel vm11, v4, v9;
	v4 =	vsel vm11, v6, v4;
	v6 =	vld [tilespmem:$0x6C00]  }
0x16b: {  	v10 =	vsel vm12, $0x11, v10;
	v11 =	vmul.f32 v13, v14;
	v14 =	vor.u32 $0x16, v3  }
0x16c: {  	v10 =	vsel vm11, v5, v10;
	v5 =	vsel vm11, $0x11, v5;
	vm13 =	vgt.f32 v7, v9;
	v13 =	vld [tilespmem:$0x4C00]  }
0x16d: {  	vm14 =	vgt.f32 v7, v4;
	v9 =	vsel vm13, v7, v9;
	v12 =	vld.idx.msk [tilespmem:v12+s2+$0x0], $0xffff;
	v10 =	vsel vm13, $0x12, v10  }
0x16e: {  	v9 =	vsel vm14, v4, v9;
	v11 =	vadd.f32 v15, v11;
	v15 =	vld [tilespmem:$0x6C80];
	v10 =	vsel vm14, v5, v10  }
0x16f: {  	v4 =	vsel vm14, v7, v4;
	v7 =	vld [tilespmem:$0x4C80];
	v6 =	vmul.f32 v6, v8;
	v8 =	vor.u32 $0x17, v3  }
0x170: {  	v5 =	vsel vm14, $0x12, v5;
	vm15 =	vgt.f32 v11, v9;
	vm4 =	vgt.f32 v11, v4;
	v14 =	vld.idx.msk [tilespmem:v14+s2+$0x0], $0xffff  }
0x171: {  	v9 =	vsel vm15, v11, v9;
	v10 =	vsel vm15, $0x13, v10;
	v6 =	vadd.f32 v13, v6;
	v13 =	vld [tilespmem:$0x6D00]  }
0x172: {  	v9 =	vsel vm4, v4, v9;
	v10 =	vsel vm4, v5, v10;
	v4 =	vsel vm4, v11, v4  }
0x173: {  	v11 =	vmul.f32 v15, v12;
	v12 =	vor.u32 $0x18, v3;
	v15 =	vld [tilespmem:$0x4D00];
	vm6 =	vgt.f32 v6, v9  }
0x174: {  	v5 =	vsel vm4, $0x13, v5;
	vm5 =	vgt.f32 v6, v4;
	v9 =	vsel vm6, v6, v9;
	v8 =	vld.idx.msk [tilespmem:v8+s2+$0x0], $0xffff  }
0x175: {  	v7 =	vadd.f32 v7, v11;
	v9 =	vsel vm5, v4, v9;
	v4 =	vsel vm5, v6, v4;
	v6 =	vld [tilespmem:$0x6D80]  }
0x176: {  	v10 =	vsel vm6, $0x14, v10;
	v11 =	vmul.f32 v13, v14;
	v14 =	vor.u32 $0x19, v3  }
0x177: {  	v10 =	vsel vm5, v5, v10;
	v5 =	vsel vm5, $0x14, v5;
	vm7 =	vgt.f32 v7, v9;
	v13 =	vld [tilespmem:$0x4D80]  }
0x178: {  	vm8 =	vgt.f32 v7, v4;
	v9 =	vsel vm7, v7, v9;
	v12 =	vld.idx.msk [tilespmem:v12+s2+$0x0], $0xffff;
	v10 =	vsel vm7, $0x15, v10  }
0x179: {  	v9 =	vsel vm8, v4, v9;
	v11 =	vadd.f32 v15, v11;
	v15 =	vld [tilespmem:$0x6E00];
	v10 =	vsel vm8, v5, v10  }
0x17a: {  	v4 =	vsel vm8, v7, v4;
	v7 =	vld [tilespmem:$0x4E00];
	v6 =	vmul.f32 v6, v8;
	v8 =	vor.u32 $0x1A, v3  }
0x17b: {  	v5 =	vsel vm8, $0x15, v5;
	vm9 =	vgt.f32 v11, v9;
	vm10 =	vgt.f32 v11, v4;
	v14 =	vld.idx.msk [tilespmem:v14+s2+$0x0], $0xffff  }
0x17c: {  	v9 =	vsel vm9, v11, v9;
	v10 =	vsel vm9, $0x16, v10;
	v6 =	vadd.f32 v13, v6;
	v13 =	vld [tilespmem:$0x6E80]  }
0x17d: {  	v9 =	vsel vm10, v4, v9;
	v10 =	vsel vm10, v5, v10;
	v4 =	vsel vm10, v11, v4  }
0x17e: {  	v11 =	vmul.f32 v15, v12;
	v12 =	vor.u32 $0x1B, v3;
	v15 =	vld [tilespmem:$0x4E80];
	vm12 =	vgt.f32 v6, v9  }
0x17f: {  	v5 =	vsel vm10, $0x16, v5;
	vm11 =	vgt.f32 v6, v4;
	v9 =	vsel vm12, v6, v9;
	v8 =	vld.idx.msk [tilespmem:v8+s2+$0x0], $0xffff  }
0x180: {  	v7 =	vadd.f32 v7, v11;
	v9 =	vsel vm11, v4, v9;
	v4 =	vsel vm11, v6, v4;
	v6 =	vld [tilespmem:$0x6F00]  }
0x181: {  	v10 =	vsel vm12, $0x17, v10;
	v11 =	vmul.f32 v13, v14;
	v14 =	vor.u32 $0x1C, v3  }
0x182: {  	v10 =	vsel vm11, v5, v10;
	v5 =	vsel vm11, $0x17, v5;
	vm13 =	vgt.f32 v7, v9;
	v13 =	vld [tilespmem:$0x4F00]  }
0x183: {  	vm14 =	vgt.f32 v7, v4;
	v9 =	vsel vm13, v7, v9;
	v12 =	vld.idx.msk [tilespmem:v12+s2+$0x0], $0xffff;
	v10 =	vsel vm13, $0x18, v10  }
0x184: {  	v9 =	vsel vm14, v4, v9;
	v11 =	vadd.f32 v15, v11;
	v15 =	vld [tilespmem:$0x6F80];
	v10 =	vsel vm14, v5, v10  }
0x185: {  	v4 =	vsel vm14, v7, v4;
	v7 =	vld [tilespmem:$0x4F80];
	v6 =	vmul.f32 v6, v8;
	v8 =	vor.u32 $0x1D, v3  }
0x186: {  	v5 =	vsel vm14, $0x18, v5;
	vm15 =	vgt.f32 v11, v9;
	vm4 =	vgt.f32 v11, v4;
	v14 =	vld.idx.msk [tilespmem:v14+s2+$0x0], $0xffff  }
0x187: {  	v9 =	vsel vm15, v11, v9;
	v10 =	vsel vm15, $0x19, v10;
	v6 =	vadd.f32 v13, v6;
	v13 =	vld [tilespmem:$0x7000]  }
0x188: {  	v9 =	vsel vm4, v4, v9;
	v10 =	vsel vm4, v5, v10;
	v4 =	vsel vm4, v11, v4  }
0x189: {  	v11 =	vmul.f32 v15, v12;
	v12 =	vor.u32 $0x1E, v3;
	v15 =	vld [tilespmem:$0x5000];
	vm6 =	vgt.f32 v6, v9  }
0x18a: {  	v5 =	vsel vm4, $0x19, v5;
	vm5 =	vgt.f32 v6, v4;
	v9 =	vsel vm6, v6, v9;
	v8 =	vld.idx.msk [tilespmem:v8+s2+$0x0], $0xffff  }
0x18b: {  	v7 =	vadd.f32 v7, v11;
	v9 =	vsel vm5, v4, v9;
	v4 =	vsel vm5, v6, v4;
	v6 =	vld [tilespmem:$0x7080]  }
0x18c: {  	v10 =	vsel vm6, $0x1A, v10;
	v11 =	vmul.f32 v13, v14;
	v14 =	vor.u32 $0x1F, v3  }
0x18d: {  	v10 =	vsel vm5, v5, v10;
	v5 =	vsel vm5, $0x1A, v5;
	vm7 =	vgt.f32 v7, v9;
	v13 =	vld [tilespmem:$0x5080]  }
0x18e: {  	vm8 =	vgt.f32 v7, v4;
	v9 =	vsel vm7, v7, v9;
	v12 =	vld.idx.msk [tilespmem:v12+s2+$0x0], $0xffff;
	v10 =	vsel vm7, $0x1B, v10  }
0x18f: {  	v9 =	vsel vm8, v4, v9;
	v11 =	vadd.f32 v15, v11;
	v15 =	vld [tilespmem:$0x7100];
	v10 =	vsel vm8, v5, v10  }
0x190: {  	v4 =	vsel vm8, v7, v4;
	v7 =	vld [tilespmem:$0x5100];
	v6 =	vmul.f32 v6, v8;
	v8 =	vor.u32 $0x20, v3  }
0x191: {  	v5 =	vsel vm8, $0x1B, v5;
	vm9 =	vgt.f32 v11, v9;
	vm10 =	vgt.f32 v11, v4;
	v14 =	vld.idx.msk [tilespmem:v14+s2+$0x0], $0xffff  }
0x192: {  	v9 =	vsel vm9, v11, v9;
	v10 =	vsel vm9, $0x1C, v10;
	v6 =	vadd.f32 v13, v6;
	v13 =	vld [tilespmem:$0x7180]  }
0x193: {  	v9 =	vsel vm10, v4, v9;
	v10 =	vsel vm10, v5, v10;
	v4 =	vsel vm10, v11, v4  }
0x194: {  	v11 =	vmul.f32 v15, v12;
	v12 =	vor.u32 $0x21, v3;
	v15 =	vld [tilespmem:$0x5180];
	vm12 =	vgt.f32 v6, v9  }
0x195: {  	v5 =	vsel vm10, $0x1C, v5;
	vm11 =	vgt.f32 v6, v4;
	v9 =	vsel vm12, v6, v9;
	v8 =	vld.idx.msk [tilespmem:v8+s2+$0x0], $0xffff  }
0x196: {  	v7 =	vadd.f32 v7, v11;
	v9 =	vsel vm11, v4, v9;
	v4 =	vsel vm11, v6, v4;
	v6 =	vld [tilespmem:$0x7200]  }
0x197: {  	v10 =	vsel vm12, $0x1D, v10;
	v11 =	vmul.f32 v13, v14;
	v14 =	vor.u32 $0x22, v3  }
0x198: {  	v10 =	vsel vm11, v5, v10;
	v5 =	vsel vm11, $0x1D, v5;
	vm13 =	vgt.f32 v7, v9;
	v13 =	vld [tilespmem:$0x5200]  }
0x199: {  	vm14 =	vgt.f32 v7, v4;
	v9 =	vsel vm13, v7, v9;
	v12 =	vld.idx.msk [tilespmem:v12+s2+$0x0], $0xffff;
	v10 =	vsel vm13, $0x1E, v10  }
0x19a: {  	v9 =	vsel vm14, v4, v9;
	v11 =	vadd.f32 v15, v11;
	v15 =	vld [tilespmem:$0x7280];
	v10 =	vsel vm14, v5, v10  }
0x19b: {  	v4 =	vsel vm14, v7, v4;
	v7 =	vld [tilespmem:$0x5280];
	v6 =	vmul.f32 v6, v8;
	v8 =	vor.u32 $0x23, v3  }
0x19c: {  	v5 =	vsel vm14, $0x1E, v5;
	vm15 =	vgt.f32 v11, v9;
	vm4 =	vgt.f32 v11, v4;
	v14 =	vld.idx.msk [tilespmem:v14+s2+$0x0], $0xffff  }
0x19d: {  	v9 =	vsel vm15, v11, v9;
	v10 =	vsel vm15, $0x1F, v10;
	v6 =	vadd.f32 v13, v6;
	v13 =	vld [tilespmem:$0x7300]  }
0x19e: {  	v9 =	vsel vm4, v4, v9;
	v10 =	vsel vm4, v5, v10;
	v4 =	vsel vm4, v11, v4  }
0x19f: {  	v11 =	vmul.f32 v15, v12;
	v12 =	vor.u32 $0x24, v3;
	v15 =	vld [tilespmem:$0x5300];
	vm6 =	vgt.f32 v6, v9  }
0x1a0: {  	v5 =	vsel vm4, $0x1F, v5;
	vm5 =	vgt.f32 v6, v4;
	v9 =	vsel vm6, v6, v9;
	v8 =	vld.idx.msk [tilespmem:v8+s2+$0x0], $0xffff  }
0x1a1: {  	v7 =	vadd.f32 v7, v11;
	v9 =	vsel vm5, v4, v9;
	v4 =	vsel vm5, v6, v4;
	v6 =	vld [tilespmem:$0x7380]  }
0x1a2: {  	v10 =	vsel vm6, $0x20, v10;
	v11 =	vmul.f32 v13, v14;
	v14 =	vor.u32 $0x25, v3  }
0x1a3: {  	v10 =	vsel vm5, v5, v10;
	v5 =	vsel vm5, $0x20, v5;
	vm7 =	vgt.f32 v7, v9;
	v13 =	vld [tilespmem:$0x5380]  }
0x1a4: {  	vm8 =	vgt.f32 v7, v4;
	v9 =	vsel vm7, v7, v9;
	v12 =	vld.idx.msk [tilespmem:v12+s2+$0x0], $0xffff;
	v10 =	vsel vm7, $0x21, v10  }
0x1a5: {  	v9 =	vsel vm8, v4, v9;
	v11 =	vadd.f32 v15, v11;
	v15 =	vld [tilespmem:$0x7400];
	v10 =	vsel vm8, v5, v10  }
0x1a6: {  	v4 =	vsel vm8, v7, v4;
	v7 =	vld [tilespmem:$0x5400];
	v6 =	vmul.f32 v6, v8;
	v8 =	vor.u32 $0x26, v3  }
0x1a7: {  	v5 =	vsel vm8, $0x21, v5;
	vm9 =	vgt.f32 v11, v9;
	vm10 =	vgt.f32 v11, v4;
	v14 =	vld.idx.msk [tilespmem:v14+s2+$0x0], $0xffff  }
0x1a8: {  	v9 =	vsel vm9, v11, v9;
	v10 =	vsel vm9, $0x22, v10;
	v6 =	vadd.f32 v13, v6;
	v13 =	vld [tilespmem:$0x7480]  }
0x1a9: {  	v9 =	vsel vm10, v4, v9;
	v10 =	vsel vm10, v5, v10;
	v4 =	vsel vm10, v11, v4  }
0x1aa: {  	v11 =	vmul.f32 v15, v12;
	v12 =	vor.u32 $0x27, v3;
	v15 =	vld [tilespmem:$0x5480];
	vm12 =	vgt.f32 v6, v9  }
0x1ab: {  	v5 =	vsel vm10, $0x22, v5;
	vm11 =	vgt.f32 v6, v4;
	v9 =	vsel vm12, v6, v9;
	v8 =	vld.idx.msk [tilespmem:v8+s2+$0x0], $0xffff  }
0x1ac: {  	v7 =	vadd.f32 v7, v11;
	v9 =	vsel vm11, v4, v9;
	v4 =	vsel vm11, v6, v4;
	v6 =	vld [tilespmem:$0x7500]  }
0x1ad: {  	v10 =	vsel vm12, $0x23, v10;
	v11 =	vmul.f32 v13, v14;
	v14 =	vor.u32 $0x28, v3  }
0x1ae: {  	v10 =	vsel vm11, v5, v10;
	v5 =	vsel vm11, $0x23, v5;
	vm13 =	vgt.f32 v7, v9;
	v13 =	vld [tilespmem:$0x5500]  }
0x1af: {  	vm14 =	vgt.f32 v7, v4;
	v9 =	vsel vm13, v7, v9;
	v12 =	vld.idx.msk [tilespmem:v12+s2+$0x0], $0xffff;
	v10 =	vsel vm13, $0x24, v10  }
0x1b0: {  	v9 =	vsel vm14, v4, v9;
	v11 =	vadd.f32 v15, v11;
	v15 =	vld [tilespmem:$0x7580];
	v10 =	vsel vm14, v5, v10  }
0x1b1: {  	v4 =	vsel vm14, v7, v4;
	v7 =	vld [tilespmem:$0x5580];
	v6 =	vmul.f32 v6, v8;
	v8 =	vor.u32 $0x29, v3  }
0x1b2: {  	v5 =	vsel vm14, $0x24, v5;
	vm15 =	vgt.f32 v11, v9;
	vm4 =	vgt.f32 v11, v4;
	v14 =	vld.idx.msk [tilespmem:v14+s2+$0x0], $0xffff  }
0x1b3: {  	v9 =	vsel vm15, v11, v9;
	v10 =	vsel vm15, $0x25, v10;
	v6 =	vadd.f32 v13, v6;
	v13 =	vld [tilespmem:$0x7600]  }
0x1b4: {  	v17 =	vor.u32 $0x2D, v3;
	v9 =	vsel vm4, v4, v9;
	v10 =	vsel vm4, v5, v10  }
0x1b5: {  	v4 =	vsel vm4, v11, v4;
	v11 =	vmul.f32 v15, v12;
	v12 =	vor.u32 $0x2A, v3;
	v15 =	vld [tilespmem:$0x5600]  }
0x1b6: {  	v5 =	vsel vm4, $0x25, v5;
	vm5 =	vgt.f32 v6, v4;
	vm6 =	vgt.f32 v6, v9;
	v8 =	vld.idx.msk [tilespmem:v8+s2+$0x0], $0xffff  }
0x1b7: {  	v9 =	vsel vm6, v6, v9;
	v10 =	vsel vm6, $0x26, v10;
	v7 =	vadd.f32 v7, v11;
	v11 =	vld [tilespmem:$0x7680]  }
0x1b8: {  	v9 =	vsel vm5, v4, v9;
	v4 =	vsel vm5, v6, v4;
	v6 =	vmul.f32 v13, v14;
	v13 =	vld [tilespmem:$0x5680]  }
0x1b9: {  	v10 =	vsel vm5, v5, v10;
	v5 =	vsel vm5, $0x26, v5;
	vm7 =	vgt.f32 v7, v9;
	v14 =	vld [tilespmem:$0x7700]  }
0x1ba: {  	vm8 =	vgt.f32 v7, v4;
	v9 =	vsel vm7, v7, v9;
	v12 =	vld.idx.msk [tilespmem:v12+s2+$0x0], $0xffff;
	v10 =	vsel vm7, $0x27, v10  }
0x1bb: {  	v6 =	vadd.f32 v15, v6;
	v9 =	vsel vm8, v4, v9;
	v4 =	vsel vm8, v7, v4;
	v7 =	vld [tilespmem:$0x5700]  }
0x1bc: {  	v15 =	vor.u32 $0x2C, v3;
	v10 =	vsel vm8, v5, v10;
	v8 =	vmul.f32 v11, v8;
	v11 =	vld.idx.msk [tilespmem:v16+s2+$0x0], $0xffff  }
0x1bd: {  	v5 =	vsel vm8, $0x27, v5;
	v16 =	vld [tilespmem:$0x7780];
	vm9 =	vgt.f32 v6, v9;
	vm10 =	vgt.f32 v6, v4  }
0x1be: {  	v9 =	vsel vm9, v6, v9;
	v10 =	vsel vm9, $0x28, v10;
	v8 =	vadd.f32 v13, v8  }
0x1bf: {  	v13 =	vld [tilespmem:$0x5780];
	v9 =	vsel vm10, v4, v9;
	v10 =	vsel vm10, v5, v10;
	v4 =	vsel vm10, v6, v4  }
0x1c0: {  	v6 =	vmul.f32 v14, v12;
	v5 =	vsel vm10, $0x28, v5;
	v14 =	vld [tilespmem:$0x7800];
	vm11 =	vgt.f32 v8, v9  }
0x1c1: {  	v12 =	vld.idx.msk [tilespmem:v15+s2+$0x0], $0xffff;
	v15 =	vor.u32 $0x2E, v3;
	vm12 =	vgt.f32 v8, v4;
	v9 =	vsel vm11, v8, v9  }
0x1c2: {  	v6 =	vadd.f32 v7, v6;
	v7 =	vld [tilespmem:$0x5800];
	v10 =	vsel vm11, $0x29, v10;
	v11 =	vmul.f32 v16, v11  }
0x1c3: {  	v16 =	vld.idx.msk [tilespmem:v17+s2+$0x0], $0xffff;
	v17 =	vor.u32 $0x2F, v3;
	v9 =	vsel vm12, v4, v9;
	v4 =	vsel vm12, v8, v4  }
0x1c4: {  	v8 =	vld [tilespmem:$0x7880];
	v10 =	vsel vm12, v5, v10;
	v5 =	vsel vm12, $0x29, v5;
	vm13 =	vgt.f32 v6, v9  }
0x1c5: {  	vm6 =	vgt.f32 v6, v4;
	v11 =	vadd.f32 v13, v11;
	v9 =	vsel vm13, v6, v9  }
0x1c6: {  	v13 =	vld [tilespmem:$0x5880];
	v10 =	vsel vm13, $0x2A, v10;
	v9 =	vsel vm6, v4, v9;
	v12 =	vmul.f32 v14, v12  }
0x1c7: {  	v14 =	vld.idx.msk [tilespmem:v15+s2+$0x0], $0xffff;
	v4 =	vsel vm6, v6, v4;
	v15 =	vor.u32 $0x30, v3;
	v10 =	vsel vm6, v5, v10  }
0x1c8: {  	v6 =	vld [tilespmem:$0x7900];
	v5 =	vsel vm6, $0x2A, v5;
	vm5 =	vgt.f32 v11, v9;
	vm3 =	vgt.f32 v11, v4  }
0x1c9: {  	v9 =	vsel vm5, v11, v9;
	v7 =	vadd.f32 v7, v12;
	v12 =	vld [tilespmem:$0x5900];
	v8 =	vmul.f32 v8, v16  }
0x1ca: {  	v16 =	vld.idx.msk [tilespmem:v17+s2+$0x0], $0xffff;
	v17 =	vor.u32 $0x31, v3;
	v10 =	vsel vm5, $0x2B, v10;
	v9 =	vsel vm3, v4, v9  }
0x1cb: {  	v4 =	vsel vm3, v11, v4;
	v11 =	vld [tilespmem:$0x7980];
	v10 =	vsel vm3, v5, v10;
	v5 =	vsel vm3, $0x2B, v5  }
0x1cc: {  	vm2 =	vgt.f32 v7, v9;
	vm1 =	vgt.f32 v7, v4;
	v8 =	vadd.f32 v13, v8;
	v13 =	vld [tilespmem:$0x5980]  }
0x1cd: {  	v9 =	vsel vm2, v7, v9;
	v6 =	vmul.f32 v6, v14;
	v14 =	vld.idx.msk [tilespmem:v15+s2+$0x0], $0xffff;
	v15 =	vor.u32 $0x32, v3  }
0x1ce: {  	v10 =	vsel vm2, $0x2C, v10;
	v9 =	vsel vm1, v4, v9;
	v4 =	vsel vm1, v7, v4;
	v7 =	vld [tilespmem:$0x7A00]  }
0x1cf: {  	v10 =	vsel vm1, v5, v10;
	vm0 =	vgt.f32 v8, v9;
	v6 =	vadd.f32 v12, v6;
	v12 =	vld [tilespmem:$0x5A00]  }
0x1d0: {  	vm15 =	vgt.f32 v8, v4;
	v9 =	vsel vm0, v8, v9;
	v11 =	vmul.f32 v11, v16;
	v16 =	vld.idx.msk [tilespmem:v17+s2+$0x0], $0xffff  }
0x1d1: {  	v5 =	vsel vm1, $0x2C, v5;
	v9 =	vsel vm15, v4, v9;
	v4 =	vsel vm15, v8, v4;
	v8 =	vld [tilespmem:$0x7A80]  }
0x1d2: {  	v17 =	vor.u32 $0x33, v3;
	vm7 =	vgt.f32 v6, v9;
	v11 =	vadd.f32 v13, v11;
	v13 =	vld [tilespmem:$0x5A80]  }
0x1d3: {  	vm9 =	vgt.f32 v6, v4;
	v9 =	vsel vm7, v6, v9;
	v7 =	vmul.f32 v7, v14;
	v14 =	vld.idx.msk [tilespmem:v15+s2+$0x0], $0xffff  }
0x1d4: {  	v10 =	vsel vm0, $0x2D, v10;
	v9 =	vsel vm9, v4, v9;
	v4 =	vsel vm9, v6, v4;
	v6 =	vld [tilespmem:$0x7B00]  }
0x1d5: {  	v10 =	vsel vm15, v5, v10;
	v15 =	vor.u32 $0x34, v3;
	vm13 =	vgt.f32 v11, v9  }
0x1d6: {  	vm4 =	vgt.f32 v11, v4;
	v7 =	vadd.f32 v12, v7;
	v12 =	vld [tilespmem:$0x5B00];
	v9 =	vsel vm13, v11, v9  }
0x1d7: {  	v8 =	vmul.f32 v8, v16;
	v16 =	vld.idx.msk [tilespmem:v17+s2+$0x0], $0xffff;
	v9 =	vsel vm4, v4, v9;
	v4 =	vsel vm4, v11, v4  }
0x1d8: {  	v17 =	vor.u32 $0x35, v3;
	v11 =	vld [tilespmem:$0x7B80];
	vm11 =	vgt.f32 v7, v9;
	vm8 =	vgt.f32 v7, v4  }
0x1d9: {  	v8 =	vadd.f32 v13, v8;
	v9 =	vsel vm11, v7, v9;
	v6 =	vmul.f32 v6, v14  }
0x1da: {  	v14 =	vld.idx.msk [tilespmem:v15+s2+$0x0], $0xffff;
	v15 =	vimm.s32 $0x0;
	v9 =	vsel vm8, v4, v9;
	v4 =	vsel vm8, v7, v4  }
0x1db: {  	v13 =	vld [tilespmem:$0x5B80];
	vm14 =	vgt.f32 v8, v9;
	vm10 =	vgt.f32 v8, v4;
	v6 =	vadd.f32 v12, v6  }
0x1dc: {  	v7 =	vsel vm14, $0xFFFFFFFF, v15;
	v15 =	vor.u32 $0x36, v3;
	v9 =	vsel vm14, v8, v9  }
0x1dd: {  	v18 =	vsel vm10, $0xFFFFFFFF, v18;
	v11 =	vmul.f32 v11, v16;
	[tilespmem:$0x1FF10] =	vst v7;
	v7 =	vld [tilespmem:$0x7C00];
	v9 =	vsel vm10, v4, v9  }
0x1de: {  	v12 =	vld [tilespmem:$0x5C00];
	v4 =	vsel vm10, v8, v4;
	v8 =	vimm.s32 $0x0;
	vm12 =	vgt.f32 v6, v9  }
0x1df: {  	v16 =	vld.idx.msk [tilespmem:v17+s2+$0x0], $0xffff;
	v17 =	vor.u32 $0x37, v3;
	[tilespmem:$0x1FF20] =	vst v18;
	v18 =	vimm.s32 $0x0;
	v8 =	vsel vm12, $0xFFFFFFFF, v8  }
0x1e0: {  	vm14 =	vgt.f32 v6, v4;
	v11 =	vadd.f32 v13, v11;
	v9 =	vsel vm12, v6, v9;
	[tilespmem:$0x1FF30] =	vst v8;
	v8 =	vld [tilespmem:$0x7C80]  }
0x1e1: {  	v13 =	vld [tilespmem:$0x5C80];
	v18 =	vsel vm14, $0xFFFFFFFF, v18;
	v9 =	vsel vm14, v4, v9;
	v4 =	vsel vm14, v6, v4  }
0x1e2: {  	vm6 =	vgt.f32 v11, v9;
	v7 =	vmul.f32 v7, v14;
	v14 =	vld.idx.msk [tilespmem:v15+s2+$0x0], $0xffff;
	v15 =	vimm.s32 $0x0  }
0x1e3: {  	[tilespmem:$0x1FF40] =	vst v18;
	v18 =	vimm.s32 $0x0;
	vm10 =	vgt.f32 v11, v4;
	v6 =	vsel vm6, $0xFFFFFFFF, v15  }
0x1e4: {  	v18 =	vsel vm10, $0xFFFFFFFF, v18;
	v9 =	vsel vm6, v11, v9;
	[tilespmem:$0x1FF50] =	vst v6;
	v6 =	vld [tilespmem:$0x7D00];
	v7 =	vadd.f32 v12, v7  }
0x1e5: {  	v15 =	vor.u32 $0x38, v3;
	v9 =	vsel vm10, v4, v9;
	v12 =	vld [tilespmem:$0x5D00];
	v8 =	vmul.f32 v8, v16  }
0x1e6: {  	v4 =	vsel vm10, v11, v4;
	v11 =	vimm.s32 $0x0;
	v16 =	vld.idx.msk [tilespmem:v17+s2+$0x0], $0xffff;
	vm12 =	vgt.f32 v7, v9  }
0x1e7: {  	[tilespmem:$0x1FF60] =	vst v18;
	v18 =	vimm.s32 $0x0;
	v11 =	vsel vm12, $0xFFFFFFFF, v11;
	v8 =	vadd.f32 v13, v8;
	v13 =	vld [tilespmem:$0x5D80]  }
0x1e8: {  	v17 =	vor.u32 $0x39, v3;
	vm14 =	vgt.f32 v7, v4;
	v9 =	vsel vm12, v7, v9;
	[tilespmem:$0x1FF70] =	vst v11;
	v11 =	vld [tilespmem:$0x7D80]  }
0x1e9: {  	v18 =	vsel vm14, $0xFFFFFFFF, v18;
	v9 =	vsel vm14, v4, v9;
	v4 =	vsel vm14, v7, v4;
	v7 =	vld [tilespmem:$0x7E00]  }
0x1ea: {  	v6 =	vmul.f32 v6, v14;
	v14 =	vld.idx.msk [tilespmem:v15+s2+$0x0], $0xffff;
	v15 =	vor.u32 $0x3A, v3;
	vm5 =	vgt.f32 v8, v9  }
0x1eb: {  	[tilespmem:$0x1FF80] =	vst v18;
	v18 =	vimm.s32 $0x0;
	vm14 =	vgt.f32 v8, v4;
	v9 =	vsel vm5, v8, v9  }
0x1ec: {  	v18 =	vsel vm5, $0xFFFFFFFF, v18;
	v6 =	vadd.f32 v12, v6;
	v12 =	vld [tilespmem:$0x5E00];
	v9 =	vsel vm14, v4, v9  }
0x1ed: {  	[tilespmem:$0x1FF90] =	vst v18;
	v4 =	vsel vm14, v8, v4;
	v8 =	vld [tilespmem:$0x7E80];
	v18 =	vimm.s32 $0x0;
	v11 =	vmul.f32 v11, v16  }
0x1ee: {  	v16 =	vld.idx.msk [tilespmem:v17+s2+$0x0], $0xffff;
	v17 =	vor.u32 $0x3B, v3;
	vm6 =	vgt.f32 v6, v9;
	vm12 =	vgt.f32 v6, v4  }
0x1ef: {  	v9 =	vsel vm6, v6, v9;
	v7 =	vmul.f32 v7, v14;
	v14 =	vld.idx.msk [tilespmem:v15+s2+$0x0], $0xffff;
	v11 =	vadd.f32 v13, v11  }
0x1f0: {  	v18 =	vsel vm6, $0xFFFFFFFF, v18;
	v13 =	vld [tilespmem:$0x5E80];
	v9 =	vsel vm12, v4, v9;
	v4 =	vsel vm12, v6, v4  }
0x1f1: {  	[tilespmem:$0x1FFA0] =	vst v18;
	v6 =	vld [tilespmem:$0x7F00];
	v18 =	vimm.s32 $0x0;
	v7 =	vadd.f32 v12, v7;
	vm10 =	vgt.f32 v11, v9  }
0x1f2: {  	v12 =	vld [tilespmem:$0x5F00];
	v18 =	vsel vm10, $0xFFFFFFFF, v18;
	v9 =	vsel vm10, v11, v9;
	vm10 =	vgt.f32 v11, v4  }
0x1f3: {  	v5 =	vsel vm15, $0x2D, v5;
	v15 =	vor.u32 $0x3C, v3;
	v17 =	vld.idx.msk [tilespmem:v17+s2+$0x0], $0xffff;
	[tilespmem:$0x1FFB0] =	vst v18;
	v9 =	vsel vm10, v4, v9  }
0x1f4: {  	v8 =	vmul.f32 v8, v16;
	v16 =	vld [tilespmem:$0x7F80];
	[tilespmem:$0x1FF00] =	vst v0;
	v0 =	vimm.s32 $0x0;
	vm15 =	vgt.f32 v7, v9  }
0x1f5: {  	v10 =	vsel vm7, $0x2E, v10;
	v0 =	vsel vm15, $0xFFFFFFFF, v0  }
0x1f6: {  	v10 =	vsel vm9, v5, v10;
	[tilespmem:$0x1FFC0] =	vst v0  }
0x1f7: {  	v18 =	vor.u32 $0x3D, v3;
	v4 =	vsel vm10, v11, v4;
	v6 =	vmul.f32 v6, v14;
	v0 =	vld [tilespmem:$0x1FF00]  }
0x1f8: {  	v8 =	vadd.f32 v13, v8;
	v9 =	vsel vm15, v7, v9;
	vm15 =	vgt.f32 v7, v4;
	v11 =	vld [tilespmem:$0x5F80]  }
0x1f9: {  	v9 =	vsel vm15, v4, v9;
	v4 =	vsel vm15, v7, v4;
	v6 =	vadd.f32 v12, v6;
	v13 =	vld.idx.msk [tilespmem:v15+s2+$0x0], $0xffff  }
0x1fa: {  	v12 =	vimm.s32 $0x0;
	v14 =	vld [tilespmem:$0x8000];
	v15 =	vor.u32 $0x3E, v3;
	vm5 =	vgt.f32 v8, v9  }
0x1fb: {  	v7 =	vld [tilespmem:$0x6000];
	vm7 =	vgt.f32 v8, v4;
	v12 =	vsel vm5, $0xFFFFFFFF, v12;
	v9 =	vsel vm5, v8, v9  }
0x1fc: {  	[tilespmem:$0x1FFD0] =	vst v12;
	v12 =	vmul.f32 v16, v17;
	v16 =	vld.idx.msk [tilespmem:v18+s2+$0x0], $0xffff;
	v9 =	vsel vm7, v4, v9  }
0x1fd: {  	v4 =	vsel vm7, v8, v4;
	v8 =	vld [tilespmem:$0x8080];
	v17 =	vimm.s32 $0x0;
	vm6 =	vgt.f32 v6, v9  }
0x1fe: {  	v3 =	vor.u32 $0x3F, v3;
	v17 =	vsel vm6, $0xFFFFFFFF, v17;
	v11 =	vadd.f32 v11, v12;
	v12 =	vld [tilespmem:$0x6080]  }
0x1ff: {  	v9 =	vsel vm6, v6, v9;
	vm6 =	vgt.f32 v6, v4;
	v13 =	vmul.f32 v14, v13;
	v14 =	vld.idx.msk [tilespmem:v15+s2+$0x0], $0xffff  }
0x200: {  	v5 =	vsel vm9, $0x2E, v5;
	v9 =	vsel vm6, v4, v9;
	v15 =	vld [tilespmem:$0x8100];
	v4 =	vsel vm6, v6, v4  }
0x201: {  	v6 =	vadd.f32 v7, v13;
	vm9 =	vgt.f32 v11, v9;
	v13 =	vimm.s32 $0x0  }
0x202: {  	v10 =	vsel vm13, $0x2F, v10;
	v7 =	vsel vm9, $0xFFFFFFFF, v13;
	v13 =	vsel vm9, v11, v9;
	v9 =	vld [tilespmem:$0x6100]  }
0x203: {  	v10 =	vsel vm4, v5, v10;
	v8 =	vmul.f32 v8, v16;
	vm5 =	vgt.f32 v11, v4  }
0x204: {  	v3 =	vld.idx.msk [tilespmem:v3+s2+$0x0], $0xffff;
	[tilespmem:$0x1FFF0] =	vst v7;
	v7 =	vsel vm5, v4, v13;
	v4 =	vsel vm5, v11, v4  }
0x205: {  	v11 =	vld [tilespmem:$0x8180];
	v8 =	vadd.f32 v12, v8;
	vm13 =	vgt.f32 v6, v7;
	v12 =	vmul.f32 v15, v14  }
0x206: {  	v5 =	vsel vm4, $0x2F, v5;
	v13 =	vld [tilespmem:$0x1FF10];
	vm4 =	vgt.f32 v6, v4;
	v7 =	vsel vm13, v6, v7  }
0x207: {  	v7 =	vsel vm4, v4, v7;
	v4 =	vsel vm4, v6, v4;
	v6 =	vadd.f32 v9, v12;
	v12 =	vld [tilespmem:$0x1FF20]  }
0x208: {  	v14 =	vld [tilespmem:$0x1FF30]  }
0x209: {  	v10 =	vsel vm11, $0x30, v10;
	v15 =	vld [tilespmem:$0x1FF40]  }
0x20a: {  	v10 =	vsel vm8, v5, v10;
	v5 =	vsel vm8, $0x30, v5  }
0x20b: {  	vm3 =	vgt.f32 v8, v4;
	vm11 =	vnez.u8 v13;
	v3 =	vmul.f32 v11, v3  }
0x20c: {  	v13 =	vld [tilespmem:$0x6180];
	v10 =	vsel vm11, $0x31, v10;
	vm11 =	vgt.f32 v8, v7;
	vm8 =	vnez.u8 v12  }
0x20d: {  	vm9 =	vnez.u8 v14;
	v7 =	vsel vm11, v8, v7;
	v9 =	vsel vm8, v5, v10  }
0x20e: {  	v5 =	vsel vm8, $0x31, v5;
	vm8 =	vnez.u8 v15;
	v9 =	vsel vm9, $0x32, v9  }
0x20f: {  	v7 =	vsel vm3, v4, v7;
	v4 =	vsel vm3, v8, v4;
	v8 =	vsel vm8, v5, v9;
	v9 =	vld [tilespmem:$0x1FF50]  }
0x210: {  	v10 =	vld [tilespmem:$0x1FF60];
	vm9 =	vgt.f32 v6, v7  }
0x211: {  	v11 =	vld [tilespmem:$0x1FF70];
	vm2 =	vgt.f32 v6, v4;
	v3 =	vadd.f32 v13, v3;
	v7 =	vsel vm9, v6, v7  }
0x212: {  	v12 =	vld [tilespmem:$0x1FF80];
	v7 =	vsel vm2, v4, v7;
	v4 =	vsel vm2, v6, v4  }
0x213: {  	v13 =	vld [tilespmem:$0x1FF90];
	v5 =	vsel vm8, $0x32, v5;
	vm8 =	vgt.f32 v3, v7;
	vm1 =	vgt.f32 v3, v4  }
0x214: {  	v7 =	vsel vm8, v3, v7;
	v3 =	vsel vm1, v3, v4;
	vm0 =	vnez.u8 v9  }
0x215: {  	v14 =	vld [tilespmem:$0x1FFA0];
	v7 =	vsel vm1, v4, v7;
	v6 =	vsel vm0, $0x33, v8;
	vm0 =	vnez.u8 v10  }
0x216: {  	v4 =	vsel vm0, v5, v6;
	v5 =	vsel vm0, $0x33, v5;
	vm0 =	vnez.u8 v11  }
0x217: {  	v3 =	vsub.f32 v7, v3;
	v8 =	vld [tilespmem:$0x1FFB0];
	v4 =	vsel vm0, $0x34, v4;
	vm0 =	vnez.u8 v12  }
0x218: {  	v4 =	vsel vm0, v5, v4;
	v5 =	vsel vm0, $0x34, v5;
	vm0 =	vnez.u8 v13  }
0x219: {  	v9 =	vld [tilespmem:$0x1FFC0];
	v3 =	vmul.f32 $1.442695020e+00, v3;
	v4 =	vsel vm0, $0x35, v4  }
0x21a: {  	v4 =	vsel vm14, v5, v4;
	v5 =	vsel vm14, $0x35, v5;
	vm14 =	vnez.u8 v14  }
0x21b: {  	v10 =	vld [tilespmem:$0x1FFD0];
	(erf) = vpow2.f32 v3;
	v4 =	vsel vm14, $0x36, v4  }
0x21c: {  	[tilespmem:$0x1FFE0] =	vst v17;
	vm14 =	vnez.u8 v8;
	v3 =	vsel vm12, v5, v4  }
0x21d: {  	v11 =	vld [tilespmem:$0x1FFE0];
	v15 =	vsel vm12, $0x36, v5;
	v3 =	vsel vm14, $0x37, v3  }
0x21e: {  	v4 =	vsel vm10, $0x37, v15;
	v3 =	vsel vm10, v15, v3;
	vm10 =	vnez.u8 v9  }
0x21f: {  	v13 =	vld [tilespmem:$0x1FFF0];
	v3 =	vsel vm10, $0x38, v3  }
0x220: {  	vm12 =	vnez.u8 v10;
	v3 =	vsel vm15, v4, v3  }
0x221: {  	v4 =	vsel vm15, $0x38, v4;
	v3 =	vsel vm12, $0x39, v3  }
0x222: {  	vm14 =	vnez.u8 v11;
	v3 =	vsel vm7, v4, v3  }
0x223: {  	v4 =	vsel vm7, $0x39, v4;
	v3 =	vsel vm14, $0x3A, v3  }
0x224: {  	vm15 =	vnez.u8 v13;
	v12 =	vpop (erf);
	v3 =	vsel vm6, v4, v3  }
0x225: {  	v14 =	vadd.f32 $1.000000000e+00, v12;
	v4 =	vsel vm6, $0x3A, v4;
	v3 =	vsel vm15, $0x3B, v3  }
0x226: {  	v3 =	vsel vm5, v4, v3  }
0x227: {  	(erf) = vrcp.f32 v14;
	v4 =	vsel vm5, $0x3B, v4;
	v3 =	vsel vm13, $0x3C, v3  }
0x228: {  	v3 =	vsel vm4, v4, v3  }
0x229: {  	v4 =	vsel vm4, $0x3C, v4;
	v3 =	vsel vm11, $0x3D, v3  }
0x22a: {  	v3 =	vsel vm3, v4, v3  }
0x22b: {  	v4 =	vsel vm3, $0x3D, v4;
	v3 =	vsel vm9, $0x3E, v3  }
0x22c: {  	v3 =	vsel vm2, v4, v3  }
0x22d: {  	v4 =	vsel vm2, $0x3E, v4;
	v3 =	vsel vm8, $0x3F, v3  }
0x22e: {  	p0 =	sne.s32 s22, $0x70;
	v3 =	vsel vm1, v4, v3  }
.Ltmp0:
0x22f: {  	v4 =	vsel vm1, $0x3F, v4;
	v3 =	vshll.u32 v3, $0x8;
	(pc) =	sbr.rel @p0 .LBB2_2-.Ltmp0, $4  }
0x230: {  	v6 =	vpop (erf);
	v3 =	vor.u32 v4, v3  }
0x231: {  	v15 =	vmul.f32 v6, v12;
	[tilespmem:s21+$0x0] =	vst v3  }
0x232: {  	s22 =	sadd.s32 $0x10, s22;
	[tilespmem:s20+$0x0] =	vst v6  }
0x233: {  	s21 =	sadd.s32 $0x10, s21;
	s20 =	sadd.s32 $0x10, s20;
	[tilespmem:s19+$0x0] =	vst v15;
	s19 =	sadd.s32 $0x10, s19  }
0x234: {  	_ =	swait.ge [sflag:s14], $0x2000  }
0x235: {  	s19 =	simm.s32 $0x80;
	s20 =	simm.s32 $0x8280;
	[sflag:s14] =	ssyncset.done $0x0  }
0x236: {  	s21 =	simm.s32 $0x8380;
	s22 =	simm.s32 $0x8480;
	[sflag:s14] =	ssyncadd.s32 $0xFFFFE000  }
.LBB2_4:
0x237: {  	v3 =	vmov s19  }
0x238: {  	v3 =	vshll.u32 v3, $0x6  }
0x239: {  	v3 =	vor.u32 v63, v3  }
0x23a: {  	v4 =	vor.u32 $0x1, v3;
	_ =	sdelay $0x1  }
0x23b: {  	v6 =	vld [tilespmem:$0x6200]  }
0x23c: {  	v8 =	vld [tilespmem:$0x6280]  }
0x23d: {  	v9 =	vor.u32 $0x2, v3;
	v5 =	vld.idx.msk [tilespmem:v3+s2+$0x0], $0xffff  }
0x23e: {  	v4 =	vld.idx.msk [tilespmem:v4+s2+$0x0], $0xffff  }
0x23f: {  	v7 =	vld [tilespmem:$0x4200]  }
0x240: {  	v10 =	vld [tilespmem:$0x4280]  }
0x241: {  	v14 =	vld [tilespmem:$0x6300];
	v12 =	vor.u32 $0x3, v3  }
0x242: {  	v13 =	vld.idx.msk [tilespmem:v9+s2+$0x0], $0xffff;
	v5 =	vmul.f32 v6, v5  }
0x243: {  	v4 =	vmul.f32 v8, v4  }
0x244: {  	v9 =	vld [tilespmem:$0x4300];
	v5 =	vadd.f32 v7, v5  }
0x245: {  	v11 =	vld [tilespmem:$0x6380];
	v4 =	vadd.f32 v10, v4;
	v10 =	vor.u32 $0x4, v3  }
0x246: {  	v6 =	vld.idx.msk [tilespmem:v12+s2+$0x0], $0xffff;
	vm0 =	vgt.f32 v5, $-3.000000010e+38  }
0x247: {  	v7 =	vmul.f32 v14, v13;
	v5 =	vnsel vm0, $0xFF61B1E6, v5  }
0x248: {  	v12 =	vor.u32 $0x5, v3;
	v8 =	vld [tilespmem:$0x4380];
	vm2 =	vgt.f32 v4, $-3.000000010e+38;
	vm0 =	vgt.f32 v4, v5  }
0x249: {  	v7 =	vadd.f32 v9, v7;
	v9 =	vld [tilespmem:$0x6400];
	v13 =	vnsel vm2, $0xFF61B1E6, v4;
	vm1 =	vmneg vm0  }
0x24a: {  	vm2 =	vmand vm1, vm2;
	v10 =	vld.idx.msk [tilespmem:v10+s2+$0x0], $0xffff;
	v13 =	vsel vm1, v13, v5;
	v4 =	vsel vm1, v5, v4  }
0x24b: {  	v5 =	vmul.f32 v11, v6;
	v6 =	vor.u32 $0x6, v3;
	v11 =	vsel vm0, $0x1, v2  }
0x24c: {  	v15 =	vld [tilespmem:$0x4400];
	v14 =	vsel vm2, $0x1, v2;
	vm5 =	vgt.f32 v7, v4;
	vm6 =	vgt.f32 v7, v13  }
0x24d: {  	v13 =	vsel vm6, v7, v13;
	v14 =	vsel vm6, $0x2, v14;
	v5 =	vadd.f32 v8, v5;
	v8 =	vld.idx.msk [tilespmem:v12+s2+$0x0], $0xffff  }
0x24e: {  	v12 =	vsel vm5, v4, v13;
	v13 =	vsel vm5, v11, v14;
	v4 =	vsel vm5, v7, v4;
	v7 =	vld [tilespmem:$0x6480]  }
0x24f: {  	v14 =	vor.u32 $0x7, v3;
	vm7 =	vgt.f32 v5, v12;
	v9 =	vmul.f32 v9, v10;
	v10 =	vld [tilespmem:$0x4480]  }
0x250: {  	v11 =	vsel vm5, $0x2, v11;
	vm8 =	vgt.f32 v5, v4;
	v12 =	vsel vm7, v5, v12;
	v6 =	vld.idx.msk [tilespmem:v6+s2+$0x0], $0xffff  }
0x251: {  	v13 =	vsel vm7, $0x3, v13;
	v12 =	vsel vm8, v4, v12;
	v9 =	vadd.f32 v15, v9;
	v15 =	vld [tilespmem:$0x6500]  }
0x252: {  	v13 =	vsel vm8, v11, v13;
	v4 =	vsel vm8, v5, v4;
	v5 =	vsel vm8, $0x3, v11  }
0x253: {  	v11 =	vor.u32 $0x8, v3;
	v7 =	vmul.f32 v7, v8;
	v8 =	vld [tilespmem:$0x4500];
	vm9 =	vgt.f32 v9, v12  }
0x254: {  	v18 =	vimm.s32 $0x0;
	v14 =	vld.idx.msk [tilespmem:v14+s2+$0x0], $0xffff;
	vm10 =	vgt.f32 v9, v4;
	v12 =	vsel vm9, v9, v12  }
0x255: {  	v13 =	vsel vm9, $0x4, v13;
	v7 =	vadd.f32 v10, v7;
	v10 =	vld [tilespmem:$0x6580];
	v12 =	vsel vm10, v4, v12  }
0x256: {  	v13 =	vsel vm10, v5, v13;
	v4 =	vsel vm10, v9, v4;
	v6 =	vmul.f32 v15, v6  }
0x257: {  	v9 =	vor.u32 $0x9, v3;
	v5 =	vsel vm10, $0x4, v5;
	vm12 =	vgt.f32 v7, v12;
	v15 =	vld [tilespmem:$0x4580]  }
0x258: {  	vm11 =	vgt.f32 v7, v4;
	v12 =	vsel vm12, v7, v12;
	v6 =	vadd.f32 v8, v6;
	v8 =	vld.idx.msk [tilespmem:v11+s2+$0x0], $0xffff  }
0x259: {  	v13 =	vsel vm12, $0x5, v13;
	v11 =	vsel vm11, v4, v12;
	v4 =	vsel vm11, v7, v4;
	v7 =	vld [tilespmem:$0x6600]  }
0x25a: {  	v12 =	vsel vm11, v5, v13;
	v10 =	vmul.f32 v10, v14;
	v14 =	vor.u32 $0xA, v3  }
0x25b: {  	v13 =	vld [tilespmem:$0x4600];
	v5 =	vsel vm11, $0x5, v5;
	vm13 =	vgt.f32 v6, v11;
	vm14 =	vgt.f32 v6, v4  }
0x25c: {  	v9 =	vld.idx.msk [tilespmem:v9+s2+$0x0], $0xffff;
	v11 =	vsel vm13, v6, v11;
	v12 =	vsel vm13, $0x6, v12;
	v10 =	vadd.f32 v15, v10  }
0x25d: {  	v15 =	vld [tilespmem:$0x6680];
	v11 =	vsel vm14, v4, v11;
	v12 =	vsel vm14, v5, v12;
	v4 =	vsel vm14, v6, v4  }
0x25e: {  	vm15 =	vgt.f32 v10, v11;
	v6 =	vmul.f32 v7, v8;
	v7 =	vld [tilespmem:$0x4680];
	v8 =	vor.u32 $0xB, v3  }
0x25f: {  	v5 =	vsel vm14, $0x6, v5;
	vm4 =	vgt.f32 v10, v4;
	v11 =	vsel vm15, v10, v11;
	v14 =	vld.idx.msk [tilespmem:v14+s2+$0x0], $0xffff  }
0x260: {  	v12 =	vsel vm15, $0x7, v12;
	v11 =	vsel vm4, v4, v11;
	v6 =	vadd.f32 v13, v6;
	v13 =	vld [tilespmem:$0x6700]  }
0x261: {  	v12 =	vsel vm4, v5, v12;
	v4 =	vsel vm4, v10, v4;
	v10 =	vor.u32 $0xC, v3  }
0x262: {  	v5 =	vsel vm4, $0x7, v5;
	v9 =	vmul.f32 v15, v9;
	v15 =	vld [tilespmem:$0x4700];
	vm6 =	vgt.f32 v6, v11  }
0x263: {  	vm5 =	vgt.f32 v6, v4;
	v11 =	vsel vm6, v6, v11;
	v12 =	vsel vm6, $0x8, v12;
	v8 =	vld.idx.msk [tilespmem:v8+s2+$0x0], $0xffff  }
0x264: {  	v7 =	vadd.f32 v7, v9;
	v9 =	vsel vm5, v4, v11;
	v4 =	vsel vm5, v6, v4;
	v6 =	vld [tilespmem:$0x6780]  }
0x265: {  	v11 =	vsel vm5, v5, v12;
	v12 =	vmul.f32 v13, v14;
	v14 =	vor.u32 $0xD, v3  }
0x266: {  	v5 =	vsel vm5, $0x8, v5;
	vm7 =	vgt.f32 v7, v9;
	v13 =	vld [tilespmem:$0x4780];
	vm8 =	vgt.f32 v7, v4  }
0x267: {  	v10 =	vld.idx.msk [tilespmem:v10+s2+$0x0], $0xffff;
	v9 =	vsel vm7, v7, v9;
	v11 =	vsel vm7, $0x9, v11;
	v12 =	vadd.f32 v15, v12  }
0x268: {  	v9 =	vsel vm8, v4, v9;
	v15 =	vld [tilespmem:$0x6800];
	v11 =	vsel vm8, v5, v11;
	v4 =	vsel vm8, v7, v4  }
0x269: {  	v7 =	vld [tilespmem:$0x4800];
	vm9 =	vgt.f32 v12, v9;
	v6 =	vmul.f32 v6, v8;
	v8 =	vor.u32 $0xE, v3  }
0x26a: {  	v5 =	vsel vm8, $0x9, v5;
	vm10 =	vgt.f32 v12, v4;
	v9 =	vsel vm9, v12, v9;
	v14 =	vld.idx.msk [tilespmem:v14+s2+$0x0], $0xffff  }
0x26b: {  	v11 =	vsel vm9, $0xA, v11;
	v9 =	vsel vm10, v4, v9;
	v6 =	vadd.f32 v13, v6;
	v13 =	vld [tilespmem:$0x6880]  }
0x26c: {  	v11 =	vsel vm10, v5, v11;
	v4 =	vsel vm10, v12, v4;
	v12 =	vor.u32 $0xF, v3  }
0x26d: {  	v5 =	vsel vm10, $0xA, v5;
	v10 =	vmul.f32 v15, v10;
	v15 =	vld [tilespmem:$0x4880];
	vm12 =	vgt.f32 v6, v9  }
0x26e: {  	vm11 =	vgt.f32 v6, v4;
	v9 =	vsel vm12, v6, v9;
	v11 =	vsel vm12, $0xB, v11;
	v8 =	vld.idx.msk [tilespmem:v8+s2+$0x0], $0xffff  }
0x26f: {  	v7 =	vadd.f32 v7, v10;
	v9 =	vsel vm11, v4, v9;
	v4 =	vsel vm11, v6, v4;
	v6 =	vld [tilespmem:$0x6900]  }
0x270: {  	v10 =	vsel vm11, v5, v11;
	v11 =	vmul.f32 v13, v14;
	v14 =	vor.u32 $0x10, v3  }
0x271: {  	v16 =	vor.u32 $0x2B, v3;
	v5 =	vsel vm11, $0xB, v5;
	vm13 =	vgt.f32 v7, v9;
	v13 =	vld [tilespmem:$0x4900]  }
0x272: {  	vm14 =	vgt.f32 v7, v4;
	v12 =	vld.idx.msk [tilespmem:v12+s2+$0x0], $0xffff;
	v9 =	vsel vm13, v7, v9;
	v10 =	vsel vm13, $0xC, v10  }
0x273: {  	v9 =	vsel vm14, v4, v9;
	v11 =	vadd.f32 v15, v11;
	v15 =	vld [tilespmem:$0x6980];
	v10 =	vsel vm14, v5, v10  }
0x274: {  	v4 =	vsel vm14, v7, v4;
	v7 =	vld [tilespmem:$0x4980];
	v6 =	vmul.f32 v6, v8;
	v8 =	vor.u32 $0x11, v3  }
0x275: {  	v5 =	vsel vm14, $0xC, v5;
	vm15 =	vgt.f32 v11, v9;
	vm4 =	vgt.f32 v11, v4;
	v14 =	vld.idx.msk [tilespmem:v14+s2+$0x0], $0xffff  }
0x276: {  	v9 =	vsel vm15, v11, v9;
	v10 =	vsel vm15, $0xD, v10;
	v6 =	vadd.f32 v13, v6;
	v13 =	vld [tilespmem:$0x6A00]  }
0x277: {  	v9 =	vsel vm4, v4, v9;
	v10 =	vsel vm4, v5, v10;
	v4 =	vsel vm4, v11, v4  }
0x278: {  	v11 =	vmul.f32 v15, v12;
	v12 =	vor.u32 $0x12, v3;
	v15 =	vld [tilespmem:$0x4A00];
	vm6 =	vgt.f32 v6, v9  }
0x279: {  	v5 =	vsel vm4, $0xD, v5;
	vm5 =	vgt.f32 v6, v4;
	v9 =	vsel vm6, v6, v9;
	v8 =	vld.idx.msk [tilespmem:v8+s2+$0x0], $0xffff  }
0x27a: {  	v7 =	vadd.f32 v7, v11;
	v9 =	vsel vm5, v4, v9;
	v4 =	vsel vm5, v6, v4;
	v6 =	vld [tilespmem:$0x6A80]  }
0x27b: {  	v10 =	vsel vm6, $0xE, v10;
	v11 =	vmul.f32 v13, v14;
	v14 =	vor.u32 $0x13, v3  }
0x27c: {  	v10 =	vsel vm5, v5, v10;
	v5 =	vsel vm5, $0xE, v5;
	vm7 =	vgt.f32 v7, v9;
	v13 =	vld [tilespmem:$0x4A80]  }
0x27d: {  	vm8 =	vgt.f32 v7, v4;
	v9 =	vsel vm7, v7, v9;
	v12 =	vld.idx.msk [tilespmem:v12+s2+$0x0], $0xffff;
	v10 =	vsel vm7, $0xF, v10  }
0x27e: {  	v9 =	vsel vm8, v4, v9;
	v11 =	vadd.f32 v15, v11;
	v15 =	vld [tilespmem:$0x6B00];
	v10 =	vsel vm8, v5, v10  }
0x27f: {  	v4 =	vsel vm8, v7, v4;
	v7 =	vld [tilespmem:$0x4B00];
	v6 =	vmul.f32 v6, v8;
	v8 =	vor.u32 $0x14, v3  }
0x280: {  	v5 =	vsel vm8, $0xF, v5;
	vm9 =	vgt.f32 v11, v9;
	vm10 =	vgt.f32 v11, v4;
	v14 =	vld.idx.msk [tilespmem:v14+s2+$0x0], $0xffff  }
0x281: {  	v9 =	vsel vm9, v11, v9;
	v10 =	vsel vm9, $0x10, v10;
	v6 =	vadd.f32 v13, v6;
	v13 =	vld [tilespmem:$0x6B80]  }
0x282: {  	v9 =	vsel vm10, v4, v9;
	v10 =	vsel vm10, v5, v10;
	v4 =	vsel vm10, v11, v4  }
0x283: {  	v11 =	vmul.f32 v15, v12;
	v12 =	vor.u32 $0x15, v3;
	v15 =	vld [tilespmem:$0x4B80];
	vm12 =	vgt.f32 v6, v9  }
0x284: {  	v5 =	vsel vm10, $0x10, v5;
	vm11 =	vgt.f32 v6, v4;
	v9 =	vsel vm12, v6, v9;
	v8 =	vld.idx.msk [tilespmem:v8+s2+$0x0], $0xffff  }
0x285: {  	v7 =	vadd.f32 v7, v11;
	v9 =	vsel vm11, v4, v9;
	v4 =	vsel vm11, v6, v4;
	v6 =	vld [tilespmem:$0x6C00]  }
0x286: {  	v10 =	vsel vm12, $0x11, v10;
	v11 =	vmul.f32 v13, v14;
	v14 =	vor.u32 $0x16, v3  }
0x287: {  	v10 =	vsel vm11, v5, v10;
	v5 =	vsel vm11, $0x11, v5;
	vm13 =	vgt.f32 v7, v9;
	v13 =	vld [tilespmem:$0x4C00]  }
0x288: {  	vm14 =	vgt.f32 v7, v4;
	v9 =	vsel vm13, v7, v9;
	v12 =	vld.idx.msk [tilespmem:v12+s2+$0x0], $0xffff;
	v10 =	vsel vm13, $0x12, v10  }
0x289: {  	v9 =	vsel vm14, v4, v9;
	v11 =	vadd.f32 v15, v11;
	v15 =	vld [tilespmem:$0x6C80];
	v10 =	vsel vm14, v5, v10  }
0x28a: {  	v4 =	vsel vm14, v7, v4;
	v7 =	vld [tilespmem:$0x4C80];
	v6 =	vmul.f32 v6, v8;
	v8 =	vor.u32 $0x17, v3  }
0x28b: {  	v5 =	vsel vm14, $0x12, v5;
	vm15 =	vgt.f32 v11, v9;
	vm4 =	vgt.f32 v11, v4;
	v14 =	vld.idx.msk [tilespmem:v14+s2+$0x0], $0xffff  }
0x28c: {  	v9 =	vsel vm15, v11, v9;
	v10 =	vsel vm15, $0x13, v10;
	v6 =	vadd.f32 v13, v6;
	v13 =	vld [tilespmem:$0x6D00]  }
0x28d: {  	v9 =	vsel vm4, v4, v9;
	v10 =	vsel vm4, v5, v10;
	v4 =	vsel vm4, v11, v4  }
0x28e: {  	v11 =	vmul.f32 v15, v12;
	v12 =	vor.u32 $0x18, v3;
	v15 =	vld [tilespmem:$0x4D00];
	vm6 =	vgt.f32 v6, v9  }
0x28f: {  	v5 =	vsel vm4, $0x13, v5;
	vm5 =	vgt.f32 v6, v4;
	v9 =	vsel vm6, v6, v9;
	v8 =	vld.idx.msk [tilespmem:v8+s2+$0x0], $0xffff  }
0x290: {  	v7 =	vadd.f32 v7, v11;
	v9 =	vsel vm5, v4, v9;
	v4 =	vsel vm5, v6, v4;
	v6 =	vld [tilespmem:$0x6D80]  }
0x291: {  	v10 =	vsel vm6, $0x14, v10;
	v11 =	vmul.f32 v13, v14;
	v14 =	vor.u32 $0x19, v3  }
0x292: {  	v10 =	vsel vm5, v5, v10;
	v5 =	vsel vm5, $0x14, v5;
	vm7 =	vgt.f32 v7, v9;
	v13 =	vld [tilespmem:$0x4D80]  }
0x293: {  	vm8 =	vgt.f32 v7, v4;
	v9 =	vsel vm7, v7, v9;
	v12 =	vld.idx.msk [tilespmem:v12+s2+$0x0], $0xffff;
	v10 =	vsel vm7, $0x15, v10  }
0x294: {  	v9 =	vsel vm8, v4, v9;
	v11 =	vadd.f32 v15, v11;
	v15 =	vld [tilespmem:$0x6E00];
	v10 =	vsel vm8, v5, v10  }
0x295: {  	v4 =	vsel vm8, v7, v4;
	v7 =	vld [tilespmem:$0x4E00];
	v6 =	vmul.f32 v6, v8;
	v8 =	vor.u32 $0x1A, v3  }
0x296: {  	v5 =	vsel vm8, $0x15, v5;
	vm9 =	vgt.f32 v11, v9;
	vm10 =	vgt.f32 v11, v4;
	v14 =	vld.idx.msk [tilespmem:v14+s2+$0x0], $0xffff  }
0x297: {  	v9 =	vsel vm9, v11, v9;
	v10 =	vsel vm9, $0x16, v10;
	v6 =	vadd.f32 v13, v6;
	v13 =	vld [tilespmem:$0x6E80]  }
0x298: {  	v9 =	vsel vm10, v4, v9;
	v10 =	vsel vm10, v5, v10;
	v4 =	vsel vm10, v11, v4  }
0x299: {  	v11 =	vmul.f32 v15, v12;
	v12 =	vor.u32 $0x1B, v3;
	v15 =	vld [tilespmem:$0x4E80];
	vm12 =	vgt.f32 v6, v9  }
0x29a: {  	v5 =	vsel vm10, $0x16, v5;
	vm11 =	vgt.f32 v6, v4;
	v9 =	vsel vm12, v6, v9;
	v8 =	vld.idx.msk [tilespmem:v8+s2+$0x0], $0xffff  }
0x29b: {  	v7 =	vadd.f32 v7, v11;
	v9 =	vsel vm11, v4, v9;
	v4 =	vsel vm11, v6, v4;
	v6 =	vld [tilespmem:$0x6F00]  }
0x29c: {  	v10 =	vsel vm12, $0x17, v10;
	v11 =	vmul.f32 v13, v14;
	v14 =	vor.u32 $0x1C, v3  }
0x29d: {  	v10 =	vsel vm11, v5, v10;
	v5 =	vsel vm11, $0x17, v5;
	vm13 =	vgt.f32 v7, v9;
	v13 =	vld [tilespmem:$0x4F00]  }
0x29e: {  	vm14 =	vgt.f32 v7, v4;
	v9 =	vsel vm13, v7, v9;
	v12 =	vld.idx.msk [tilespmem:v12+s2+$0x0], $0xffff;
	v10 =	vsel vm13, $0x18, v10  }
0x29f: {  	v9 =	vsel vm14, v4, v9;
	v11 =	vadd.f32 v15, v11;
	v15 =	vld [tilespmem:$0x6F80];
	v10 =	vsel vm14, v5, v10  }
0x2a0: {  	v4 =	vsel vm14, v7, v4;
	v7 =	vld [tilespmem:$0x4F80];
	v6 =	vmul.f32 v6, v8;
	v8 =	vor.u32 $0x1D, v3  }
0x2a1: {  	v5 =	vsel vm14, $0x18, v5;
	vm15 =	vgt.f32 v11, v9;
	vm4 =	vgt.f32 v11, v4;
	v14 =	vld.idx.msk [tilespmem:v14+s2+$0x0], $0xffff  }
0x2a2: {  	v9 =	vsel vm15, v11, v9;
	v10 =	vsel vm15, $0x19, v10;
	v6 =	vadd.f32 v13, v6;
	v13 =	vld [tilespmem:$0x7000]  }
0x2a3: {  	v9 =	vsel vm4, v4, v9;
	v10 =	vsel vm4, v5, v10;
	v4 =	vsel vm4, v11, v4  }
0x2a4: {  	v11 =	vmul.f32 v15, v12;
	v12 =	vor.u32 $0x1E, v3;
	v15 =	vld [tilespmem:$0x5000];
	vm6 =	vgt.f32 v6, v9  }
0x2a5: {  	v5 =	vsel vm4, $0x19, v5;
	vm5 =	vgt.f32 v6, v4;
	v9 =	vsel vm6, v6, v9;
	v8 =	vld.idx.msk [tilespmem:v8+s2+$0x0], $0xffff  }
0x2a6: {  	v7 =	vadd.f32 v7, v11;
	v9 =	vsel vm5, v4, v9;
	v4 =	vsel vm5, v6, v4;
	v6 =	vld [tilespmem:$0x7080]  }
0x2a7: {  	v10 =	vsel vm6, $0x1A, v10;
	v11 =	vmul.f32 v13, v14;
	v14 =	vor.u32 $0x1F, v3  }
0x2a8: {  	v10 =	vsel vm5, v5, v10;
	v5 =	vsel vm5, $0x1A, v5;
	vm7 =	vgt.f32 v7, v9;
	v13 =	vld [tilespmem:$0x5080]  }
0x2a9: {  	vm8 =	vgt.f32 v7, v4;
	v9 =	vsel vm7, v7, v9;
	v12 =	vld.idx.msk [tilespmem:v12+s2+$0x0], $0xffff;
	v10 =	vsel vm7, $0x1B, v10  }
0x2aa: {  	v9 =	vsel vm8, v4, v9;
	v11 =	vadd.f32 v15, v11;
	v15 =	vld [tilespmem:$0x7100];
	v10 =	vsel vm8, v5, v10  }
0x2ab: {  	v4 =	vsel vm8, v7, v4;
	v7 =	vld [tilespmem:$0x5100];
	v6 =	vmul.f32 v6, v8;
	v8 =	vor.u32 $0x20, v3  }
0x2ac: {  	v5 =	vsel vm8, $0x1B, v5;
	vm9 =	vgt.f32 v11, v9;
	vm10 =	vgt.f32 v11, v4;
	v14 =	vld.idx.msk [tilespmem:v14+s2+$0x0], $0xffff  }
0x2ad: {  	v9 =	vsel vm9, v11, v9;
	v10 =	vsel vm9, $0x1C, v10;
	v6 =	vadd.f32 v13, v6;
	v13 =	vld [tilespmem:$0x7180]  }
0x2ae: {  	v9 =	vsel vm10, v4, v9;
	v10 =	vsel vm10, v5, v10;
	v4 =	vsel vm10, v11, v4  }
0x2af: {  	v11 =	vmul.f32 v15, v12;
	v12 =	vor.u32 $0x21, v3;
	v15 =	vld [tilespmem:$0x5180];
	vm12 =	vgt.f32 v6, v9  }
0x2b0: {  	v5 =	vsel vm10, $0x1C, v5;
	vm11 =	vgt.f32 v6, v4;
	v9 =	vsel vm12, v6, v9;
	v8 =	vld.idx.msk [tilespmem:v8+s2+$0x0], $0xffff  }
0x2b1: {  	v7 =	vadd.f32 v7, v11;
	v9 =	vsel vm11, v4, v9;
	v4 =	vsel vm11, v6, v4;
	v6 =	vld [tilespmem:$0x7200]  }
0x2b2: {  	v10 =	vsel vm12, $0x1D, v10;
	v11 =	vmul.f32 v13, v14;
	v14 =	vor.u32 $0x22, v3  }
0x2b3: {  	v10 =	vsel vm11, v5, v10;
	v5 =	vsel vm11, $0x1D, v5;
	vm13 =	vgt.f32 v7, v9;
	v13 =	vld [tilespmem:$0x5200]  }
0x2b4: {  	vm14 =	vgt.f32 v7, v4;
	v9 =	vsel vm13, v7, v9;
	v12 =	vld.idx.msk [tilespmem:v12+s2+$0x0], $0xffff;
	v10 =	vsel vm13, $0x1E, v10  }
0x2b5: {  	v9 =	vsel vm14, v4, v9;
	v11 =	vadd.f32 v15, v11;
	v15 =	vld [tilespmem:$0x7280];
	v10 =	vsel vm14, v5, v10  }
0x2b6: {  	v4 =	vsel vm14, v7, v4;
	v7 =	vld [tilespmem:$0x5280];
	v6 =	vmul.f32 v6, v8;
	v8 =	vor.u32 $0x23, v3  }
0x2b7: {  	v5 =	vsel vm14, $0x1E, v5;
	vm15 =	vgt.f32 v11, v9;
	vm4 =	vgt.f32 v11, v4;
	v14 =	vld.idx.msk [tilespmem:v14+s2+$0x0], $0xffff  }
0x2b8: {  	v9 =	vsel vm15, v11, v9;
	v10 =	vsel vm15, $0x1F, v10;
	v6 =	vadd.f32 v13, v6;
	v13 =	vld [tilespmem:$0x7300]  }
0x2b9: {  	v9 =	vsel vm4, v4, v9;
	v10 =	vsel vm4, v5, v10;
	v4 =	vsel vm4, v11, v4  }
0x2ba: {  	v11 =	vmul.f32 v15, v12;
	v12 =	vor.u32 $0x24, v3;
	v15 =	vld [tilespmem:$0x5300];
	vm6 =	vgt.f32 v6, v9  }
0x2bb: {  	v5 =	vsel vm4, $0x1F, v5;
	vm5 =	vgt.f32 v6, v4;
	v9 =	vsel vm6, v6, v9;
	v8 =	vld.idx.msk [tilespmem:v8+s2+$0x0], $0xffff  }
0x2bc: {  	v7 =	vadd.f32 v7, v11;
	v9 =	vsel vm5, v4, v9;
	v4 =	vsel vm5, v6, v4;
	v6 =	vld [tilespmem:$0x7380]  }
0x2bd: {  	v10 =	vsel vm6, $0x20, v10;
	v11 =	vmul.f32 v13, v14;
	v14 =	vor.u32 $0x25, v3  }
0x2be: {  	v10 =	vsel vm5, v5, v10;
	v5 =	vsel vm5, $0x20, v5;
	vm7 =	vgt.f32 v7, v9;
	v13 =	vld [tilespmem:$0x5380]  }
0x2bf: {  	vm8 =	vgt.f32 v7, v4;
	v9 =	vsel vm7, v7, v9;
	v12 =	vld.idx.msk [tilespmem:v12+s2+$0x0], $0xffff;
	v10 =	vsel vm7, $0x21, v10  }
0x2c0: {  	v9 =	vsel vm8, v4, v9;
	v11 =	vadd.f32 v15, v11;
	v15 =	vld [tilespmem:$0x7400];
	v10 =	vsel vm8, v5, v10  }
0x2c1: {  	v4 =	vsel vm8, v7, v4;
	v7 =	vld [tilespmem:$0x5400];
	v6 =	vmul.f32 v6, v8;
	v8 =	vor.u32 $0x26, v3  }
0x2c2: {  	v5 =	vsel vm8, $0x21, v5;
	vm9 =	vgt.f32 v11, v9;
	vm10 =	vgt.f32 v11, v4;
	v14 =	vld.idx.msk [tilespmem:v14+s2+$0x0], $0xffff  }
0x2c3: {  	v9 =	vsel vm9, v11, v9;
	v10 =	vsel vm9, $0x22, v10;
	v6 =	vadd.f32 v13, v6;
	v13 =	vld [tilespmem:$0x7480]  }
0x2c4: {  	v9 =	vsel vm10, v4, v9;
	v10 =	vsel vm10, v5, v10;
	v4 =	vsel vm10, v11, v4  }
0x2c5: {  	v11 =	vmul.f32 v15, v12;
	v12 =	vor.u32 $0x27, v3;
	v15 =	vld [tilespmem:$0x5480];
	vm12 =	vgt.f32 v6, v9  }
0x2c6: {  	v5 =	vsel vm10, $0x22, v5;
	vm11 =	vgt.f32 v6, v4;
	v9 =	vsel vm12, v6, v9;
	v8 =	vld.idx.msk [tilespmem:v8+s2+$0x0], $0xffff  }
0x2c7: {  	v7 =	vadd.f32 v7, v11;
	v9 =	vsel vm11, v4, v9;
	v4 =	vsel vm11, v6, v4;
	v6 =	vld [tilespmem:$0x7500]  }
0x2c8: {  	v10 =	vsel vm12, $0x23, v10;
	v11 =	vmul.f32 v13, v14;
	v14 =	vor.u32 $0x28, v3  }
0x2c9: {  	v10 =	vsel vm11, v5, v10;
	v5 =	vsel vm11, $0x23, v5;
	vm13 =	vgt.f32 v7, v9;
	v13 =	vld [tilespmem:$0x5500]  }
0x2ca: {  	vm14 =	vgt.f32 v7, v4;
	v9 =	vsel vm13, v7, v9;
	v12 =	vld.idx.msk [tilespmem:v12+s2+$0x0], $0xffff;
	v10 =	vsel vm13, $0x24, v10  }
0x2cb: {  	v9 =	vsel vm14, v4, v9;
	v11 =	vadd.f32 v15, v11;
	v15 =	vld [tilespmem:$0x7580];
	v10 =	vsel vm14, v5, v10  }
0x2cc: {  	v4 =	vsel vm14, v7, v4;
	v7 =	vld [tilespmem:$0x5580];
	v6 =	vmul.f32 v6, v8;
	v8 =	vor.u32 $0x29, v3  }
0x2cd: {  	v5 =	vsel vm14, $0x24, v5;
	vm15 =	vgt.f32 v11, v9;
	vm4 =	vgt.f32 v11, v4;
	v14 =	vld.idx.msk [tilespmem:v14+s2+$0x0], $0xffff  }
0x2ce: {  	v9 =	vsel vm15, v11, v9;
	v10 =	vsel vm15, $0x25, v10;
	v6 =	vadd.f32 v13, v6;
	v13 =	vld [tilespmem:$0x7600]  }
0x2cf: {  	v17 =	vor.u32 $0x2D, v3;
	v9 =	vsel vm4, v4, v9;
	v10 =	vsel vm4, v5, v10  }
0x2d0: {  	v4 =	vsel vm4, v11, v4;
	v11 =	vmul.f32 v15, v12;
	v12 =	vor.u32 $0x2A, v3;
	v15 =	vld [tilespmem:$0x5600]  }
0x2d1: {  	v5 =	vsel vm4, $0x25, v5;
	vm5 =	vgt.f32 v6, v4;
	vm6 =	vgt.f32 v6, v9;
	v8 =	vld.idx.msk [tilespmem:v8+s2+$0x0], $0xffff  }
0x2d2: {  	v9 =	vsel vm6, v6, v9;
	v10 =	vsel vm6, $0x26, v10;
	v7 =	vadd.f32 v7, v11;
	v11 =	vld [tilespmem:$0x7680]  }
0x2d3: {  	v9 =	vsel vm5, v4, v9;
	v4 =	vsel vm5, v6, v4;
	v6 =	vmul.f32 v13, v14;
	v13 =	vld [tilespmem:$0x5680]  }
0x2d4: {  	v10 =	vsel vm5, v5, v10;
	v5 =	vsel vm5, $0x26, v5;
	vm7 =	vgt.f32 v7, v9;
	v14 =	vld [tilespmem:$0x7700]  }
0x2d5: {  	vm8 =	vgt.f32 v7, v4;
	v9 =	vsel vm7, v7, v9;
	v12 =	vld.idx.msk [tilespmem:v12+s2+$0x0], $0xffff;
	v10 =	vsel vm7, $0x27, v10  }
0x2d6: {  	v6 =	vadd.f32 v15, v6;
	v9 =	vsel vm8, v4, v9;
	v4 =	vsel vm8, v7, v4;
	v7 =	vld [tilespmem:$0x5700]  }
0x2d7: {  	v15 =	vor.u32 $0x2C, v3;
	v10 =	vsel vm8, v5, v10;
	v8 =	vmul.f32 v11, v8;
	v11 =	vld.idx.msk [tilespmem:v16+s2+$0x0], $0xffff  }
0x2d8: {  	v5 =	vsel vm8, $0x27, v5;
	v16 =	vld [tilespmem:$0x7780];
	vm9 =	vgt.f32 v6, v9;
	vm10 =	vgt.f32 v6, v4  }
0x2d9: {  	v9 =	vsel vm9, v6, v9;
	v10 =	vsel vm9, $0x28, v10;
	v8 =	vadd.f32 v13, v8  }
0x2da: {  	v13 =	vld [tilespmem:$0x5780];
	v9 =	vsel vm10, v4, v9;
	v10 =	vsel vm10, v5, v10;
	v4 =	vsel vm10, v6, v4  }
0x2db: {  	v6 =	vmul.f32 v14, v12;
	v5 =	vsel vm10, $0x28, v5;
	v14 =	vld [tilespmem:$0x7800];
	vm11 =	vgt.f32 v8, v9  }
0x2dc: {  	v12 =	vld.idx.msk [tilespmem:v15+s2+$0x0], $0xffff;
	v15 =	vor.u32 $0x2E, v3;
	vm12 =	vgt.f32 v8, v4;
	v9 =	vsel vm11, v8, v9  }
0x2dd: {  	v6 =	vadd.f32 v7, v6;
	v7 =	vld [tilespmem:$0x5800];
	v10 =	vsel vm11, $0x29, v10;
	v11 =	vmul.f32 v16, v11  }
0x2de: {  	v16 =	vld.idx.msk [tilespmem:v17+s2+$0x0], $0xffff;
	v17 =	vor.u32 $0x2F, v3;
	v9 =	vsel vm12, v4, v9;
	v4 =	vsel vm12, v8, v4  }
0x2df: {  	v8 =	vld [tilespmem:$0x7880];
	v10 =	vsel vm12, v5, v10;
	v5 =	vsel vm12, $0x29, v5;
	vm13 =	vgt.f32 v6, v9  }
0x2e0: {  	vm6 =	vgt.f32 v6, v4;
	v11 =	vadd.f32 v13, v11;
	v9 =	vsel vm13, v6, v9  }
0x2e1: {  	v13 =	vld [tilespmem:$0x5880];
	v10 =	vsel vm13, $0x2A, v10;
	v9 =	vsel vm6, v4, v9;
	v12 =	vmul.f32 v14, v12  }
0x2e2: {  	v14 =	vld.idx.msk [tilespmem:v15+s2+$0x0], $0xffff;
	v4 =	vsel vm6, v6, v4;
	v15 =	vor.u32 $0x30, v3;
	v10 =	vsel vm6, v5, v10  }
0x2e3: {  	v6 =	vld [tilespmem:$0x7900];
	v5 =	vsel vm6, $0x2A, v5;
	vm5 =	vgt.f32 v11, v9;
	vm3 =	vgt.f32 v11, v4  }
0x2e4: {  	v9 =	vsel vm5, v11, v9;
	v7 =	vadd.f32 v7, v12;
	v12 =	vld [tilespmem:$0x5900];
	v8 =	vmul.f32 v8, v16  }
0x2e5: {  	v16 =	vld.idx.msk [tilespmem:v17+s2+$0x0], $0xffff;
	v17 =	vor.u32 $0x31, v3;
	v10 =	vsel vm5, $0x2B, v10;
	v9 =	vsel vm3, v4, v9  }
0x2e6: {  	v4 =	vsel vm3, v11, v4;
	v11 =	vld [tilespmem:$0x7980];
	v10 =	vsel vm3, v5, v10;
	v5 =	vsel vm3, $0x2B, v5  }
0x2e7: {  	vm2 =	vgt.f32 v7, v9;
	vm1 =	vgt.f32 v7, v4;
	v8 =	vadd.f32 v13, v8;
	v13 =	vld [tilespmem:$0x5980]  }
0x2e8: {  	v9 =	vsel vm2, v7, v9;
	v6 =	vmul.f32 v6, v14;
	v14 =	vld.idx.msk [tilespmem:v15+s2+$0x0], $0xffff;
	v15 =	vor.u32 $0x32, v3  }
0x2e9: {  	v10 =	vsel vm2, $0x2C, v10;
	v9 =	vsel vm1, v4, v9;
	v4 =	vsel vm1, v7, v4;
	v7 =	vld [tilespmem:$0x7A00]  }
0x2ea: {  	v10 =	vsel vm1, v5, v10;
	vm0 =	vgt.f32 v8, v9;
	v6 =	vadd.f32 v12, v6;
	v12 =	vld [tilespmem:$0x5A00]  }
0x2eb: {  	vm15 =	vgt.f32 v8, v4;
	v9 =	vsel vm0, v8, v9;
	v11 =	vmul.f32 v11, v16;
	v16 =	vld.idx.msk [tilespmem:v17+s2+$0x0], $0xffff  }
0x2ec: {  	v5 =	vsel vm1, $0x2C, v5;
	v9 =	vsel vm15, v4, v9;
	v4 =	vsel vm15, v8, v4;
	v8 =	vld [tilespmem:$0x7A80]  }
0x2ed: {  	v17 =	vor.u32 $0x33, v3;
	vm7 =	vgt.f32 v6, v9;
	v11 =	vadd.f32 v13, v11;
	v13 =	vld [tilespmem:$0x5A80]  }
0x2ee: {  	vm9 =	vgt.f32 v6, v4;
	v9 =	vsel vm7, v6, v9;
	v7 =	vmul.f32 v7, v14;
	v14 =	vld.idx.msk [tilespmem:v15+s2+$0x0], $0xffff  }
0x2ef: {  	v10 =	vsel vm0, $0x2D, v10;
	v9 =	vsel vm9, v4, v9;
	v4 =	vsel vm9, v6, v4;
	v6 =	vld [tilespmem:$0x7B00]  }
0x2f0: {  	v10 =	vsel vm15, v5, v10;
	v15 =	vor.u32 $0x34, v3;
	vm13 =	vgt.f32 v11, v9  }
0x2f1: {  	vm4 =	vgt.f32 v11, v4;
	v7 =	vadd.f32 v12, v7;
	v12 =	vld [tilespmem:$0x5B00];
	v9 =	vsel vm13, v11, v9  }
0x2f2: {  	v8 =	vmul.f32 v8, v16;
	v16 =	vld.idx.msk [tilespmem:v17+s2+$0x0], $0xffff;
	v9 =	vsel vm4, v4, v9;
	v4 =	vsel vm4, v11, v4  }
0x2f3: {  	v17 =	vor.u32 $0x35, v3;
	v11 =	vld [tilespmem:$0x7B80];
	vm11 =	vgt.f32 v7, v9;
	vm8 =	vgt.f32 v7, v4  }
0x2f4: {  	v8 =	vadd.f32 v13, v8;
	v9 =	vsel vm11, v7, v9;
	v6 =	vmul.f32 v6, v14  }
0x2f5: {  	v14 =	vld.idx.msk [tilespmem:v15+s2+$0x0], $0xffff;
	v15 =	vimm.s32 $0x0;
	v9 =	vsel vm8, v4, v9;
	v4 =	vsel vm8, v7, v4  }
0x2f6: {  	v13 =	vld [tilespmem:$0x5B80];
	vm14 =	vgt.f32 v8, v9;
	vm10 =	vgt.f32 v8, v4;
	v6 =	vadd.f32 v12, v6  }
0x2f7: {  	v7 =	vsel vm14, $0xFFFFFFFF, v15;
	v15 =	vor.u32 $0x36, v3;
	v9 =	vsel vm14, v8, v9  }
0x2f8: {  	v18 =	vsel vm10, $0xFFFFFFFF, v18;
	v11 =	vmul.f32 v11, v16;
	[tilespmem:$0x1FE10] =	vst v7;
	v7 =	vld [tilespmem:$0x7C00];
	v9 =	vsel vm10, v4, v9  }
0x2f9: {  	v12 =	vld [tilespmem:$0x5C00];
	v4 =	vsel vm10, v8, v4;
	v8 =	vimm.s32 $0x0;
	vm12 =	vgt.f32 v6, v9  }
0x2fa: {  	v16 =	vld.idx.msk [tilespmem:v17+s2+$0x0], $0xffff;
	v17 =	vor.u32 $0x37, v3;
	[tilespmem:$0x1FE20] =	vst v18;
	v18 =	vimm.s32 $0x0;
	v8 =	vsel vm12, $0xFFFFFFFF, v8  }
0x2fb: {  	vm14 =	vgt.f32 v6, v4;
	v11 =	vadd.f32 v13, v11;
	v9 =	vsel vm12, v6, v9;
	[tilespmem:$0x1FE30] =	vst v8;
	v8 =	vld [tilespmem:$0x7C80]  }
0x2fc: {  	v13 =	vld [tilespmem:$0x5C80];
	v18 =	vsel vm14, $0xFFFFFFFF, v18;
	v9 =	vsel vm14, v4, v9;
	v4 =	vsel vm14, v6, v4  }
0x2fd: {  	vm6 =	vgt.f32 v11, v9;
	v7 =	vmul.f32 v7, v14;
	v14 =	vld.idx.msk [tilespmem:v15+s2+$0x0], $0xffff;
	v15 =	vimm.s32 $0x0  }
0x2fe: {  	[tilespmem:$0x1FE40] =	vst v18;
	v18 =	vimm.s32 $0x0;
	vm10 =	vgt.f32 v11, v4;
	v6 =	vsel vm6, $0xFFFFFFFF, v15  }
0x2ff: {  	v18 =	vsel vm10, $0xFFFFFFFF, v18;
	v9 =	vsel vm6, v11, v9;
	[tilespmem:$0x1FE50] =	vst v6;
	v6 =	vld [tilespmem:$0x7D00];
	v7 =	vadd.f32 v12, v7  }
0x300: {  	v15 =	vor.u32 $0x38, v3;
	v9 =	vsel vm10, v4, v9;
	v12 =	vld [tilespmem:$0x5D00];
	v8 =	vmul.f32 v8, v16  }
0x301: {  	v4 =	vsel vm10, v11, v4;
	v11 =	vimm.s32 $0x0;
	v16 =	vld.idx.msk [tilespmem:v17+s2+$0x0], $0xffff;
	vm12 =	vgt.f32 v7, v9  }
0x302: {  	[tilespmem:$0x1FE60] =	vst v18;
	v18 =	vimm.s32 $0x0;
	v11 =	vsel vm12, $0xFFFFFFFF, v11;
	v8 =	vadd.f32 v13, v8;
	v13 =	vld [tilespmem:$0x5D80]  }
0x303: {  	v17 =	vor.u32 $0x39, v3;
	vm14 =	vgt.f32 v7, v4;
	v9 =	vsel vm12, v7, v9;
	[tilespmem:$0x1FE70] =	vst v11;
	v11 =	vld [tilespmem:$0x7D80]  }
0x304: {  	v18 =	vsel vm14, $0xFFFFFFFF, v18;
	v9 =	vsel vm14, v4, v9;
	v4 =	vsel vm14, v7, v4;
	v7 =	vld [tilespmem:$0x7E00]  }
0x305: {  	v6 =	vmul.f32 v6, v14;
	v14 =	vld.idx.msk [tilespmem:v15+s2+$0x0], $0xffff;
	v15 =	vor.u32 $0x3A, v3;
	vm5 =	vgt.f32 v8, v9  }
0x306: {  	[tilespmem:$0x1FE80] =	vst v18;
	v18 =	vimm.s32 $0x0;
	vm14 =	vgt.f32 v8, v4;
	v9 =	vsel vm5, v8, v9  }
0x307: {  	v18 =	vsel vm5, $0xFFFFFFFF, v18;
	v6 =	vadd.f32 v12, v6;
	v12 =	vld [tilespmem:$0x5E00];
	v9 =	vsel vm14, v4, v9  }
0x308: {  	[tilespmem:$0x1FE90] =	vst v18;
	v4 =	vsel vm14, v8, v4;
	v8 =	vld [tilespmem:$0x7E80];
	v18 =	vimm.s32 $0x0;
	v11 =	vmul.f32 v11, v16  }
0x309: {  	v16 =	vld.idx.msk [tilespmem:v17+s2+$0x0], $0xffff;
	v17 =	vor.u32 $0x3B, v3;
	vm6 =	vgt.f32 v6, v9;
	vm12 =	vgt.f32 v6, v4  }
0x30a: {  	v9 =	vsel vm6, v6, v9;
	v7 =	vmul.f32 v7, v14;
	v14 =	vld.idx.msk [tilespmem:v15+s2+$0x0], $0xffff;
	v11 =	vadd.f32 v13, v11  }
0x30b: {  	v18 =	vsel vm6, $0xFFFFFFFF, v18;
	v13 =	vld [tilespmem:$0x5E80];
	v9 =	vsel vm12, v4, v9;
	v4 =	vsel vm12, v6, v4  }
0x30c: {  	[tilespmem:$0x1FEA0] =	vst v18;
	v6 =	vld [tilespmem:$0x7F00];
	v18 =	vimm.s32 $0x0;
	v7 =	vadd.f32 v12, v7;
	vm10 =	vgt.f32 v11, v9  }
0x30d: {  	v12 =	vld [tilespmem:$0x5F00];
	v18 =	vsel vm10, $0xFFFFFFFF, v18;
	v9 =	vsel vm10, v11, v9;
	vm10 =	vgt.f32 v11, v4  }
0x30e: {  	v5 =	vsel vm15, $0x2D, v5;
	v15 =	vor.u32 $0x3C, v3;
	v17 =	vld.idx.msk [tilespmem:v17+s2+$0x0], $0xffff;
	[tilespmem:$0x1FEB0] =	vst v18;
	v9 =	vsel vm10, v4, v9  }
0x30f: {  	v8 =	vmul.f32 v8, v16;
	v16 =	vld [tilespmem:$0x7F80];
	[tilespmem:$0x1FF00] =	vst v0;
	v0 =	vimm.s32 $0x0;
	vm15 =	vgt.f32 v7, v9  }
0x310: {  	v10 =	vsel vm7, $0x2E, v10;
	v0 =	vsel vm15, $0xFFFFFFFF, v0  }
0x311: {  	v10 =	vsel vm9, v5, v10;
	[tilespmem:$0x1FEC0] =	vst v0  }
0x312: {  	v18 =	vor.u32 $0x3D, v3;
	v4 =	vsel vm10, v11, v4;
	v6 =	vmul.f32 v6, v14;
	v0 =	vld [tilespmem:$0x1FF00]  }
0x313: {  	v8 =	vadd.f32 v13, v8;
	v9 =	vsel vm15, v7, v9;
	vm15 =	vgt.f32 v7, v4;
	v11 =	vld [tilespmem:$0x5F80]  }
0x314: {  	v9 =	vsel vm15, v4, v9;
	v4 =	vsel vm15, v7, v4;
	v6 =	vadd.f32 v12, v6;
	v13 =	vld.idx.msk [tilespmem:v15+s2+$0x0], $0xffff  }
0x315: {  	v12 =	vimm.s32 $0x0;
	v14 =	vld [tilespmem:$0x8000];
	v15 =	vor.u32 $0x3E, v3;
	vm5 =	vgt.f32 v8, v9  }
0x316: {  	v7 =	vld [tilespmem:$0x6000];
	vm7 =	vgt.f32 v8, v4;
	v12 =	vsel vm5, $0xFFFFFFFF, v12;
	v9 =	vsel vm5, v8, v9  }
0x317: {  	[tilespmem:$0x1FED0] =	vst v12;
	v12 =	vmul.f32 v16, v17;
	v16 =	vld.idx.msk [tilespmem:v18+s2+$0x0], $0xffff;
	v9 =	vsel vm7, v4, v9  }
0x318: {  	v4 =	vsel vm7, v8, v4;
	v8 =	vld [tilespmem:$0x8080];
	v17 =	vimm.s32 $0x0;
	vm6 =	vgt.f32 v6, v9  }
0x319: {  	v3 =	vor.u32 $0x3F, v3;
	v17 =	vsel vm6, $0xFFFFFFFF, v17;
	v11 =	vadd.f32 v11, v12;
	v12 =	vld [tilespmem:$0x6080]  }
0x31a: {  	v9 =	vsel vm6, v6, v9;
	vm6 =	vgt.f32 v6, v4;
	v13 =	vmul.f32 v14, v13;
	v14 =	vld.idx.msk [tilespmem:v15+s2+$0x0], $0xffff  }
0x31b: {  	v5 =	vsel vm9, $0x2E, v5;
	v9 =	vsel vm6, v4, v9;
	v15 =	vld [tilespmem:$0x8100];
	v4 =	vsel vm6, v6, v4  }
0x31c: {  	v6 =	vadd.f32 v7, v13;
	vm9 =	vgt.f32 v11, v9;
	v13 =	vimm.s32 $0x0  }
0x31d: {  	v10 =	vsel vm13, $0x2F, v10;
	v7 =	vsel vm9, $0xFFFFFFFF, v13;
	v13 =	vsel vm9, v11, v9;
	v9 =	vld [tilespmem:$0x6100]  }
0x31e: {  	v10 =	vsel vm4, v5, v10;
	v8 =	vmul.f32 v8, v16;
	vm5 =	vgt.f32 v11, v4  }
0x31f: {  	v3 =	vld.idx.msk [tilespmem:v3+s2+$0x0], $0xffff;
	[tilespmem:$0x1FEF0] =	vst v7;
	v7 =	vsel vm5, v4, v13;
	v4 =	vsel vm5, v11, v4  }
0x320: {  	v11 =	vld [tilespmem:$0x8180];
	v8 =	vadd.f32 v12, v8;
	vm13 =	vgt.f32 v6, v7;
	v12 =	vmul.f32 v15, v14  }
0x321: {  	v5 =	vsel vm4, $0x2F, v5;
	v13 =	vld [tilespmem:$0x1FE10];
	vm4 =	vgt.f32 v6, v4;
	v7 =	vsel vm13, v6, v7  }
0x322: {  	v7 =	vsel vm4, v4, v7;
	v4 =	vsel vm4, v6, v4;
	v6 =	vadd.f32 v9, v12;
	v12 =	vld [tilespmem:$0x1FE20]  }
0x323: {  	v14 =	vld [tilespmem:$0x1FE30]  }
0x324: {  	v10 =	vsel vm11, $0x30, v10;
	v15 =	vld [tilespmem:$0x1FE40]  }
0x325: {  	v10 =	vsel vm8, v5, v10;
	v5 =	vsel vm8, $0x30, v5  }
0x326: {  	vm3 =	vgt.f32 v8, v4;
	vm11 =	vnez.u8 v13;
	v3 =	vmul.f32 v11, v3  }
0x327: {  	v13 =	vld [tilespmem:$0x6180];
	v10 =	vsel vm11, $0x31, v10;
	vm11 =	vgt.f32 v8, v7;
	vm8 =	vnez.u8 v12  }
0x328: {  	vm9 =	vnez.u8 v14;
	v7 =	vsel vm11, v8, v7;
	v9 =	vsel vm8, v5, v10  }
0x329: {  	v5 =	vsel vm8, $0x31, v5;
	vm8 =	vnez.u8 v15;
	v9 =	vsel vm9, $0x32, v9  }
0x32a: {  	v7 =	vsel vm3, v4, v7;
	v4 =	vsel vm3, v8, v4;
	v8 =	vsel vm8, v5, v9;
	v9 =	vld [tilespmem:$0x1FE50]  }
0x32b: {  	v10 =	vld [tilespmem:$0x1FE60];
	vm9 =	vgt.f32 v6, v7  }
0x32c: {  	v11 =	vld [tilespmem:$0x1FE70];
	vm2 =	vgt.f32 v6, v4;
	v3 =	vadd.f32 v13, v3;
	v7 =	vsel vm9, v6, v7  }
0x32d: {  	v12 =	vld [tilespmem:$0x1FE80];
	v7 =	vsel vm2, v4, v7;
	v4 =	vsel vm2, v6, v4  }
0x32e: {  	v13 =	vld [tilespmem:$0x1FE90];
	v5 =	vsel vm8, $0x32, v5;
	vm8 =	vgt.f32 v3, v7;
	vm1 =	vgt.f32 v3, v4  }
0x32f: {  	v7 =	vsel vm8, v3, v7;
	v3 =	vsel vm1, v3, v4;
	vm0 =	vnez.u8 v9  }
0x330: {  	v14 =	vld [tilespmem:$0x1FEA0];
	v7 =	vsel vm1, v4, v7;
	v6 =	vsel vm0, $0x33, v8;
	vm0 =	vnez.u8 v10  }
0x331: {  	v4 =	vsel vm0, v5, v6;
	v5 =	vsel vm0, $0x33, v5;
	vm0 =	vnez.u8 v11  }
0x332: {  	v3 =	vsub.f32 v7, v3;
	v8 =	vld [tilespmem:$0x1FEB0];
	v4 =	vsel vm0, $0x34, v4;
	vm0 =	vnez.u8 v12  }
0x333: {  	v4 =	vsel vm0, v5, v4;
	v5 =	vsel vm0, $0x34, v5;
	vm0 =	vnez.u8 v13  }
0x334: {  	v9 =	vld [tilespmem:$0x1FEC0];
	v3 =	vmul.f32 $1.442695020e+00, v3;
	v4 =	vsel vm0, $0x35, v4  }
0x335: {  	v4 =	vsel vm14, v5, v4;
	v5 =	vsel vm14, $0x35, v5;
	vm14 =	vnez.u8 v14  }
0x336: {  	v10 =	vld [tilespmem:$0x1FED0];
	(erf) = vpow2.f32 v3;
	v4 =	vsel vm14, $0x36, v4  }
0x337: {  	[tilespmem:$0x1FEE0] =	vst v17;
	vm14 =	vnez.u8 v8;
	v3 =	vsel vm12, v5, v4  }
0x338: {  	v11 =	vld [tilespmem:$0x1FEE0];
	v15 =	vsel vm12, $0x36, v5;
	v3 =	vsel vm14, $0x37, v3  }
0x339: {  	v4 =	vsel vm10, $0x37, v15;
	v3 =	vsel vm10, v15, v3;
	vm10 =	vnez.u8 v9  }
0x33a: {  	v13 =	vld [tilespmem:$0x1FEF0];
	v3 =	vsel vm10, $0x38, v3  }
0x33b: {  	vm12 =	vnez.u8 v10;
	v3 =	vsel vm15, v4, v3  }
0x33c: {  	v4 =	vsel vm15, $0x38, v4;
	v3 =	vsel vm12, $0x39, v3  }
0x33d: {  	vm14 =	vnez.u8 v11;
	v3 =	vsel vm7, v4, v3  }
0x33e: {  	v4 =	vsel vm7, $0x39, v4;
	v3 =	vsel vm14, $0x3A, v3  }
0x33f: {  	vm15 =	vnez.u8 v13;
	v12 =	vpop (erf);
	v3 =	vsel vm6, v4, v3  }
0x340: {  	v14 =	vadd.f32 $1.000000000e+00, v12;
	v4 =	vsel vm6, $0x3A, v4;
	v3 =	vsel vm15, $0x3B, v3  }
0x341: {  	v3 =	vsel vm5, v4, v3  }
0x342: {  	(erf) = vrcp.f32 v14;
	v4 =	vsel vm5, $0x3B, v4;
	v3 =	vsel vm13, $0x3C, v3  }
0x343: {  	v3 =	vsel vm4, v4, v3  }
0x344: {  	v4 =	vsel vm4, $0x3C, v4;
	v3 =	vsel vm11, $0x3D, v3  }
0x345: {  	v3 =	vsel vm3, v4, v3  }
0x346: {  	v4 =	vsel vm3, $0x3D, v4;
	v3 =	vsel vm9, $0x3E, v3  }
0x347: {  	v3 =	vsel vm2, v4, v3  }
0x348: {  	v4 =	vsel vm2, $0x3E, v4;
	v3 =	vsel vm8, $0x3F, v3  }
0x349: {  	p0 =	sne.s32 s19, $0xF0;
	v3 =	vsel vm1, v4, v3  }
.Ltmp1:
0x34a: {  	v4 =	vsel vm1, $0x3F, v4;
	v3 =	vshll.u32 v3, $0x8;
	(pc) =	sbr.rel @p0 .LBB2_4-.Ltmp1, $4  }
0x34b: {  	v6 =	vpop (erf);
	v3 =	vor.u32 v4, v3  }
0x34c: {  	v15 =	vmul.f32 v6, v12;
	[tilespmem:s20+$0x0] =	vst v3  }
0x34d: {  	s19 =	sadd.s32 $0x10, s19;
	[tilespmem:s21+$0x0] =	vst v6  }
0x34e: {  	s20 =	sadd.s32 $0x10, s20;
	s21 =	sadd.s32 $0x10, s21;
	[tilespmem:s22+$0x0] =	vst v15;
	s22 =	sadd.s32 $0x10, s22  }
0x34f: {  	[hbm4b:s6+s2] =	stream.linear.scatter [tilespmem:s15], [sflag:$0x3], $0x100, $0x38;
	[tilespmem:$0x8500] =	vst v63  }
0x350: {  	_ =	swait.ge [sflag:s11], $0x100  }
0x351: {  	[sflag:s11] =	ssyncset.done $0x0  }
0x352: {  	[sflag:s11] =	ssyncadd.s32 $0xFFFFFF00  }
0x353: {  	[hbm4b:s7+s2] =	stream.linear.scatter [tilespmem:s16], [sflag:$0x3], $0x100, $0x38;
	[tilespmem:$0x8500] =	vst v63  }
0x354: {  	s18 =	sadd.s32 $0x1, s18;
	_ =	swait.ge [sflag:s11], $0x100  }
0x355: {  	p0 =	sne.s32 s18, s9;
	[sflag:s11] =	ssyncset.done $0x0  }
.Ltmp2:
0x356: {  	[sflag:s11] =	ssyncadd.s32 $0xFFFFFF00;
	(pc) =	sbr.rel @p0 .LBB2_1-.Ltmp2, $4  }
0x357: {  	[hbm4b:s8+s2] =	stream.linear.scatter [tilespmem:s17], [sflag:$0x3], $0x100, $0x38;
	[tilespmem:$0x8500] =	vst v63  }
0x358: {  	_ =	swait.ge [sflag:s11], $0x100  }
0x359: {  	[sflag:s11] =	ssyncset.done $0x0  }
0x35a: {  	[sflag:s11] =	ssyncadd.s32 $0xFFFFFF00  }
0x35b: {  	_ =	sfence.sel $0x180000  }
0x35c: {  	[bflag:$0x0] =	sbarrier.arrive $0xFFFF  }
0x35d: {  	p0 =	sne.s32 s1, $0x0;
	_ =	strace $0x90000047  }
0x35e: {  	s0 =	sadd.s32 @!p0 $0x100000, s0;
	[bflag:$0x2] =	sbarrier.arrive $0xFFFF  }
0x35f: {  	[sflag:s0] =	ssyncadd.tile.s32 @!p0 $0x1;
	_ =	shalt  }
.Lfunc_end2:
_tile_overlayer_lowered:
.L_overlay_start_2:
0x360: {  	(tag) =	ssettag $0x2  }
0x361: {  	s0 =	rddreg [dreg:$0x0];
	s2 =	stileid.u32  }
0x362: {  	s1 =	rddreg [dreg:$0x1];
	p0 =	sne.s32 s2, $0x0  }
0x363: {  	s3 =	rddreg [dreg:$0x2];
	[bflag:$0x3] =	sbarrier.arrive $0xFFFF;
	s2 =	simm.s32 @!p0 $0x1C03  }
0x364: {  	[timem:s3], [sflag:s2] =	dma.local @!p0 [hbm:s0], s1  }
0x365: {  	s0 =	simm.s32 @!p0 $0x3  }
0x366: {  	_ =	swait.ge @!p0 [sflag:s0], s1  }
0x367: {  	s1 =	ssub.s32 @!p0 $0x0, s1;
	[sflag:s0] =	ssyncset.done @!p0 $0x0  }
0x368: {  	[sflag:s0] =	ssyncadd.s32 @!p0 s1  }
0x369: {  	[bflag:$0x3] =	sbarrier.arrive $0xFFFF  }
0x36a: {  	_ =	shalt  }

</sc_bundles>
